<compile_context>
chip_gen: v7x
topology: tpu7x:2x2x1
jax: 0.10.2.dev20260603
libtpu: 0.0.44.dev20260713+nightly
codegen_flags: <defaults>
</compile_context>

<pallas_src>
import functools

import jax
import jax.numpy as jnp
from jax import lax
from jax.experimental import pallas as pl
from jax.experimental.pallas import tpu as pltpu
from jax.experimental.pallas import tpu_sc as plsc

_B, _C, _M, _N, _K = 8, 256, 1024, 2048, 3
_C3 = 3 * _C
_HID = (3 * _C) // 2
_OUT = 128
_BN = _B * _N



_TA = 384
_HPAD = 512


def _a2_body(y_ref, r_ref, w10_ref, w11_ref, w12_ref, vx_ref,
             proj_ref, vc_ref, ft_ref, a0_ref):
    iu = lax.broadcasted_iota(jnp.int32, (_TA, _TA), 0)
    iv = lax.broadcasted_iota(jnp.int32, (_TA, _TA), 1)
    sameq = (iu // 3) == (iv // 3)
    um, vm = iu % 3, iv % 3
    acc = None
    for i in range(3):
        for j in range(3):
            t = jnp.where(sameq & (um == i) & (vm == j),
                          r_ref[0, i:i + 1, j:j + 1], 0.0)
            acc = t if acc is None else acc + t
    a0_ref[...] = acc
    for t in range(3 * _M // _TA):
        lo, hi = t * _TA, (t + 1) * _TA
        ft_ref[:, lo:hi] = jnp.dot(
            y_ref[0, :, lo:hi].astype(jnp.bfloat16),
            a0_ref[...].astype(jnp.bfloat16),
            preferred_element_type=jnp.float32)
    w1s = (w10_ref, w11_ref, w12_ref)
    acc = None
    for k in range(3):
        pk = lax.dot_general(
            ft_ref[:, k * _M:(k + 1) * _M].astype(jnp.bfloat16),
            w1s[k][...].astype(jnp.bfloat16),
            (((0,), (0,)), ((), ())),
            preferred_element_type=jnp.float32)
        acc = pk if acc is None else acc + pk
    proj_ref[0, :, 0:_HID] = acc.astype(jnp.bfloat16)
    proj_ref[0, :, _HID:] = jnp.zeros((_M, _HPAD - _HID), jnp.bfloat16)
    def _bf(x):
        return x.astype(jnp.bfloat16).astype(jnp.float32)

    for j in range(3):
        vc_ref[0, j:j + 1, :] = (
            _bf(r_ref[0, 0:1, j:j + 1]) * _bf(vx_ref[0, 0:1, :])
            + _bf(r_ref[0, 1:2, j:j + 1]) * _bf(vx_ref[0, 1:2, :])
            + _bf(r_ref[0, 2:3, j:j + 1]) * _bf(vx_ref[0, 2:3, :]))


def _stage_a2(y, r_align, w10, w11, w12, vn_xyz):
    return pl.pallas_call(
        _a2_body,
        grid=(_B,),
        in_specs=[
            pl.BlockSpec((1, _C, 3 * _M), lambda b: (b, 0, 0)),
            pl.BlockSpec((1, 3, 3), lambda b: (b, 0, 0)),
            pl.BlockSpec((_C, _HID), lambda b: (0, 0)),
            pl.BlockSpec((_C, _HID), lambda b: (0, 0)),
            pl.BlockSpec((_C, _HID), lambda b: (0, 0)),
            pl.BlockSpec((1, 3, _M), lambda b: (b, 0, 0)),
        ],
        out_specs=[
            pl.BlockSpec((1, _M, _HPAD), lambda b: (b, 0, 0)),
            pl.BlockSpec((1, 3, _M), lambda b: (b, 0, 0)),
        ],
        out_shape=[
            jax.ShapeDtypeStruct((_B, _M, _HPAD), jnp.bfloat16),
            jax.ShapeDtypeStruct((_B, 3, _M), jnp.float32),
        ],
        scratch_shapes=[pltpu.VMEM((_C, 3 * _M), jnp.float32),
                        pltpu.VMEM((_TA, _TA), jnp.float32)],
    )(y, r_align, w10, w11, w12, vn_xyz)



_TN = 256


def _stage_b_body(tt_ref, vc_ref, idx_ref, w_ref):
    b = pl.program_id(0)
    t = tt_ref[0]
    v = vc_ref[0]
    d2 = None
    for i in range(3):
        diff = t[:, i:i + 1] - v[i:i + 1, :]
        sq = diff * diff
        d2 = sq if d2 is None else d2 + sq
    iota = lax.broadcasted_iota(jnp.int32, (_TN, _M), 1)
    inf = jnp.float32(jnp.inf)
    cur = d2
    vals, idxs = [], []
    for k in range(_K):
        mv = jnp.min(cur, axis=1, keepdims=True)
        mi = jnp.min(jnp.where(cur == mv, iota, _M), axis=1,
                     keepdims=True)
        vals.append(mv)
        idxs.append(mi)
        if k < _K - 1:
            cur = jnp.where(iota == mi, inf, cur)
    inv = [1.0 / (jnp.sqrt(jnp.maximum(vv, 0.0)) + 1e-8) for vv in vals]
    s = inv[0] + inv[1] + inv[2]
    w_ref[0] = jnp.concatenate(
        [jnp.broadcast_to((ik / s).astype(jnp.bfloat16), (_TN, 2 * _L))
         for ik in inv], axis=1)
    idx_ref[0] = jnp.concatenate(idxs, axis=1) + b * _M


def _stage_b(target_t, vc):
    return pl.pallas_call(
        _stage_b_body,
        grid=(_B, _N // _TN),
        in_specs=[
            pl.BlockSpec((1, _TN, 3), lambda b, n: (b, n, 0)),
            pl.BlockSpec((1, 3, _M), lambda b, n: (b, 0, 0)),
        ],
        out_specs=[
            pl.BlockSpec((1, _TN, 3), lambda b, n: (b, n, 0)),
            pl.BlockSpec((1, _TN, 6 * _L), lambda b, n: (b, n, 0)),
        ],
        out_shape=[
            jax.ShapeDtypeStruct((_B, _N, 3), jnp.int32),
            jax.ShapeDtypeStruct((_B, _N, 6 * _L), jnp.bfloat16),
        ],
    )(target_t, vc)



_NC, _NS, _L = 2, 16, 16
_NW = _NC * _NS
_TPW = _BN // _NW
_CH = 16
_NCH = _TPW // _CH


def _stage_c_body(proj_hbm, idx_hbm, w_hbm, h_hbm, idx_v, w_v,
                  rows0, rows1, out_v, g0, g1, o0, o1):
    wid = lax.axis_index("s") * _NC + lax.axis_index("c")
    base = wid * _TPW
    rows = (rows0, rows1)
    gsem = (g0, g1)
    osem = (o0, o1)

    pltpu.sync_copy(idx_hbm.at[pl.ds(base * 3, _TPW * 3)], idx_v)
    pltpu.sync_copy(w_hbm.at[pl.ds(base * 3 * _L, _TPW * 3 * _L)], w_v)

    def gather_start(ch, par):
        pltpu.async_copy(
            proj_hbm.at[idx_v.at[pl.ds(ch * (_CH * 3), _CH * 3)]],
            rows[par], gsem[par])

    def gather_wait(par):
        pltpu.make_async_copy(
            proj_hbm.at[idx_v.at[pl.ds(0, _CH * 3)]],
            rows[par], gsem[par]).wait()

    def out_start(ch, par):
        pltpu.async_copy(out_v.at[par],
                         h_hbm.at[pl.ds(base + ch * _CH, _CH)], osem[par])

    def out_wait(par):
        pltpu.make_async_copy(out_v.at[par],
                              h_hbm.at[pl.ds(base, _CH)], osem[par]).wait()

    def compute(ch, par):
        rv = rows[par]

        def tgt(t, carry):
            wb = ch * (_CH * 3 * _L) + t * (3 * _L)
            w0 = plsc.bitcast(w_v[pl.ds(wb, _L)], jnp.bfloat16)
            w1 = plsc.bitcast(w_v[pl.ds(wb + _L, _L)], jnp.bfloat16)
            w2 = plsc.bitcast(w_v[pl.ds(wb + 2 * _L, _L)], jnp.bfloat16)
            for d in range(_HID // (2 * _L)):
                sl = pl.ds(d * _L, _L)
                r0 = plsc.bitcast(rv[3 * t, sl], jnp.bfloat16)
                r1 = plsc.bitcast(rv[3 * t + 1, sl], jnp.bfloat16)
                r2 = plsc.bitcast(rv[3 * t + 2, sl], jnp.bfloat16)
                out_v[par, t, sl] = plsc.bitcast(
                    r0 * w0 + r1 * w1 + r2 * w2, jnp.float32)
            return carry

        lax.fori_loop(0, _CH, tgt, 0)

    gather_start(0, 0)
    gather_start(1, 1)
    for par in (0, 1):
        gather_wait(par)
        compute(par, par)
        out_start(par, par)
        gather_start(par + 2, par)

    def pair(ph, carry):
        for par in (0, 1):
            ch = 2 * ph + par
            gather_wait(par)
            out_wait(par)
            compute(ch, par)
            out_start(ch, par)
            gather_start(ch + 2, par)
        return carry

    lax.fori_loop(1, _NCH // 2 - 1, pair, 0)

    for par in (0, 1):
        ch = _NCH - 2 + par
        gather_wait(par)
        out_wait(par)
        compute(ch, par)
        out_start(ch, par)
    for par in (0, 1):
        out_wait(par)


@functools.cache
def _make_stage_c():
    return pl.kernel(
        _stage_c_body,
        out_type=jax.ShapeDtypeStruct((_BN, _HID // 2), jnp.float32),
        mesh=plsc.VectorSubcoreMesh(core_axis_name="c", subcore_axis_name="s"),
        compiler_params=pltpu.CompilerParams(needs_layout_passes=False),
        scratch_types=[
            pltpu.VMEM((_TPW * 3,), jnp.int32),
            pltpu.VMEM((_TPW * 3 * _L,), jnp.float32),
            pltpu.VMEM((_CH * 3, _HPAD // 2), jnp.float32),
            pltpu.VMEM((_CH * 3, _HPAD // 2), jnp.float32),
            pltpu.VMEM((2, _CH, _HID // 2), jnp.float32),
            pltpu.SemaphoreType.DMA,
            pltpu.SemaphoreType.DMA,
            pltpu.SemaphoreType.DMA,
            pltpu.SemaphoreType.DMA,
        ],
    )



_TD = 2048


def _stage_d_body(h_ref, b1_ref, w2_ref, b2_ref, o_ref):
    x = jnp.maximum(h_ref[0].astype(jnp.float32) + b1_ref[...], 0.0)
    o_ref[0] = (lax.dot_general(w2_ref[...], x.astype(jnp.bfloat16),
                                (((0,), (1,)), ((), ())),
                                preferred_element_type=jnp.float32)
                + b2_ref[...])


def _stage_d(h, b1, w2, b2t):
    return pl.pallas_call(
        _stage_d_body,
        grid=(_B, _N // _TD),
        in_specs=[
            pl.BlockSpec((1, _TD, _HID), lambda b, n: (b, n, 0)),
            pl.BlockSpec((1, _HID), lambda b, n: (0, 0)),
            pl.BlockSpec((_HID, _OUT), lambda b, n: (0, 0)),
            pl.BlockSpec((_OUT, 1), lambda b, n: (0, 0)),
        ],
        out_specs=pl.BlockSpec((1, _OUT, _TD), lambda b, n: (b, 0, n)),
        out_shape=jax.ShapeDtypeStruct((_B, _OUT, _N), jnp.float32),
    )(h, b1, w2, b2t)




def kernel(vn_feat, vn_xyz, target_xyz, R_align, W1, b1, W2, b2):
    y = vn_feat.reshape(_B, _C, 3 * _M)
    w13 = W1.reshape(_C, 3, _HID)
    w10, w11, w12 = w13[:, 0, :], w13[:, 1, :], w13[:, 2, :]
    target_t = target_xyz.transpose(0, 2, 1)

    proj, vc = _stage_a2(y, R_align, w10, w11, w12, vn_xyz)
    idxg, w = _stage_b(target_t, vc)

    projp = lax.bitcast_convert_type(
        proj.reshape(_B * _M, _HPAD // 2, 2), jnp.float32)
    wp = lax.bitcast_convert_type(
        w.reshape(_BN * 3 * _L, 2), jnp.float32)
    h = _make_stage_c()(projp, idxg.reshape(_BN * 3), wp)
    hb = lax.bitcast_convert_type(h, jnp.bfloat16).reshape(_B, _N, _HID)

    return _stage_d(hb, b1.reshape(1, _HID),
                    W2.astype(jnp.bfloat16), b2.reshape(_OUT, 1))

# --- scband reference (transcript-rebuilt; emitter-appended) ---
"""Pipeline reference for scband-lgpextractor-1640677507535 (READ-ONLY COPY).

The authoritative reference and input builder live on the scoring server;
editing this copy changes nothing except your own understanding.
"""

import jax, jax.numpy as jnp
import numpy as np

B, C, M, N, K = 8, 256, 1024, 2048, 3
HID = (3 * C) // 2
OUT = 128


def setup_inputs(seed: int = 0) -> dict:
    key = jax.random.key(seed)
    ks = jax.random.split(key, 6)
    vn_feat = jax.random.normal(ks[0], (B, C, M, 3), dtype=jnp.float32)
    vn_xyz = jax.random.normal(ks[1], (B, 3, M), dtype=jnp.float32)
    target_xyz = jax.random.normal(ks[2], (B, 3, N), dtype=jnp.float32)
    R_align = jax.random.normal(ks[3], (B, 3, 3), dtype=jnp.float32)
    W1 = jax.random.normal(ks[4], (3 * C, HID), dtype=jnp.float32) * 0.02
    b1 = jnp.zeros((HID,), dtype=jnp.float32)
    W2 = jax.random.normal(ks[5], (HID, OUT), dtype=jnp.float32) * 0.02
    b2 = jnp.zeros((OUT,), dtype=jnp.float32)
    return {"vn_feat": vn_feat, "vn_xyz": vn_xyz, "target_xyz": target_xyz,
            "R_align": R_align, "W1": W1, "b1": b1, "W2": W2, "b2": b2}


def reference(vn_feat, vn_xyz, target_xyz, R_align, W1, b1, W2, b2):
    Bq, Cq, Mq, _ = vn_feat.shape
    Nq = target_xyz.shape[-1]
    # canonicalize VN features: einsum('bcmi,bij->bcmj')
    feat_canon = jnp.einsum('bcmi,bij->bcmj', vn_feat, R_align)
    feat_ri = feat_canon.reshape(Bq, Cq * 3, Mq)
    # canonicalize keypoint coords
    vn_xyz_canon = jnp.transpose(jnp.matmul(jnp.transpose(vn_xyz, (0, 2, 1)), R_align), (0, 2, 1))  # (B,3,M)
    vn_xyz_t = jnp.transpose(vn_xyz_canon, (0, 2, 1))      # (B,M,3)
    target_xyz_t = jnp.transpose(target_xyz, (0, 2, 1))    # (B,N,3)
    # query_knn_point: k nearest vn points for each target point
    d2 = jnp.sum((target_xyz_t[:, :, None, :] - vn_xyz_t[:, None, :, :]) ** 2, axis=-1)  # (B,N,M)
    _, idx = jax.lax.top_k(-d2, K)  # (B,N,K)
    # grouping_operation: gather along M
    idx_feat = jnp.broadcast_to(idx[:, None, :, :], (Bq, Cq * 3, Nq, K))
    grouped_feat = jnp.take_along_axis(feat_ri[:, :, None, :], idx_feat, axis=-1)  # (B,3C,N,K)
    idx_xyz = jnp.broadcast_to(idx[:, None, :, :], (Bq, 3, Nq, K))
    grouped_xyz = jnp.take_along_axis(vn_xyz_canon[:, :, None, :], idx_xyz, axis=-1)  # (B,3,N,K)
    # inverse-distance weights
    dist = jnp.sqrt(jnp.sum((grouped_xyz - target_xyz[:, :, :, None]) ** 2, axis=1)) + 1e-08  # (B,N,K)
    weight = 1.0 / dist
    weight = weight / jnp.sum(weight, axis=-1, keepdims=True)
    feat_interp = jnp.sum(grouped_feat * weight[:, None, :, :], axis=-1)  # (B,3C,N)
    # MLP_CONV: 1x1 conv1d stack, ReLU between layers, no activation on last
    h = jax.nn.relu(jnp.einsum('bcn,cd->bdn', feat_interp, W1) + b1[None, :, None])
    out = jnp.einsum('bcn,cd->bdn', h, W2) + b2[None, :, None]
    return out

if __name__ == "__main__":
    import jax
    _d = setup_inputs()
    print(jax.jit(kernel)(*tuple(_d.values())))

</pallas_src>

<mosaic_0001>
#map = affine_map<(d0, d1) -> (0, 0)>
#map1 = affine_map<(d0, d1) -> (0)>
module attributes {stable_mosaic.version = 14 : i64} {
  func.func @_stage_c_body(%arg0: i32, %arg1: i32, %arg2: memref<8192x256xf32, #tpu.memory_space<hbm>>, %arg3: memref<49152xi32, #tpu.memory_space<hbm>>, %arg4: memref<786432xf32, #tpu.memory_space<hbm>>, %arg5: memref<16384x192xf32, #tpu.memory_space<hbm>>, %arg6: memref<1536xi32, #tpu.memory_space<vmem>>, %arg7: memref<24576xf32, #tpu.memory_space<vmem>>, %arg8: memref<48x256xf32, #tpu.memory_space<vmem>>, %arg9: memref<48x256xf32, #tpu.memory_space<vmem>>, %arg10: memref<2x16x192xf32, #tpu.memory_space<vmem>>, %arg11: memref<!tpu.dma_semaphore, #tpu.memory_space<semaphore_mem>>, %arg12: memref<!tpu.dma_semaphore, #tpu.memory_space<semaphore_mem>>, %arg13: memref<!tpu.dma_semaphore, #tpu.memory_space<semaphore_mem>>, %arg14: memref<!tpu.dma_semaphore, #tpu.memory_space<semaphore_mem>>) attributes {dimension_semantics = [#tpu.dimension_semantics<core_parallel>, #tpu.dimension_semantics<subcore_parallel>], iteration_bounds = array<i64: 2, 16>, scalar_prefetch = 0 : i64, scratch_operands = 9 : i64, tpu.core_type = #tpu.core_type<sc_vector_subcore>, window_params = [{transform_indices = #map}, {transform_indices = #map1}, {transform_indices = #map1}, {transform_indices = #map}]} {
    %mul3A = arith.constant 2 : i32
    %mul3A_0 = arith.muli %arg1, %mul3A : i32
    %add3A = arith.addi %mul3A_0, %arg0 : i32
    %mul3A_1 = arith.constant 512 : i32
    %mul3A_2 = arith.muli %add3A, %mul3A_1 : i32
    %mul3A_3 = arith.constant 3 : i32
    %mul3A_4 = arith.muli %mul3A_2, %mul3A_3 : i32
    "tpu.region"() ({
      %run_scoped3A = tpu.sem_alloc : memref<!tpu.dma_semaphore, #tpu.memory_space<semaphore_mem>>
      %dma_start3A_188 = tpu.memref_slice %arg3[%mul3A_4] : memref<49152xi32, #tpu.memory_space<hbm>> -> memref<1536xi32, #tpu.memory_space<hbm>>
      %dma_start3A_189 = tpu.memref_slice %arg3[%mul3A_4] : memref<49152xi32, #tpu.memory_space<hbm>> -> memref<1536xi32, #tpu.memory_space<hbm>>
      tpu.enqueue_dma source(%dma_start3A_189 : memref<1536xi32, #tpu.memory_space<hbm>>) target(%arg6 : memref<1536xi32, #tpu.memory_space<vmem>>) target_semaphore(%run_scoped3A : memref<!tpu.dma_semaphore, #tpu.memory_space<semaphore_mem>>)
      %dma_wait3A_190 = tpu.memref_slice %arg3[%mul3A_4] : memref<49152xi32, #tpu.memory_space<hbm>> -> memref<1536xi32, #tpu.memory_space<hbm>>
      %dma_wait3A_191 = tpu.memref_slice %arg3[%mul3A_4] : memref<49152xi32, #tpu.memory_space<hbm>> -> memref<1536xi32, #tpu.memory_space<hbm>>
      tpu.wait_dma2 semaphore(%run_scoped3A : memref<!tpu.dma_semaphore, #tpu.memory_space<semaphore_mem>>) src(%dma_wait3A_191 : memref<1536xi32, #tpu.memory_space<hbm>>) dst(%arg6 : memref<1536xi32, #tpu.memory_space<vmem>>)
      tpu.yield
    }) : () -> ()
    %mul3A_5 = arith.constant 3 : i32
    %mul3A_6 = arith.muli %mul3A_2, %mul3A_5 : i32
    %mul3A_7 = arith.constant 16 : i32
    %mul3A_8 = arith.muli %mul3A_6, %mul3A_7 : i32
    "tpu.region"() ({
      %run_scoped3A = tpu.sem_alloc : memref<!tpu.dma_semaphore, #tpu.memory_space<semaphore_mem>>
      %dma_start3A_188 = tpu.memref_slice %arg4[%mul3A_8] : memref<786432xf32, #tpu.memory_space<hbm>> -> memref<24576xf32, #tpu.memory_space<hbm>>
      %dma_start3A_189 = tpu.memref_slice %arg4[%mul3A_8] : memref<786432xf32, #tpu.memory_space<hbm>> -> memref<24576xf32, #tpu.memory_space<hbm>>
      tpu.enqueue_dma source(%dma_start3A_189 : memref<24576xf32, #tpu.memory_space<hbm>>) target(%arg7 : memref<24576xf32, #tpu.memory_space<vmem>>) target_semaphore(%run_scoped3A : memref<!tpu.dma_semaphore, #tpu.memory_space<semaphore_mem>>)
      %dma_wait3A_190 = tpu.memref_slice %arg4[%mul3A_8] : memref<786432xf32, #tpu.memory_space<hbm>> -> memref<24576xf32, #tpu.memory_space<hbm>>
      %dma_wait3A_191 = tpu.memref_slice %arg4[%mul3A_8] : memref<786432xf32, #tpu.memory_space<hbm>> -> memref<24576xf32, #tpu.memory_space<hbm>>
      tpu.wait_dma2 semaphore(%run_scoped3A : memref<!tpu.dma_semaphore, #tpu.memory_space<semaphore_mem>>) src(%dma_wait3A_191 : memref<24576xf32, #tpu.memory_space<hbm>>) dst(%arg7 : memref<24576xf32, #tpu.memory_space<vmem>>)
      tpu.yield
    }) : () -> ()
    %dma_start3A = arith.constant 0 : i32
    %dma_start3A_9 = tpu.memref_slice %arg6[%dma_start3A] : memref<1536xi32, #tpu.memory_space<vmem>> -> memref<48xi32, #tpu.memory_space<vmem>>
    %dma_start3A_10 = arith.constant 0 : i32
    %dma_start3A_11 = arith.constant 0 : i32
    %dma_start3A_12 = tpu.memref_slice %arg2[%dma_start3A_10, %dma_start3A_11] : memref<8192x256xf32, #tpu.memory_space<hbm>> -> memref<8192x256xf32, #tpu.memory_space<hbm>>
    tpu.enqueue_indirect_dma source(%dma_start3A_12 : memref<8192x256xf32, #tpu.memory_space<hbm>>) target(%arg8 : memref<48x256xf32, #tpu.memory_space<vmem>>) offsets(%dma_start3A_9 : memref<48xi32, #tpu.memory_space<vmem>>) semaphore(%arg11 : memref<!tpu.dma_semaphore, #tpu.memory_space<semaphore_mem>>)
    %dma_start3A_13 = arith.constant 48 : i32
    %dma_start3A_14 = tpu.memref_slice %arg6[%dma_start3A_13] : memref<1536xi32, #tpu.memory_space<vmem>> -> memref<48xi32, #tpu.memory_space<vmem>>
    %dma_start3A_15 = arith.constant 0 : i32
    %dma_start3A_16 = arith.constant 0 : i32
    %dma_start3A_17 = tpu.memref_slice %arg2[%dma_start3A_15, %dma_start3A_16] : memref<8192x256xf32, #tpu.memory_space<hbm>> -> memref<8192x256xf32, #tpu.memory_space<hbm>>
    tpu.enqueue_indirect_dma source(%dma_start3A_17 : memref<8192x256xf32, #tpu.memory_space<hbm>>) target(%arg9 : memref<48x256xf32, #tpu.memory_space<vmem>>) offsets(%dma_start3A_14 : memref<48xi32, #tpu.memory_space<vmem>>) semaphore(%arg12 : memref<!tpu.dma_semaphore, #tpu.memory_space<semaphore_mem>>)
    %dma_wait3A = arith.constant 0 : i32
    %dma_wait3A_18 = tpu.memref_slice %arg6[%dma_wait3A] : memref<1536xi32, #tpu.memory_space<vmem>> -> memref<48xi32, #tpu.memory_space<vmem>>
    %dma_wait3A_19 = arith.constant 0 : i32
    %dma_wait3A_20 = arith.constant 0 : i32
    %dma_wait3A_21 = tpu.memref_slice %arg2[%dma_wait3A_19, %dma_wait3A_20] : memref<8192x256xf32, #tpu.memory_space<hbm>> -> memref<8192x256xf32, #tpu.memory_space<hbm>>
    tpu.wait_indirect_dma semaphore(%arg11 : memref<!tpu.dma_semaphore, #tpu.memory_space<semaphore_mem>>) src(%dma_wait3A_21 : memref<8192x256xf32, #tpu.memory_space<hbm>>) dst(%arg8 : memref<48x256xf32, #tpu.memory_space<vmem>>)
    %scan3A = arith.constant 0 : i32
    %scan3A_22 = arith.constant 0 : i32
    %scan3A_23 = arith.constant 16 : i32
    %scan3A_24 = arith.addi %scan3A_22, %scan3A_23 : i32
    %scan3A_25 = arith.constant 1 : i32
    scf.for %scan3A_188 = %scan3A_22 to %scan3A_24 step %scan3A_25  : i32 {
      %mul3A_189 = arith.constant 48 : i32
      %mul3A_190 = arith.muli %scan3A_188, %mul3A_189 : i32
      %add3A_191 = arith.constant 0 : i32
      %add3A_192 = arith.addi %add3A_191, %mul3A_190 : i32
      %get3A = arith.index_cast %add3A_192 : i32 to index
      %get3A_193 = tpu.vector_load %arg7[%get3A] {strides = array<i32>} : memref<24576xf32, #tpu.memory_space<vmem>>, vector<16xf32>,
      %bitcast3A = vector.bitcast %get3A_193 : vector<16xf32> to vector<32xbf16>
      %add3A_194 = arith.constant 16 : i32
      %add3A_195 = arith.addi %add3A_192, %add3A_194 : i32
      %get3A_196 = arith.index_cast %add3A_195 : i32 to index
      %get3A_197 = tpu.vector_load %arg7[%get3A_196] {strides = array<i32>} : memref<24576xf32, #tpu.memory_space<vmem>>, vector<16xf32>,
      %bitcast3A_198 = vector.bitcast %get3A_197 : vector<16xf32> to vector<32xbf16>
      %add3A_199 = arith.constant 32 : i32
      %add3A_200 = arith.addi %add3A_192, %add3A_199 : i32
      %get3A_201 = arith.index_cast %add3A_200 : i32 to index
      %get3A_202 = tpu.vector_load %arg7[%get3A_201] {strides = array<i32>} : memref<24576xf32, #tpu.memory_space<vmem>>, vector<16xf32>,
      %bitcast3A_203 = vector.bitcast %get3A_202 : vector<16xf32> to vector<32xbf16>
      %mul3A_204 = arith.constant 3 : i32
      %mul3A_205 = arith.muli %mul3A_204, %scan3A_188 : i32
      %get3A_206 = arith.index_cast %mul3A_205 : i32 to index
      %get3A_207 = arith.constant 0 : index
      %get3A_208 = tpu.vector_load %arg8[%get3A_206, %get3A_207] {strides = array<i32>} : memref<48x256xf32, #tpu.memory_space<vmem>>, vector<16xf32>,
      %bitcast3A_209 = vector.bitcast %get3A_208 : vector<16xf32> to vector<32xbf16>
      %mul3A_210 = arith.constant 3 : i32
      %mul3A_211 = arith.muli %mul3A_210, %scan3A_188 : i32
      %add3A_212 = arith.constant 1 : i32
      %add3A_213 = arith.addi %mul3A_211, %add3A_212 : i32
      %get3A_214 = arith.index_cast %add3A_213 : i32 to index
      %get3A_215 = arith.constant 0 : index
      %get3A_216 = tpu.vector_load %arg8[%get3A_214, %get3A_215] {strides = array<i32>} : memref<48x256xf32, #tpu.memory_space<vmem>>, vector<16xf32>,
      %bitcast3A_217 = vector.bitcast %get3A_216 : vector<16xf32> to vector<32xbf16>
      %mul3A_218 = arith.constant 3 : i32
      %mul3A_219 = arith.muli %mul3A_218, %scan3A_188 : i32
      %add3A_220 = arith.constant 2 : i32
      %add3A_221 = arith.addi %mul3A_219, %add3A_220 : i32
      %get3A_222 = arith.index_cast %add3A_221 : i32 to index
      %get3A_223 = arith.constant 0 : index
      %get3A_224 = tpu.vector_load %arg8[%get3A_222, %get3A_223] {strides = array<i32>} : memref<48x256xf32, #tpu.memory_space<vmem>>, vector<16xf32>,
      %bitcast3A_225 = vector.bitcast %get3A_224 : vector<16xf32> to vector<32xbf16>
      %mul3A_226 = arith.mulf %bitcast3A_209, %bitcast3A : vector<32xbf16>
      %mul3A_227 = arith.mulf %bitcast3A_217, %bitcast3A_198 : vector<32xbf16>
      %add3A_228 = arith.addf %mul3A_226, %mul3A_227 : vector<32xbf16>
      %mul3A_229 = arith.mulf %bitcast3A_225, %bitcast3A_203 : vector<32xbf16>
      %add3A_230 = arith.addf %add3A_228, %mul3A_229 : vector<32xbf16>
      %bitcast3A_231 = vector.bitcast %add3A_230 : vector<32xbf16> to vector<16xf32>
      %swap3A = arith.constant 0 : i32
      %swap3A_232 = arith.index_cast %swap3A : i32 to index
      %swap3A_233 = arith.index_cast %scan3A_188 : i32 to index
      %swap3A_234 = arith.constant 0 : index
      %swap3A_235 = tpu.vector_load %arg10[%swap3A_232, %swap3A_233, %swap3A_234] {strides = array<i32>} : memref<2x16x192xf32, #tpu.memory_space<vmem>>, vector<16xf32>,
      tpu.vector_store %arg10[%swap3A_232, %swap3A_233, %swap3A_234], %bitcast3A_231 {strides = array<i32>} : memref<2x16x192xf32, #tpu.memory_space<vmem>>, vector<16xf32>,
      %mul3A_236 = arith.constant 3 : i32
      %mul3A_237 = arith.muli %mul3A_236, %scan3A_188 : i32
      %get3A_238 = arith.index_cast %mul3A_237 : i32 to index
      %get3A_239 = arith.constant 16 : index
      %get3A_240 = tpu.vector_load %arg8[%get3A_238, %get3A_239] {strides = array<i32>} : memref<48x256xf32, #tpu.memory_space<vmem>>, vector<16xf32>,
      %bitcast3A_241 = vector.bitcast %get3A_240 : vector<16xf32> to vector<32xbf16>
      %mul3A_242 = arith.constant 3 : i32
      %mul3A_243 = arith.muli %mul3A_242, %scan3A_188 : i32
      %add3A_244 = arith.constant 1 : i32
      %add3A_245 = arith.addi %mul3A_243, %add3A_244 : i32
      %get3A_246 = arith.index_cast %add3A_245 : i32 to index
      %get3A_247 = arith.constant 16 : index
      %get3A_248 = tpu.vector_load %arg8[%get3A_246, %get3A_247] {strides = array<i32>} : memref<48x256xf32, #tpu.memory_space<vmem>>, vector<16xf32>,
      %bitcast3A_249 = vector.bitcast %get3A_248 : vector<16xf32> to vector<32xbf16>
      %mul3A_250 = arith.constant 3 : i32
      %mul3A_251 = arith.muli %mul3A_250, %scan3A_188 : i32
      %add3A_252 = arith.constant 2 : i32
      %add3A_253 = arith.addi %mul3A_251, %add3A_252 : i32
      %get3A_254 = arith.index_cast %add3A_253 : i32 to index
      %get3A_255 = arith.constant 16 : index
      %get3A_256 = tpu.vector_load %arg8[%get3A_254, %get3A_255] {strides = array<i32>} : memref<48x256xf32, #tpu.memory_space<vmem>>, vector<16xf32>,
      %bitcast3A_257 = vector.bitcast %get3A_256 : vector<16xf32> to vector<32xbf16>
      %mul3A_258 = arith.mulf %bitcast3A_241, %bitcast3A : vector<32xbf16>
      %mul3A_259 = arith.mulf %bitcast3A_249, %bitcast3A_198 : vector<32xbf16>
      %add3A_260 = arith.addf %mul3A_258, %mul3A_259 : vector<32xbf16>
      %mul3A_261 = arith.mulf %bitcast3A_257, %bitcast3A_203 : vector<32xbf16>
      %add3A_262 = arith.addf %add3A_260, %mul3A_261 : vector<32xbf16>
      %bitcast3A_263 = vector.bitcast %add3A_262 : vector<32xbf16> to vector<16xf32>
      %swap3A_264 = arith.constant 0 : i32
      %swap3A_265 = arith.index_cast %swap3A_264 : i32 to index
      %swap3A_266 = arith.index_cast %scan3A_188 : i32 to index
      %swap3A_267 = arith.constant 16 : index
      %swap3A_268 = tpu.vector_load %arg10[%swap3A_265, %swap3A_266, %swap3A_267] {strides = array<i32>} : memref<2x16x192xf32, #tpu.memory_space<vmem>>, vector<16xf32>,
      tpu.vector_store %arg10[%swap3A_265, %swap3A_266, %swap3A_267], %bitcast3A_263 {strides = array<i32>} : memref<2x16x192xf32, #tpu.memory_space<vmem>>, vector<16xf32>,
      %mul3A_269 = arith.constant 3 : i32
      %mul3A_270 = arith.muli %mul3A_269, %scan3A_188 : i32
      %get3A_271 = arith.index_cast %mul3A_270 : i32 to index
      %get3A_272 = arith.constant 32 : index
      %get3A_273 = tpu.vector_load %arg8[%get3A_271, %get3A_272] {strides = array<i32>} : memref<48x256xf32, #tpu.memory_space<vmem>>, vector<16xf32>,
      %bitcast3A_274 = vector.bitcast %get3A_273 : vector<16xf32> to vector<32xbf16>
      %mul3A_275 = arith.constant 3 : i32
      %mul3A_276 = arith.muli %mul3A_275, %scan3A_188 : i32
      %add3A_277 = arith.constant 1 : i32
      %add3A_278 = arith.addi %mul3A_276, %add3A_277 : i32
      %get3A_279 = arith.index_cast %add3A_278 : i32 to index
      %get3A_280 = arith.constant 32 : index
      %get3A_281 = tpu.vector_load %arg8[%get3A_279, %get3A_280] {strides = array<i32>} : memref<48x256xf32, #tpu.memory_space<vmem>>, vector<16xf32>,
      %bitcast3A_282 = vector.bitcast %get3A_281 : vector<16xf32> to vector<32xbf16>
      %mul3A_283 = arith.constant 3 : i32
      %mul3A_284 = arith.muli %mul3A_283, %scan3A_188 : i32
      %add3A_285 = arith.constant 2 : i32
      %add3A_286 = arith.addi %mul3A_284, %add3A_285 : i32
      %get3A_287 = arith.index_cast %add3A_286 : i32 to index
      %get3A_288 = arith.constant 32 : index
      %get3A_289 = tpu.vector_load %arg8[%get3A_287, %get3A_288] {strides = array<i32>} : memref<48x256xf32, #tpu.memory_space<vmem>>, vector<16xf32>,
      %bitcast3A_290 = vector.bitcast %get3A_289 : vector<16xf32> to vector<32xbf16>
      %mul3A_291 = arith.mulf %bitcast3A_274, %bitcast3A : vector<32xbf16>
      %mul3A_292 = arith.mulf %bitcast3A_282, %bitcast3A_198 : vector<32xbf16>
      %add3A_293 = arith.addf %mul3A_291, %mul3A_292 : vector<32xbf16>
      %mul3A_294 = arith.mulf %bitcast3A_290, %bitcast3A_203 : vector<32xbf16>
      %add3A_295 = arith.addf %add3A_293, %mul3A_294 : vector<32xbf16>
      %bitcast3A_296 = vector.bitcast %add3A_295 : vector<32xbf16> to vector<16xf32>
      %swap3A_297 = arith.constant 0 : i32
      %swap3A_298 = arith.index_cast %swap3A_297 : i32 to index
      %swap3A_299 = arith.index_cast %scan3A_188 : i32 to index
      %swap3A_300 = arith.constant 32 : index
      %swap3A_301 = tpu.vector_load %arg10[%swap3A_298, %swap3A_299, %swap3A_300] {strides = array<i32>} : memref<2x16x192xf32, #tpu.memory_space<vmem>>, vector<16xf32>,
      tpu.vector_store %arg10[%swap3A_298, %swap3A_299, %swap3A_300], %bitcast3A_296 {strides = array<i32>} : memref<2x16x192xf32, #tpu.memory_space<vmem>>, vector<16xf32>,
      %mul3A_302 = arith.constant 3 : i32
      %mul3A_303 = arith.muli %mul3A_302, %scan3A_188 : i32
      %get3A_304 = arith.index_cast %mul3A_303 : i32 to index
      %get3A_305 = arith.constant 48 : index
      %get3A_306 = tpu.vector_load %arg8[%get3A_304, %get3A_305] {strides = array<i32>} : memref<48x256xf32, #tpu.memory_space<vmem>>, vector<16xf32>,
      %bitcast3A_307 = vector.bitcast %get3A_306 : vector<16xf32> to vector<32xbf16>
      %mul3A_308 = arith.constant 3 : i32
      %mul3A_309 = arith.muli %mul3A_308, %scan3A_188 : i32
      %add3A_310 = arith.constant 1 : i32
      %add3A_311 = arith.addi %mul3A_309, %add3A_310 : i32
      %get3A_312 = arith.index_cast %add3A_311 : i32 to index
      %get3A_313 = arith.constant 48 : index
      %get3A_314 = tpu.vector_load %arg8[%get3A_312, %get3A_313] {strides = array<i32>} : memref<48x256xf32, #tpu.memory_space<vmem>>, vector<16xf32>,
      %bitcast3A_315 = vector.bitcast %get3A_314 : vector<16xf32> to vector<32xbf16>
      %mul3A_316 = arith.constant 3 : i32
      %mul3A_317 = arith.muli %mul3A_316, %scan3A_188 : i32
      %add3A_318 = arith.constant 2 : i32
      %add3A_319 = arith.addi %mul3A_317, %add3A_318 : i32
      %get3A_320 = arith.index_cast %add3A_319 : i32 to index
      %get3A_321 = arith.constant 48 : index
      %get3A_322 = tpu.vector_load %arg8[%get3A_320, %get3A_321] {strides = array<i32>} : memref<48x256xf32, #tpu.memory_space<vmem>>, vector<16xf32>,
      %bitcast3A_323 = vector.bitcast %get3A_322 : vector<16xf32> to vector<32xbf16>
      %mul3A_324 = arith.mulf %bitcast3A_307, %bitcast3A : vector<32xbf16>
      %mul3A_325 = arith.mulf %bitcast3A_315, %bitcast3A_198 : vector<32xbf16>
      %add3A_326 = arith.addf %mul3A_324, %mul3A_325 : vector<32xbf16>
      %mul3A_327 = arith.mulf %bitcast3A_323, %bitcast3A_203 : vector<32xbf16>
      %add3A_328 = arith.addf %add3A_326, %mul3A_327 : vector<32xbf16>
      %bitcast3A_329 = vector.bitcast %add3A_328 : vector<32xbf16> to vector<16xf32>
      %swap3A_330 = arith.constant 0 : i32
      %swap3A_331 = arith.index_cast %swap3A_330 : i32 to index
      %swap3A_332 = arith.index_cast %scan3A_188 : i32 to index
      %swap3A_333 = arith.constant 48 : index
      %swap3A_334 = tpu.vector_load %arg10[%swap3A_331, %swap3A_332, %swap3A_333] {strides = array<i32>} : memref<2x16x192xf32, #tpu.memory_space<vmem>>, vector<16xf32>,
      tpu.vector_store %arg10[%swap3A_331, %swap3A_332, %swap3A_333], %bitcast3A_329 {strides = array<i32>} : memref<2x16x192xf32, #tpu.memory_space<vmem>>, vector<16xf32>,
      %mul3A_335 = arith.constant 3 : i32
      %mul3A_336 = arith.muli %mul3A_335, %scan3A_188 : i32
      %get3A_337 = arith.index_cast %mul3A_336 : i32 to index
      %get3A_338 = arith.constant 64 : index
      %get3A_339 = tpu.vector_load %arg8[%get3A_337, %get3A_338] {strides = array<i32>} : memref<48x256xf32, #tpu.memory_space<vmem>>, vector<16xf32>,
      %bitcast3A_340 = vector.bitcast %get3A_339 : vector<16xf32> to vector<32xbf16>
      %mul3A_341 = arith.constant 3 : i32
      %mul3A_342 = arith.muli %mul3A_341, %scan3A_188 : i32
      %add3A_343 = arith.constant 1 : i32
      %add3A_344 = arith.addi %mul3A_342, %add3A_343 : i32
      %get3A_345 = arith.index_cast %add3A_344 : i32 to index
      %get3A_346 = arith.constant 64 : index
      %get3A_347 = tpu.vector_load %arg8[%get3A_345, %get3A_346] {strides = array<i32>} : memref<48x256xf32, #tpu.memory_space<vmem>>, vector<16xf32>,
      %bitcast3A_348 = vector.bitcast %get3A_347 : vector<16xf32> to vector<32xbf16>
      %mul3A_349 = arith.constant 3 : i32
      %mul3A_350 = arith.muli %mul3A_349, %scan3A_188 : i32
      %add3A_351 = arith.constant 2 : i32
      %add3A_352 = arith.addi %mul3A_350, %add3A_351 : i32
      %get3A_353 = arith.index_cast %add3A_352 : i32 to index
      %get3A_354 = arith.constant 64 : index
      %get3A_355 = tpu.vector_load %arg8[%get3A_353, %get3A_354] {strides = array<i32>} : memref<48x256xf32, #tpu.memory_space<vmem>>, vector<16xf32>,
      %bitcast3A_356 = vector.bitcast %get3A_355 : vector<16xf32> to vector<32xbf16>
      %mul3A_357 = arith.mulf %bitcast3A_340, %bitcast3A : vector<32xbf16>
      %mul3A_358 = arith.mulf %bitcast3A_348, %bitcast3A_198 : vector<32xbf16>
      %add3A_359 = arith.addf %mul3A_357, %mul3A_358 : vector<32xbf16>
      %mul3A_360 = arith.mulf %bitcast3A_356, %bitcast3A_203 : vector<32xbf16>
      %add3A_361 = arith.addf %add3A_359, %mul3A_360 : vector<32xbf16>
      %bitcast3A_362 = vector.bitcast %add3A_361 : vector<32xbf16> to vector<16xf32>
      %swap3A_363 = arith.constant 0 : i32
      %swap3A_364 = arith.index_cast %swap3A_363 : i32 to index
      %swap3A_365 = arith.index_cast %scan3A_188 : i32 to index
      %swap3A_366 = arith.constant 64 : index
      %swap3A_367 = tpu.vector_load %arg10[%swap3A_364, %swap3A_365, %swap3A_366] {strides = array<i32>} : memref<2x16x192xf32, #tpu.memory_space<vmem>>, vector<16xf32>,
      tpu.vector_store %arg10[%swap3A_364, %swap3A_365, %swap3A_366], %bitcast3A_362 {strides = array<i32>} : memref<2x16x192xf32, #tpu.memory_space<vmem>>, vector<16xf32>,
      %mul3A_368 = arith.constant 3 : i32
      %mul3A_369 = arith.muli %mul3A_368, %scan3A_188 : i32
      %get3A_370 = arith.index_cast %mul3A_369 : i32 to index
      %get3A_371 = arith.constant 80 : index
      %get3A_372 = tpu.vector_load %arg8[%get3A_370, %get3A_371] {strides = array<i32>} : memref<48x256xf32, #tpu.memory_space<vmem>>, vector<16xf32>,
      %bitcast3A_373 = vector.bitcast %get3A_372 : vector<16xf32> to vector<32xbf16>
      %mul3A_374 = arith.constant 3 : i32
      %mul3A_375 = arith.muli %mul3A_374, %scan3A_188 : i32
      %add3A_376 = arith.constant 1 : i32
      %add3A_377 = arith.addi %mul3A_375, %add3A_376 : i32
      %get3A_378 = arith.index_cast %add3A_377 : i32 to index
      %get3A_379 = arith.constant 80 : index
      %get3A_380 = tpu.vector_load %arg8[%get3A_378, %get3A_379] {strides = array<i32>} : memref<48x256xf32, #tpu.memory_space<vmem>>, vector<16xf32>,
      %bitcast3A_381 = vector.bitcast %get3A_380 : vector<16xf32> to vector<32xbf16>
      %mul3A_382 = arith.constant 3 : i32
      %mul3A_383 = arith.muli %mul3A_382, %scan3A_188 : i32
      %add3A_384 = arith.constant 2 : i32
      %add3A_385 = arith.addi %mul3A_383, %add3A_384 : i32
      %get3A_386 = arith.index_cast %add3A_385 : i32 to index
      %get3A_387 = arith.constant 80 : index
      %get3A_388 = tpu.vector_load %arg8[%get3A_386, %get3A_387] {strides = array<i32>} : memref<48x256xf32, #tpu.memory_space<vmem>>, vector<16xf32>,
      %bitcast3A_389 = vector.bitcast %get3A_388 : vector<16xf32> to vector<32xbf16>
      %mul3A_390 = arith.mulf %bitcast3A_373, %bitcast3A : vector<32xbf16>
      %mul3A_391 = arith.mulf %bitcast3A_381, %bitcast3A_198 : vector<32xbf16>
      %add3A_392 = arith.addf %mul3A_390, %mul3A_391 : vector<32xbf16>
      %mul3A_393 = arith.mulf %bitcast3A_389, %bitcast3A_203 : vector<32xbf16>
      %add3A_394 = arith.addf %add3A_392, %mul3A_393 : vector<32xbf16>
      %bitcast3A_395 = vector.bitcast %add3A_394 : vector<32xbf16> to vector<16xf32>
      %swap3A_396 = arith.constant 0 : i32
      %swap3A_397 = arith.index_cast %swap3A_396 : i32 to index
      %swap3A_398 = arith.index_cast %scan3A_188 : i32 to index
      %swap3A_399 = arith.constant 80 : index
      %swap3A_400 = tpu.vector_load %arg10[%swap3A_397, %swap3A_398, %swap3A_399] {strides = array<i32>} : memref<2x16x192xf32, #tpu.memory_space<vmem>>, vector<16xf32>,
      tpu.vector_store %arg10[%swap3A_397, %swap3A_398, %swap3A_399], %bitcast3A_395 {strides = array<i32>} : memref<2x16x192xf32, #tpu.memory_space<vmem>>, vector<16xf32>,
      %mul3A_401 = arith.constant 3 : i32
      %mul3A_402 = arith.muli %mul3A_401, %scan3A_188 : i32
      %get3A_403 = arith.index_cast %mul3A_402 : i32 to index
      %get3A_404 = arith.constant 96 : index
      %get3A_405 = tpu.vector_load %arg8[%get3A_403, %get3A_404] {strides = array<i32>} : memref<48x256xf32, #tpu.memory_space<vmem>>, vector<16xf32>,
      %bitcast3A_406 = vector.bitcast %get3A_405 : vector<16xf32> to vector<32xbf16>
      %mul3A_407 = arith.constant 3 : i32
      %mul3A_408 = arith.muli %mul3A_407, %scan3A_188 : i32
      %add3A_409 = arith.constant 1 : i32
      %add3A_410 = arith.addi %mul3A_408, %add3A_409 : i32
      %get3A_411 = arith.index_cast %add3A_410 : i32 to index
      %get3A_412 = arith.constant 96 : index
      %get3A_413 = tpu.vector_load %arg8[%get3A_411, %get3A_412] {strides = array<i32>} : memref<48x256xf32, #tpu.memory_space<vmem>>, vector<16xf32>,
      %bitcast3A_414 = vector.bitcast %get3A_413 : vector<16xf32> to vector<32xbf16>
      %mul3A_415 = arith.constant 3 : i32
      %mul3A_416 = arith.muli %mul3A_415, %scan3A_188 : i32
      %add3A_417 = arith.constant 2 : i32
      %add3A_418 = arith.addi %mul3A_416, %add3A_417 : i32
      %get3A_419 = arith.index_cast %add3A_418 : i32 to index
      %get3A_420 = arith.constant 96 : index
      %get3A_421 = tpu.vector_load %arg8[%get3A_419, %get3A_420] {strides = array<i32>} : memref<48x256xf32, #tpu.memory_space<vmem>>, vector<16xf32>,
      %bitcast3A_422 = vector.bitcast %get3A_421 : vector<16xf32> to vector<32xbf16>
      %mul3A_423 = arith.mulf %bitcast3A_406, %bitcast3A : vector<32xbf16>
      %mul3A_424 = arith.mulf %bitcast3A_414, %bitcast3A_198 : vector<32xbf16>
      %add3A_425 = arith.addf %mul3A_423, %mul3A_424 : vector<32xbf16>
      %mul3A_426 = arith.mulf %bitcast3A_422, %bitcast3A_203 : vector<32xbf16>
      %add3A_427 = arith.addf %add3A_425, %mul3A_426 : vector<32xbf16>
      %bitcast3A_428 = vector.bitcast %add3A_427 : vector<32xbf16> to vector<16xf32>
      %swap3A_429 = arith.constant 0 : i32
      %swap3A_430 = arith.index_cast %swap3A_429 : i32 to index
      %swap3A_431 = arith.index_cast %scan3A_188 : i32 to index
      %swap3A_432 = arith.constant 96 : index
      %swap3A_433 = tpu.vector_load %arg10[%swap3A_430, %swap3A_431, %swap3A_432] {strides = array<i32>} : memref<2x16x192xf32, #tpu.memory_space<vmem>>, vector<16xf32>,
      tpu.vector_store %arg10[%swap3A_430, %swap3A_431, %swap3A_432], %bitcast3A_428 {strides = array<i32>} : memref<2x16x192xf32, #tpu.memory_space<vmem>>, vector<16xf32>,
      %mul3A_434 = arith.constant 3 : i32
      %mul3A_435 = arith.muli %mul3A_434, %scan3A_188 : i32
      %get3A_436 = arith.index_cast %mul3A_435 : i32 to index
      %get3A_437 = arith.constant 112 : index
      %get3A_438 = tpu.vector_load %arg8[%get3A_436, %get3A_437] {strides = array<i32>} : memref<48x256xf32, #tpu.memory_space<vmem>>, vector<16xf32>,
      %bitcast3A_439 = vector.bitcast %get3A_438 : vector<16xf32> to vector<32xbf16>
      %mul3A_440 = arith.constant 3 : i32
      %mul3A_441 = arith.muli %mul3A_440, %scan3A_188 : i32
      %add3A_442 = arith.constant 1 : i32
      %add3A_443 = arith.addi %mul3A_441, %add3A_442 : i32
      %get3A_444 = arith.index_cast %add3A_443 : i32 to index
      %get3A_445 = arith.constant 112 : index
      %get3A_446 = tpu.vector_load %arg8[%get3A_444, %get3A_445] {strides = array<i32>} : memref<48x256xf32, #tpu.memory_space<vmem>>, vector<16xf32>,
      %bitcast3A_447 = vector.bitcast %get3A_446 : vector<16xf32> to vector<32xbf16>
      %mul3A_448 = arith.constant 3 : i32
      %mul3A_449 = arith.muli %mul3A_448, %scan3A_188 : i32
      %add3A_450 = arith.constant 2 : i32
      %add3A_451 = arith.addi %mul3A_449, %add3A_450 : i32
      %get3A_452 = arith.index_cast %add3A_451 : i32 to index
      %get3A_453 = arith.constant 112 : index
      %get3A_454 = tpu.vector_load %arg8[%get3A_452, %get3A_453] {strides = array<i32>} : memref<48x256xf32, #tpu.memory_space<vmem>>, vector<16xf32>,
      %bitcast3A_455 = vector.bitcast %get3A_454 : vector<16xf32> to vector<32xbf16>
      %mul3A_456 = arith.mulf %bitcast3A_439, %bitcast3A : vector<32xbf16>
      %mul3A_457 = arith.mulf %bitcast3A_447, %bitcast3A_198 : vector<32xbf16>
      %add3A_458 = arith.addf %mul3A_456, %mul3A_457 : vector<32xbf16>
      %mul3A_459 = arith.mulf %bitcast3A_455, %bitcast3A_203 : vector<32xbf16>
      %add3A_460 = arith.addf %add3A_458, %mul3A_459 : vector<32xbf16>
      %bitcast3A_461 = vector.bitcast %add3A_460 : vector<32xbf16> to vector<16xf32>
      %swap3A_462 = arith.constant 0 : i32
      %swap3A_463 = arith.index_cast %swap3A_462 : i32 to index
      %swap3A_464 = arith.index_cast %scan3A_188 : i32 to index
      %swap3A_465 = arith.constant 112 : index
      %swap3A_466 = tpu.vector_load %arg10[%swap3A_463, %swap3A_464, %swap3A_465] {strides = array<i32>} : memref<2x16x192xf32, #tpu.memory_space<vmem>>, vector<16xf32>,
      tpu.vector_store %arg10[%swap3A_463, %swap3A_464, %swap3A_465], %bitcast3A_461 {strides = array<i32>} : memref<2x16x192xf32, #tpu.memory_space<vmem>>, vector<16xf32>,
      %mul3A_467 = arith.constant 3 : i32
      %mul3A_468 = arith.muli %mul3A_467, %scan3A_188 : i32
      %get3A_469 = arith.index_cast %mul3A_468 : i32 to index
      %get3A_470 = arith.constant 128 : index
      %get3A_471 = tpu.vector_load %arg8[%get3A_469, %get3A_470] {strides = array<i32>} : memref<48x256xf32, #tpu.memory_space<vmem>>, vector<16xf32>,
      %bitcast3A_472 = vector.bitcast %get3A_471 : vector<16xf32> to vector<32xbf16>
      %mul3A_473 = arith.constant 3 : i32
      %mul3A_474 = arith.muli %mul3A_473, %scan3A_188 : i32
      %add3A_475 = arith.constant 1 : i32
      %add3A_476 = arith.addi %mul3A_474, %add3A_475 : i32
      %get3A_477 = arith.index_cast %add3A_476 : i32 to index
      %get3A_478 = arith.constant 128 : index
      %get3A_479 = tpu.vector_load %arg8[%get3A_477, %get3A_478] {strides = array<i32>} : memref<48x256xf32, #tpu.memory_space<vmem>>, vector<16xf32>,
      %bitcast3A_480 = vector.bitcast %get3A_479 : vector<16xf32> to vector<32xbf16>
      %mul3A_481 = arith.constant 3 : i32
      %mul3A_482 = arith.muli %mul3A_481, %scan3A_188 : i32
      %add3A_483 = arith.constant 2 : i32
      %add3A_484 = arith.addi %mul3A_482, %add3A_483 : i32
      %get3A_485 = arith.index_cast %add3A_484 : i32 to index
      %get3A_486 = arith.constant 128 : index
      %get3A_487 = tpu.vector_load %arg8[%get3A_485, %get3A_486] {strides = array<i32>} : memref<48x256xf32, #tpu.memory_space<vmem>>, vector<16xf32>,
      %bitcast3A_488 = vector.bitcast %get3A_487 : vector<16xf32> to vector<32xbf16>
      %mul3A_489 = arith.mulf %bitcast3A_472, %bitcast3A : vector<32xbf16>
      %mul3A_490 = arith.mulf %bitcast3A_480, %bitcast3A_198 : vector<32xbf16>
      %add3A_491 = arith.addf %mul3A_489, %mul3A_490 : vector<32xbf16>
      %mul3A_492 = arith.mulf %bitcast3A_488, %bitcast3A_203 : vector<32xbf16>
      %add3A_493 = arith.addf %add3A_491, %mul3A_492 : vector<32xbf16>
      %bitcast3A_494 = vector.bitcast %add3A_493 : vector<32xbf16> to vector<16xf32>
      %swap3A_495 = arith.constant 0 : i32
      %swap3A_496 = arith.index_cast %swap3A_495 : i32 to index
      %swap3A_497 = arith.index_cast %scan3A_188 : i32 to index
      %swap3A_498 = arith.constant 128 : index
      %swap3A_499 = tpu.vector_load %arg10[%swap3A_496, %swap3A_497, %swap3A_498] {strides = array<i32>} : memref<2x16x192xf32, #tpu.memory_space<vmem>>, vector<16xf32>,
      tpu.vector_store %arg10[%swap3A_496, %swap3A_497, %swap3A_498], %bitcast3A_494 {strides = array<i32>} : memref<2x16x192xf32, #tpu.memory_space<vmem>>, vector<16xf32>,
      %mul3A_500 = arith.constant 3 : i32
      %mul3A_501 = arith.muli %mul3A_500, %scan3A_188 : i32
      %get3A_502 = arith.index_cast %mul3A_501 : i32 to index
      %get3A_503 = arith.constant 144 : index
      %get3A_504 = tpu.vector_load %arg8[%get3A_502, %get3A_503] {strides = array<i32>} : memref<48x256xf32, #tpu.memory_space<vmem>>, vector<16xf32>,
      %bitcast3A_505 = vector.bitcast %get3A_504 : vector<16xf32> to vector<32xbf16>
      %mul3A_506 = arith.constant 3 : i32
      %mul3A_507 = arith.muli %mul3A_506, %scan3A_188 : i32
      %add3A_508 = arith.constant 1 : i32
      %add3A_509 = arith.addi %mul3A_507, %add3A_508 : i32
      %get3A_510 = arith.index_cast %add3A_509 : i32 to index
      %get3A_511 = arith.constant 144 : index
      %get3A_512 = tpu.vector_load %arg8[%get3A_510, %get3A_511] {strides = array<i32>} : memref<48x256xf32, #tpu.memory_space<vmem>>, vector<16xf32>,
      %bitcast3A_513 = vector.bitcast %get3A_512 : vector<16xf32> to vector<32xbf16>
      %mul3A_514 = arith.constant 3 : i32
      %mul3A_515 = arith.muli %mul3A_514, %scan3A_188 : i32
      %add3A_516 = arith.constant 2 : i32
      %add3A_517 = arith.addi %mul3A_515, %add3A_516 : i32
      %get3A_518 = arith.index_cast %add3A_517 : i32 to index
      %get3A_519 = arith.constant 144 : index
      %get3A_520 = tpu.vector_load %arg8[%get3A_518, %get3A_519] {strides = array<i32>} : memref<48x256xf32, #tpu.memory_space<vmem>>, vector<16xf32>,
      %bitcast3A_521 = vector.bitcast %get3A_520 : vector<16xf32> to vector<32xbf16>
      %mul3A_522 = arith.mulf %bitcast3A_505, %bitcast3A : vector<32xbf16>
      %mul3A_523 = arith.mulf %bitcast3A_513, %bitcast3A_198 : vector<32xbf16>
      %add3A_524 = arith.addf %mul3A_522, %mul3A_523 : vector<32xbf16>
      %mul3A_525 = arith.mulf %bitcast3A_521, %bitcast3A_203 : vector<32xbf16>
      %add3A_526 = arith.addf %add3A_524, %mul3A_525 : vector<32xbf16>
      %bitcast3A_527 = vector.bitcast %add3A_526 : vector<32xbf16> to vector<16xf32>
      %swap3A_528 = arith.constant 0 : i32
      %swap3A_529 = arith.index_cast %swap3A_528 : i32 to index
      %swap3A_530 = arith.index_cast %scan3A_188 : i32 to index
      %swap3A_531 = arith.constant 144 : index
      %swap3A_532 = tpu.vector_load %arg10[%swap3A_529, %swap3A_530, %swap3A_531] {strides = array<i32>} : memref<2x16x192xf32, #tpu.memory_space<vmem>>, vector<16xf32>,
      tpu.vector_store %arg10[%swap3A_529, %swap3A_530, %swap3A_531], %bitcast3A_527 {strides = array<i32>} : memref<2x16x192xf32, #tpu.memory_space<vmem>>, vector<16xf32>,
      %mul3A_533 = arith.constant 3 : i32
      %mul3A_534 = arith.muli %mul3A_533, %scan3A_188 : i32
      %get3A_535 = arith.index_cast %mul3A_534 : i32 to index
      %get3A_536 = arith.constant 160 : index
      %get3A_537 = tpu.vector_load %arg8[%get3A_535, %get3A_536] {strides = array<i32>} : memref<48x256xf32, #tpu.memory_space<vmem>>, vector<16xf32>,
      %bitcast3A_538 = vector.bitcast %get3A_537 : vector<16xf32> to vector<32xbf16>
      %mul3A_539 = arith.constant 3 : i32
      %mul3A_540 = arith.muli %mul3A_539, %scan3A_188 : i32
      %add3A_541 = arith.constant 1 : i32
      %add3A_542 = arith.addi %mul3A_540, %add3A_541 : i32
      %get3A_543 = arith.index_cast %add3A_542 : i32 to index
      %get3A_544 = arith.constant 160 : index
      %get3A_545 = tpu.vector_load %arg8[%get3A_543, %get3A_544] {strides = array<i32>} : memref<48x256xf32, #tpu.memory_space<vmem>>, vector<16xf32>,
      %bitcast3A_546 = vector.bitcast %get3A_545 : vector<16xf32> to vector<32xbf16>
      %mul3A_547 = arith.constant 3 : i32
      %mul3A_548 = arith.muli %mul3A_547, %scan3A_188 : i32
      %add3A_549 = arith.constant 2 : i32
      %add3A_550 = arith.addi %mul3A_548, %add3A_549 : i32
      %get3A_551 = arith.index_cast %add3A_550 : i32 to index
      %get3A_552 = arith.constant 160 : index
      %get3A_553 = tpu.vector_load %arg8[%get3A_551, %get3A_552] {strides = array<i32>} : memref<48x256xf32, #tpu.memory_space<vmem>>, vector<16xf32>,
      %bitcast3A_554 = vector.bitcast %get3A_553 : vector<16xf32> to vector<32xbf16>
      %mul3A_555 = arith.mulf %bitcast3A_538, %bitcast3A : vector<32xbf16>
      %mul3A_556 = arith.mulf %bitcast3A_546, %bitcast3A_198 : vector<32xbf16>
      %add3A_557 = arith.addf %mul3A_555, %mul3A_556 : vector<32xbf16>
      %mul3A_558 = arith.mulf %bitcast3A_554, %bitcast3A_203 : vector<32xbf16>
      %add3A_559 = arith.addf %add3A_557, %mul3A_558 : vector<32xbf16>
      %bitcast3A_560 = vector.bitcast %add3A_559 : vector<32xbf16> to vector<16xf32>
      %swap3A_561 = arith.constant 0 : i32
      %swap3A_562 = arith.index_cast %swap3A_561 : i32 to index
      %swap3A_563 = arith.index_cast %scan3A_188 : i32 to index
      %swap3A_564 = arith.constant 160 : index
      %swap3A_565 = tpu.vector_load %arg10[%swap3A_562, %swap3A_563, %swap3A_564] {strides = array<i32>} : memref<2x16x192xf32, #tpu.memory_space<vmem>>, vector<16xf32>,
      tpu.vector_store %arg10[%swap3A_562, %swap3A_563, %swap3A_564], %bitcast3A_560 {strides = array<i32>} : memref<2x16x192xf32, #tpu.memory_space<vmem>>, vector<16xf32>,
      %mul3A_566 = arith.constant 3 : i32
      %mul3A_567 = arith.muli %mul3A_566, %scan3A_188 : i32
      %get3A_568 = arith.index_cast %mul3A_567 : i32 to index
      %get3A_569 = arith.constant 176 : index
      %get3A_570 = tpu.vector_load %arg8[%get3A_568, %get3A_569] {strides = array<i32>} : memref<48x256xf32, #tpu.memory_space<vmem>>, vector<16xf32>,
      %bitcast3A_571 = vector.bitcast %get3A_570 : vector<16xf32> to vector<32xbf16>
      %mul3A_572 = arith.constant 3 : i32
      %mul3A_573 = arith.muli %mul3A_572, %scan3A_188 : i32
      %add3A_574 = arith.constant 1 : i32
      %add3A_575 = arith.addi %mul3A_573, %add3A_574 : i32
      %get3A_576 = arith.index_cast %add3A_575 : i32 to index
      %get3A_577 = arith.constant 176 : index
      %get3A_578 = tpu.vector_load %arg8[%get3A_576, %get3A_577] {strides = array<i32>} : memref<48x256xf32, #tpu.memory_space<vmem>>, vector<16xf32>,
      %bitcast3A_579 = vector.bitcast %get3A_578 : vector<16xf32> to vector<32xbf16>
      %mul3A_580 = arith.constant 3 : i32
      %mul3A_581 = arith.muli %mul3A_580, %scan3A_188 : i32
      %add3A_582 = arith.constant 2 : i32
      %add3A_583 = arith.addi %mul3A_581, %add3A_582 : i32
      %get3A_584 = arith.index_cast %add3A_583 : i32 to index
      %get3A_585 = arith.constant 176 : index
      %get3A_586 = tpu.vector_load %arg8[%get3A_584, %get3A_585] {strides = array<i32>} : memref<48x256xf32, #tpu.memory_space<vmem>>, vector<16xf32>,
      %bitcast3A_587 = vector.bitcast %get3A_586 : vector<16xf32> to vector<32xbf16>
      %mul3A_588 = arith.mulf %bitcast3A_571, %bitcast3A : vector<32xbf16>
      %mul3A_589 = arith.mulf %bitcast3A_579, %bitcast3A_198 : vector<32xbf16>
      %add3A_590 = arith.addf %mul3A_588, %mul3A_589 : vector<32xbf16>
      %mul3A_591 = arith.mulf %bitcast3A_587, %bitcast3A_203 : vector<32xbf16>
      %add3A_592 = arith.addf %add3A_590, %mul3A_591 : vector<32xbf16>
      %bitcast3A_593 = vector.bitcast %add3A_592 : vector<32xbf16> to vector<16xf32>
      %swap3A_594 = arith.constant 0 : i32
      %swap3A_595 = arith.index_cast %swap3A_594 : i32 to index
      %swap3A_596 = arith.index_cast %scan3A_188 : i32 to index
      %swap3A_597 = arith.constant 176 : index
      %swap3A_598 = tpu.vector_load %arg10[%swap3A_595, %swap3A_596, %swap3A_597] {strides = array<i32>} : memref<2x16x192xf32, #tpu.memory_space<vmem>>, vector<16xf32>,
      tpu.vector_store %arg10[%swap3A_595, %swap3A_596, %swap3A_597], %bitcast3A_593 {strides = array<i32>} : memref<2x16x192xf32, #tpu.memory_space<vmem>>, vector<16xf32>,
    }
    %scan3A_26 = arith.constant 16 : i32
    %add3A_27 = arith.constant 0 : i32
    %add3A_28 = arith.addi %mul3A_2, %add3A_27 : i32
    %dma_start3A_29 = arith.constant 0 : i32
    %dma_start3A_30 = arith.constant 0 : i32
    %dma_start3A_31 = arith.constant 0 : i32
    %dma_start3A_32 = tpu.memref_slice %arg10[%dma_start3A_29, %dma_start3A_30, %dma_start3A_31] : memref<2x16x192xf32, #tpu.memory_space<vmem>> -> memref<1x16x192xf32, #tpu.memory_space<vmem>>
    %dma_start3A_33 = tpu.memref_squeeze %dma_start3A_32 : memref<1x16x192xf32, #tpu.memory_space<vmem>> -> memref<16x192xf32, #tpu.memory_space<vmem>>
    %dma_start3A_34 = arith.constant 0 : i32
    %dma_start3A_35 = tpu.memref_slice %arg5[%add3A_28, %dma_start3A_34] : memref<16384x192xf32, #tpu.memory_space<hbm>> -> memref<16x192xf32, #tpu.memory_space<hbm>>
    %dma_start3A_36 = arith.constant 0 : i32
    %dma_start3A_37 = tpu.memref_slice %arg5[%add3A_28, %dma_start3A_36] : memref<16384x192xf32, #tpu.memory_space<hbm>> -> memref<16x192xf32, #tpu.memory_space<hbm>>
    %dma_start3A_38 = arith.constant 0 : i32
    %dma_start3A_39 = arith.constant 0 : i32
    %dma_start3A_40 = tpu.memref_slice %arg10[%dma_start3A_29, %dma_start3A_38, %dma_start3A_39] : memref<2x16x192xf32, #tpu.memory_space<vmem>> -> memref<1x16x192xf32, #tpu.memory_space<vmem>>
    %dma_start3A_41 = tpu.memref_squeeze %dma_start3A_40 : memref<1x16x192xf32, #tpu.memory_space<vmem>> -> memref<16x192xf32, #tpu.memory_space<vmem>>
    tpu.enqueue_dma source(%dma_start3A_41 : memref<16x192xf32, #tpu.memory_space<vmem>>) target(%dma_start3A_37 : memref<16x192xf32, #tpu.memory_space<hbm>>) target_semaphore(%arg13 : memref<!tpu.dma_semaphore, #tpu.memory_space<semaphore_mem>>)
    %dma_start3A_42 = arith.constant 96 : i32
    %dma_start3A_43 = tpu.memref_slice %arg6[%dma_start3A_42] : memref<1536xi32, #tpu.memory_space<vmem>> -> memref<48xi32, #tpu.memory_space<vmem>>
    %dma_start3A_44 = arith.constant 0 : i32
    %dma_start3A_45 = arith.constant 0 : i32
    %dma_start3A_46 = tpu.memref_slice %arg2[%dma_start3A_44, %dma_start3A_45] : memref<8192x256xf32, #tpu.memory_space<hbm>> -> memref<8192x256xf32, #tpu.memory_space<hbm>>
    tpu.enqueue_indirect_dma source(%dma_start3A_46 : memref<8192x256xf32, #tpu.memory_space<hbm>>) target(%arg8 : memref<48x256xf32, #tpu.memory_space<vmem>>) offsets(%dma_start3A_43 : memref<48xi32, #tpu.memory_space<vmem>>) semaphore(%arg11 : memref<!tpu.dma_semaphore, #tpu.memory_space<semaphore_mem>>)
    %dma_wait3A_47 = arith.constant 0 : i32
    %dma_wait3A_48 = tpu.memref_slice %arg6[%dma_wait3A_47] : memref<1536xi32, #tpu.memory_space<vmem>> -> memref<48xi32, #tpu.memory_space<vmem>>
    %dma_wait3A_49 = arith.constant 0 : i32
    %dma_wait3A_50 = arith.constant 0 : i32
    %dma_wait3A_51 = tpu.memref_slice %arg2[%dma_wait3A_49, %dma_wait3A_50] : memref<8192x256xf32, #tpu.memory_space<hbm>> -> memref<8192x256xf32, #tpu.memory_space<hbm>>
    tpu.wait_indirect_dma semaphore(%arg12 : memref<!tpu.dma_semaphore, #tpu.memory_space<semaphore_mem>>) src(%dma_wait3A_51 : memref<8192x256xf32, #tpu.memory_space<hbm>>) dst(%arg9 : memref<48x256xf32, #tpu.memory_space<vmem>>)
    %scan3A_52 = arith.constant 0 : i32
    %scan3A_53 = arith.constant 0 : i32
    %scan3A_54 = arith.constant 16 : i32
    %scan3A_55 = arith.addi %scan3A_53, %scan3A_54 : i32
    %scan3A_56 = arith.constant 1 : i32
    scf.for %scan3A_188 = %scan3A_53 to %scan3A_55 step %scan3A_56  : i32 {
      %mul3A_189 = arith.constant 48 : i32
      %mul3A_190 = arith.muli %scan3A_188, %mul3A_189 : i32
      %add3A_191 = arith.constant 768 : i32
      %add3A_192 = arith.addi %add3A_191, %mul3A_190 : i32
      %get3A = arith.index_cast %add3A_192 : i32 to index
      %get3A_193 = tpu.vector_load %arg7[%get3A] {strides = array<i32>} : memref<24576xf32, #tpu.memory_space<vmem>>, vector<16xf32>,
      %bitcast3A = vector.bitcast %get3A_193 : vector<16xf32> to vector<32xbf16>
      %add3A_194 = arith.constant 16 : i32
      %add3A_195 = arith.addi %add3A_192, %add3A_194 : i32
      %get3A_196 = arith.index_cast %add3A_195 : i32 to index
      %get3A_197 = tpu.vector_load %arg7[%get3A_196] {strides = array<i32>} : memref<24576xf32, #tpu.memory_space<vmem>>, vector<16xf32>,
      %bitcast3A_198 = vector.bitcast %get3A_197 : vector<16xf32> to vector<32xbf16>
      %add3A_199 = arith.constant 32 : i32
      %add3A_200 = arith.addi %add3A_192, %add3A_199 : i32
      %get3A_201 = arith.index_cast %add3A_200 : i32 to index
      %get3A_202 = tpu.vector_load %arg7[%get3A_201] {strides = array<i32>} : memref<24576xf32, #tpu.memory_space<vmem>>, vector<16xf32>,
      %bitcast3A_203 = vector.bitcast %get3A_202 : vector<16xf32> to vector<32xbf16>
      %mul3A_204 = arith.constant 3 : i32
      %mul3A_205 = arith.muli %mul3A_204, %scan3A_188 : i32
      %get3A_206 = arith.index_cast %mul3A_205 : i32 to index
      %get3A_207 = arith.constant 0 : index
      %get3A_208 = tpu.vector_load %arg9[%get3A_206, %get3A_207] {strides = array<i32>} : memref<48x256xf32, #tpu.memory_space<vmem>>, vector<16xf32>,
      %bitcast3A_209 = vector.bitcast %get3A_208 : vector<16xf32> to vector<32xbf16>
      %mul3A_210 = arith.constant 3 : i32
      %mul3A_211 = arith.muli %mul3A_210, %scan3A_188 : i32
      %add3A_212 = arith.constant 1 : i32
      %add3A_213 = arith.addi %mul3A_211, %add3A_212 : i32
      %get3A_214 = arith.index_cast %add3A_213 : i32 to index
      %get3A_215 = arith.constant 0 : index
      %get3A_216 = tpu.vector_load %arg9[%get3A_214, %get3A_215] {strides = array<i32>} : memref<48x256xf32, #tpu.memory_space<vmem>>, vector<16xf32>,
      %bitcast3A_217 = vector.bitcast %get3A_216 : vector<16xf32> to vector<32xbf16>
      %mul3A_218 = arith.constant 3 : i32
      %mul3A_219 = arith.muli %mul3A_218, %scan3A_188 : i32
      %add3A_220 = arith.constant 2 : i32
      %add3A_221 = arith.addi %mul3A_219, %add3A_220 : i32
      %get3A_222 = arith.index_cast %add3A_221 : i32 to index
      %get3A_223 = arith.constant 0 : index
      %get3A_224 = tpu.vector_load %arg9[%get3A_222, %get3A_223] {strides = array<i32>} : memref<48x256xf32, #tpu.memory_space<vmem>>, vector<16xf32>,
      %bitcast3A_225 = vector.bitcast %get3A_224 : vector<16xf32> to vector<32xbf16>
      %mul3A_226 = arith.mulf %bitcast3A_209, %bitcast3A : vector<32xbf16>
      %mul3A_227 = arith.mulf %bitcast3A_217, %bitcast3A_198 : vector<32xbf16>
      %add3A_228 = arith.addf %mul3A_226, %mul3A_227 : vector<32xbf16>
      %mul3A_229 = arith.mulf %bitcast3A_225, %bitcast3A_203 : vector<32xbf16>
      %add3A_230 = arith.addf %add3A_228, %mul3A_229 : vector<32xbf16>
      %bitcast3A_231 = vector.bitcast %add3A_230 : vector<32xbf16> to vector<16xf32>
      %swap3A = arith.constant 1 : i32
      %swap3A_232 = arith.index_cast %swap3A : i32 to index
      %swap3A_233 = arith.index_cast %scan3A_188 : i32 to index
      %swap3A_234 = arith.constant 0 : index
      %swap3A_235 = tpu.vector_load %arg10[%swap3A_232, %swap3A_233, %swap3A_234] {strides = array<i32>} : memref<2x16x192xf32, #tpu.memory_space<vmem>>, vector<16xf32>,
      tpu.vector_store %arg10[%swap3A_232, %swap3A_233, %swap3A_234], %bitcast3A_231 {strides = array<i32>} : memref<2x16x192xf32, #tpu.memory_space<vmem>>, vector<16xf32>,
      %mul3A_236 = arith.constant 3 : i32
      %mul3A_237 = arith.muli %mul3A_236, %scan3A_188 : i32
      %get3A_238 = arith.index_cast %mul3A_237 : i32 to index
      %get3A_239 = arith.constant 16 : index
      %get3A_240 = tpu.vector_load %arg9[%get3A_238, %get3A_239] {strides = array<i32>} : memref<48x256xf32, #tpu.memory_space<vmem>>, vector<16xf32>,
      %bitcast3A_241 = vector.bitcast %get3A_240 : vector<16xf32> to vector<32xbf16>
      %mul3A_242 = arith.constant 3 : i32
      %mul3A_243 = arith.muli %mul3A_242, %scan3A_188 : i32
      %add3A_244 = arith.constant 1 : i32
      %add3A_245 = arith.addi %mul3A_243, %add3A_244 : i32
      %get3A_246 = arith.index_cast %add3A_245 : i32 to index
      %get3A_247 = arith.constant 16 : index
      %get3A_248 = tpu.vector_load %arg9[%get3A_246, %get3A_247] {strides = array<i32>} : memref<48x256xf32, #tpu.memory_space<vmem>>, vector<16xf32>,
      %bitcast3A_249 = vector.bitcast %get3A_248 : vector<16xf32> to vector<32xbf16>
      %mul3A_250 = arith.constant 3 : i32
      %mul3A_251 = arith.muli %mul3A_250, %scan3A_188 : i32
      %add3A_252 = arith.constant 2 : i32
      %add3A_253 = arith.addi %mul3A_251, %add3A_252 : i32
      %get3A_254 = arith.index_cast %add3A_253 : i32 to index
      %get3A_255 = arith.constant 16 : index
      %get3A_256 = tpu.vector_load %arg9[%get3A_254, %get3A_255] {strides = array<i32>} : memref<48x256xf32, #tpu.memory_space<vmem>>, vector<16xf32>,
      %bitcast3A_257 = vector.bitcast %get3A_256 : vector<16xf32> to vector<32xbf16>
      %mul3A_258 = arith.mulf %bitcast3A_241, %bitcast3A : vector<32xbf16>
      %mul3A_259 = arith.mulf %bitcast3A_249, %bitcast3A_198 : vector<32xbf16>
      %add3A_260 = arith.addf %mul3A_258, %mul3A_259 : vector<32xbf16>
      %mul3A_261 = arith.mulf %bitcast3A_257, %bitcast3A_203 : vector<32xbf16>
      %add3A_262 = arith.addf %add3A_260, %mul3A_261 : vector<32xbf16>
      %bitcast3A_263 = vector.bitcast %add3A_262 : vector<32xbf16> to vector<16xf32>
      %swap3A_264 = arith.constant 1 : i32
      %swap3A_265 = arith.index_cast %swap3A_264 : i32 to index
      %swap3A_266 = arith.index_cast %scan3A_188 : i32 to index
      %swap3A_267 = arith.constant 16 : index
      %swap3A_268 = tpu.vector_load %arg10[%swap3A_265, %swap3A_266, %swap3A_267] {strides = array<i32>} : memref<2x16x192xf32, #tpu.memory_space<vmem>>, vector<16xf32>,
      tpu.vector_store %arg10[%swap3A_265, %swap3A_266, %swap3A_267], %bitcast3A_263 {strides = array<i32>} : memref<2x16x192xf32, #tpu.memory_space<vmem>>, vector<16xf32>,
      %mul3A_269 = arith.constant 3 : i32
      %mul3A_270 = arith.muli %mul3A_269, %scan3A_188 : i32
      %get3A_271 = arith.index_cast %mul3A_270 : i32 to index
      %get3A_272 = arith.constant 32 : index
      %get3A_273 = tpu.vector_load %arg9[%get3A_271, %get3A_272] {strides = array<i32>} : memref<48x256xf32, #tpu.memory_space<vmem>>, vector<16xf32>,
      %bitcast3A_274 = vector.bitcast %get3A_273 : vector<16xf32> to vector<32xbf16>
      %mul3A_275 = arith.constant 3 : i32
      %mul3A_276 = arith.muli %mul3A_275, %scan3A_188 : i32
      %add3A_277 = arith.constant 1 : i32
      %add3A_278 = arith.addi %mul3A_276, %add3A_277 : i32
      %get3A_279 = arith.index_cast %add3A_278 : i32 to index
      %get3A_280 = arith.constant 32 : index
      %get3A_281 = tpu.vector_load %arg9[%get3A_279, %get3A_280] {strides = array<i32>} : memref<48x256xf32, #tpu.memory_space<vmem>>, vector<16xf32>,
      %bitcast3A_282 = vector.bitcast %get3A_281 : vector<16xf32> to vector<32xbf16>
      %mul3A_283 = arith.constant 3 : i32
      %mul3A_284 = arith.muli %mul3A_283, %scan3A_188 : i32
      %add3A_285 = arith.constant 2 : i32
      %add3A_286 = arith.addi %mul3A_284, %add3A_285 : i32
      %get3A_287 = arith.index_cast %add3A_286 : i32 to index
      %get3A_288 = arith.constant 32 : index
      %get3A_289 = tpu.vector_load %arg9[%get3A_287, %get3A_288] {strides = array<i32>} : memref<48x256xf32, #tpu.memory_space<vmem>>, vector<16xf32>,
      %bitcast3A_290 = vector.bitcast %get3A_289 : vector<16xf32> to vector<32xbf16>
      %mul3A_291 = arith.mulf %bitcast3A_274, %bitcast3A : vector<32xbf16>
      %mul3A_292 = arith.mulf %bitcast3A_282, %bitcast3A_198 : vector<32xbf16>
      %add3A_293 = arith.addf %mul3A_291, %mul3A_292 : vector<32xbf16>
      %mul3A_294 = arith.mulf %bitcast3A_290, %bitcast3A_203 : vector<32xbf16>
      %add3A_295 = arith.addf %add3A_293, %mul3A_294 : vector<32xbf16>
      %bitcast3A_296 = vector.bitcast %add3A_295 : vector<32xbf16> to vector<16xf32>
      %swap3A_297 = arith.constant 1 : i32
      %swap3A_298 = arith.index_cast %swap3A_297 : i32 to index
      %swap3A_299 = arith.index_cast %scan3A_188 : i32 to index
      %swap3A_300 = arith.constant 32 : index
      %swap3A_301 = tpu.vector_load %arg10[%swap3A_298, %swap3A_299, %swap3A_300] {strides = array<i32>} : memref<2x16x192xf32, #tpu.memory_space<vmem>>, vector<16xf32>,
      tpu.vector_store %arg10[%swap3A_298, %swap3A_299, %swap3A_300], %bitcast3A_296 {strides = array<i32>} : memref<2x16x192xf32, #tpu.memory_space<vmem>>, vector<16xf32>,
      %mul3A_302 = arith.constant 3 : i32
      %mul3A_303 = arith.muli %mul3A_302, %scan3A_188 : i32
      %get3A_304 = arith.index_cast %mul3A_303 : i32 to index
      %get3A_305 = arith.constant 48 : index
      %get3A_306 = tpu.vector_load %arg9[%get3A_304, %get3A_305] {strides = array<i32>} : memref<48x256xf32, #tpu.memory_space<vmem>>, vector<16xf32>,
      %bitcast3A_307 = vector.bitcast %get3A_306 : vector<16xf32> to vector<32xbf16>
      %mul3A_308 = arith.constant 3 : i32
      %mul3A_309 = arith.muli %mul3A_308, %scan3A_188 : i32
      %add3A_310 = arith.constant 1 : i32
      %add3A_311 = arith.addi %mul3A_309, %add3A_310 : i32
      %get3A_312 = arith.index_cast %add3A_311 : i32 to index
      %get3A_313 = arith.constant 48 : index
      %get3A_314 = tpu.vector_load %arg9[%get3A_312, %get3A_313] {strides = array<i32>} : memref<48x256xf32, #tpu.memory_space<vmem>>, vector<16xf32>,
      %bitcast3A_315 = vector.bitcast %get3A_314 : vector<16xf32> to vector<32xbf16>
      %mul3A_316 = arith.constant 3 : i32
      %mul3A_317 = arith.muli %mul3A_316, %scan3A_188 : i32
      %add3A_318 = arith.constant 2 : i32
      %add3A_319 = arith.addi %mul3A_317, %add3A_318 : i32
      %get3A_320 = arith.index_cast %add3A_319 : i32 to index
      %get3A_321 = arith.constant 48 : index
      %get3A_322 = tpu.vector_load %arg9[%get3A_320, %get3A_321] {strides = array<i32>} : memref<48x256xf32, #tpu.memory_space<vmem>>, vector<16xf32>,
      %bitcast3A_323 = vector.bitcast %get3A_322 : vector<16xf32> to vector<32xbf16>
      %mul3A_324 = arith.mulf %bitcast3A_307, %bitcast3A : vector<32xbf16>
      %mul3A_325 = arith.mulf %bitcast3A_315, %bitcast3A_198 : vector<32xbf16>
      %add3A_326 = arith.addf %mul3A_324, %mul3A_325 : vector<32xbf16>
      %mul3A_327 = arith.mulf %bitcast3A_323, %bitcast3A_203 : vector<32xbf16>
      %add3A_328 = arith.addf %add3A_326, %mul3A_327 : vector<32xbf16>
      %bitcast3A_329 = vector.bitcast %add3A_328 : vector<32xbf16> to vector<16xf32>
      %swap3A_330 = arith.constant 1 : i32
      %swap3A_331 = arith.index_cast %swap3A_330 : i32 to index
      %swap3A_332 = arith.index_cast %scan3A_188 : i32 to index
      %swap3A_333 = arith.constant 48 : index
      %swap3A_334 = tpu.vector_load %arg10[%swap3A_331, %swap3A_332, %swap3A_333] {strides = array<i32>} : memref<2x16x192xf32, #tpu.memory_space<vmem>>, vector<16xf32>,
      tpu.vector_store %arg10[%swap3A_331, %swap3A_332, %swap3A_333], %bitcast3A_329 {strides = array<i32>} : memref<2x16x192xf32, #tpu.memory_space<vmem>>, vector<16xf32>,
      %mul3A_335 = arith.constant 3 : i32
      %mul3A_336 = arith.muli %mul3A_335, %scan3A_188 : i32
      %get3A_337 = arith.index_cast %mul3A_336 : i32 to index
      %get3A_338 = arith.constant 64 : index
      %get3A_339 = tpu.vector_load %arg9[%get3A_337, %get3A_338] {strides = array<i32>} : memref<48x256xf32, #tpu.memory_space<vmem>>, vector<16xf32>,
      %bitcast3A_340 = vector.bitcast %get3A_339 : vector<16xf32> to vector<32xbf16>
      %mul3A_341 = arith.constant 3 : i32
      %mul3A_342 = arith.muli %mul3A_341, %scan3A_188 : i32
      %add3A_343 = arith.constant 1 : i32
      %add3A_344 = arith.addi %mul3A_342, %add3A_343 : i32
      %get3A_345 = arith.index_cast %add3A_344 : i32 to index
      %get3A_346 = arith.constant 64 : index
      %get3A_347 = tpu.vector_load %arg9[%get3A_345, %get3A_346] {strides = array<i32>} : memref<48x256xf32, #tpu.memory_space<vmem>>, vector<16xf32>,
      %bitcast3A_348 = vector.bitcast %get3A_347 : vector<16xf32> to vector<32xbf16>
      %mul3A_349 = arith.constant 3 : i32
      %mul3A_350 = arith.muli %mul3A_349, %scan3A_188 : i32
      %add3A_351 = arith.constant 2 : i32
      %add3A_352 = arith.addi %mul3A_350, %add3A_351 : i32
      %get3A_353 = arith.index_cast %add3A_352 : i32 to index
      %get3A_354 = arith.constant 64 : index
      %get3A_355 = tpu.vector_load %arg9[%get3A_353, %get3A_354] {strides = array<i32>} : memref<48x256xf32, #tpu.memory_space<vmem>>, vector<16xf32>,
      %bitcast3A_356 = vector.bitcast %get3A_355 : vector<16xf32> to vector<32xbf16>
      %mul3A_357 = arith.mulf %bitcast3A_340, %bitcast3A : vector<32xbf16>
      %mul3A_358 = arith.mulf %bitcast3A_348, %bitcast3A_198 : vector<32xbf16>
      %add3A_359 = arith.addf %mul3A_357, %mul3A_358 : vector<32xbf16>
      %mul3A_360 = arith.mulf %bitcast3A_356, %bitcast3A_203 : vector<32xbf16>
      %add3A_361 = arith.addf %add3A_359, %mul3A_360 : vector<32xbf16>
      %bitcast3A_362 = vector.bitcast %add3A_361 : vector<32xbf16> to vector<16xf32>
      %swap3A_363 = arith.constant 1 : i32
      %swap3A_364 = arith.index_cast %swap3A_363 : i32 to index
      %swap3A_365 = arith.index_cast %scan3A_188 : i32 to index
      %swap3A_366 = arith.constant 64 : index
      %swap3A_367 = tpu.vector_load %arg10[%swap3A_364, %swap3A_365, %swap3A_366] {strides = array<i32>} : memref<2x16x192xf32, #tpu.memory_space<vmem>>, vector<16xf32>,
      tpu.vector_store %arg10[%swap3A_364, %swap3A_365, %swap3A_366], %bitcast3A_362 {strides = array<i32>} : memref<2x16x192xf32, #tpu.memory_space<vmem>>, vector<16xf32>,
      %mul3A_368 = arith.constant 3 : i32
      %mul3A_369 = arith.muli %mul3A_368, %scan3A_188 : i32
      %get3A_370 = arith.index_cast %mul3A_369 : i32 to index
      %get3A_371 = arith.constant 80 : index
      %get3A_372 = tpu.vector_load %arg9[%get3A_370, %get3A_371] {strides = array<i32>} : memref<48x256xf32, #tpu.memory_space<vmem>>, vector<16xf32>,
      %bitcast3A_373 = vector.bitcast %get3A_372 : vector<16xf32> to vector<32xbf16>
      %mul3A_374 = arith.constant 3 : i32
      %mul3A_375 = arith.muli %mul3A_374, %scan3A_188 : i32
      %add3A_376 = arith.constant 1 : i32
      %add3A_377 = arith.addi %mul3A_375, %add3A_376 : i32
      %get3A_378 = arith.index_cast %add3A_377 : i32 to index
      %get3A_379 = arith.constant 80 : index
      %get3A_380 = tpu.vector_load %arg9[%get3A_378, %get3A_379] {strides = array<i32>} : memref<48x256xf32, #tpu.memory_space<vmem>>, vector<16xf32>,
      %bitcast3A_381 = vector.bitcast %get3A_380 : vector<16xf32> to vector<32xbf16>
      %mul3A_382 = arith.constant 3 : i32
      %mul3A_383 = arith.muli %mul3A_382, %scan3A_188 : i32
      %add3A_384 = arith.constant 2 : i32
      %add3A_385 = arith.addi %mul3A_383, %add3A_384 : i32
      %get3A_386 = arith.index_cast %add3A_385 : i32 to index
      %get3A_387 = arith.constant 80 : index
      %get3A_388 = tpu.vector_load %arg9[%get3A_386, %get3A_387] {strides = array<i32>} : memref<48x256xf32, #tpu.memory_space<vmem>>, vector<16xf32>,
      %bitcast3A_389 = vector.bitcast %get3A_388 : vector<16xf32> to vector<32xbf16>
      %mul3A_390 = arith.mulf %bitcast3A_373, %bitcast3A : vector<32xbf16>
      %mul3A_391 = arith.mulf %bitcast3A_381, %bitcast3A_198 : vector<32xbf16>
      %add3A_392 = arith.addf %mul3A_390, %mul3A_391 : vector<32xbf16>
      %mul3A_393 = arith.mulf %bitcast3A_389, %bitcast3A_203 : vector<32xbf16>
      %add3A_394 = arith.addf %add3A_392, %mul3A_393 : vector<32xbf16>
      %bitcast3A_395 = vector.bitcast %add3A_394 : vector<32xbf16> to vector<16xf32>
      %swap3A_396 = arith.constant 1 : i32
      %swap3A_397 = arith.index_cast %swap3A_396 : i32 to index
      %swap3A_398 = arith.index_cast %scan3A_188 : i32 to index
      %swap3A_399 = arith.constant 80 : index
      %swap3A_400 = tpu.vector_load %arg10[%swap3A_397, %swap3A_398, %swap3A_399] {strides = array<i32>} : memref<2x16x192xf32, #tpu.memory_space<vmem>>, vector<16xf32>,
      tpu.vector_store %arg10[%swap3A_397, %swap3A_398, %swap3A_399], %bitcast3A_395 {strides = array<i32>} : memref<2x16x192xf32, #tpu.memory_space<vmem>>, vector<16xf32>,
      %mul3A_401 = arith.constant 3 : i32
      %mul3A_402 = arith.muli %mul3A_401, %scan3A_188 : i32
      %get3A_403 = arith.index_cast %mul3A_402 : i32 to index
      %get3A_404 = arith.constant 96 : index
      %get3A_405 = tpu.vector_load %arg9[%get3A_403, %get3A_404] {strides = array<i32>} : memref<48x256xf32, #tpu.memory_space<vmem>>, vector<16xf32>,
      %bitcast3A_406 = vector.bitcast %get3A_405 : vector<16xf32> to vector<32xbf16>
      %mul3A_407 = arith.constant 3 : i32
      %mul3A_408 = arith.muli %mul3A_407, %scan3A_188 : i32
      %add3A_409 = arith.constant 1 : i32
      %add3A_410 = arith.addi %mul3A_408, %add3A_409 : i32
      %get3A_411 = arith.index_cast %add3A_410 : i32 to index
      %get3A_412 = arith.constant 96 : index
      %get3A_413 = tpu.vector_load %arg9[%get3A_411, %get3A_412] {strides = array<i32>} : memref<48x256xf32, #tpu.memory_space<vmem>>, vector<16xf32>,
      %bitcast3A_414 = vector.bitcast %get3A_413 : vector<16xf32> to vector<32xbf16>
      %mul3A_415 = arith.constant 3 : i32
      %mul3A_416 = arith.muli %mul3A_415, %scan3A_188 : i32
      %add3A_417 = arith.constant 2 : i32
      %add3A_418 = arith.addi %mul3A_416, %add3A_417 : i32
      %get3A_419 = arith.index_cast %add3A_418 : i32 to index
      %get3A_420 = arith.constant 96 : index
      %get3A_421 = tpu.vector_load %arg9[%get3A_419, %get3A_420] {strides = array<i32>} : memref<48x256xf32, #tpu.memory_space<vmem>>, vector<16xf32>,
      %bitcast3A_422 = vector.bitcast %get3A_421 : vector<16xf32> to vector<32xbf16>
      %mul3A_423 = arith.mulf %bitcast3A_406, %bitcast3A : vector<32xbf16>
      %mul3A_424 = arith.mulf %bitcast3A_414, %bitcast3A_198 : vector<32xbf16>
      %add3A_425 = arith.addf %mul3A_423, %mul3A_424 : vector<32xbf16>
      %mul3A_426 = arith.mulf %bitcast3A_422, %bitcast3A_203 : vector<32xbf16>
      %add3A_427 = arith.addf %add3A_425, %mul3A_426 : vector<32xbf16>
      %bitcast3A_428 = vector.bitcast %add3A_427 : vector<32xbf16> to vector<16xf32>
      %swap3A_429 = arith.constant 1 : i32
      %swap3A_430 = arith.index_cast %swap3A_429 : i32 to index
      %swap3A_431 = arith.index_cast %scan3A_188 : i32 to index
      %swap3A_432 = arith.constant 96 : index
      %swap3A_433 = tpu.vector_load %arg10[%swap3A_430, %swap3A_431, %swap3A_432] {strides = array<i32>} : memref<2x16x192xf32, #tpu.memory_space<vmem>>, vector<16xf32>,
      tpu.vector_store %arg10[%swap3A_430, %swap3A_431, %swap3A_432], %bitcast3A_428 {strides = array<i32>} : memref<2x16x192xf32, #tpu.memory_space<vmem>>, vector<16xf32>,
      %mul3A_434 = arith.constant 3 : i32
      %mul3A_435 = arith.muli %mul3A_434, %scan3A_188 : i32
      %get3A_436 = arith.index_cast %mul3A_435 : i32 to index
      %get3A_437 = arith.constant 112 : index
      %get3A_438 = tpu.vector_load %arg9[%get3A_436, %get3A_437] {strides = array<i32>} : memref<48x256xf32, #tpu.memory_space<vmem>>, vector<16xf32>,
      %bitcast3A_439 = vector.bitcast %get3A_438 : vector<16xf32> to vector<32xbf16>
      %mul3A_440 = arith.constant 3 : i32
      %mul3A_441 = arith.muli %mul3A_440, %scan3A_188 : i32
      %add3A_442 = arith.constant 1 : i32
      %add3A_443 = arith.addi %mul3A_441, %add3A_442 : i32
      %get3A_444 = arith.index_cast %add3A_443 : i32 to index
      %get3A_445 = arith.constant 112 : index
      %get3A_446 = tpu.vector_load %arg9[%get3A_444, %get3A_445] {strides = array<i32>} : memref<48x256xf32, #tpu.memory_space<vmem>>, vector<16xf32>,
      %bitcast3A_447 = vector.bitcast %get3A_446 : vector<16xf32> to vector<32xbf16>
      %mul3A_448 = arith.constant 3 : i32
      %mul3A_449 = arith.muli %mul3A_448, %scan3A_188 : i32
      %add3A_450 = arith.constant 2 : i32
      %add3A_451 = arith.addi %mul3A_449, %add3A_450 : i32
      %get3A_452 = arith.index_cast %add3A_451 : i32 to index
      %get3A_453 = arith.constant 112 : index
      %get3A_454 = tpu.vector_load %arg9[%get3A_452, %get3A_453] {strides = array<i32>} : memref<48x256xf32, #tpu.memory_space<vmem>>, vector<16xf32>,
      %bitcast3A_455 = vector.bitcast %get3A_454 : vector<16xf32> to vector<32xbf16>
      %mul3A_456 = arith.mulf %bitcast3A_439, %bitcast3A : vector<32xbf16>
      %mul3A_457 = arith.mulf %bitcast3A_447, %bitcast3A_198 : vector<32xbf16>
      %add3A_458 = arith.addf %mul3A_456, %mul3A_457 : vector<32xbf16>
      %mul3A_459 = arith.mulf %bitcast3A_455, %bitcast3A_203 : vector<32xbf16>
      %add3A_460 = arith.addf %add3A_458, %mul3A_459 : vector<32xbf16>
      %bitcast3A_461 = vector.bitcast %add3A_460 : vector<32xbf16> to vector<16xf32>
      %swap3A_462 = arith.constant 1 : i32
      %swap3A_463 = arith.index_cast %swap3A_462 : i32 to index
      %swap3A_464 = arith.index_cast %scan3A_188 : i32 to index
      %swap3A_465 = arith.constant 112 : index
      %swap3A_466 = tpu.vector_load %arg10[%swap3A_463, %swap3A_464, %swap3A_465] {strides = array<i32>} : memref<2x16x192xf32, #tpu.memory_space<vmem>>, vector<16xf32>,
      tpu.vector_store %arg10[%swap3A_463, %swap3A_464, %swap3A_465], %bitcast3A_461 {strides = array<i32>} : memref<2x16x192xf32, #tpu.memory_space<vmem>>, vector<16xf32>,
      %mul3A_467 = arith.constant 3 : i32
      %mul3A_468 = arith.muli %mul3A_467, %scan3A_188 : i32
      %get3A_469 = arith.index_cast %mul3A_468 : i32 to index
      %get3A_470 = arith.constant 128 : index
      %get3A_471 = tpu.vector_load %arg9[%get3A_469, %get3A_470] {strides = array<i32>} : memref<48x256xf32, #tpu.memory_space<vmem>>, vector<16xf32>,
      %bitcast3A_472 = vector.bitcast %get3A_471 : vector<16xf32> to vector<32xbf16>
      %mul3A_473 = arith.constant 3 : i32
      %mul3A_474 = arith.muli %mul3A_473, %scan3A_188 : i32
      %add3A_475 = arith.constant 1 : i32
      %add3A_476 = arith.addi %mul3A_474, %add3A_475 : i32
      %get3A_477 = arith.index_cast %add3A_476 : i32 to index
      %get3A_478 = arith.constant 128 : index
      %get3A_479 = tpu.vector_load %arg9[%get3A_477, %get3A_478] {strides = array<i32>} : memref<48x256xf32, #tpu.memory_space<vmem>>, vector<16xf32>,
      %bitcast3A_480 = vector.bitcast %get3A_479 : vector<16xf32> to vector<32xbf16>
      %mul3A_481 = arith.constant 3 : i32
      %mul3A_482 = arith.muli %mul3A_481, %scan3A_188 : i32
      %add3A_483 = arith.constant 2 : i32
      %add3A_484 = arith.addi %mul3A_482, %add3A_483 : i32
      %get3A_485 = arith.index_cast %add3A_484 : i32 to index
      %get3A_486 = arith.constant 128 : index
      %get3A_487 = tpu.vector_load %arg9[%get3A_485, %get3A_486] {strides = array<i32>} : memref<48x256xf32, #tpu.memory_space<vmem>>, vector<16xf32>,
      %bitcast3A_488 = vector.bitcast %get3A_487 : vector<16xf32> to vector<32xbf16>
      %mul3A_489 = arith.mulf %bitcast3A_472, %bitcast3A : vector<32xbf16>
      %mul3A_490 = arith.mulf %bitcast3A_480, %bitcast3A_198 : vector<32xbf16>
      %add3A_491 = arith.addf %mul3A_489, %mul3A_490 : vector<32xbf16>
      %mul3A_492 = arith.mulf %bitcast3A_488, %bitcast3A_203 : vector<32xbf16>
      %add3A_493 = arith.addf %add3A_491, %mul3A_492 : vector<32xbf16>
      %bitcast3A_494 = vector.bitcast %add3A_493 : vector<32xbf16> to vector<16xf32>
      %swap3A_495 = arith.constant 1 : i32
      %swap3A_496 = arith.index_cast %swap3A_495 : i32 to index
      %swap3A_497 = arith.index_cast %scan3A_188 : i32 to index
      %swap3A_498 = arith.constant 128 : index
      %swap3A_499 = tpu.vector_load %arg10[%swap3A_496, %swap3A_497, %swap3A_498] {strides = array<i32>} : memref<2x16x192xf32, #tpu.memory_space<vmem>>, vector<16xf32>,
      tpu.vector_store %arg10[%swap3A_496, %swap3A_497, %swap3A_498], %bitcast3A_494 {strides = array<i32>} : memref<2x16x192xf32, #tpu.memory_space<vmem>>, vector<16xf32>,
      %mul3A_500 = arith.constant 3 : i32
      %mul3A_501 = arith.muli %mul3A_500, %scan3A_188 : i32
      %get3A_502 = arith.index_cast %mul3A_501 : i32 to index
      %get3A_503 = arith.constant 144 : index
      %get3A_504 = tpu.vector_load %arg9[%get3A_502, %get3A_503] {strides = array<i32>} : memref<48x256xf32, #tpu.memory_space<vmem>>, vector<16xf32>,
      %bitcast3A_505 = vector.bitcast %get3A_504 : vector<16xf32> to vector<32xbf16>
      %mul3A_506 = arith.constant 3 : i32
      %mul3A_507 = arith.muli %mul3A_506, %scan3A_188 : i32
      %add3A_508 = arith.constant 1 : i32
      %add3A_509 = arith.addi %mul3A_507, %add3A_508 : i32
      %get3A_510 = arith.index_cast %add3A_509 : i32 to index
      %get3A_511 = arith.constant 144 : index
      %get3A_512 = tpu.vector_load %arg9[%get3A_510, %get3A_511] {strides = array<i32>} : memref<48x256xf32, #tpu.memory_space<vmem>>, vector<16xf32>,
      %bitcast3A_513 = vector.bitcast %get3A_512 : vector<16xf32> to vector<32xbf16>
      %mul3A_514 = arith.constant 3 : i32
      %mul3A_515 = arith.muli %mul3A_514, %scan3A_188 : i32
      %add3A_516 = arith.constant 2 : i32
      %add3A_517 = arith.addi %mul3A_515, %add3A_516 : i32
      %get3A_518 = arith.index_cast %add3A_517 : i32 to index
      %get3A_519 = arith.constant 144 : index
      %get3A_520 = tpu.vector_load %arg9[%get3A_518, %get3A_519] {strides = array<i32>} : memref<48x256xf32, #tpu.memory_space<vmem>>, vector<16xf32>,
      %bitcast3A_521 = vector.bitcast %get3A_520 : vector<16xf32> to vector<32xbf16>
      %mul3A_522 = arith.mulf %bitcast3A_505, %bitcast3A : vector<32xbf16>
      %mul3A_523 = arith.mulf %bitcast3A_513, %bitcast3A_198 : vector<32xbf16>
      %add3A_524 = arith.addf %mul3A_522, %mul3A_523 : vector<32xbf16>
      %mul3A_525 = arith.mulf %bitcast3A_521, %bitcast3A_203 : vector<32xbf16>
      %add3A_526 = arith.addf %add3A_524, %mul3A_525 : vector<32xbf16>
      %bitcast3A_527 = vector.bitcast %add3A_526 : vector<32xbf16> to vector<16xf32>
      %swap3A_528 = arith.constant 1 : i32
      %swap3A_529 = arith.index_cast %swap3A_528 : i32 to index
      %swap3A_530 = arith.index_cast %scan3A_188 : i32 to index
      %swap3A_531 = arith.constant 144 : index
      %swap3A_532 = tpu.vector_load %arg10[%swap3A_529, %swap3A_530, %swap3A_531] {strides = array<i32>} : memref<2x16x192xf32, #tpu.memory_space<vmem>>, vector<16xf32>,
      tpu.vector_store %arg10[%swap3A_529, %swap3A_530, %swap3A_531], %bitcast3A_527 {strides = array<i32>} : memref<2x16x192xf32, #tpu.memory_space<vmem>>, vector<16xf32>,
      %mul3A_533 = arith.constant 3 : i32
      %mul3A_534 = arith.muli %mul3A_533, %scan3A_188 : i32
      %get3A_535 = arith.index_cast %mul3A_534 : i32 to index
      %get3A_536 = arith.constant 160 : index
      %get3A_537 = tpu.vector_load %arg9[%get3A_535, %get3A_536] {strides = array<i32>} : memref<48x256xf32, #tpu.memory_space<vmem>>, vector<16xf32>,
      %bitcast3A_538 = vector.bitcast %get3A_537 : vector<16xf32> to vector<32xbf16>
      %mul3A_539 = arith.constant 3 : i32
      %mul3A_540 = arith.muli %mul3A_539, %scan3A_188 : i32
      %add3A_541 = arith.constant 1 : i32
      %add3A_542 = arith.addi %mul3A_540, %add3A_541 : i32
      %get3A_543 = arith.index_cast %add3A_542 : i32 to index
      %get3A_544 = arith.constant 160 : index
      %get3A_545 = tpu.vector_load %arg9[%get3A_543, %get3A_544] {strides = array<i32>} : memref<48x256xf32, #tpu.memory_space<vmem>>, vector<16xf32>,
      %bitcast3A_546 = vector.bitcast %get3A_545 : vector<16xf32> to vector<32xbf16>
      %mul3A_547 = arith.constant 3 : i32
      %mul3A_548 = arith.muli %mul3A_547, %scan3A_188 : i32
      %add3A_549 = arith.constant 2 : i32
      %add3A_550 = arith.addi %mul3A_548, %add3A_549 : i32
      %get3A_551 = arith.index_cast %add3A_550 : i32 to index
      %get3A_552 = arith.constant 160 : index
      %get3A_553 = tpu.vector_load %arg9[%get3A_551, %get3A_552] {strides = array<i32>} : memref<48x256xf32, #tpu.memory_space<vmem>>, vector<16xf32>,
      %bitcast3A_554 = vector.bitcast %get3A_553 : vector<16xf32> to vector<32xbf16>
      %mul3A_555 = arith.mulf %bitcast3A_538, %bitcast3A : vector<32xbf16>
      %mul3A_556 = arith.mulf %bitcast3A_546, %bitcast3A_198 : vector<32xbf16>
      %add3A_557 = arith.addf %mul3A_555, %mul3A_556 : vector<32xbf16>
      %mul3A_558 = arith.mulf %bitcast3A_554, %bitcast3A_203 : vector<32xbf16>
      %add3A_559 = arith.addf %add3A_557, %mul3A_558 : vector<32xbf16>
      %bitcast3A_560 = vector.bitcast %add3A_559 : vector<32xbf16> to vector<16xf32>
      %swap3A_561 = arith.constant 1 : i32
      %swap3A_562 = arith.index_cast %swap3A_561 : i32 to index
      %swap3A_563 = arith.index_cast %scan3A_188 : i32 to index
      %swap3A_564 = arith.constant 160 : index
      %swap3A_565 = tpu.vector_load %arg10[%swap3A_562, %swap3A_563, %swap3A_564] {strides = array<i32>} : memref<2x16x192xf32, #tpu.memory_space<vmem>>, vector<16xf32>,
      tpu.vector_store %arg10[%swap3A_562, %swap3A_563, %swap3A_564], %bitcast3A_560 {strides = array<i32>} : memref<2x16x192xf32, #tpu.memory_space<vmem>>, vector<16xf32>,
      %mul3A_566 = arith.constant 3 : i32
      %mul3A_567 = arith.muli %mul3A_566, %scan3A_188 : i32
      %get3A_568 = arith.index_cast %mul3A_567 : i32 to index
      %get3A_569 = arith.constant 176 : index
      %get3A_570 = tpu.vector_load %arg9[%get3A_568, %get3A_569] {strides = array<i32>} : memref<48x256xf32, #tpu.memory_space<vmem>>, vector<16xf32>,
      %bitcast3A_571 = vector.bitcast %get3A_570 : vector<16xf32> to vector<32xbf16>
      %mul3A_572 = arith.constant 3 : i32
      %mul3A_573 = arith.muli %mul3A_572, %scan3A_188 : i32
      %add3A_574 = arith.constant 1 : i32
      %add3A_575 = arith.addi %mul3A_573, %add3A_574 : i32
      %get3A_576 = arith.index_cast %add3A_575 : i32 to index
      %get3A_577 = arith.constant 176 : index
      %get3A_578 = tpu.vector_load %arg9[%get3A_576, %get3A_577] {strides = array<i32>} : memref<48x256xf32, #tpu.memory_space<vmem>>, vector<16xf32>,
      %bitcast3A_579 = vector.bitcast %get3A_578 : vector<16xf32> to vector<32xbf16>
      %mul3A_580 = arith.constant 3 : i32
      %mul3A_581 = arith.muli %mul3A_580, %scan3A_188 : i32
      %add3A_582 = arith.constant 2 : i32
      %add3A_583 = arith.addi %mul3A_581, %add3A_582 : i32
      %get3A_584 = arith.index_cast %add3A_583 : i32 to index
      %get3A_585 = arith.constant 176 : index
      %get3A_586 = tpu.vector_load %arg9[%get3A_584, %get3A_585] {strides = array<i32>} : memref<48x256xf32, #tpu.memory_space<vmem>>, vector<16xf32>,
      %bitcast3A_587 = vector.bitcast %get3A_586 : vector<16xf32> to vector<32xbf16>
      %mul3A_588 = arith.mulf %bitcast3A_571, %bitcast3A : vector<32xbf16>
      %mul3A_589 = arith.mulf %bitcast3A_579, %bitcast3A_198 : vector<32xbf16>
      %add3A_590 = arith.addf %mul3A_588, %mul3A_589 : vector<32xbf16>
      %mul3A_591 = arith.mulf %bitcast3A_587, %bitcast3A_203 : vector<32xbf16>
      %add3A_592 = arith.addf %add3A_590, %mul3A_591 : vector<32xbf16>
      %bitcast3A_593 = vector.bitcast %add3A_592 : vector<32xbf16> to vector<16xf32>
      %swap3A_594 = arith.constant 1 : i32
      %swap3A_595 = arith.index_cast %swap3A_594 : i32 to index
      %swap3A_596 = arith.index_cast %scan3A_188 : i32 to index
      %swap3A_597 = arith.constant 176 : index
      %swap3A_598 = tpu.vector_load %arg10[%swap3A_595, %swap3A_596, %swap3A_597] {strides = array<i32>} : memref<2x16x192xf32, #tpu.memory_space<vmem>>, vector<16xf32>,
      tpu.vector_store %arg10[%swap3A_595, %swap3A_596, %swap3A_597], %bitcast3A_593 {strides = array<i32>} : memref<2x16x192xf32, #tpu.memory_space<vmem>>, vector<16xf32>,
    }
    %scan3A_57 = arith.constant 16 : i32
    %add3A_58 = arith.constant 16 : i32
    %add3A_59 = arith.addi %mul3A_2, %add3A_58 : i32
    %dma_start3A_60 = arith.constant 1 : i32
    %dma_start3A_61 = arith.constant 0 : i32
    %dma_start3A_62 = arith.constant 0 : i32
    %dma_start3A_63 = tpu.memref_slice %arg10[%dma_start3A_60, %dma_start3A_61, %dma_start3A_62] : memref<2x16x192xf32, #tpu.memory_space<vmem>> -> memref<1x16x192xf32, #tpu.memory_space<vmem>>
    %dma_start3A_64 = tpu.memref_squeeze %dma_start3A_63 : memref<1x16x192xf32, #tpu.memory_space<vmem>> -> memref<16x192xf32, #tpu.memory_space<vmem>>
    %dma_start3A_65 = arith.constant 0 : i32
    %dma_start3A_66 = tpu.memref_slice %arg5[%add3A_59, %dma_start3A_65] : memref<16384x192xf32, #tpu.memory_space<hbm>> -> memref<16x192xf32, #tpu.memory_space<hbm>>
    %dma_start3A_67 = arith.constant 0 : i32
    %dma_start3A_68 = tpu.memref_slice %arg5[%add3A_59, %dma_start3A_67] : memref<16384x192xf32, #tpu.memory_space<hbm>> -> memref<16x192xf32, #tpu.memory_space<hbm>>
    %dma_start3A_69 = arith.constant 0 : i32
    %dma_start3A_70 = arith.constant 0 : i32
    %dma_start3A_71 = tpu.memref_slice %arg10[%dma_start3A_60, %dma_start3A_69, %dma_start3A_70] : memref<2x16x192xf32, #tpu.memory_space<vmem>> -> memref<1x16x192xf32, #tpu.memory_space<vmem>>
    %dma_start3A_72 = tpu.memref_squeeze %dma_start3A_71 : memref<1x16x192xf32, #tpu.memory_space<vmem>> -> memref<16x192xf32, #tpu.memory_space<vmem>>
    tpu.enqueue_dma source(%dma_start3A_72 : memref<16x192xf32, #tpu.memory_space<vmem>>) target(%dma_start3A_68 : memref<16x192xf32, #tpu.memory_space<hbm>>) target_semaphore(%arg14 : memref<!tpu.dma_semaphore, #tpu.memory_space<semaphore_mem>>)
    %dma_start3A_73 = arith.constant 144 : i32
    %dma_start3A_74 = tpu.memref_slice %arg6[%dma_start3A_73] : memref<1536xi32, #tpu.memory_space<vmem>> -> memref<48xi32, #tpu.memory_space<vmem>>
    %dma_start3A_75 = arith.constant 0 : i32
    %dma_start3A_76 = arith.constant 0 : i32
    %dma_start3A_77 = tpu.memref_slice %arg2[%dma_start3A_75, %dma_start3A_76] : memref<8192x256xf32, #tpu.memory_space<hbm>> -> memref<8192x256xf32, #tpu.memory_space<hbm>>
    tpu.enqueue_indirect_dma source(%dma_start3A_77 : memref<8192x256xf32, #tpu.memory_space<hbm>>) target(%arg9 : memref<48x256xf32, #tpu.memory_space<vmem>>) offsets(%dma_start3A_74 : memref<48xi32, #tpu.memory_space<vmem>>) semaphore(%arg12 : memref<!tpu.dma_semaphore, #tpu.memory_space<semaphore_mem>>)
    %scan3A_78 = arith.constant 0 : i32
    %scan3A_79 = arith.constant 1 : i32
    %scan3A_80 = arith.constant 14 : i32
    %scan3A_81 = arith.addi %scan3A_79, %scan3A_80 : i32
    %scan3A_82 = arith.constant 1 : i32
    scf.for %scan3A_188 = %scan3A_79 to %scan3A_81 step %scan3A_82  : i32 {
      %mul3A_189 = arith.constant 2 : i32
      %mul3A_190 = arith.muli %mul3A_189, %scan3A_188 : i32
      %add3A_191 = arith.constant 0 : i32
      %add3A_192 = arith.addi %mul3A_190, %add3A_191 : i32
      %dma_wait3A_193 = arith.constant 0 : i32
      %dma_wait3A_194 = tpu.memref_slice %arg6[%dma_wait3A_193] : memref<1536xi32, #tpu.memory_space<vmem>> -> memref<48xi32, #tpu.memory_space<vmem>>
      %dma_wait3A_195 = arith.constant 0 : i32
      %dma_wait3A_196 = arith.constant 0 : i32
      %dma_wait3A_197 = tpu.memref_slice %arg2[%dma_wait3A_195, %dma_wait3A_196] : memref<8192x256xf32, #tpu.memory_space<hbm>> -> memref<8192x256xf32, #tpu.memory_space<hbm>>
      tpu.wait_indirect_dma semaphore(%arg11 : memref<!tpu.dma_semaphore, #tpu.memory_space<semaphore_mem>>) src(%dma_wait3A_197 : memref<8192x256xf32, #tpu.memory_space<hbm>>) dst(%arg8 : memref<48x256xf32, #tpu.memory_space<vmem>>)
      %dma_wait3A_198 = arith.constant 0 : i32
      %dma_wait3A_199 = arith.constant 0 : i32
      %dma_wait3A_200 = arith.constant 0 : i32
      %dma_wait3A_201 = tpu.memref_slice %arg10[%dma_wait3A_198, %dma_wait3A_199, %dma_wait3A_200] : memref<2x16x192xf32, #tpu.memory_space<vmem>> -> memref<1x16x192xf32, #tpu.memory_space<vmem>>
      %dma_wait3A_202 = tpu.memref_squeeze %dma_wait3A_201 : memref<1x16x192xf32, #tpu.memory_space<vmem>> -> memref<16x192xf32, #tpu.memory_space<vmem>>
      %dma_wait3A_203 = arith.constant 0 : i32
      %dma_wait3A_204 = tpu.memref_slice %arg5[%mul3A_2, %dma_wait3A_203] : memref<16384x192xf32, #tpu.memory_space<hbm>> -> memref<16x192xf32, #tpu.memory_space<hbm>>
      %dma_wait3A_205 = arith.constant 0 : i32
      %dma_wait3A_206 = tpu.memref_slice %arg5[%mul3A_2, %dma_wait3A_205] : memref<16384x192xf32, #tpu.memory_space<hbm>> -> memref<16x192xf32, #tpu.memory_space<hbm>>
      %dma_wait3A_207 = arith.constant 0 : i32
      %dma_wait3A_208 = arith.constant 0 : i32
      %dma_wait3A_209 = tpu.memref_slice %arg10[%dma_wait3A_198, %dma_wait3A_207, %dma_wait3A_208] : memref<2x16x192xf32, #tpu.memory_space<vmem>> -> memref<1x16x192xf32, #tpu.memory_space<vmem>>
      %dma_wait3A_210 = tpu.memref_squeeze %dma_wait3A_209 : memref<1x16x192xf32, #tpu.memory_space<vmem>> -> memref<16x192xf32, #tpu.memory_space<vmem>>
      tpu.wait_dma2 semaphore(%arg13 : memref<!tpu.dma_semaphore, #tpu.memory_space<semaphore_mem>>) src(%dma_wait3A_210 : memref<16x192xf32, #tpu.memory_space<vmem>>) dst(%dma_wait3A_206 : memref<16x192xf32, #tpu.memory_space<hbm>>)
      %scan3A_211 = arith.constant 0 : i32
      %scan3A_212 = arith.constant 0 : i32
      %scan3A_213 = arith.constant 16 : i32
      %scan3A_214 = arith.addi %scan3A_212, %scan3A_213 : i32
      %scan3A_215 = arith.constant 1 : i32
      scf.for %scan3A_293 = %scan3A_212 to %scan3A_214 step %scan3A_215  : i32 {
        %mul3A_294 = arith.constant 768 : i32
        %mul3A_295 = arith.muli %add3A_192, %mul3A_294 : i32
        %mul3A_296 = arith.constant 48 : i32
        %mul3A_297 = arith.muli %scan3A_293, %mul3A_296 : i32
        %add3A_298 = arith.addi %mul3A_295, %mul3A_297 : i32
        %get3A = arith.index_cast %add3A_298 : i32 to index
        %get3A_299 = tpu.vector_load %arg7[%get3A] {strides = array<i32>} : memref<24576xf32, #tpu.memory_space<vmem>>, vector<16xf32>,
        %bitcast3A = vector.bitcast %get3A_299 : vector<16xf32> to vector<32xbf16>
        %add3A_300 = arith.constant 16 : i32
        %add3A_301 = arith.addi %add3A_298, %add3A_300 : i32
        %get3A_302 = arith.index_cast %add3A_301 : i32 to index
        %get3A_303 = tpu.vector_load %arg7[%get3A_302] {strides = array<i32>} : memref<24576xf32, #tpu.memory_space<vmem>>, vector<16xf32>,
        %bitcast3A_304 = vector.bitcast %get3A_303 : vector<16xf32> to vector<32xbf16>
        %add3A_305 = arith.constant 32 : i32
        %add3A_306 = arith.addi %add3A_298, %add3A_305 : i32
        %get3A_307 = arith.index_cast %add3A_306 : i32 to index
        %get3A_308 = tpu.vector_load %arg7[%get3A_307] {strides = array<i32>} : memref<24576xf32, #tpu.memory_space<vmem>>, vector<16xf32>,
        %bitcast3A_309 = vector.bitcast %get3A_308 : vector<16xf32> to vector<32xbf16>
        %mul3A_310 = arith.constant 3 : i32
        %mul3A_311 = arith.muli %mul3A_310, %scan3A_293 : i32
        %get3A_312 = arith.index_cast %mul3A_311 : i32 to index
        %get3A_313 = arith.constant 0 : index
        %get3A_314 = tpu.vector_load %arg8[%get3A_312, %get3A_313] {strides = array<i32>} : memref<48x256xf32, #tpu.memory_space<vmem>>, vector<16xf32>,
        %bitcast3A_315 = vector.bitcast %get3A_314 : vector<16xf32> to vector<32xbf16>
        %mul3A_316 = arith.constant 3 : i32
        %mul3A_317 = arith.muli %mul3A_316, %scan3A_293 : i32
        %add3A_318 = arith.constant 1 : i32
        %add3A_319 = arith.addi %mul3A_317, %add3A_318 : i32
        %get3A_320 = arith.index_cast %add3A_319 : i32 to index
        %get3A_321 = arith.constant 0 : index
        %get3A_322 = tpu.vector_load %arg8[%get3A_320, %get3A_321] {strides = array<i32>} : memref<48x256xf32, #tpu.memory_space<vmem>>, vector<16xf32>,
        %bitcast3A_323 = vector.bitcast %get3A_322 : vector<16xf32> to vector<32xbf16>
        %mul3A_324 = arith.constant 3 : i32
        %mul3A_325 = arith.muli %mul3A_324, %scan3A_293 : i32
        %add3A_326 = arith.constant 2 : i32
        %add3A_327 = arith.addi %mul3A_325, %add3A_326 : i32
        %get3A_328 = arith.index_cast %add3A_327 : i32 to index
        %get3A_329 = arith.constant 0 : index
        %get3A_330 = tpu.vector_load %arg8[%get3A_328, %get3A_329] {strides = array<i32>} : memref<48x256xf32, #tpu.memory_space<vmem>>, vector<16xf32>,
        %bitcast3A_331 = vector.bitcast %get3A_330 : vector<16xf32> to vector<32xbf16>
        %mul3A_332 = arith.mulf %bitcast3A_315, %bitcast3A : vector<32xbf16>
        %mul3A_333 = arith.mulf %bitcast3A_323, %bitcast3A_304 : vector<32xbf16>
        %add3A_334 = arith.addf %mul3A_332, %mul3A_333 : vector<32xbf16>
        %mul3A_335 = arith.mulf %bitcast3A_331, %bitcast3A_309 : vector<32xbf16>
        %add3A_336 = arith.addf %add3A_334, %mul3A_335 : vector<32xbf16>
        %bitcast3A_337 = vector.bitcast %add3A_336 : vector<32xbf16> to vector<16xf32>
        %swap3A = arith.constant 0 : i32
        %swap3A_338 = arith.index_cast %swap3A : i32 to index
        %swap3A_339 = arith.index_cast %scan3A_293 : i32 to index
        %swap3A_340 = arith.constant 0 : index
        %swap3A_341 = tpu.vector_load %arg10[%swap3A_338, %swap3A_339, %swap3A_340] {strides = array<i32>} : memref<2x16x192xf32, #tpu.memory_space<vmem>>, vector<16xf32>,
        tpu.vector_store %arg10[%swap3A_338, %swap3A_339, %swap3A_340], %bitcast3A_337 {strides = array<i32>} : memref<2x16x192xf32, #tpu.memory_space<vmem>>, vector<16xf32>,
        %mul3A_342 = arith.constant 3 : i32
        %mul3A_343 = arith.muli %mul3A_342, %scan3A_293 : i32
        %get3A_344 = arith.index_cast %mul3A_343 : i32 to index
        %get3A_345 = arith.constant 16 : index
        %get3A_346 = tpu.vector_load %arg8[%get3A_344, %get3A_345] {strides = array<i32>} : memref<48x256xf32, #tpu.memory_space<vmem>>, vector<16xf32>,
        %bitcast3A_347 = vector.bitcast %get3A_346 : vector<16xf32> to vector<32xbf16>
        %mul3A_348 = arith.constant 3 : i32
        %mul3A_349 = arith.muli %mul3A_348, %scan3A_293 : i32
        %add3A_350 = arith.constant 1 : i32
        %add3A_351 = arith.addi %mul3A_349, %add3A_350 : i32
        %get3A_352 = arith.index_cast %add3A_351 : i32 to index
        %get3A_353 = arith.constant 16 : index
        %get3A_354 = tpu.vector_load %arg8[%get3A_352, %get3A_353] {strides = array<i32>} : memref<48x256xf32, #tpu.memory_space<vmem>>, vector<16xf32>,
        %bitcast3A_355 = vector.bitcast %get3A_354 : vector<16xf32> to vector<32xbf16>
        %mul3A_356 = arith.constant 3 : i32
        %mul3A_357 = arith.muli %mul3A_356, %scan3A_293 : i32
        %add3A_358 = arith.constant 2 : i32
        %add3A_359 = arith.addi %mul3A_357, %add3A_358 : i32
        %get3A_360 = arith.index_cast %add3A_359 : i32 to index
        %get3A_361 = arith.constant 16 : index
        %get3A_362 = tpu.vector_load %arg8[%get3A_360, %get3A_361] {strides = array<i32>} : memref<48x256xf32, #tpu.memory_space<vmem>>, vector<16xf32>,
        %bitcast3A_363 = vector.bitcast %get3A_362 : vector<16xf32> to vector<32xbf16>
        %mul3A_364 = arith.mulf %bitcast3A_347, %bitcast3A : vector<32xbf16>
        %mul3A_365 = arith.mulf %bitcast3A_355, %bitcast3A_304 : vector<32xbf16>
        %add3A_366 = arith.addf %mul3A_364, %mul3A_365 : vector<32xbf16>
        %mul3A_367 = arith.mulf %bitcast3A_363, %bitcast3A_309 : vector<32xbf16>
        %add3A_368 = arith.addf %add3A_366, %mul3A_367 : vector<32xbf16>
        %bitcast3A_369 = vector.bitcast %add3A_368 : vector<32xbf16> to vector<16xf32>
        %swap3A_370 = arith.constant 0 : i32
        %swap3A_371 = arith.index_cast %swap3A_370 : i32 to index
        %swap3A_372 = arith.index_cast %scan3A_293 : i32 to index
        %swap3A_373 = arith.constant 16 : index
        %swap3A_374 = tpu.vector_load %arg10[%swap3A_371, %swap3A_372, %swap3A_373] {strides = array<i32>} : memref<2x16x192xf32, #tpu.memory_space<vmem>>, vector<16xf32>,
        tpu.vector_store %arg10[%swap3A_371, %swap3A_372, %swap3A_373], %bitcast3A_369 {strides = array<i32>} : memref<2x16x192xf32, #tpu.memory_space<vmem>>, vector<16xf32>,
        %mul3A_375 = arith.constant 3 : i32
        %mul3A_376 = arith.muli %mul3A_375, %scan3A_293 : i32
        %get3A_377 = arith.index_cast %mul3A_376 : i32 to index
        %get3A_378 = arith.constant 32 : index
        %get3A_379 = tpu.vector_load %arg8[%get3A_377, %get3A_378] {strides = array<i32>} : memref<48x256xf32, #tpu.memory_space<vmem>>, vector<16xf32>,
        %bitcast3A_380 = vector.bitcast %get3A_379 : vector<16xf32> to vector<32xbf16>
        %mul3A_381 = arith.constant 3 : i32
        %mul3A_382 = arith.muli %mul3A_381, %scan3A_293 : i32
        %add3A_383 = arith.constant 1 : i32
        %add3A_384 = arith.addi %mul3A_382, %add3A_383 : i32
        %get3A_385 = arith.index_cast %add3A_384 : i32 to index
        %get3A_386 = arith.constant 32 : index
        %get3A_387 = tpu.vector_load %arg8[%get3A_385, %get3A_386] {strides = array<i32>} : memref<48x256xf32, #tpu.memory_space<vmem>>, vector<16xf32>,
        %bitcast3A_388 = vector.bitcast %get3A_387 : vector<16xf32> to vector<32xbf16>
        %mul3A_389 = arith.constant 3 : i32
        %mul3A_390 = arith.muli %mul3A_389, %scan3A_293 : i32
        %add3A_391 = arith.constant 2 : i32
        %add3A_392 = arith.addi %mul3A_390, %add3A_391 : i32
        %get3A_393 = arith.index_cast %add3A_392 : i32 to index
        %get3A_394 = arith.constant 32 : index
        %get3A_395 = tpu.vector_load %arg8[%get3A_393, %get3A_394] {strides = array<i32>} : memref<48x256xf32, #tpu.memory_space<vmem>>, vector<16xf32>,
        %bitcast3A_396 = vector.bitcast %get3A_395 : vector<16xf32> to vector<32xbf16>
        %mul3A_397 = arith.mulf %bitcast3A_380, %bitcast3A : vector<32xbf16>
        %mul3A_398 = arith.mulf %bitcast3A_388, %bitcast3A_304 : vector<32xbf16>
        %add3A_399 = arith.addf %mul3A_397, %mul3A_398 : vector<32xbf16>
        %mul3A_400 = arith.mulf %bitcast3A_396, %bitcast3A_309 : vector<32xbf16>
        %add3A_401 = arith.addf %add3A_399, %mul3A_400 : vector<32xbf16>
        %bitcast3A_402 = vector.bitcast %add3A_401 : vector<32xbf16> to vector<16xf32>
        %swap3A_403 = arith.constant 0 : i32
        %swap3A_404 = arith.index_cast %swap3A_403 : i32 to index
        %swap3A_405 = arith.index_cast %scan3A_293 : i32 to index
        %swap3A_406 = arith.constant 32 : index
        %swap3A_407 = tpu.vector_load %arg10[%swap3A_404, %swap3A_405, %swap3A_406] {strides = array<i32>} : memref<2x16x192xf32, #tpu.memory_space<vmem>>, vector<16xf32>,
        tpu.vector_store %arg10[%swap3A_404, %swap3A_405, %swap3A_406], %bitcast3A_402 {strides = array<i32>} : memref<2x16x192xf32, #tpu.memory_space<vmem>>, vector<16xf32>,
        %mul3A_408 = arith.constant 3 : i32
        %mul3A_409 = arith.muli %mul3A_408, %scan3A_293 : i32
        %get3A_410 = arith.index_cast %mul3A_409 : i32 to index
        %get3A_411 = arith.constant 48 : index
        %get3A_412 = tpu.vector_load %arg8[%get3A_410, %get3A_411] {strides = array<i32>} : memref<48x256xf32, #tpu.memory_space<vmem>>, vector<16xf32>,
        %bitcast3A_413 = vector.bitcast %get3A_412 : vector<16xf32> to vector<32xbf16>
        %mul3A_414 = arith.constant 3 : i32
        %mul3A_415 = arith.muli %mul3A_414, %scan3A_293 : i32
        %add3A_416 = arith.constant 1 : i32
        %add3A_417 = arith.addi %mul3A_415, %add3A_416 : i32
        %get3A_418 = arith.index_cast %add3A_417 : i32 to index
        %get3A_419 = arith.constant 48 : index
        %get3A_420 = tpu.vector_load %arg8[%get3A_418, %get3A_419] {strides = array<i32>} : memref<48x256xf32, #tpu.memory_space<vmem>>, vector<16xf32>,
        %bitcast3A_421 = vector.bitcast %get3A_420 : vector<16xf32> to vector<32xbf16>
        %mul3A_422 = arith.constant 3 : i32
        %mul3A_423 = arith.muli %mul3A_422, %scan3A_293 : i32
        %add3A_424 = arith.constant 2 : i32
        %add3A_425 = arith.addi %mul3A_423, %add3A_424 : i32
        %get3A_426 = arith.index_cast %add3A_425 : i32 to index
        %get3A_427 = arith.constant 48 : index
        %get3A_428 = tpu.vector_load %arg8[%get3A_426, %get3A_427] {strides = array<i32>} : memref<48x256xf32, #tpu.memory_space<vmem>>, vector<16xf32>,
        %bitcast3A_429 = vector.bitcast %get3A_428 : vector<16xf32> to vector<32xbf16>
        %mul3A_430 = arith.mulf %bitcast3A_413, %bitcast3A : vector<32xbf16>
        %mul3A_431 = arith.mulf %bitcast3A_421, %bitcast3A_304 : vector<32xbf16>
        %add3A_432 = arith.addf %mul3A_430, %mul3A_431 : vector<32xbf16>
        %mul3A_433 = arith.mulf %bitcast3A_429, %bitcast3A_309 : vector<32xbf16>
        %add3A_434 = arith.addf %add3A_432, %mul3A_433 : vector<32xbf16>
        %bitcast3A_435 = vector.bitcast %add3A_434 : vector<32xbf16> to vector<16xf32>
        %swap3A_436 = arith.constant 0 : i32
        %swap3A_437 = arith.index_cast %swap3A_436 : i32 to index
        %swap3A_438 = arith.index_cast %scan3A_293 : i32 to index
        %swap3A_439 = arith.constant 48 : index
        %swap3A_440 = tpu.vector_load %arg10[%swap3A_437, %swap3A_438, %swap3A_439] {strides = array<i32>} : memref<2x16x192xf32, #tpu.memory_space<vmem>>, vector<16xf32>,
        tpu.vector_store %arg10[%swap3A_437, %swap3A_438, %swap3A_439], %bitcast3A_435 {strides = array<i32>} : memref<2x16x192xf32, #tpu.memory_space<vmem>>, vector<16xf32>,
        %mul3A_441 = arith.constant 3 : i32
        %mul3A_442 = arith.muli %mul3A_441, %scan3A_293 : i32
        %get3A_443 = arith.index_cast %mul3A_442 : i32 to index
        %get3A_444 = arith.constant 64 : index
        %get3A_445 = tpu.vector_load %arg8[%get3A_443, %get3A_444] {strides = array<i32>} : memref<48x256xf32, #tpu.memory_space<vmem>>, vector<16xf32>,
        %bitcast3A_446 = vector.bitcast %get3A_445 : vector<16xf32> to vector<32xbf16>
        %mul3A_447 = arith.constant 3 : i32
        %mul3A_448 = arith.muli %mul3A_447, %scan3A_293 : i32
        %add3A_449 = arith.constant 1 : i32
        %add3A_450 = arith.addi %mul3A_448, %add3A_449 : i32
        %get3A_451 = arith.index_cast %add3A_450 : i32 to index
        %get3A_452 = arith.constant 64 : index
        %get3A_453 = tpu.vector_load %arg8[%get3A_451, %get3A_452] {strides = array<i32>} : memref<48x256xf32, #tpu.memory_space<vmem>>, vector<16xf32>,
        %bitcast3A_454 = vector.bitcast %get3A_453 : vector<16xf32> to vector<32xbf16>
        %mul3A_455 = arith.constant 3 : i32
        %mul3A_456 = arith.muli %mul3A_455, %scan3A_293 : i32
        %add3A_457 = arith.constant 2 : i32
        %add3A_458 = arith.addi %mul3A_456, %add3A_457 : i32
        %get3A_459 = arith.index_cast %add3A_458 : i32 to index
        %get3A_460 = arith.constant 64 : index
        %get3A_461 = tpu.vector_load %arg8[%get3A_459, %get3A_460] {strides = array<i32>} : memref<48x256xf32, #tpu.memory_space<vmem>>, vector<16xf32>,
        %bitcast3A_462 = vector.bitcast %get3A_461 : vector<16xf32> to vector<32xbf16>
        %mul3A_463 = arith.mulf %bitcast3A_446, %bitcast3A : vector<32xbf16>
        %mul3A_464 = arith.mulf %bitcast3A_454, %bitcast3A_304 : vector<32xbf16>
        %add3A_465 = arith.addf %mul3A_463, %mul3A_464 : vector<32xbf16>
        %mul3A_466 = arith.mulf %bitcast3A_462, %bitcast3A_309 : vector<32xbf16>
        %add3A_467 = arith.addf %add3A_465, %mul3A_466 : vector<32xbf16>
        %bitcast3A_468 = vector.bitcast %add3A_467 : vector<32xbf16> to vector<16xf32>
        %swap3A_469 = arith.constant 0 : i32
        %swap3A_470 = arith.index_cast %swap3A_469 : i32 to index
        %swap3A_471 = arith.index_cast %scan3A_293 : i32 to index
        %swap3A_472 = arith.constant 64 : index
        %swap3A_473 = tpu.vector_load %arg10[%swap3A_470, %swap3A_471, %swap3A_472] {strides = array<i32>} : memref<2x16x192xf32, #tpu.memory_space<vmem>>, vector<16xf32>,
        tpu.vector_store %arg10[%swap3A_470, %swap3A_471, %swap3A_472], %bitcast3A_468 {strides = array<i32>} : memref<2x16x192xf32, #tpu.memory_space<vmem>>, vector<16xf32>,
        %mul3A_474 = arith.constant 3 : i32
        %mul3A_475 = arith.muli %mul3A_474, %scan3A_293 : i32
        %get3A_476 = arith.index_cast %mul3A_475 : i32 to index
        %get3A_477 = arith.constant 80 : index
        %get3A_478 = tpu.vector_load %arg8[%get3A_476, %get3A_477] {strides = array<i32>} : memref<48x256xf32, #tpu.memory_space<vmem>>, vector<16xf32>,
        %bitcast3A_479 = vector.bitcast %get3A_478 : vector<16xf32> to vector<32xbf16>
        %mul3A_480 = arith.constant 3 : i32
        %mul3A_481 = arith.muli %mul3A_480, %scan3A_293 : i32
        %add3A_482 = arith.constant 1 : i32
        %add3A_483 = arith.addi %mul3A_481, %add3A_482 : i32
        %get3A_484 = arith.index_cast %add3A_483 : i32 to index
        %get3A_485 = arith.constant 80 : index
        %get3A_486 = tpu.vector_load %arg8[%get3A_484, %get3A_485] {strides = array<i32>} : memref<48x256xf32, #tpu.memory_space<vmem>>, vector<16xf32>,
        %bitcast3A_487 = vector.bitcast %get3A_486 : vector<16xf32> to vector<32xbf16>
        %mul3A_488 = arith.constant 3 : i32
        %mul3A_489 = arith.muli %mul3A_488, %scan3A_293 : i32
        %add3A_490 = arith.constant 2 : i32
        %add3A_491 = arith.addi %mul3A_489, %add3A_490 : i32
        %get3A_492 = arith.index_cast %add3A_491 : i32 to index
        %get3A_493 = arith.constant 80 : index
        %get3A_494 = tpu.vector_load %arg8[%get3A_492, %get3A_493] {strides = array<i32>} : memref<48x256xf32, #tpu.memory_space<vmem>>, vector<16xf32>,
        %bitcast3A_495 = vector.bitcast %get3A_494 : vector<16xf32> to vector<32xbf16>
        %mul3A_496 = arith.mulf %bitcast3A_479, %bitcast3A : vector<32xbf16>
        %mul3A_497 = arith.mulf %bitcast3A_487, %bitcast3A_304 : vector<32xbf16>
        %add3A_498 = arith.addf %mul3A_496, %mul3A_497 : vector<32xbf16>
        %mul3A_499 = arith.mulf %bitcast3A_495, %bitcast3A_309 : vector<32xbf16>
        %add3A_500 = arith.addf %add3A_498, %mul3A_499 : vector<32xbf16>
        %bitcast3A_501 = vector.bitcast %add3A_500 : vector<32xbf16> to vector<16xf32>
        %swap3A_502 = arith.constant 0 : i32
        %swap3A_503 = arith.index_cast %swap3A_502 : i32 to index
        %swap3A_504 = arith.index_cast %scan3A_293 : i32 to index
        %swap3A_505 = arith.constant 80 : index
        %swap3A_506 = tpu.vector_load %arg10[%swap3A_503, %swap3A_504, %swap3A_505] {strides = array<i32>} : memref<2x16x192xf32, #tpu.memory_space<vmem>>, vector<16xf32>,
        tpu.vector_store %arg10[%swap3A_503, %swap3A_504, %swap3A_505], %bitcast3A_501 {strides = array<i32>} : memref<2x16x192xf32, #tpu.memory_space<vmem>>, vector<16xf32>,
        %mul3A_507 = arith.constant 3 : i32
        %mul3A_508 = arith.muli %mul3A_507, %scan3A_293 : i32
        %get3A_509 = arith.index_cast %mul3A_508 : i32 to index
        %get3A_510 = arith.constant 96 : index
        %get3A_511 = tpu.vector_load %arg8[%get3A_509, %get3A_510] {strides = array<i32>} : memref<48x256xf32, #tpu.memory_space<vmem>>, vector<16xf32>,
        %bitcast3A_512 = vector.bitcast %get3A_511 : vector<16xf32> to vector<32xbf16>
        %mul3A_513 = arith.constant 3 : i32
        %mul3A_514 = arith.muli %mul3A_513, %scan3A_293 : i32
        %add3A_515 = arith.constant 1 : i32
        %add3A_516 = arith.addi %mul3A_514, %add3A_515 : i32
        %get3A_517 = arith.index_cast %add3A_516 : i32 to index
        %get3A_518 = arith.constant 96 : index
        %get3A_519 = tpu.vector_load %arg8[%get3A_517, %get3A_518] {strides = array<i32>} : memref<48x256xf32, #tpu.memory_space<vmem>>, vector<16xf32>,
        %bitcast3A_520 = vector.bitcast %get3A_519 : vector<16xf32> to vector<32xbf16>
        %mul3A_521 = arith.constant 3 : i32
        %mul3A_522 = arith.muli %mul3A_521, %scan3A_293 : i32
        %add3A_523 = arith.constant 2 : i32
        %add3A_524 = arith.addi %mul3A_522, %add3A_523 : i32
        %get3A_525 = arith.index_cast %add3A_524 : i32 to index
        %get3A_526 = arith.constant 96 : index
        %get3A_527 = tpu.vector_load %arg8[%get3A_525, %get3A_526] {strides = array<i32>} : memref<48x256xf32, #tpu.memory_space<vmem>>, vector<16xf32>,
        %bitcast3A_528 = vector.bitcast %get3A_527 : vector<16xf32> to vector<32xbf16>
        %mul3A_529 = arith.mulf %bitcast3A_512, %bitcast3A : vector<32xbf16>
        %mul3A_530 = arith.mulf %bitcast3A_520, %bitcast3A_304 : vector<32xbf16>
        %add3A_531 = arith.addf %mul3A_529, %mul3A_530 : vector<32xbf16>
        %mul3A_532 = arith.mulf %bitcast3A_528, %bitcast3A_309 : vector<32xbf16>
        %add3A_533 = arith.addf %add3A_531, %mul3A_532 : vector<32xbf16>
        %bitcast3A_534 = vector.bitcast %add3A_533 : vector<32xbf16> to vector<16xf32>
        %swap3A_535 = arith.constant 0 : i32
        %swap3A_536 = arith.index_cast %swap3A_535 : i32 to index
        %swap3A_537 = arith.index_cast %scan3A_293 : i32 to index
        %swap3A_538 = arith.constant 96 : index
        %swap3A_539 = tpu.vector_load %arg10[%swap3A_536, %swap3A_537, %swap3A_538] {strides = array<i32>} : memref<2x16x192xf32, #tpu.memory_space<vmem>>, vector<16xf32>,
        tpu.vector_store %arg10[%swap3A_536, %swap3A_537, %swap3A_538], %bitcast3A_534 {strides = array<i32>} : memref<2x16x192xf32, #tpu.memory_space<vmem>>, vector<16xf32>,
        %mul3A_540 = arith.constant 3 : i32
        %mul3A_541 = arith.muli %mul3A_540, %scan3A_293 : i32
        %get3A_542 = arith.index_cast %mul3A_541 : i32 to index
        %get3A_543 = arith.constant 112 : index
        %get3A_544 = tpu.vector_load %arg8[%get3A_542, %get3A_543] {strides = array<i32>} : memref<48x256xf32, #tpu.memory_space<vmem>>, vector<16xf32>,
        %bitcast3A_545 = vector.bitcast %get3A_544 : vector<16xf32> to vector<32xbf16>
        %mul3A_546 = arith.constant 3 : i32
        %mul3A_547 = arith.muli %mul3A_546, %scan3A_293 : i32
        %add3A_548 = arith.constant 1 : i32
        %add3A_549 = arith.addi %mul3A_547, %add3A_548 : i32
        %get3A_550 = arith.index_cast %add3A_549 : i32 to index
        %get3A_551 = arith.constant 112 : index
        %get3A_552 = tpu.vector_load %arg8[%get3A_550, %get3A_551] {strides = array<i32>} : memref<48x256xf32, #tpu.memory_space<vmem>>, vector<16xf32>,
        %bitcast3A_553 = vector.bitcast %get3A_552 : vector<16xf32> to vector<32xbf16>
        %mul3A_554 = arith.constant 3 : i32
        %mul3A_555 = arith.muli %mul3A_554, %scan3A_293 : i32
        %add3A_556 = arith.constant 2 : i32
        %add3A_557 = arith.addi %mul3A_555, %add3A_556 : i32
        %get3A_558 = arith.index_cast %add3A_557 : i32 to index
        %get3A_559 = arith.constant 112 : index
        %get3A_560 = tpu.vector_load %arg8[%get3A_558, %get3A_559] {strides = array<i32>} : memref<48x256xf32, #tpu.memory_space<vmem>>, vector<16xf32>,
        %bitcast3A_561 = vector.bitcast %get3A_560 : vector<16xf32> to vector<32xbf16>
        %mul3A_562 = arith.mulf %bitcast3A_545, %bitcast3A : vector<32xbf16>
        %mul3A_563 = arith.mulf %bitcast3A_553, %bitcast3A_304 : vector<32xbf16>
        %add3A_564 = arith.addf %mul3A_562, %mul3A_563 : vector<32xbf16>
        %mul3A_565 = arith.mulf %bitcast3A_561, %bitcast3A_309 : vector<32xbf16>
        %add3A_566 = arith.addf %add3A_564, %mul3A_565 : vector<32xbf16>
        %bitcast3A_567 = vector.bitcast %add3A_566 : vector<32xbf16> to vector<16xf32>
        %swap3A_568 = arith.constant 0 : i32
        %swap3A_569 = arith.index_cast %swap3A_568 : i32 to index
        %swap3A_570 = arith.index_cast %scan3A_293 : i32 to index
        %swap3A_571 = arith.constant 112 : index
        %swap3A_572 = tpu.vector_load %arg10[%swap3A_569, %swap3A_570, %swap3A_571] {strides = array<i32>} : memref<2x16x192xf32, #tpu.memory_space<vmem>>, vector<16xf32>,
        tpu.vector_store %arg10[%swap3A_569, %swap3A_570, %swap3A_571], %bitcast3A_567 {strides = array<i32>} : memref<2x16x192xf32, #tpu.memory_space<vmem>>, vector<16xf32>,
        %mul3A_573 = arith.constant 3 : i32
        %mul3A_574 = arith.muli %mul3A_573, %scan3A_293 : i32
        %get3A_575 = arith.index_cast %mul3A_574 : i32 to index
        %get3A_576 = arith.constant 128 : index
        %get3A_577 = tpu.vector_load %arg8[%get3A_575, %get3A_576] {strides = array<i32>} : memref<48x256xf32, #tpu.memory_space<vmem>>, vector<16xf32>,
        %bitcast3A_578 = vector.bitcast %get3A_577 : vector<16xf32> to vector<32xbf16>
        %mul3A_579 = arith.constant 3 : i32
        %mul3A_580 = arith.muli %mul3A_579, %scan3A_293 : i32
        %add3A_581 = arith.constant 1 : i32
        %add3A_582 = arith.addi %mul3A_580, %add3A_581 : i32
        %get3A_583 = arith.index_cast %add3A_582 : i32 to index
        %get3A_584 = arith.constant 128 : index
        %get3A_585 = tpu.vector_load %arg8[%get3A_583, %get3A_584] {strides = array<i32>} : memref<48x256xf32, #tpu.memory_space<vmem>>, vector<16xf32>,
        %bitcast3A_586 = vector.bitcast %get3A_585 : vector<16xf32> to vector<32xbf16>
        %mul3A_587 = arith.constant 3 : i32
        %mul3A_588 = arith.muli %mul3A_587, %scan3A_293 : i32
        %add3A_589 = arith.constant 2 : i32
        %add3A_590 = arith.addi %mul3A_588, %add3A_589 : i32
        %get3A_591 = arith.index_cast %add3A_590 : i32 to index
        %get3A_592 = arith.constant 128 : index
        %get3A_593 = tpu.vector_load %arg8[%get3A_591, %get3A_592] {strides = array<i32>} : memref<48x256xf32, #tpu.memory_space<vmem>>, vector<16xf32>,
        %bitcast3A_594 = vector.bitcast %get3A_593 : vector<16xf32> to vector<32xbf16>
        %mul3A_595 = arith.mulf %bitcast3A_578, %bitcast3A : vector<32xbf16>
        %mul3A_596 = arith.mulf %bitcast3A_586, %bitcast3A_304 : vector<32xbf16>
        %add3A_597 = arith.addf %mul3A_595, %mul3A_596 : vector<32xbf16>
        %mul3A_598 = arith.mulf %bitcast3A_594, %bitcast3A_309 : vector<32xbf16>
        %add3A_599 = arith.addf %add3A_597, %mul3A_598 : vector<32xbf16>
        %bitcast3A_600 = vector.bitcast %add3A_599 : vector<32xbf16> to vector<16xf32>
        %swap3A_601 = arith.constant 0 : i32
        %swap3A_602 = arith.index_cast %swap3A_601 : i32 to index
        %swap3A_603 = arith.index_cast %scan3A_293 : i32 to index
        %swap3A_604 = arith.constant 128 : index
        %swap3A_605 = tpu.vector_load %arg10[%swap3A_602, %swap3A_603, %swap3A_604] {strides = array<i32>} : memref<2x16x192xf32, #tpu.memory_space<vmem>>, vector<16xf32>,
        tpu.vector_store %arg10[%swap3A_602, %swap3A_603, %swap3A_604], %bitcast3A_600 {strides = array<i32>} : memref<2x16x192xf32, #tpu.memory_space<vmem>>, vector<16xf32>,
        %mul3A_606 = arith.constant 3 : i32
        %mul3A_607 = arith.muli %mul3A_606, %scan3A_293 : i32
        %get3A_608 = arith.index_cast %mul3A_607 : i32 to index
        %get3A_609 = arith.constant 144 : index
        %get3A_610 = tpu.vector_load %arg8[%get3A_608, %get3A_609] {strides = array<i32>} : memref<48x256xf32, #tpu.memory_space<vmem>>, vector<16xf32>,
        %bitcast3A_611 = vector.bitcast %get3A_610 : vector<16xf32> to vector<32xbf16>
        %mul3A_612 = arith.constant 3 : i32
        %mul3A_613 = arith.muli %mul3A_612, %scan3A_293 : i32
        %add3A_614 = arith.constant 1 : i32
        %add3A_615 = arith.addi %mul3A_613, %add3A_614 : i32
        %get3A_616 = arith.index_cast %add3A_615 : i32 to index
        %get3A_617 = arith.constant 144 : index
        %get3A_618 = tpu.vector_load %arg8[%get3A_616, %get3A_617] {strides = array<i32>} : memref<48x256xf32, #tpu.memory_space<vmem>>, vector<16xf32>,
        %bitcast3A_619 = vector.bitcast %get3A_618 : vector<16xf32> to vector<32xbf16>
        %mul3A_620 = arith.constant 3 : i32
        %mul3A_621 = arith.muli %mul3A_620, %scan3A_293 : i32
        %add3A_622 = arith.constant 2 : i32
        %add3A_623 = arith.addi %mul3A_621, %add3A_622 : i32
        %get3A_624 = arith.index_cast %add3A_623 : i32 to index
        %get3A_625 = arith.constant 144 : index
        %get3A_626 = tpu.vector_load %arg8[%get3A_624, %get3A_625] {strides = array<i32>} : memref<48x256xf32, #tpu.memory_space<vmem>>, vector<16xf32>,
        %bitcast3A_627 = vector.bitcast %get3A_626 : vector<16xf32> to vector<32xbf16>
        %mul3A_628 = arith.mulf %bitcast3A_611, %bitcast3A : vector<32xbf16>
        %mul3A_629 = arith.mulf %bitcast3A_619, %bitcast3A_304 : vector<32xbf16>
        %add3A_630 = arith.addf %mul3A_628, %mul3A_629 : vector<32xbf16>
        %mul3A_631 = arith.mulf %bitcast3A_627, %bitcast3A_309 : vector<32xbf16>
        %add3A_632 = arith.addf %add3A_630, %mul3A_631 : vector<32xbf16>
        %bitcast3A_633 = vector.bitcast %add3A_632 : vector<32xbf16> to vector<16xf32>
        %swap3A_634 = arith.constant 0 : i32
        %swap3A_635 = arith.index_cast %swap3A_634 : i32 to index
        %swap3A_636 = arith.index_cast %scan3A_293 : i32 to index
        %swap3A_637 = arith.constant 144 : index
        %swap3A_638 = tpu.vector_load %arg10[%swap3A_635, %swap3A_636, %swap3A_637] {strides = array<i32>} : memref<2x16x192xf32, #tpu.memory_space<vmem>>, vector<16xf32>,
        tpu.vector_store %arg10[%swap3A_635, %swap3A_636, %swap3A_637], %bitcast3A_633 {strides = array<i32>} : memref<2x16x192xf32, #tpu.memory_space<vmem>>, vector<16xf32>,
        %mul3A_639 = arith.constant 3 : i32
        %mul3A_640 = arith.muli %mul3A_639, %scan3A_293 : i32
        %get3A_641 = arith.index_cast %mul3A_640 : i32 to index
        %get3A_642 = arith.constant 160 : index
        %get3A_643 = tpu.vector_load %arg8[%get3A_641, %get3A_642] {strides = array<i32>} : memref<48x256xf32, #tpu.memory_space<vmem>>, vector<16xf32>,
        %bitcast3A_644 = vector.bitcast %get3A_643 : vector<16xf32> to vector<32xbf16>
        %mul3A_645 = arith.constant 3 : i32
        %mul3A_646 = arith.muli %mul3A_645, %scan3A_293 : i32
        %add3A_647 = arith.constant 1 : i32
        %add3A_648 = arith.addi %mul3A_646, %add3A_647 : i32
        %get3A_649 = arith.index_cast %add3A_648 : i32 to index
        %get3A_650 = arith.constant 160 : index
        %get3A_651 = tpu.vector_load %arg8[%get3A_649, %get3A_650] {strides = array<i32>} : memref<48x256xf32, #tpu.memory_space<vmem>>, vector<16xf32>,
        %bitcast3A_652 = vector.bitcast %get3A_651 : vector<16xf32> to vector<32xbf16>
        %mul3A_653 = arith.constant 3 : i32
        %mul3A_654 = arith.muli %mul3A_653, %scan3A_293 : i32
        %add3A_655 = arith.constant 2 : i32
        %add3A_656 = arith.addi %mul3A_654, %add3A_655 : i32
        %get3A_657 = arith.index_cast %add3A_656 : i32 to index
        %get3A_658 = arith.constant 160 : index
        %get3A_659 = tpu.vector_load %arg8[%get3A_657, %get3A_658] {strides = array<i32>} : memref<48x256xf32, #tpu.memory_space<vmem>>, vector<16xf32>,
        %bitcast3A_660 = vector.bitcast %get3A_659 : vector<16xf32> to vector<32xbf16>
        %mul3A_661 = arith.mulf %bitcast3A_644, %bitcast3A : vector<32xbf16>
        %mul3A_662 = arith.mulf %bitcast3A_652, %bitcast3A_304 : vector<32xbf16>
        %add3A_663 = arith.addf %mul3A_661, %mul3A_662 : vector<32xbf16>
        %mul3A_664 = arith.mulf %bitcast3A_660, %bitcast3A_309 : vector<32xbf16>
        %add3A_665 = arith.addf %add3A_663, %mul3A_664 : vector<32xbf16>
        %bitcast3A_666 = vector.bitcast %add3A_665 : vector<32xbf16> to vector<16xf32>
        %swap3A_667 = arith.constant 0 : i32
        %swap3A_668 = arith.index_cast %swap3A_667 : i32 to index
        %swap3A_669 = arith.index_cast %scan3A_293 : i32 to index
        %swap3A_670 = arith.constant 160 : index
        %swap3A_671 = tpu.vector_load %arg10[%swap3A_668, %swap3A_669, %swap3A_670] {strides = array<i32>} : memref<2x16x192xf32, #tpu.memory_space<vmem>>, vector<16xf32>,
        tpu.vector_store %arg10[%swap3A_668, %swap3A_669, %swap3A_670], %bitcast3A_666 {strides = array<i32>} : memref<2x16x192xf32, #tpu.memory_space<vmem>>, vector<16xf32>,
        %mul3A_672 = arith.constant 3 : i32
        %mul3A_673 = arith.muli %mul3A_672, %scan3A_293 : i32
        %get3A_674 = arith.index_cast %mul3A_673 : i32 to index
        %get3A_675 = arith.constant 176 : index
        %get3A_676 = tpu.vector_load %arg8[%get3A_674, %get3A_675] {strides = array<i32>} : memref<48x256xf32, #tpu.memory_space<vmem>>, vector<16xf32>,
        %bitcast3A_677 = vector.bitcast %get3A_676 : vector<16xf32> to vector<32xbf16>
        %mul3A_678 = arith.constant 3 : i32
        %mul3A_679 = arith.muli %mul3A_678, %scan3A_293 : i32
        %add3A_680 = arith.constant 1 : i32
        %add3A_681 = arith.addi %mul3A_679, %add3A_680 : i32
        %get3A_682 = arith.index_cast %add3A_681 : i32 to index
        %get3A_683 = arith.constant 176 : index
        %get3A_684 = tpu.vector_load %arg8[%get3A_682, %get3A_683] {strides = array<i32>} : memref<48x256xf32, #tpu.memory_space<vmem>>, vector<16xf32>,
        %bitcast3A_685 = vector.bitcast %get3A_684 : vector<16xf32> to vector<32xbf16>
        %mul3A_686 = arith.constant 3 : i32
        %mul3A_687 = arith.muli %mul3A_686, %scan3A_293 : i32
        %add3A_688 = arith.constant 2 : i32
        %add3A_689 = arith.addi %mul3A_687, %add3A_688 : i32
        %get3A_690 = arith.index_cast %add3A_689 : i32 to index
        %get3A_691 = arith.constant 176 : index
        %get3A_692 = tpu.vector_load %arg8[%get3A_690, %get3A_691] {strides = array<i32>} : memref<48x256xf32, #tpu.memory_space<vmem>>, vector<16xf32>,
        %bitcast3A_693 = vector.bitcast %get3A_692 : vector<16xf32> to vector<32xbf16>
        %mul3A_694 = arith.mulf %bitcast3A_677, %bitcast3A : vector<32xbf16>
        %mul3A_695 = arith.mulf %bitcast3A_685, %bitcast3A_304 : vector<32xbf16>
        %add3A_696 = arith.addf %mul3A_694, %mul3A_695 : vector<32xbf16>
        %mul3A_697 = arith.mulf %bitcast3A_693, %bitcast3A_309 : vector<32xbf16>
        %add3A_698 = arith.addf %add3A_696, %mul3A_697 : vector<32xbf16>
        %bitcast3A_699 = vector.bitcast %add3A_698 : vector<32xbf16> to vector<16xf32>
        %swap3A_700 = arith.constant 0 : i32
        %swap3A_701 = arith.index_cast %swap3A_700 : i32 to index
        %swap3A_702 = arith.index_cast %scan3A_293 : i32 to index
        %swap3A_703 = arith.constant 176 : index
        %swap3A_704 = tpu.vector_load %arg10[%swap3A_701, %swap3A_702, %swap3A_703] {strides = array<i32>} : memref<2x16x192xf32, #tpu.memory_space<vmem>>, vector<16xf32>,
        tpu.vector_store %arg10[%swap3A_701, %swap3A_702, %swap3A_703], %bitcast3A_699 {strides = array<i32>} : memref<2x16x192xf32, #tpu.memory_space<vmem>>, vector<16xf32>,
      }
      %scan3A_216 = arith.constant 16 : i32
      %mul3A_217 = arith.constant 16 : i32
      %mul3A_218 = arith.muli %add3A_192, %mul3A_217 : i32
      %add3A_219 = arith.addi %mul3A_2, %mul3A_218 : i32
      %dma_start3A_220 = arith.constant 0 : i32
      %dma_start3A_221 = arith.constant 0 : i32
      %dma_start3A_222 = arith.constant 0 : i32
      %dma_start3A_223 = tpu.memref_slice %arg10[%dma_start3A_220, %dma_start3A_221, %dma_start3A_222] : memref<2x16x192xf32, #tpu.memory_space<vmem>> -> memref<1x16x192xf32, #tpu.memory_space<vmem>>
      %dma_start3A_224 = tpu.memref_squeeze %dma_start3A_223 : memref<1x16x192xf32, #tpu.memory_space<vmem>> -> memref<16x192xf32, #tpu.memory_space<vmem>>
      %dma_start3A_225 = arith.constant 0 : i32
      %dma_start3A_226 = tpu.memref_slice %arg5[%add3A_219, %dma_start3A_225] : memref<16384x192xf32, #tpu.memory_space<hbm>> -> memref<16x192xf32, #tpu.memory_space<hbm>>
      %dma_start3A_227 = arith.constant 0 : i32
      %dma_start3A_228 = tpu.memref_slice %arg5[%add3A_219, %dma_start3A_227] : memref<16384x192xf32, #tpu.memory_space<hbm>> -> memref<16x192xf32, #tpu.memory_space<hbm>>
      %dma_start3A_229 = arith.constant 0 : i32
      %dma_start3A_230 = arith.constant 0 : i32
      %dma_start3A_231 = tpu.memref_slice %arg10[%dma_start3A_220, %dma_start3A_229, %dma_start3A_230] : memref<2x16x192xf32, #tpu.memory_space<vmem>> -> memref<1x16x192xf32, #tpu.memory_space<vmem>>
      %dma_start3A_232 = tpu.memref_squeeze %dma_start3A_231 : memref<1x16x192xf32, #tpu.memory_space<vmem>> -> memref<16x192xf32, #tpu.memory_space<vmem>>
      tpu.enqueue_dma source(%dma_start3A_232 : memref<16x192xf32, #tpu.memory_space<vmem>>) target(%dma_start3A_228 : memref<16x192xf32, #tpu.memory_space<hbm>>) target_semaphore(%arg13 : memref<!tpu.dma_semaphore, #tpu.memory_space<semaphore_mem>>)
      %add3A_233 = arith.constant 2 : i32
      %add3A_234 = arith.addi %add3A_192, %add3A_233 : i32
      %mul3A_235 = arith.constant 48 : i32
      %mul3A_236 = arith.muli %add3A_234, %mul3A_235 : i32
      %dma_start3A_237 = tpu.memref_slice %arg6[%mul3A_236] : memref<1536xi32, #tpu.memory_space<vmem>> -> memref<48xi32, #tpu.memory_space<vmem>>
      %dma_start3A_238 = arith.constant 0 : i32
      %dma_start3A_239 = arith.constant 0 : i32
      %dma_start3A_240 = tpu.memref_slice %arg2[%dma_start3A_238, %dma_start3A_239] : memref<8192x256xf32, #tpu.memory_space<hbm>> -> memref<8192x256xf32, #tpu.memory_space<hbm>>
      tpu.enqueue_indirect_dma source(%dma_start3A_240 : memref<8192x256xf32, #tpu.memory_space<hbm>>) target(%arg8 : memref<48x256xf32, #tpu.memory_space<vmem>>) offsets(%dma_start3A_237 : memref<48xi32, #tpu.memory_space<vmem>>) semaphore(%arg11 : memref<!tpu.dma_semaphore, #tpu.memory_space<semaphore_mem>>)
      %mul3A_241 = arith.constant 2 : i32
      %mul3A_242 = arith.muli %mul3A_241, %scan3A_188 : i32
      %add3A_243 = arith.constant 1 : i32
      %add3A_244 = arith.addi %mul3A_242, %add3A_243 : i32
      %dma_wait3A_245 = arith.constant 0 : i32
      %dma_wait3A_246 = tpu.memref_slice %arg6[%dma_wait3A_245] : memref<1536xi32, #tpu.memory_space<vmem>> -> memref<48xi32, #tpu.memory_space<vmem>>
      %dma_wait3A_247 = arith.constant 0 : i32
      %dma_wait3A_248 = arith.constant 0 : i32
      %dma_wait3A_249 = tpu.memref_slice %arg2[%dma_wait3A_247, %dma_wait3A_248] : memref<8192x256xf32, #tpu.memory_space<hbm>> -> memref<8192x256xf32, #tpu.memory_space<hbm>>
      tpu.wait_indirect_dma semaphore(%arg12 : memref<!tpu.dma_semaphore, #tpu.memory_space<semaphore_mem>>) src(%dma_wait3A_249 : memref<8192x256xf32, #tpu.memory_space<hbm>>) dst(%arg9 : memref<48x256xf32, #tpu.memory_space<vmem>>)
      %dma_wait3A_250 = arith.constant 1 : i32
      %dma_wait3A_251 = arith.constant 0 : i32
      %dma_wait3A_252 = arith.constant 0 : i32
      %dma_wait3A_253 = tpu.memref_slice %arg10[%dma_wait3A_250, %dma_wait3A_251, %dma_wait3A_252] : memref<2x16x192xf32, #tpu.memory_space<vmem>> -> memref<1x16x192xf32, #tpu.memory_space<vmem>>
      %dma_wait3A_254 = tpu.memref_squeeze %dma_wait3A_253 : memref<1x16x192xf32, #tpu.memory_space<vmem>> -> memref<16x192xf32, #tpu.memory_space<vmem>>
      %dma_wait3A_255 = arith.constant 0 : i32
      %dma_wait3A_256 = tpu.memref_slice %arg5[%mul3A_2, %dma_wait3A_255] : memref<16384x192xf32, #tpu.memory_space<hbm>> -> memref<16x192xf32, #tpu.memory_space<hbm>>
      %dma_wait3A_257 = arith.constant 0 : i32
      %dma_wait3A_258 = tpu.memref_slice %arg5[%mul3A_2, %dma_wait3A_257] : memref<16384x192xf32, #tpu.memory_space<hbm>> -> memref<16x192xf32, #tpu.memory_space<hbm>>
      %dma_wait3A_259 = arith.constant 0 : i32
      %dma_wait3A_260 = arith.constant 0 : i32
      %dma_wait3A_261 = tpu.memref_slice %arg10[%dma_wait3A_250, %dma_wait3A_259, %dma_wait3A_260] : memref<2x16x192xf32, #tpu.memory_space<vmem>> -> memref<1x16x192xf32, #tpu.memory_space<vmem>>
      %dma_wait3A_262 = tpu.memref_squeeze %dma_wait3A_261 : memref<1x16x192xf32, #tpu.memory_space<vmem>> -> memref<16x192xf32, #tpu.memory_space<vmem>>
      tpu.wait_dma2 semaphore(%arg14 : memref<!tpu.dma_semaphore, #tpu.memory_space<semaphore_mem>>) src(%dma_wait3A_262 : memref<16x192xf32, #tpu.memory_space<vmem>>) dst(%dma_wait3A_258 : memref<16x192xf32, #tpu.memory_space<hbm>>)
      %scan3A_263 = arith.constant 0 : i32
      %scan3A_264 = arith.constant 0 : i32
      %scan3A_265 = arith.constant 16 : i32
      %scan3A_266 = arith.addi %scan3A_264, %scan3A_265 : i32
      %scan3A_267 = arith.constant 1 : i32
      scf.for %scan3A_293 = %scan3A_264 to %scan3A_266 step %scan3A_267  : i32 {
        %mul3A_294 = arith.constant 768 : i32
        %mul3A_295 = arith.muli %add3A_244, %mul3A_294 : i32
        %mul3A_296 = arith.constant 48 : i32
        %mul3A_297 = arith.muli %scan3A_293, %mul3A_296 : i32
        %add3A_298 = arith.addi %mul3A_295, %mul3A_297 : i32
        %get3A = arith.index_cast %add3A_298 : i32 to index
        %get3A_299 = tpu.vector_load %arg7[%get3A] {strides = array<i32>} : memref<24576xf32, #tpu.memory_space<vmem>>, vector<16xf32>,
        %bitcast3A = vector.bitcast %get3A_299 : vector<16xf32> to vector<32xbf16>
        %add3A_300 = arith.constant 16 : i32
        %add3A_301 = arith.addi %add3A_298, %add3A_300 : i32
        %get3A_302 = arith.index_cast %add3A_301 : i32 to index
        %get3A_303 = tpu.vector_load %arg7[%get3A_302] {strides = array<i32>} : memref<24576xf32, #tpu.memory_space<vmem>>, vector<16xf32>,
        %bitcast3A_304 = vector.bitcast %get3A_303 : vector<16xf32> to vector<32xbf16>
        %add3A_305 = arith.constant 32 : i32
        %add3A_306 = arith.addi %add3A_298, %add3A_305 : i32
        %get3A_307 = arith.index_cast %add3A_306 : i32 to index
        %get3A_308 = tpu.vector_load %arg7[%get3A_307] {strides = array<i32>} : memref<24576xf32, #tpu.memory_space<vmem>>, vector<16xf32>,
        %bitcast3A_309 = vector.bitcast %get3A_308 : vector<16xf32> to vector<32xbf16>
        %mul3A_310 = arith.constant 3 : i32
        %mul3A_311 = arith.muli %mul3A_310, %scan3A_293 : i32
        %get3A_312 = arith.index_cast %mul3A_311 : i32 to index
        %get3A_313 = arith.constant 0 : index
        %get3A_314 = tpu.vector_load %arg9[%get3A_312, %get3A_313] {strides = array<i32>} : memref<48x256xf32, #tpu.memory_space<vmem>>, vector<16xf32>,
        %bitcast3A_315 = vector.bitcast %get3A_314 : vector<16xf32> to vector<32xbf16>
        %mul3A_316 = arith.constant 3 : i32
        %mul3A_317 = arith.muli %mul3A_316, %scan3A_293 : i32
        %add3A_318 = arith.constant 1 : i32
        %add3A_319 = arith.addi %mul3A_317, %add3A_318 : i32
        %get3A_320 = arith.index_cast %add3A_319 : i32 to index
        %get3A_321 = arith.constant 0 : index
        %get3A_322 = tpu.vector_load %arg9[%get3A_320, %get3A_321] {strides = array<i32>} : memref<48x256xf32, #tpu.memory_space<vmem>>, vector<16xf32>,
        %bitcast3A_323 = vector.bitcast %get3A_322 : vector<16xf32> to vector<32xbf16>
        %mul3A_324 = arith.constant 3 : i32
        %mul3A_325 = arith.muli %mul3A_324, %scan3A_293 : i32
        %add3A_326 = arith.constant 2 : i32
        %add3A_327 = arith.addi %mul3A_325, %add3A_326 : i32
        %get3A_328 = arith.index_cast %add3A_327 : i32 to index
        %get3A_329 = arith.constant 0 : index
        %get3A_330 = tpu.vector_load %arg9[%get3A_328, %get3A_329] {strides = array<i32>} : memref<48x256xf32, #tpu.memory_space<vmem>>, vector<16xf32>,
        %bitcast3A_331 = vector.bitcast %get3A_330 : vector<16xf32> to vector<32xbf16>
        %mul3A_332 = arith.mulf %bitcast3A_315, %bitcast3A : vector<32xbf16>
        %mul3A_333 = arith.mulf %bitcast3A_323, %bitcast3A_304 : vector<32xbf16>
        %add3A_334 = arith.addf %mul3A_332, %mul3A_333 : vector<32xbf16>
        %mul3A_335 = arith.mulf %bitcast3A_331, %bitcast3A_309 : vector<32xbf16>
        %add3A_336 = arith.addf %add3A_334, %mul3A_335 : vector<32xbf16>
        %bitcast3A_337 = vector.bitcast %add3A_336 : vector<32xbf16> to vector<16xf32>
        %swap3A = arith.constant 1 : i32
        %swap3A_338 = arith.index_cast %swap3A : i32 to index
        %swap3A_339 = arith.index_cast %scan3A_293 : i32 to index
        %swap3A_340 = arith.constant 0 : index
        %swap3A_341 = tpu.vector_load %arg10[%swap3A_338, %swap3A_339, %swap3A_340] {strides = array<i32>} : memref<2x16x192xf32, #tpu.memory_space<vmem>>, vector<16xf32>,
        tpu.vector_store %arg10[%swap3A_338, %swap3A_339, %swap3A_340], %bitcast3A_337 {strides = array<i32>} : memref<2x16x192xf32, #tpu.memory_space<vmem>>, vector<16xf32>,
        %mul3A_342 = arith.constant 3 : i32
        %mul3A_343 = arith.muli %mul3A_342, %scan3A_293 : i32
        %get3A_344 = arith.index_cast %mul3A_343 : i32 to index
        %get3A_345 = arith.constant 16 : index
        %get3A_346 = tpu.vector_load %arg9[%get3A_344, %get3A_345] {strides = array<i32>} : memref<48x256xf32, #tpu.memory_space<vmem>>, vector<16xf32>,
        %bitcast3A_347 = vector.bitcast %get3A_346 : vector<16xf32> to vector<32xbf16>
        %mul3A_348 = arith.constant 3 : i32
        %mul3A_349 = arith.muli %mul3A_348, %scan3A_293 : i32
        %add3A_350 = arith.constant 1 : i32
        %add3A_351 = arith.addi %mul3A_349, %add3A_350 : i32
        %get3A_352 = arith.index_cast %add3A_351 : i32 to index
        %get3A_353 = arith.constant 16 : index
        %get3A_354 = tpu.vector_load %arg9[%get3A_352, %get3A_353] {strides = array<i32>} : memref<48x256xf32, #tpu.memory_space<vmem>>, vector<16xf32>,
        %bitcast3A_355 = vector.bitcast %get3A_354 : vector<16xf32> to vector<32xbf16>
        %mul3A_356 = arith.constant 3 : i32
        %mul3A_357 = arith.muli %mul3A_356, %scan3A_293 : i32
        %add3A_358 = arith.constant 2 : i32
        %add3A_359 = arith.addi %mul3A_357, %add3A_358 : i32
        %get3A_360 = arith.index_cast %add3A_359 : i32 to index
        %get3A_361 = arith.constant 16 : index
        %get3A_362 = tpu.vector_load %arg9[%get3A_360, %get3A_361] {strides = array<i32>} : memref<48x256xf32, #tpu.memory_space<vmem>>, vector<16xf32>,
        %bitcast3A_363 = vector.bitcast %get3A_362 : vector<16xf32> to vector<32xbf16>
        %mul3A_364 = arith.mulf %bitcast3A_347, %bitcast3A : vector<32xbf16>
        %mul3A_365 = arith.mulf %bitcast3A_355, %bitcast3A_304 : vector<32xbf16>
        %add3A_366 = arith.addf %mul3A_364, %mul3A_365 : vector<32xbf16>
        %mul3A_367 = arith.mulf %bitcast3A_363, %bitcast3A_309 : vector<32xbf16>
        %add3A_368 = arith.addf %add3A_366, %mul3A_367 : vector<32xbf16>
        %bitcast3A_369 = vector.bitcast %add3A_368 : vector<32xbf16> to vector<16xf32>
        %swap3A_370 = arith.constant 1 : i32
        %swap3A_371 = arith.index_cast %swap3A_370 : i32 to index
        %swap3A_372 = arith.index_cast %scan3A_293 : i32 to index
        %swap3A_373 = arith.constant 16 : index
        %swap3A_374 = tpu.vector_load %arg10[%swap3A_371, %swap3A_372, %swap3A_373] {strides = array<i32>} : memref<2x16x192xf32, #tpu.memory_space<vmem>>, vector<16xf32>,
        tpu.vector_store %arg10[%swap3A_371, %swap3A_372, %swap3A_373], %bitcast3A_369 {strides = array<i32>} : memref<2x16x192xf32, #tpu.memory_space<vmem>>, vector<16xf32>,
        %mul3A_375 = arith.constant 3 : i32
        %mul3A_376 = arith.muli %mul3A_375, %scan3A_293 : i32
        %get3A_377 = arith.index_cast %mul3A_376 : i32 to index
        %get3A_378 = arith.constant 32 : index
        %get3A_379 = tpu.vector_load %arg9[%get3A_377, %get3A_378] {strides = array<i32>} : memref<48x256xf32, #tpu.memory_space<vmem>>, vector<16xf32>,
        %bitcast3A_380 = vector.bitcast %get3A_379 : vector<16xf32> to vector<32xbf16>
        %mul3A_381 = arith.constant 3 : i32
        %mul3A_382 = arith.muli %mul3A_381, %scan3A_293 : i32
        %add3A_383 = arith.constant 1 : i32
        %add3A_384 = arith.addi %mul3A_382, %add3A_383 : i32
        %get3A_385 = arith.index_cast %add3A_384 : i32 to index
        %get3A_386 = arith.constant 32 : index
        %get3A_387 = tpu.vector_load %arg9[%get3A_385, %get3A_386] {strides = array<i32>} : memref<48x256xf32, #tpu.memory_space<vmem>>, vector<16xf32>,
        %bitcast3A_388 = vector.bitcast %get3A_387 : vector<16xf32> to vector<32xbf16>
        %mul3A_389 = arith.constant 3 : i32
        %mul3A_390 = arith.muli %mul3A_389, %scan3A_293 : i32
        %add3A_391 = arith.constant 2 : i32
        %add3A_392 = arith.addi %mul3A_390, %add3A_391 : i32
        %get3A_393 = arith.index_cast %add3A_392 : i32 to index
        %get3A_394 = arith.constant 32 : index
        %get3A_395 = tpu.vector_load %arg9[%get3A_393, %get3A_394] {strides = array<i32>} : memref<48x256xf32, #tpu.memory_space<vmem>>, vector<16xf32>,
        %bitcast3A_396 = vector.bitcast %get3A_395 : vector<16xf32> to vector<32xbf16>
        %mul3A_397 = arith.mulf %bitcast3A_380, %bitcast3A : vector<32xbf16>
        %mul3A_398 = arith.mulf %bitcast3A_388, %bitcast3A_304 : vector<32xbf16>
        %add3A_399 = arith.addf %mul3A_397, %mul3A_398 : vector<32xbf16>
        %mul3A_400 = arith.mulf %bitcast3A_396, %bitcast3A_309 : vector<32xbf16>
        %add3A_401 = arith.addf %add3A_399, %mul3A_400 : vector<32xbf16>
        %bitcast3A_402 = vector.bitcast %add3A_401 : vector<32xbf16> to vector<16xf32>
        %swap3A_403 = arith.constant 1 : i32
        %swap3A_404 = arith.index_cast %swap3A_403 : i32 to index
        %swap3A_405 = arith.index_cast %scan3A_293 : i32 to index
        %swap3A_406 = arith.constant 32 : index
        %swap3A_407 = tpu.vector_load %arg10[%swap3A_404, %swap3A_405, %swap3A_406] {strides = array<i32>} : memref<2x16x192xf32, #tpu.memory_space<vmem>>, vector<16xf32>,
        tpu.vector_store %arg10[%swap3A_404, %swap3A_405, %swap3A_406], %bitcast3A_402 {strides = array<i32>} : memref<2x16x192xf32, #tpu.memory_space<vmem>>, vector<16xf32>,
        %mul3A_408 = arith.constant 3 : i32
        %mul3A_409 = arith.muli %mul3A_408, %scan3A_293 : i32
        %get3A_410 = arith.index_cast %mul3A_409 : i32 to index
        %get3A_411 = arith.constant 48 : index
        %get3A_412 = tpu.vector_load %arg9[%get3A_410, %get3A_411] {strides = array<i32>} : memref<48x256xf32, #tpu.memory_space<vmem>>, vector<16xf32>,
        %bitcast3A_413 = vector.bitcast %get3A_412 : vector<16xf32> to vector<32xbf16>
        %mul3A_414 = arith.constant 3 : i32
        %mul3A_415 = arith.muli %mul3A_414, %scan3A_293 : i32
        %add3A_416 = arith.constant 1 : i32
        %add3A_417 = arith.addi %mul3A_415, %add3A_416 : i32
        %get3A_418 = arith.index_cast %add3A_417 : i32 to index
        %get3A_419 = arith.constant 48 : index
        %get3A_420 = tpu.vector_load %arg9[%get3A_418, %get3A_419] {strides = array<i32>} : memref<48x256xf32, #tpu.memory_space<vmem>>, vector<16xf32>,
        %bitcast3A_421 = vector.bitcast %get3A_420 : vector<16xf32> to vector<32xbf16>
        %mul3A_422 = arith.constant 3 : i32
        %mul3A_423 = arith.muli %mul3A_422, %scan3A_293 : i32
        %add3A_424 = arith.constant 2 : i32
        %add3A_425 = arith.addi %mul3A_423, %add3A_424 : i32
        %get3A_426 = arith.index_cast %add3A_425 : i32 to index
        %get3A_427 = arith.constant 48 : index
        %get3A_428 = tpu.vector_load %arg9[%get3A_426, %get3A_427] {strides = array<i32>} : memref<48x256xf32, #tpu.memory_space<vmem>>, vector<16xf32>,
        %bitcast3A_429 = vector.bitcast %get3A_428 : vector<16xf32> to vector<32xbf16>
        %mul3A_430 = arith.mulf %bitcast3A_413, %bitcast3A : vector<32xbf16>
        %mul3A_431 = arith.mulf %bitcast3A_421, %bitcast3A_304 : vector<32xbf16>
        %add3A_432 = arith.addf %mul3A_430, %mul3A_431 : vector<32xbf16>
        %mul3A_433 = arith.mulf %bitcast3A_429, %bitcast3A_309 : vector<32xbf16>
        %add3A_434 = arith.addf %add3A_432, %mul3A_433 : vector<32xbf16>
        %bitcast3A_435 = vector.bitcast %add3A_434 : vector<32xbf16> to vector<16xf32>
        %swap3A_436 = arith.constant 1 : i32
        %swap3A_437 = arith.index_cast %swap3A_436 : i32 to index
        %swap3A_438 = arith.index_cast %scan3A_293 : i32 to index
        %swap3A_439 = arith.constant 48 : index
        %swap3A_440 = tpu.vector_load %arg10[%swap3A_437, %swap3A_438, %swap3A_439] {strides = array<i32>} : memref<2x16x192xf32, #tpu.memory_space<vmem>>, vector<16xf32>,
        tpu.vector_store %arg10[%swap3A_437, %swap3A_438, %swap3A_439], %bitcast3A_435 {strides = array<i32>} : memref<2x16x192xf32, #tpu.memory_space<vmem>>, vector<16xf32>,
        %mul3A_441 = arith.constant 3 : i32
        %mul3A_442 = arith.muli %mul3A_441, %scan3A_293 : i32
        %get3A_443 = arith.index_cast %mul3A_442 : i32 to index
        %get3A_444 = arith.constant 64 : index
        %get3A_445 = tpu.vector_load %arg9[%get3A_443, %get3A_444] {strides = array<i32>} : memref<48x256xf32, #tpu.memory_space<vmem>>, vector<16xf32>,
        %bitcast3A_446 = vector.bitcast %get3A_445 : vector<16xf32> to vector<32xbf16>
        %mul3A_447 = arith.constant 3 : i32
        %mul3A_448 = arith.muli %mul3A_447, %scan3A_293 : i32
        %add3A_449 = arith.constant 1 : i32
        %add3A_450 = arith.addi %mul3A_448, %add3A_449 : i32
        %get3A_451 = arith.index_cast %add3A_450 : i32 to index
        %get3A_452 = arith.constant 64 : index
        %get3A_453 = tpu.vector_load %arg9[%get3A_451, %get3A_452] {strides = array<i32>} : memref<48x256xf32, #tpu.memory_space<vmem>>, vector<16xf32>,
        %bitcast3A_454 = vector.bitcast %get3A_453 : vector<16xf32> to vector<32xbf16>
        %mul3A_455 = arith.constant 3 : i32
        %mul3A_456 = arith.muli %mul3A_455, %scan3A_293 : i32
        %add3A_457 = arith.constant 2 : i32
        %add3A_458 = arith.addi %mul3A_456, %add3A_457 : i32
        %get3A_459 = arith.index_cast %add3A_458 : i32 to index
        %get3A_460 = arith.constant 64 : index
        %get3A_461 = tpu.vector_load %arg9[%get3A_459, %get3A_460] {strides = array<i32>} : memref<48x256xf32, #tpu.memory_space<vmem>>, vector<16xf32>,
        %bitcast3A_462 = vector.bitcast %get3A_461 : vector<16xf32> to vector<32xbf16>
        %mul3A_463 = arith.mulf %bitcast3A_446, %bitcast3A : vector<32xbf16>
        %mul3A_464 = arith.mulf %bitcast3A_454, %bitcast3A_304 : vector<32xbf16>
        %add3A_465 = arith.addf %mul3A_463, %mul3A_464 : vector<32xbf16>
        %mul3A_466 = arith.mulf %bitcast3A_462, %bitcast3A_309 : vector<32xbf16>
        %add3A_467 = arith.addf %add3A_465, %mul3A_466 : vector<32xbf16>
        %bitcast3A_468 = vector.bitcast %add3A_467 : vector<32xbf16> to vector<16xf32>
        %swap3A_469 = arith.constant 1 : i32
        %swap3A_470 = arith.index_cast %swap3A_469 : i32 to index
        %swap3A_471 = arith.index_cast %scan3A_293 : i32 to index
        %swap3A_472 = arith.constant 64 : index
        %swap3A_473 = tpu.vector_load %arg10[%swap3A_470, %swap3A_471, %swap3A_472] {strides = array<i32>} : memref<2x16x192xf32, #tpu.memory_space<vmem>>, vector<16xf32>,
        tpu.vector_store %arg10[%swap3A_470, %swap3A_471, %swap3A_472], %bitcast3A_468 {strides = array<i32>} : memref<2x16x192xf32, #tpu.memory_space<vmem>>, vector<16xf32>,
        %mul3A_474 = arith.constant 3 : i32
        %mul3A_475 = arith.muli %mul3A_474, %scan3A_293 : i32
        %get3A_476 = arith.index_cast %mul3A_475 : i32 to index
        %get3A_477 = arith.constant 80 : index
        %get3A_478 = tpu.vector_load %arg9[%get3A_476, %get3A_477] {strides = array<i32>} : memref<48x256xf32, #tpu.memory_space<vmem>>, vector<16xf32>,
        %bitcast3A_479 = vector.bitcast %get3A_478 : vector<16xf32> to vector<32xbf16>
        %mul3A_480 = arith.constant 3 : i32
        %mul3A_481 = arith.muli %mul3A_480, %scan3A_293 : i32
        %add3A_482 = arith.constant 1 : i32
        %add3A_483 = arith.addi %mul3A_481, %add3A_482 : i32
        %get3A_484 = arith.index_cast %add3A_483 : i32 to index
        %get3A_485 = arith.constant 80 : index
        %get3A_486 = tpu.vector_load %arg9[%get3A_484, %get3A_485] {strides = array<i32>} : memref<48x256xf32, #tpu.memory_space<vmem>>, vector<16xf32>,
        %bitcast3A_487 = vector.bitcast %get3A_486 : vector<16xf32> to vector<32xbf16>
        %mul3A_488 = arith.constant 3 : i32
        %mul3A_489 = arith.muli %mul3A_488, %scan3A_293 : i32
        %add3A_490 = arith.constant 2 : i32
        %add3A_491 = arith.addi %mul3A_489, %add3A_490 : i32
        %get3A_492 = arith.index_cast %add3A_491 : i32 to index
        %get3A_493 = arith.constant 80 : index
        %get3A_494 = tpu.vector_load %arg9[%get3A_492, %get3A_493] {strides = array<i32>} : memref<48x256xf32, #tpu.memory_space<vmem>>, vector<16xf32>,
        %bitcast3A_495 = vector.bitcast %get3A_494 : vector<16xf32> to vector<32xbf16>
        %mul3A_496 = arith.mulf %bitcast3A_479, %bitcast3A : vector<32xbf16>
        %mul3A_497 = arith.mulf %bitcast3A_487, %bitcast3A_304 : vector<32xbf16>
        %add3A_498 = arith.addf %mul3A_496, %mul3A_497 : vector<32xbf16>
        %mul3A_499 = arith.mulf %bitcast3A_495, %bitcast3A_309 : vector<32xbf16>
        %add3A_500 = arith.addf %add3A_498, %mul3A_499 : vector<32xbf16>
        %bitcast3A_501 = vector.bitcast %add3A_500 : vector<32xbf16> to vector<16xf32>
        %swap3A_502 = arith.constant 1 : i32
        %swap3A_503 = arith.index_cast %swap3A_502 : i32 to index
        %swap3A_504 = arith.index_cast %scan3A_293 : i32 to index
        %swap3A_505 = arith.constant 80 : index
        %swap3A_506 = tpu.vector_load %arg10[%swap3A_503, %swap3A_504, %swap3A_505] {strides = array<i32>} : memref<2x16x192xf32, #tpu.memory_space<vmem>>, vector<16xf32>,
        tpu.vector_store %arg10[%swap3A_503, %swap3A_504, %swap3A_505], %bitcast3A_501 {strides = array<i32>} : memref<2x16x192xf32, #tpu.memory_space<vmem>>, vector<16xf32>,
        %mul3A_507 = arith.constant 3 : i32
        %mul3A_508 = arith.muli %mul3A_507, %scan3A_293 : i32
        %get3A_509 = arith.index_cast %mul3A_508 : i32 to index
        %get3A_510 = arith.constant 96 : index
        %get3A_511 = tpu.vector_load %arg9[%get3A_509, %get3A_510] {strides = array<i32>} : memref<48x256xf32, #tpu.memory_space<vmem>>, vector<16xf32>,
        %bitcast3A_512 = vector.bitcast %get3A_511 : vector<16xf32> to vector<32xbf16>
        %mul3A_513 = arith.constant 3 : i32
        %mul3A_514 = arith.muli %mul3A_513, %scan3A_293 : i32
        %add3A_515 = arith.constant 1 : i32
        %add3A_516 = arith.addi %mul3A_514, %add3A_515 : i32
        %get3A_517 = arith.index_cast %add3A_516 : i32 to index
        %get3A_518 = arith.constant 96 : index
        %get3A_519 = tpu.vector_load %arg9[%get3A_517, %get3A_518] {strides = array<i32>} : memref<48x256xf32, #tpu.memory_space<vmem>>, vector<16xf32>,
        %bitcast3A_520 = vector.bitcast %get3A_519 : vector<16xf32> to vector<32xbf16>
        %mul3A_521 = arith.constant 3 : i32
        %mul3A_522 = arith.muli %mul3A_521, %scan3A_293 : i32
        %add3A_523 = arith.constant 2 : i32
        %add3A_524 = arith.addi %mul3A_522, %add3A_523 : i32
        %get3A_525 = arith.index_cast %add3A_524 : i32 to index
        %get3A_526 = arith.constant 96 : index
        %get3A_527 = tpu.vector_load %arg9[%get3A_525, %get3A_526] {strides = array<i32>} : memref<48x256xf32, #tpu.memory_space<vmem>>, vector<16xf32>,
        %bitcast3A_528 = vector.bitcast %get3A_527 : vector<16xf32> to vector<32xbf16>
        %mul3A_529 = arith.mulf %bitcast3A_512, %bitcast3A : vector<32xbf16>
        %mul3A_530 = arith.mulf %bitcast3A_520, %bitcast3A_304 : vector<32xbf16>
        %add3A_531 = arith.addf %mul3A_529, %mul3A_530 : vector<32xbf16>
        %mul3A_532 = arith.mulf %bitcast3A_528, %bitcast3A_309 : vector<32xbf16>
        %add3A_533 = arith.addf %add3A_531, %mul3A_532 : vector<32xbf16>
        %bitcast3A_534 = vector.bitcast %add3A_533 : vector<32xbf16> to vector<16xf32>
        %swap3A_535 = arith.constant 1 : i32
        %swap3A_536 = arith.index_cast %swap3A_535 : i32 to index
        %swap3A_537 = arith.index_cast %scan3A_293 : i32 to index
        %swap3A_538 = arith.constant 96 : index
        %swap3A_539 = tpu.vector_load %arg10[%swap3A_536, %swap3A_537, %swap3A_538] {strides = array<i32>} : memref<2x16x192xf32, #tpu.memory_space<vmem>>, vector<16xf32>,
        tpu.vector_store %arg10[%swap3A_536, %swap3A_537, %swap3A_538], %bitcast3A_534 {strides = array<i32>} : memref<2x16x192xf32, #tpu.memory_space<vmem>>, vector<16xf32>,
        %mul3A_540 = arith.constant 3 : i32
        %mul3A_541 = arith.muli %mul3A_540, %scan3A_293 : i32
        %get3A_542 = arith.index_cast %mul3A_541 : i32 to index
        %get3A_543 = arith.constant 112 : index
        %get3A_544 = tpu.vector_load %arg9[%get3A_542, %get3A_543] {strides = array<i32>} : memref<48x256xf32, #tpu.memory_space<vmem>>, vector<16xf32>,
        %bitcast3A_545 = vector.bitcast %get3A_544 : vector<16xf32> to vector<32xbf16>
        %mul3A_546 = arith.constant 3 : i32
        %mul3A_547 = arith.muli %mul3A_546, %scan3A_293 : i32
        %add3A_548 = arith.constant 1 : i32
        %add3A_549 = arith.addi %mul3A_547, %add3A_548 : i32
        %get3A_550 = arith.index_cast %add3A_549 : i32 to index
        %get3A_551 = arith.constant 112 : index
        %get3A_552 = tpu.vector_load %arg9[%get3A_550, %get3A_551] {strides = array<i32>} : memref<48x256xf32, #tpu.memory_space<vmem>>, vector<16xf32>,
        %bitcast3A_553 = vector.bitcast %get3A_552 : vector<16xf32> to vector<32xbf16>
        %mul3A_554 = arith.constant 3 : i32
        %mul3A_555 = arith.muli %mul3A_554, %scan3A_293 : i32
        %add3A_556 = arith.constant 2 : i32
        %add3A_557 = arith.addi %mul3A_555, %add3A_556 : i32
        %get3A_558 = arith.index_cast %add3A_557 : i32 to index
        %get3A_559 = arith.constant 112 : index
        %get3A_560 = tpu.vector_load %arg9[%get3A_558, %get3A_559] {strides = array<i32>} : memref<48x256xf32, #tpu.memory_space<vmem>>, vector<16xf32>,
        %bitcast3A_561 = vector.bitcast %get3A_560 : vector<16xf32> to vector<32xbf16>
        %mul3A_562 = arith.mulf %bitcast3A_545, %bitcast3A : vector<32xbf16>
        %mul3A_563 = arith.mulf %bitcast3A_553, %bitcast3A_304 : vector<32xbf16>
        %add3A_564 = arith.addf %mul3A_562, %mul3A_563 : vector<32xbf16>
        %mul3A_565 = arith.mulf %bitcast3A_561, %bitcast3A_309 : vector<32xbf16>
        %add3A_566 = arith.addf %add3A_564, %mul3A_565 : vector<32xbf16>
        %bitcast3A_567 = vector.bitcast %add3A_566 : vector<32xbf16> to vector<16xf32>
        %swap3A_568 = arith.constant 1 : i32
        %swap3A_569 = arith.index_cast %swap3A_568 : i32 to index
        %swap3A_570 = arith.index_cast %scan3A_293 : i32 to index
        %swap3A_571 = arith.constant 112 : index
        %swap3A_572 = tpu.vector_load %arg10[%swap3A_569, %swap3A_570, %swap3A_571] {strides = array<i32>} : memref<2x16x192xf32, #tpu.memory_space<vmem>>, vector<16xf32>,
        tpu.vector_store %arg10[%swap3A_569, %swap3A_570, %swap3A_571], %bitcast3A_567 {strides = array<i32>} : memref<2x16x192xf32, #tpu.memory_space<vmem>>, vector<16xf32>,
        %mul3A_573 = arith.constant 3 : i32
        %mul3A_574 = arith.muli %mul3A_573, %scan3A_293 : i32
        %get3A_575 = arith.index_cast %mul3A_574 : i32 to index
        %get3A_576 = arith.constant 128 : index
        %get3A_577 = tpu.vector_load %arg9[%get3A_575, %get3A_576] {strides = array<i32>} : memref<48x256xf32, #tpu.memory_space<vmem>>, vector<16xf32>,
        %bitcast3A_578 = vector.bitcast %get3A_577 : vector<16xf32> to vector<32xbf16>
        %mul3A_579 = arith.constant 3 : i32
        %mul3A_580 = arith.muli %mul3A_579, %scan3A_293 : i32
        %add3A_581 = arith.constant 1 : i32
        %add3A_582 = arith.addi %mul3A_580, %add3A_581 : i32
        %get3A_583 = arith.index_cast %add3A_582 : i32 to index
        %get3A_584 = arith.constant 128 : index
        %get3A_585 = tpu.vector_load %arg9[%get3A_583, %get3A_584] {strides = array<i32>} : memref<48x256xf32, #tpu.memory_space<vmem>>, vector<16xf32>,
        %bitcast3A_586 = vector.bitcast %get3A_585 : vector<16xf32> to vector<32xbf16>
        %mul3A_587 = arith.constant 3 : i32
        %mul3A_588 = arith.muli %mul3A_587, %scan3A_293 : i32
        %add3A_589 = arith.constant 2 : i32
        %add3A_590 = arith.addi %mul3A_588, %add3A_589 : i32
        %get3A_591 = arith.index_cast %add3A_590 : i32 to index
        %get3A_592 = arith.constant 128 : index
        %get3A_593 = tpu.vector_load %arg9[%get3A_591, %get3A_592] {strides = array<i32>} : memref<48x256xf32, #tpu.memory_space<vmem>>, vector<16xf32>,
        %bitcast3A_594 = vector.bitcast %get3A_593 : vector<16xf32> to vector<32xbf16>
        %mul3A_595 = arith.mulf %bitcast3A_578, %bitcast3A : vector<32xbf16>
        %mul3A_596 = arith.mulf %bitcast3A_586, %bitcast3A_304 : vector<32xbf16>
        %add3A_597 = arith.addf %mul3A_595, %mul3A_596 : vector<32xbf16>
        %mul3A_598 = arith.mulf %bitcast3A_594, %bitcast3A_309 : vector<32xbf16>
        %add3A_599 = arith.addf %add3A_597, %mul3A_598 : vector<32xbf16>
        %bitcast3A_600 = vector.bitcast %add3A_599 : vector<32xbf16> to vector<16xf32>
        %swap3A_601 = arith.constant 1 : i32
        %swap3A_602 = arith.index_cast %swap3A_601 : i32 to index
        %swap3A_603 = arith.index_cast %scan3A_293 : i32 to index
        %swap3A_604 = arith.constant 128 : index
        %swap3A_605 = tpu.vector_load %arg10[%swap3A_602, %swap3A_603, %swap3A_604] {strides = array<i32>} : memref<2x16x192xf32, #tpu.memory_space<vmem>>, vector<16xf32>,
        tpu.vector_store %arg10[%swap3A_602, %swap3A_603, %swap3A_604], %bitcast3A_600 {strides = array<i32>} : memref<2x16x192xf32, #tpu.memory_space<vmem>>, vector<16xf32>,
        %mul3A_606 = arith.constant 3 : i32
        %mul3A_607 = arith.muli %mul3A_606, %scan3A_293 : i32
        %get3A_608 = arith.index_cast %mul3A_607 : i32 to index
        %get3A_609 = arith.constant 144 : index
        %get3A_610 = tpu.vector_load %arg9[%get3A_608, %get3A_609] {strides = array<i32>} : memref<48x256xf32, #tpu.memory_space<vmem>>, vector<16xf32>,
        %bitcast3A_611 = vector.bitcast %get3A_610 : vector<16xf32> to vector<32xbf16>
        %mul3A_612 = arith.constant 3 : i32
        %mul3A_613 = arith.muli %mul3A_612, %scan3A_293 : i32
        %add3A_614 = arith.constant 1 : i32
        %add3A_615 = arith.addi %mul3A_613, %add3A_614 : i32
        %get3A_616 = arith.index_cast %add3A_615 : i32 to index
        %get3A_617 = arith.constant 144 : index
        %get3A_618 = tpu.vector_load %arg9[%get3A_616, %get3A_617] {strides = array<i32>} : memref<48x256xf32, #tpu.memory_space<vmem>>, vector<16xf32>,
        %bitcast3A_619 = vector.bitcast %get3A_618 : vector<16xf32> to vector<32xbf16>
        %mul3A_620 = arith.constant 3 : i32
        %mul3A_621 = arith.muli %mul3A_620, %scan3A_293 : i32
        %add3A_622 = arith.constant 2 : i32
        %add3A_623 = arith.addi %mul3A_621, %add3A_622 : i32
        %get3A_624 = arith.index_cast %add3A_623 : i32 to index
        %get3A_625 = arith.constant 144 : index
        %get3A_626 = tpu.vector_load %arg9[%get3A_624, %get3A_625] {strides = array<i32>} : memref<48x256xf32, #tpu.memory_space<vmem>>, vector<16xf32>,
        %bitcast3A_627 = vector.bitcast %get3A_626 : vector<16xf32> to vector<32xbf16>
        %mul3A_628 = arith.mulf %bitcast3A_611, %bitcast3A : vector<32xbf16>
        %mul3A_629 = arith.mulf %bitcast3A_619, %bitcast3A_304 : vector<32xbf16>
        %add3A_630 = arith.addf %mul3A_628, %mul3A_629 : vector<32xbf16>
        %mul3A_631 = arith.mulf %bitcast3A_627, %bitcast3A_309 : vector<32xbf16>
        %add3A_632 = arith.addf %add3A_630, %mul3A_631 : vector<32xbf16>
        %bitcast3A_633 = vector.bitcast %add3A_632 : vector<32xbf16> to vector<16xf32>
        %swap3A_634 = arith.constant 1 : i32
        %swap3A_635 = arith.index_cast %swap3A_634 : i32 to index
        %swap3A_636 = arith.index_cast %scan3A_293 : i32 to index
        %swap3A_637 = arith.constant 144 : index
        %swap3A_638 = tpu.vector_load %arg10[%swap3A_635, %swap3A_636, %swap3A_637] {strides = array<i32>} : memref<2x16x192xf32, #tpu.memory_space<vmem>>, vector<16xf32>,
        tpu.vector_store %arg10[%swap3A_635, %swap3A_636, %swap3A_637], %bitcast3A_633 {strides = array<i32>} : memref<2x16x192xf32, #tpu.memory_space<vmem>>, vector<16xf32>,
        %mul3A_639 = arith.constant 3 : i32
        %mul3A_640 = arith.muli %mul3A_639, %scan3A_293 : i32
        %get3A_641 = arith.index_cast %mul3A_640 : i32 to index
        %get3A_642 = arith.constant 160 : index
        %get3A_643 = tpu.vector_load %arg9[%get3A_641, %get3A_642] {strides = array<i32>} : memref<48x256xf32, #tpu.memory_space<vmem>>, vector<16xf32>,
        %bitcast3A_644 = vector.bitcast %get3A_643 : vector<16xf32> to vector<32xbf16>
        %mul3A_645 = arith.constant 3 : i32
        %mul3A_646 = arith.muli %mul3A_645, %scan3A_293 : i32
        %add3A_647 = arith.constant 1 : i32
        %add3A_648 = arith.addi %mul3A_646, %add3A_647 : i32
        %get3A_649 = arith.index_cast %add3A_648 : i32 to index
        %get3A_650 = arith.constant 160 : index
        %get3A_651 = tpu.vector_load %arg9[%get3A_649, %get3A_650] {strides = array<i32>} : memref<48x256xf32, #tpu.memory_space<vmem>>, vector<16xf32>,
        %bitcast3A_652 = vector.bitcast %get3A_651 : vector<16xf32> to vector<32xbf16>
        %mul3A_653 = arith.constant 3 : i32
        %mul3A_654 = arith.muli %mul3A_653, %scan3A_293 : i32
        %add3A_655 = arith.constant 2 : i32
        %add3A_656 = arith.addi %mul3A_654, %add3A_655 : i32
        %get3A_657 = arith.index_cast %add3A_656 : i32 to index
        %get3A_658 = arith.constant 160 : index
        %get3A_659 = tpu.vector_load %arg9[%get3A_657, %get3A_658] {strides = array<i32>} : memref<48x256xf32, #tpu.memory_space<vmem>>, vector<16xf32>,
        %bitcast3A_660 = vector.bitcast %get3A_659 : vector<16xf32> to vector<32xbf16>
        %mul3A_661 = arith.mulf %bitcast3A_644, %bitcast3A : vector<32xbf16>
        %mul3A_662 = arith.mulf %bitcast3A_652, %bitcast3A_304 : vector<32xbf16>
        %add3A_663 = arith.addf %mul3A_661, %mul3A_662 : vector<32xbf16>
        %mul3A_664 = arith.mulf %bitcast3A_660, %bitcast3A_309 : vector<32xbf16>
        %add3A_665 = arith.addf %add3A_663, %mul3A_664 : vector<32xbf16>
        %bitcast3A_666 = vector.bitcast %add3A_665 : vector<32xbf16> to vector<16xf32>
        %swap3A_667 = arith.constant 1 : i32
        %swap3A_668 = arith.index_cast %swap3A_667 : i32 to index
        %swap3A_669 = arith.index_cast %scan3A_293 : i32 to index
        %swap3A_670 = arith.constant 160 : index
        %swap3A_671 = tpu.vector_load %arg10[%swap3A_668, %swap3A_669, %swap3A_670] {strides = array<i32>} : memref<2x16x192xf32, #tpu.memory_space<vmem>>, vector<16xf32>,
        tpu.vector_store %arg10[%swap3A_668, %swap3A_669, %swap3A_670], %bitcast3A_666 {strides = array<i32>} : memref<2x16x192xf32, #tpu.memory_space<vmem>>, vector<16xf32>,
        %mul3A_672 = arith.constant 3 : i32
        %mul3A_673 = arith.muli %mul3A_672, %scan3A_293 : i32
        %get3A_674 = arith.index_cast %mul3A_673 : i32 to index
        %get3A_675 = arith.constant 176 : index
        %get3A_676 = tpu.vector_load %arg9[%get3A_674, %get3A_675] {strides = array<i32>} : memref<48x256xf32, #tpu.memory_space<vmem>>, vector<16xf32>,
        %bitcast3A_677 = vector.bitcast %get3A_676 : vector<16xf32> to vector<32xbf16>
        %mul3A_678 = arith.constant 3 : i32
        %mul3A_679 = arith.muli %mul3A_678, %scan3A_293 : i32
        %add3A_680 = arith.constant 1 : i32
        %add3A_681 = arith.addi %mul3A_679, %add3A_680 : i32
        %get3A_682 = arith.index_cast %add3A_681 : i32 to index
        %get3A_683 = arith.constant 176 : index
        %get3A_684 = tpu.vector_load %arg9[%get3A_682, %get3A_683] {strides = array<i32>} : memref<48x256xf32, #tpu.memory_space<vmem>>, vector<16xf32>,
        %bitcast3A_685 = vector.bitcast %get3A_684 : vector<16xf32> to vector<32xbf16>
        %mul3A_686 = arith.constant 3 : i32
        %mul3A_687 = arith.muli %mul3A_686, %scan3A_293 : i32
        %add3A_688 = arith.constant 2 : i32
        %add3A_689 = arith.addi %mul3A_687, %add3A_688 : i32
        %get3A_690 = arith.index_cast %add3A_689 : i32 to index
        %get3A_691 = arith.constant 176 : index
        %get3A_692 = tpu.vector_load %arg9[%get3A_690, %get3A_691] {strides = array<i32>} : memref<48x256xf32, #tpu.memory_space<vmem>>, vector<16xf32>,
        %bitcast3A_693 = vector.bitcast %get3A_692 : vector<16xf32> to vector<32xbf16>
        %mul3A_694 = arith.mulf %bitcast3A_677, %bitcast3A : vector<32xbf16>
        %mul3A_695 = arith.mulf %bitcast3A_685, %bitcast3A_304 : vector<32xbf16>
        %add3A_696 = arith.addf %mul3A_694, %mul3A_695 : vector<32xbf16>
        %mul3A_697 = arith.mulf %bitcast3A_693, %bitcast3A_309 : vector<32xbf16>
        %add3A_698 = arith.addf %add3A_696, %mul3A_697 : vector<32xbf16>
        %bitcast3A_699 = vector.bitcast %add3A_698 : vector<32xbf16> to vector<16xf32>
        %swap3A_700 = arith.constant 1 : i32
        %swap3A_701 = arith.index_cast %swap3A_700 : i32 to index
        %swap3A_702 = arith.index_cast %scan3A_293 : i32 to index
        %swap3A_703 = arith.constant 176 : index
        %swap3A_704 = tpu.vector_load %arg10[%swap3A_701, %swap3A_702, %swap3A_703] {strides = array<i32>} : memref<2x16x192xf32, #tpu.memory_space<vmem>>, vector<16xf32>,
        tpu.vector_store %arg10[%swap3A_701, %swap3A_702, %swap3A_703], %bitcast3A_699 {strides = array<i32>} : memref<2x16x192xf32, #tpu.memory_space<vmem>>, vector<16xf32>,
      }
      %scan3A_268 = arith.constant 16 : i32
      %mul3A_269 = arith.constant 16 : i32
      %mul3A_270 = arith.muli %add3A_244, %mul3A_269 : i32
      %add3A_271 = arith.addi %mul3A_2, %mul3A_270 : i32
      %dma_start3A_272 = arith.constant 1 : i32
      %dma_start3A_273 = arith.constant 0 : i32
      %dma_start3A_274 = arith.constant 0 : i32
      %dma_start3A_275 = tpu.memref_slice %arg10[%dma_start3A_272, %dma_start3A_273, %dma_start3A_274] : memref<2x16x192xf32, #tpu.memory_space<vmem>> -> memref<1x16x192xf32, #tpu.memory_space<vmem>>
      %dma_start3A_276 = tpu.memref_squeeze %dma_start3A_275 : memref<1x16x192xf32, #tpu.memory_space<vmem>> -> memref<16x192xf32, #tpu.memory_space<vmem>>
      %dma_start3A_277 = arith.constant 0 : i32
      %dma_start3A_278 = tpu.memref_slice %arg5[%add3A_271, %dma_start3A_277] : memref<16384x192xf32, #tpu.memory_space<hbm>> -> memref<16x192xf32, #tpu.memory_space<hbm>>
      %dma_start3A_279 = arith.constant 0 : i32
      %dma_start3A_280 = tpu.memref_slice %arg5[%add3A_271, %dma_start3A_279] : memref<16384x192xf32, #tpu.memory_space<hbm>> -> memref<16x192xf32, #tpu.memory_space<hbm>>
      %dma_start3A_281 = arith.constant 0 : i32
      %dma_start3A_282 = arith.constant 0 : i32
      %dma_start3A_283 = tpu.memref_slice %arg10[%dma_start3A_272, %dma_start3A_281, %dma_start3A_282] : memref<2x16x192xf32, #tpu.memory_space<vmem>> -> memref<1x16x192xf32, #tpu.memory_space<vmem>>
      %dma_start3A_284 = tpu.memref_squeeze %dma_start3A_283 : memref<1x16x192xf32, #tpu.memory_space<vmem>> -> memref<16x192xf32, #tpu.memory_space<vmem>>
      tpu.enqueue_dma source(%dma_start3A_284 : memref<16x192xf32, #tpu.memory_space<vmem>>) target(%dma_start3A_280 : memref<16x192xf32, #tpu.memory_space<hbm>>) target_semaphore(%arg14 : memref<!tpu.dma_semaphore, #tpu.memory_space<semaphore_mem>>)
      %add3A_285 = arith.constant 2 : i32
      %add3A_286 = arith.addi %add3A_244, %add3A_285 : i32
      %mul3A_287 = arith.constant 48 : i32
      %mul3A_288 = arith.muli %add3A_286, %mul3A_287 : i32
      %dma_start3A_289 = tpu.memref_slice %arg6[%mul3A_288] : memref<1536xi32, #tpu.memory_space<vmem>> -> memref<48xi32, #tpu.memory_space<vmem>>
      %dma_start3A_290 = arith.constant 0 : i32
      %dma_start3A_291 = arith.constant 0 : i32
      %dma_start3A_292 = tpu.memref_slice %arg2[%dma_start3A_290, %dma_start3A_291] : memref<8192x256xf32, #tpu.memory_space<hbm>> -> memref<8192x256xf32, #tpu.memory_space<hbm>>
      tpu.enqueue_indirect_dma source(%dma_start3A_292 : memref<8192x256xf32, #tpu.memory_space<hbm>>) target(%arg9 : memref<48x256xf32, #tpu.memory_space<vmem>>) offsets(%dma_start3A_289 : memref<48xi32, #tpu.memory_space<vmem>>) semaphore(%arg12 : memref<!tpu.dma_semaphore, #tpu.memory_space<semaphore_mem>>)
    }
    %scan3A_83 = arith.constant 14 : i32
    %dma_wait3A_84 = arith.constant 0 : i32
    %dma_wait3A_85 = tpu.memref_slice %arg6[%dma_wait3A_84] : memref<1536xi32, #tpu.memory_space<vmem>> -> memref<48xi32, #tpu.memory_space<vmem>>
    %dma_wait3A_86 = arith.constant 0 : i32
    %dma_wait3A_87 = arith.constant 0 : i32
    %dma_wait3A_88 = tpu.memref_slice %arg2[%dma_wait3A_86, %dma_wait3A_87] : memref<8192x256xf32, #tpu.memory_space<hbm>> -> memref<8192x256xf32, #tpu.memory_space<hbm>>
    tpu.wait_indirect_dma semaphore(%arg11 : memref<!tpu.dma_semaphore, #tpu.memory_space<semaphore_mem>>) src(%dma_wait3A_88 : memref<8192x256xf32, #tpu.memory_space<hbm>>) dst(%arg8 : memref<48x256xf32, #tpu.memory_space<vmem>>)
    %dma_wait3A_89 = arith.constant 0 : i32
    %dma_wait3A_90 = arith.constant 0 : i32
    %dma_wait3A_91 = arith.constant 0 : i32
    %dma_wait3A_92 = tpu.memref_slice %arg10[%dma_wait3A_89, %dma_wait3A_90, %dma_wait3A_91] : memref<2x16x192xf32, #tpu.memory_space<vmem>> -> memref<1x16x192xf32, #tpu.memory_space<vmem>>
    %dma_wait3A_93 = tpu.memref_squeeze %dma_wait3A_92 : memref<1x16x192xf32, #tpu.memory_space<vmem>> -> memref<16x192xf32, #tpu.memory_space<vmem>>
    %dma_wait3A_94 = arith.constant 0 : i32
    %dma_wait3A_95 = tpu.memref_slice %arg5[%mul3A_2, %dma_wait3A_94] : memref<16384x192xf32, #tpu.memory_space<hbm>> -> memref<16x192xf32, #tpu.memory_space<hbm>>
    %dma_wait3A_96 = arith.constant 0 : i32
    %dma_wait3A_97 = tpu.memref_slice %arg5[%mul3A_2, %dma_wait3A_96] : memref<16384x192xf32, #tpu.memory_space<hbm>> -> memref<16x192xf32, #tpu.memory_space<hbm>>
    %dma_wait3A_98 = arith.constant 0 : i32
    %dma_wait3A_99 = arith.constant 0 : i32
    %dma_wait3A_100 = tpu.memref_slice %arg10[%dma_wait3A_89, %dma_wait3A_98, %dma_wait3A_99] : memref<2x16x192xf32, #tpu.memory_space<vmem>> -> memref<1x16x192xf32, #tpu.memory_space<vmem>>
    %dma_wait3A_101 = tpu.memref_squeeze %dma_wait3A_100 : memref<1x16x192xf32, #tpu.memory_space<vmem>> -> memref<16x192xf32, #tpu.memory_space<vmem>>
    tpu.wait_dma2 semaphore(%arg13 : memref<!tpu.dma_semaphore, #tpu.memory_space<semaphore_mem>>) src(%dma_wait3A_101 : memref<16x192xf32, #tpu.memory_space<vmem>>) dst(%dma_wait3A_97 : memref<16x192xf32, #tpu.memory_space<hbm>>)
    %scan3A_102 = arith.constant 0 : i32
    %scan3A_103 = arith.constant 0 : i32
    %scan3A_104 = arith.constant 16 : i32
    %scan3A_105 = arith.addi %scan3A_103, %scan3A_104 : i32
    %scan3A_106 = arith.constant 1 : i32
    scf.for %scan3A_188 = %scan3A_103 to %scan3A_105 step %scan3A_106  : i32 {
      %mul3A_189 = arith.constant 48 : i32
      %mul3A_190 = arith.muli %scan3A_188, %mul3A_189 : i32
      %add3A_191 = arith.constant 23040 : i32
      %add3A_192 = arith.addi %add3A_191, %mul3A_190 : i32
      %get3A = arith.index_cast %add3A_192 : i32 to index
      %get3A_193 = tpu.vector_load %arg7[%get3A] {strides = array<i32>} : memref<24576xf32, #tpu.memory_space<vmem>>, vector<16xf32>,
      %bitcast3A = vector.bitcast %get3A_193 : vector<16xf32> to vector<32xbf16>
      %add3A_194 = arith.constant 16 : i32
      %add3A_195 = arith.addi %add3A_192, %add3A_194 : i32
      %get3A_196 = arith.index_cast %add3A_195 : i32 to index
      %get3A_197 = tpu.vector_load %arg7[%get3A_196] {strides = array<i32>} : memref<24576xf32, #tpu.memory_space<vmem>>, vector<16xf32>,
      %bitcast3A_198 = vector.bitcast %get3A_197 : vector<16xf32> to vector<32xbf16>
      %add3A_199 = arith.constant 32 : i32
      %add3A_200 = arith.addi %add3A_192, %add3A_199 : i32
      %get3A_201 = arith.index_cast %add3A_200 : i32 to index
      %get3A_202 = tpu.vector_load %arg7[%get3A_201] {strides = array<i32>} : memref<24576xf32, #tpu.memory_space<vmem>>, vector<16xf32>,
      %bitcast3A_203 = vector.bitcast %get3A_202 : vector<16xf32> to vector<32xbf16>
      %mul3A_204 = arith.constant 3 : i32
      %mul3A_205 = arith.muli %mul3A_204, %scan3A_188 : i32
      %get3A_206 = arith.index_cast %mul3A_205 : i32 to index
      %get3A_207 = arith.constant 0 : index
      %get3A_208 = tpu.vector_load %arg8[%get3A_206, %get3A_207] {strides = array<i32>} : memref<48x256xf32, #tpu.memory_space<vmem>>, vector<16xf32>,
      %bitcast3A_209 = vector.bitcast %get3A_208 : vector<16xf32> to vector<32xbf16>
      %mul3A_210 = arith.constant 3 : i32
      %mul3A_211 = arith.muli %mul3A_210, %scan3A_188 : i32
      %add3A_212 = arith.constant 1 : i32
      %add3A_213 = arith.addi %mul3A_211, %add3A_212 : i32
      %get3A_214 = arith.index_cast %add3A_213 : i32 to index
      %get3A_215 = arith.constant 0 : index
      %get3A_216 = tpu.vector_load %arg8[%get3A_214, %get3A_215] {strides = array<i32>} : memref<48x256xf32, #tpu.memory_space<vmem>>, vector<16xf32>,
      %bitcast3A_217 = vector.bitcast %get3A_216 : vector<16xf32> to vector<32xbf16>
      %mul3A_218 = arith.constant 3 : i32
      %mul3A_219 = arith.muli %mul3A_218, %scan3A_188 : i32
      %add3A_220 = arith.constant 2 : i32
      %add3A_221 = arith.addi %mul3A_219, %add3A_220 : i32
      %get3A_222 = arith.index_cast %add3A_221 : i32 to index
      %get3A_223 = arith.constant 0 : index
      %get3A_224 = tpu.vector_load %arg8[%get3A_222, %get3A_223] {strides = array<i32>} : memref<48x256xf32, #tpu.memory_space<vmem>>, vector<16xf32>,
      %bitcast3A_225 = vector.bitcast %get3A_224 : vector<16xf32> to vector<32xbf16>
      %mul3A_226 = arith.mulf %bitcast3A_209, %bitcast3A : vector<32xbf16>
      %mul3A_227 = arith.mulf %bitcast3A_217, %bitcast3A_198 : vector<32xbf16>
      %add3A_228 = arith.addf %mul3A_226, %mul3A_227 : vector<32xbf16>
      %mul3A_229 = arith.mulf %bitcast3A_225, %bitcast3A_203 : vector<32xbf16>
      %add3A_230 = arith.addf %add3A_228, %mul3A_229 : vector<32xbf16>
      %bitcast3A_231 = vector.bitcast %add3A_230 : vector<32xbf16> to vector<16xf32>
      %swap3A = arith.constant 0 : i32
      %swap3A_232 = arith.index_cast %swap3A : i32 to index
      %swap3A_233 = arith.index_cast %scan3A_188 : i32 to index
      %swap3A_234 = arith.constant 0 : index
      %swap3A_235 = tpu.vector_load %arg10[%swap3A_232, %swap3A_233, %swap3A_234] {strides = array<i32>} : memref<2x16x192xf32, #tpu.memory_space<vmem>>, vector<16xf32>,
      tpu.vector_store %arg10[%swap3A_232, %swap3A_233, %swap3A_234], %bitcast3A_231 {strides = array<i32>} : memref<2x16x192xf32, #tpu.memory_space<vmem>>, vector<16xf32>,
      %mul3A_236 = arith.constant 3 : i32
      %mul3A_237 = arith.muli %mul3A_236, %scan3A_188 : i32
      %get3A_238 = arith.index_cast %mul3A_237 : i32 to index
      %get3A_239 = arith.constant 16 : index
      %get3A_240 = tpu.vector_load %arg8[%get3A_238, %get3A_239] {strides = array<i32>} : memref<48x256xf32, #tpu.memory_space<vmem>>, vector<16xf32>,
      %bitcast3A_241 = vector.bitcast %get3A_240 : vector<16xf32> to vector<32xbf16>
      %mul3A_242 = arith.constant 3 : i32
      %mul3A_243 = arith.muli %mul3A_242, %scan3A_188 : i32
      %add3A_244 = arith.constant 1 : i32
      %add3A_245 = arith.addi %mul3A_243, %add3A_244 : i32
      %get3A_246 = arith.index_cast %add3A_245 : i32 to index
      %get3A_247 = arith.constant 16 : index
      %get3A_248 = tpu.vector_load %arg8[%get3A_246, %get3A_247] {strides = array<i32>} : memref<48x256xf32, #tpu.memory_space<vmem>>, vector<16xf32>,
      %bitcast3A_249 = vector.bitcast %get3A_248 : vector<16xf32> to vector<32xbf16>
      %mul3A_250 = arith.constant 3 : i32
      %mul3A_251 = arith.muli %mul3A_250, %scan3A_188 : i32
      %add3A_252 = arith.constant 2 : i32
      %add3A_253 = arith.addi %mul3A_251, %add3A_252 : i32
      %get3A_254 = arith.index_cast %add3A_253 : i32 to index
      %get3A_255 = arith.constant 16 : index
      %get3A_256 = tpu.vector_load %arg8[%get3A_254, %get3A_255] {strides = array<i32>} : memref<48x256xf32, #tpu.memory_space<vmem>>, vector<16xf32>,
      %bitcast3A_257 = vector.bitcast %get3A_256 : vector<16xf32> to vector<32xbf16>
      %mul3A_258 = arith.mulf %bitcast3A_241, %bitcast3A : vector<32xbf16>
      %mul3A_259 = arith.mulf %bitcast3A_249, %bitcast3A_198 : vector<32xbf16>
      %add3A_260 = arith.addf %mul3A_258, %mul3A_259 : vector<32xbf16>
      %mul3A_261 = arith.mulf %bitcast3A_257, %bitcast3A_203 : vector<32xbf16>
      %add3A_262 = arith.addf %add3A_260, %mul3A_261 : vector<32xbf16>
      %bitcast3A_263 = vector.bitcast %add3A_262 : vector<32xbf16> to vector<16xf32>
      %swap3A_264 = arith.constant 0 : i32
      %swap3A_265 = arith.index_cast %swap3A_264 : i32 to index
      %swap3A_266 = arith.index_cast %scan3A_188 : i32 to index
      %swap3A_267 = arith.constant 16 : index
      %swap3A_268 = tpu.vector_load %arg10[%swap3A_265, %swap3A_266, %swap3A_267] {strides = array<i32>} : memref<2x16x192xf32, #tpu.memory_space<vmem>>, vector<16xf32>,
      tpu.vector_store %arg10[%swap3A_265, %swap3A_266, %swap3A_267], %bitcast3A_263 {strides = array<i32>} : memref<2x16x192xf32, #tpu.memory_space<vmem>>, vector<16xf32>,
      %mul3A_269 = arith.constant 3 : i32
      %mul3A_270 = arith.muli %mul3A_269, %scan3A_188 : i32
      %get3A_271 = arith.index_cast %mul3A_270 : i32 to index
      %get3A_272 = arith.constant 32 : index
      %get3A_273 = tpu.vector_load %arg8[%get3A_271, %get3A_272] {strides = array<i32>} : memref<48x256xf32, #tpu.memory_space<vmem>>, vector<16xf32>,
      %bitcast3A_274 = vector.bitcast %get3A_273 : vector<16xf32> to vector<32xbf16>
      %mul3A_275 = arith.constant 3 : i32
      %mul3A_276 = arith.muli %mul3A_275, %scan3A_188 : i32
      %add3A_277 = arith.constant 1 : i32
      %add3A_278 = arith.addi %mul3A_276, %add3A_277 : i32
      %get3A_279 = arith.index_cast %add3A_278 : i32 to index
      %get3A_280 = arith.constant 32 : index
      %get3A_281 = tpu.vector_load %arg8[%get3A_279, %get3A_280] {strides = array<i32>} : memref<48x256xf32, #tpu.memory_space<vmem>>, vector<16xf32>,
      %bitcast3A_282 = vector.bitcast %get3A_281 : vector<16xf32> to vector<32xbf16>
      %mul3A_283 = arith.constant 3 : i32
      %mul3A_284 = arith.muli %mul3A_283, %scan3A_188 : i32
      %add3A_285 = arith.constant 2 : i32
      %add3A_286 = arith.addi %mul3A_284, %add3A_285 : i32
      %get3A_287 = arith.index_cast %add3A_286 : i32 to index
      %get3A_288 = arith.constant 32 : index
      %get3A_289 = tpu.vector_load %arg8[%get3A_287, %get3A_288] {strides = array<i32>} : memref<48x256xf32, #tpu.memory_space<vmem>>, vector<16xf32>,
      %bitcast3A_290 = vector.bitcast %get3A_289 : vector<16xf32> to vector<32xbf16>
      %mul3A_291 = arith.mulf %bitcast3A_274, %bitcast3A : vector<32xbf16>
      %mul3A_292 = arith.mulf %bitcast3A_282, %bitcast3A_198 : vector<32xbf16>
      %add3A_293 = arith.addf %mul3A_291, %mul3A_292 : vector<32xbf16>
      %mul3A_294 = arith.mulf %bitcast3A_290, %bitcast3A_203 : vector<32xbf16>
      %add3A_295 = arith.addf %add3A_293, %mul3A_294 : vector<32xbf16>
      %bitcast3A_296 = vector.bitcast %add3A_295 : vector<32xbf16> to vector<16xf32>
      %swap3A_297 = arith.constant 0 : i32
      %swap3A_298 = arith.index_cast %swap3A_297 : i32 to index
      %swap3A_299 = arith.index_cast %scan3A_188 : i32 to index
      %swap3A_300 = arith.constant 32 : index
      %swap3A_301 = tpu.vector_load %arg10[%swap3A_298, %swap3A_299, %swap3A_300] {strides = array<i32>} : memref<2x16x192xf32, #tpu.memory_space<vmem>>, vector<16xf32>,
      tpu.vector_store %arg10[%swap3A_298, %swap3A_299, %swap3A_300], %bitcast3A_296 {strides = array<i32>} : memref<2x16x192xf32, #tpu.memory_space<vmem>>, vector<16xf32>,
      %mul3A_302 = arith.constant 3 : i32
      %mul3A_303 = arith.muli %mul3A_302, %scan3A_188 : i32
      %get3A_304 = arith.index_cast %mul3A_303 : i32 to index
      %get3A_305 = arith.constant 48 : index
      %get3A_306 = tpu.vector_load %arg8[%get3A_304, %get3A_305] {strides = array<i32>} : memref<48x256xf32, #tpu.memory_space<vmem>>, vector<16xf32>,
      %bitcast3A_307 = vector.bitcast %get3A_306 : vector<16xf32> to vector<32xbf16>
      %mul3A_308 = arith.constant 3 : i32
      %mul3A_309 = arith.muli %mul3A_308, %scan3A_188 : i32
      %add3A_310 = arith.constant 1 : i32
      %add3A_311 = arith.addi %mul3A_309, %add3A_310 : i32
      %get3A_312 = arith.index_cast %add3A_311 : i32 to index
      %get3A_313 = arith.constant 48 : index
      %get3A_314 = tpu.vector_load %arg8[%get3A_312, %get3A_313] {strides = array<i32>} : memref<48x256xf32, #tpu.memory_space<vmem>>, vector<16xf32>,
      %bitcast3A_315 = vector.bitcast %get3A_314 : vector<16xf32> to vector<32xbf16>
      %mul3A_316 = arith.constant 3 : i32
      %mul3A_317 = arith.muli %mul3A_316, %scan3A_188 : i32
      %add3A_318 = arith.constant 2 : i32
      %add3A_319 = arith.addi %mul3A_317, %add3A_318 : i32
      %get3A_320 = arith.index_cast %add3A_319 : i32 to index
      %get3A_321 = arith.constant 48 : index
      %get3A_322 = tpu.vector_load %arg8[%get3A_320, %get3A_321] {strides = array<i32>} : memref<48x256xf32, #tpu.memory_space<vmem>>, vector<16xf32>,
      %bitcast3A_323 = vector.bitcast %get3A_322 : vector<16xf32> to vector<32xbf16>
      %mul3A_324 = arith.mulf %bitcast3A_307, %bitcast3A : vector<32xbf16>
      %mul3A_325 = arith.mulf %bitcast3A_315, %bitcast3A_198 : vector<32xbf16>
      %add3A_326 = arith.addf %mul3A_324, %mul3A_325 : vector<32xbf16>
      %mul3A_327 = arith.mulf %bitcast3A_323, %bitcast3A_203 : vector<32xbf16>
      %add3A_328 = arith.addf %add3A_326, %mul3A_327 : vector<32xbf16>
      %bitcast3A_329 = vector.bitcast %add3A_328 : vector<32xbf16> to vector<16xf32>
      %swap3A_330 = arith.constant 0 : i32
      %swap3A_331 = arith.index_cast %swap3A_330 : i32 to index
      %swap3A_332 = arith.index_cast %scan3A_188 : i32 to index
      %swap3A_333 = arith.constant 48 : index
      %swap3A_334 = tpu.vector_load %arg10[%swap3A_331, %swap3A_332, %swap3A_333] {strides = array<i32>} : memref<2x16x192xf32, #tpu.memory_space<vmem>>, vector<16xf32>,
      tpu.vector_store %arg10[%swap3A_331, %swap3A_332, %swap3A_333], %bitcast3A_329 {strides = array<i32>} : memref<2x16x192xf32, #tpu.memory_space<vmem>>, vector<16xf32>,
      %mul3A_335 = arith.constant 3 : i32
      %mul3A_336 = arith.muli %mul3A_335, %scan3A_188 : i32
      %get3A_337 = arith.index_cast %mul3A_336 : i32 to index
      %get3A_338 = arith.constant 64 : index
      %get3A_339 = tpu.vector_load %arg8[%get3A_337, %get3A_338] {strides = array<i32>} : memref<48x256xf32, #tpu.memory_space<vmem>>, vector<16xf32>,
      %bitcast3A_340 = vector.bitcast %get3A_339 : vector<16xf32> to vector<32xbf16>
      %mul3A_341 = arith.constant 3 : i32
      %mul3A_342 = arith.muli %mul3A_341, %scan3A_188 : i32
      %add3A_343 = arith.constant 1 : i32
      %add3A_344 = arith.addi %mul3A_342, %add3A_343 : i32
      %get3A_345 = arith.index_cast %add3A_344 : i32 to index
      %get3A_346 = arith.constant 64 : index
      %get3A_347 = tpu.vector_load %arg8[%get3A_345, %get3A_346] {strides = array<i32>} : memref<48x256xf32, #tpu.memory_space<vmem>>, vector<16xf32>,
      %bitcast3A_348 = vector.bitcast %get3A_347 : vector<16xf32> to vector<32xbf16>
      %mul3A_349 = arith.constant 3 : i32
      %mul3A_350 = arith.muli %mul3A_349, %scan3A_188 : i32
      %add3A_351 = arith.constant 2 : i32
      %add3A_352 = arith.addi %mul3A_350, %add3A_351 : i32
      %get3A_353 = arith.index_cast %add3A_352 : i32 to index
      %get3A_354 = arith.constant 64 : index
      %get3A_355 = tpu.vector_load %arg8[%get3A_353, %get3A_354] {strides = array<i32>} : memref<48x256xf32, #tpu.memory_space<vmem>>, vector<16xf32>,
      %bitcast3A_356 = vector.bitcast %get3A_355 : vector<16xf32> to vector<32xbf16>
      %mul3A_357 = arith.mulf %bitcast3A_340, %bitcast3A : vector<32xbf16>
      %mul3A_358 = arith.mulf %bitcast3A_348, %bitcast3A_198 : vector<32xbf16>
      %add3A_359 = arith.addf %mul3A_357, %mul3A_358 : vector<32xbf16>
      %mul3A_360 = arith.mulf %bitcast3A_356, %bitcast3A_203 : vector<32xbf16>
      %add3A_361 = arith.addf %add3A_359, %mul3A_360 : vector<32xbf16>
      %bitcast3A_362 = vector.bitcast %add3A_361 : vector<32xbf16> to vector<16xf32>
      %swap3A_363 = arith.constant 0 : i32
      %swap3A_364 = arith.index_cast %swap3A_363 : i32 to index
      %swap3A_365 = arith.index_cast %scan3A_188 : i32 to index
      %swap3A_366 = arith.constant 64 : index
      %swap3A_367 = tpu.vector_load %arg10[%swap3A_364, %swap3A_365, %swap3A_366] {strides = array<i32>} : memref<2x16x192xf32, #tpu.memory_space<vmem>>, vector<16xf32>,
      tpu.vector_store %arg10[%swap3A_364, %swap3A_365, %swap3A_366], %bitcast3A_362 {strides = array<i32>} : memref<2x16x192xf32, #tpu.memory_space<vmem>>, vector<16xf32>,
      %mul3A_368 = arith.constant 3 : i32
      %mul3A_369 = arith.muli %mul3A_368, %scan3A_188 : i32
      %get3A_370 = arith.index_cast %mul3A_369 : i32 to index
      %get3A_371 = arith.constant 80 : index
      %get3A_372 = tpu.vector_load %arg8[%get3A_370, %get3A_371] {strides = array<i32>} : memref<48x256xf32, #tpu.memory_space<vmem>>, vector<16xf32>,
      %bitcast3A_373 = vector.bitcast %get3A_372 : vector<16xf32> to vector<32xbf16>
      %mul3A_374 = arith.constant 3 : i32
      %mul3A_375 = arith.muli %mul3A_374, %scan3A_188 : i32
      %add3A_376 = arith.constant 1 : i32
      %add3A_377 = arith.addi %mul3A_375, %add3A_376 : i32
      %get3A_378 = arith.index_cast %add3A_377 : i32 to index
      %get3A_379 = arith.constant 80 : index
      %get3A_380 = tpu.vector_load %arg8[%get3A_378, %get3A_379] {strides = array<i32>} : memref<48x256xf32, #tpu.memory_space<vmem>>, vector<16xf32>,
      %bitcast3A_381 = vector.bitcast %get3A_380 : vector<16xf32> to vector<32xbf16>
      %mul3A_382 = arith.constant 3 : i32
      %mul3A_383 = arith.muli %mul3A_382, %scan3A_188 : i32
      %add3A_384 = arith.constant 2 : i32
      %add3A_385 = arith.addi %mul3A_383, %add3A_384 : i32
      %get3A_386 = arith.index_cast %add3A_385 : i32 to index
      %get3A_387 = arith.constant 80 : index
      %get3A_388 = tpu.vector_load %arg8[%get3A_386, %get3A_387] {strides = array<i32>} : memref<48x256xf32, #tpu.memory_space<vmem>>, vector<16xf32>,
      %bitcast3A_389 = vector.bitcast %get3A_388 : vector<16xf32> to vector<32xbf16>
      %mul3A_390 = arith.mulf %bitcast3A_373, %bitcast3A : vector<32xbf16>
      %mul3A_391 = arith.mulf %bitcast3A_381, %bitcast3A_198 : vector<32xbf16>
      %add3A_392 = arith.addf %mul3A_390, %mul3A_391 : vector<32xbf16>
      %mul3A_393 = arith.mulf %bitcast3A_389, %bitcast3A_203 : vector<32xbf16>
      %add3A_394 = arith.addf %add3A_392, %mul3A_393 : vector<32xbf16>
      %bitcast3A_395 = vector.bitcast %add3A_394 : vector<32xbf16> to vector<16xf32>
      %swap3A_396 = arith.constant 0 : i32
      %swap3A_397 = arith.index_cast %swap3A_396 : i32 to index
      %swap3A_398 = arith.index_cast %scan3A_188 : i32 to index
      %swap3A_399 = arith.constant 80 : index
      %swap3A_400 = tpu.vector_load %arg10[%swap3A_397, %swap3A_398, %swap3A_399] {strides = array<i32>} : memref<2x16x192xf32, #tpu.memory_space<vmem>>, vector<16xf32>,
      tpu.vector_store %arg10[%swap3A_397, %swap3A_398, %swap3A_399], %bitcast3A_395 {strides = array<i32>} : memref<2x16x192xf32, #tpu.memory_space<vmem>>, vector<16xf32>,
      %mul3A_401 = arith.constant 3 : i32
      %mul3A_402 = arith.muli %mul3A_401, %scan3A_188 : i32
      %get3A_403 = arith.index_cast %mul3A_402 : i32 to index
      %get3A_404 = arith.constant 96 : index
      %get3A_405 = tpu.vector_load %arg8[%get3A_403, %get3A_404] {strides = array<i32>} : memref<48x256xf32, #tpu.memory_space<vmem>>, vector<16xf32>,
      %bitcast3A_406 = vector.bitcast %get3A_405 : vector<16xf32> to vector<32xbf16>
      %mul3A_407 = arith.constant 3 : i32
      %mul3A_408 = arith.muli %mul3A_407, %scan3A_188 : i32
      %add3A_409 = arith.constant 1 : i32
      %add3A_410 = arith.addi %mul3A_408, %add3A_409 : i32
      %get3A_411 = arith.index_cast %add3A_410 : i32 to index
      %get3A_412 = arith.constant 96 : index
      %get3A_413 = tpu.vector_load %arg8[%get3A_411, %get3A_412] {strides = array<i32>} : memref<48x256xf32, #tpu.memory_space<vmem>>, vector<16xf32>,
      %bitcast3A_414 = vector.bitcast %get3A_413 : vector<16xf32> to vector<32xbf16>
      %mul3A_415 = arith.constant 3 : i32
      %mul3A_416 = arith.muli %mul3A_415, %scan3A_188 : i32
      %add3A_417 = arith.constant 2 : i32
      %add3A_418 = arith.addi %mul3A_416, %add3A_417 : i32
      %get3A_419 = arith.index_cast %add3A_418 : i32 to index
      %get3A_420 = arith.constant 96 : index
      %get3A_421 = tpu.vector_load %arg8[%get3A_419, %get3A_420] {strides = array<i32>} : memref<48x256xf32, #tpu.memory_space<vmem>>, vector<16xf32>,
      %bitcast3A_422 = vector.bitcast %get3A_421 : vector<16xf32> to vector<32xbf16>
      %mul3A_423 = arith.mulf %bitcast3A_406, %bitcast3A : vector<32xbf16>
      %mul3A_424 = arith.mulf %bitcast3A_414, %bitcast3A_198 : vector<32xbf16>
      %add3A_425 = arith.addf %mul3A_423, %mul3A_424 : vector<32xbf16>
      %mul3A_426 = arith.mulf %bitcast3A_422, %bitcast3A_203 : vector<32xbf16>
      %add3A_427 = arith.addf %add3A_425, %mul3A_426 : vector<32xbf16>
      %bitcast3A_428 = vector.bitcast %add3A_427 : vector<32xbf16> to vector<16xf32>
      %swap3A_429 = arith.constant 0 : i32
      %swap3A_430 = arith.index_cast %swap3A_429 : i32 to index
      %swap3A_431 = arith.index_cast %scan3A_188 : i32 to index
      %swap3A_432 = arith.constant 96 : index
      %swap3A_433 = tpu.vector_load %arg10[%swap3A_430, %swap3A_431, %swap3A_432] {strides = array<i32>} : memref<2x16x192xf32, #tpu.memory_space<vmem>>, vector<16xf32>,
      tpu.vector_store %arg10[%swap3A_430, %swap3A_431, %swap3A_432], %bitcast3A_428 {strides = array<i32>} : memref<2x16x192xf32, #tpu.memory_space<vmem>>, vector<16xf32>,
      %mul3A_434 = arith.constant 3 : i32
      %mul3A_435 = arith.muli %mul3A_434, %scan3A_188 : i32
      %get3A_436 = arith.index_cast %mul3A_435 : i32 to index
      %get3A_437 = arith.constant 112 : index
      %get3A_438 = tpu.vector_load %arg8[%get3A_436, %get3A_437] {strides = array<i32>} : memref<48x256xf32, #tpu.memory_space<vmem>>, vector<16xf32>,
      %bitcast3A_439 = vector.bitcast %get3A_438 : vector<16xf32> to vector<32xbf16>
      %mul3A_440 = arith.constant 3 : i32
      %mul3A_441 = arith.muli %mul3A_440, %scan3A_188 : i32
      %add3A_442 = arith.constant 1 : i32
      %add3A_443 = arith.addi %mul3A_441, %add3A_442 : i32
      %get3A_444 = arith.index_cast %add3A_443 : i32 to index
      %get3A_445 = arith.constant 112 : index
      %get3A_446 = tpu.vector_load %arg8[%get3A_444, %get3A_445] {strides = array<i32>} : memref<48x256xf32, #tpu.memory_space<vmem>>, vector<16xf32>,
      %bitcast3A_447 = vector.bitcast %get3A_446 : vector<16xf32> to vector<32xbf16>
      %mul3A_448 = arith.constant 3 : i32
      %mul3A_449 = arith.muli %mul3A_448, %scan3A_188 : i32
      %add3A_450 = arith.constant 2 : i32
      %add3A_451 = arith.addi %mul3A_449, %add3A_450 : i32
      %get3A_452 = arith.index_cast %add3A_451 : i32 to index
      %get3A_453 = arith.constant 112 : index
      %get3A_454 = tpu.vector_load %arg8[%get3A_452, %get3A_453] {strides = array<i32>} : memref<48x256xf32, #tpu.memory_space<vmem>>, vector<16xf32>,
      %bitcast3A_455 = vector.bitcast %get3A_454 : vector<16xf32> to vector<32xbf16>
      %mul3A_456 = arith.mulf %bitcast3A_439, %bitcast3A : vector<32xbf16>
      %mul3A_457 = arith.mulf %bitcast3A_447, %bitcast3A_198 : vector<32xbf16>
      %add3A_458 = arith.addf %mul3A_456, %mul3A_457 : vector<32xbf16>
      %mul3A_459 = arith.mulf %bitcast3A_455, %bitcast3A_203 : vector<32xbf16>
      %add3A_460 = arith.addf %add3A_458, %mul3A_459 : vector<32xbf16>
      %bitcast3A_461 = vector.bitcast %add3A_460 : vector<32xbf16> to vector<16xf32>
      %swap3A_462 = arith.constant 0 : i32
      %swap3A_463 = arith.index_cast %swap3A_462 : i32 to index
      %swap3A_464 = arith.index_cast %scan3A_188 : i32 to index
      %swap3A_465 = arith.constant 112 : index
      %swap3A_466 = tpu.vector_load %arg10[%swap3A_463, %swap3A_464, %swap3A_465] {strides = array<i32>} : memref<2x16x192xf32, #tpu.memory_space<vmem>>, vector<16xf32>,
      tpu.vector_store %arg10[%swap3A_463, %swap3A_464, %swap3A_465], %bitcast3A_461 {strides = array<i32>} : memref<2x16x192xf32, #tpu.memory_space<vmem>>, vector<16xf32>,
      %mul3A_467 = arith.constant 3 : i32
      %mul3A_468 = arith.muli %mul3A_467, %scan3A_188 : i32
      %get3A_469 = arith.index_cast %mul3A_468 : i32 to index
      %get3A_470 = arith.constant 128 : index
      %get3A_471 = tpu.vector_load %arg8[%get3A_469, %get3A_470] {strides = array<i32>} : memref<48x256xf32, #tpu.memory_space<vmem>>, vector<16xf32>,
      %bitcast3A_472 = vector.bitcast %get3A_471 : vector<16xf32> to vector<32xbf16>
      %mul3A_473 = arith.constant 3 : i32
      %mul3A_474 = arith.muli %mul3A_473, %scan3A_188 : i32
      %add3A_475 = arith.constant 1 : i32
      %add3A_476 = arith.addi %mul3A_474, %add3A_475 : i32
      %get3A_477 = arith.index_cast %add3A_476 : i32 to index
      %get3A_478 = arith.constant 128 : index
      %get3A_479 = tpu.vector_load %arg8[%get3A_477, %get3A_478] {strides = array<i32>} : memref<48x256xf32, #tpu.memory_space<vmem>>, vector<16xf32>,
      %bitcast3A_480 = vector.bitcast %get3A_479 : vector<16xf32> to vector<32xbf16>
      %mul3A_481 = arith.constant 3 : i32
      %mul3A_482 = arith.muli %mul3A_481, %scan3A_188 : i32
      %add3A_483 = arith.constant 2 : i32
      %add3A_484 = arith.addi %mul3A_482, %add3A_483 : i32
      %get3A_485 = arith.index_cast %add3A_484 : i32 to index
      %get3A_486 = arith.constant 128 : index
      %get3A_487 = tpu.vector_load %arg8[%get3A_485, %get3A_486] {strides = array<i32>} : memref<48x256xf32, #tpu.memory_space<vmem>>, vector<16xf32>,
      %bitcast3A_488 = vector.bitcast %get3A_487 : vector<16xf32> to vector<32xbf16>
      %mul3A_489 = arith.mulf %bitcast3A_472, %bitcast3A : vector<32xbf16>
      %mul3A_490 = arith.mulf %bitcast3A_480, %bitcast3A_198 : vector<32xbf16>
      %add3A_491 = arith.addf %mul3A_489, %mul3A_490 : vector<32xbf16>
      %mul3A_492 = arith.mulf %bitcast3A_488, %bitcast3A_203 : vector<32xbf16>
      %add3A_493 = arith.addf %add3A_491, %mul3A_492 : vector<32xbf16>
      %bitcast3A_494 = vector.bitcast %add3A_493 : vector<32xbf16> to vector<16xf32>
      %swap3A_495 = arith.constant 0 : i32
      %swap3A_496 = arith.index_cast %swap3A_495 : i32 to index
      %swap3A_497 = arith.index_cast %scan3A_188 : i32 to index
      %swap3A_498 = arith.constant 128 : index
      %swap3A_499 = tpu.vector_load %arg10[%swap3A_496, %swap3A_497, %swap3A_498] {strides = array<i32>} : memref<2x16x192xf32, #tpu.memory_space<vmem>>, vector<16xf32>,
      tpu.vector_store %arg10[%swap3A_496, %swap3A_497, %swap3A_498], %bitcast3A_494 {strides = array<i32>} : memref<2x16x192xf32, #tpu.memory_space<vmem>>, vector<16xf32>,
      %mul3A_500 = arith.constant 3 : i32
      %mul3A_501 = arith.muli %mul3A_500, %scan3A_188 : i32
      %get3A_502 = arith.index_cast %mul3A_501 : i32 to index
      %get3A_503 = arith.constant 144 : index
      %get3A_504 = tpu.vector_load %arg8[%get3A_502, %get3A_503] {strides = array<i32>} : memref<48x256xf32, #tpu.memory_space<vmem>>, vector<16xf32>,
      %bitcast3A_505 = vector.bitcast %get3A_504 : vector<16xf32> to vector<32xbf16>
      %mul3A_506 = arith.constant 3 : i32
      %mul3A_507 = arith.muli %mul3A_506, %scan3A_188 : i32
      %add3A_508 = arith.constant 1 : i32
      %add3A_509 = arith.addi %mul3A_507, %add3A_508 : i32
      %get3A_510 = arith.index_cast %add3A_509 : i32 to index
      %get3A_511 = arith.constant 144 : index
      %get3A_512 = tpu.vector_load %arg8[%get3A_510, %get3A_511] {strides = array<i32>} : memref<48x256xf32, #tpu.memory_space<vmem>>, vector<16xf32>,
      %bitcast3A_513 = vector.bitcast %get3A_512 : vector<16xf32> to vector<32xbf16>
      %mul3A_514 = arith.constant 3 : i32
      %mul3A_515 = arith.muli %mul3A_514, %scan3A_188 : i32
      %add3A_516 = arith.constant 2 : i32
      %add3A_517 = arith.addi %mul3A_515, %add3A_516 : i32
      %get3A_518 = arith.index_cast %add3A_517 : i32 to index
      %get3A_519 = arith.constant 144 : index
      %get3A_520 = tpu.vector_load %arg8[%get3A_518, %get3A_519] {strides = array<i32>} : memref<48x256xf32, #tpu.memory_space<vmem>>, vector<16xf32>,
      %bitcast3A_521 = vector.bitcast %get3A_520 : vector<16xf32> to vector<32xbf16>
      %mul3A_522 = arith.mulf %bitcast3A_505, %bitcast3A : vector<32xbf16>
      %mul3A_523 = arith.mulf %bitcast3A_513, %bitcast3A_198 : vector<32xbf16>
      %add3A_524 = arith.addf %mul3A_522, %mul3A_523 : vector<32xbf16>
      %mul3A_525 = arith.mulf %bitcast3A_521, %bitcast3A_203 : vector<32xbf16>
      %add3A_526 = arith.addf %add3A_524, %mul3A_525 : vector<32xbf16>
      %bitcast3A_527 = vector.bitcast %add3A_526 : vector<32xbf16> to vector<16xf32>
      %swap3A_528 = arith.constant 0 : i32
      %swap3A_529 = arith.index_cast %swap3A_528 : i32 to index
      %swap3A_530 = arith.index_cast %scan3A_188 : i32 to index
      %swap3A_531 = arith.constant 144 : index
      %swap3A_532 = tpu.vector_load %arg10[%swap3A_529, %swap3A_530, %swap3A_531] {strides = array<i32>} : memref<2x16x192xf32, #tpu.memory_space<vmem>>, vector<16xf32>,
      tpu.vector_store %arg10[%swap3A_529, %swap3A_530, %swap3A_531], %bitcast3A_527 {strides = array<i32>} : memref<2x16x192xf32, #tpu.memory_space<vmem>>, vector<16xf32>,
      %mul3A_533 = arith.constant 3 : i32
      %mul3A_534 = arith.muli %mul3A_533, %scan3A_188 : i32
      %get3A_535 = arith.index_cast %mul3A_534 : i32 to index
      %get3A_536 = arith.constant 160 : index
      %get3A_537 = tpu.vector_load %arg8[%get3A_535, %get3A_536] {strides = array<i32>} : memref<48x256xf32, #tpu.memory_space<vmem>>, vector<16xf32>,
      %bitcast3A_538 = vector.bitcast %get3A_537 : vector<16xf32> to vector<32xbf16>
      %mul3A_539 = arith.constant 3 : i32
      %mul3A_540 = arith.muli %mul3A_539, %scan3A_188 : i32
      %add3A_541 = arith.constant 1 : i32
      %add3A_542 = arith.addi %mul3A_540, %add3A_541 : i32
      %get3A_543 = arith.index_cast %add3A_542 : i32 to index
      %get3A_544 = arith.constant 160 : index
      %get3A_545 = tpu.vector_load %arg8[%get3A_543, %get3A_544] {strides = array<i32>} : memref<48x256xf32, #tpu.memory_space<vmem>>, vector<16xf32>,
      %bitcast3A_546 = vector.bitcast %get3A_545 : vector<16xf32> to vector<32xbf16>
      %mul3A_547 = arith.constant 3 : i32
      %mul3A_548 = arith.muli %mul3A_547, %scan3A_188 : i32
      %add3A_549 = arith.constant 2 : i32
      %add3A_550 = arith.addi %mul3A_548, %add3A_549 : i32
      %get3A_551 = arith.index_cast %add3A_550 : i32 to index
      %get3A_552 = arith.constant 160 : index
      %get3A_553 = tpu.vector_load %arg8[%get3A_551, %get3A_552] {strides = array<i32>} : memref<48x256xf32, #tpu.memory_space<vmem>>, vector<16xf32>,
      %bitcast3A_554 = vector.bitcast %get3A_553 : vector<16xf32> to vector<32xbf16>
      %mul3A_555 = arith.mulf %bitcast3A_538, %bitcast3A : vector<32xbf16>
      %mul3A_556 = arith.mulf %bitcast3A_546, %bitcast3A_198 : vector<32xbf16>
      %add3A_557 = arith.addf %mul3A_555, %mul3A_556 : vector<32xbf16>
      %mul3A_558 = arith.mulf %bitcast3A_554, %bitcast3A_203 : vector<32xbf16>
      %add3A_559 = arith.addf %add3A_557, %mul3A_558 : vector<32xbf16>
      %bitcast3A_560 = vector.bitcast %add3A_559 : vector<32xbf16> to vector<16xf32>
      %swap3A_561 = arith.constant 0 : i32
      %swap3A_562 = arith.index_cast %swap3A_561 : i32 to index
      %swap3A_563 = arith.index_cast %scan3A_188 : i32 to index
      %swap3A_564 = arith.constant 160 : index
      %swap3A_565 = tpu.vector_load %arg10[%swap3A_562, %swap3A_563, %swap3A_564] {strides = array<i32>} : memref<2x16x192xf32, #tpu.memory_space<vmem>>, vector<16xf32>,
      tpu.vector_store %arg10[%swap3A_562, %swap3A_563, %swap3A_564], %bitcast3A_560 {strides = array<i32>} : memref<2x16x192xf32, #tpu.memory_space<vmem>>, vector<16xf32>,
      %mul3A_566 = arith.constant 3 : i32
      %mul3A_567 = arith.muli %mul3A_566, %scan3A_188 : i32
      %get3A_568 = arith.index_cast %mul3A_567 : i32 to index
      %get3A_569 = arith.constant 176 : index
      %get3A_570 = tpu.vector_load %arg8[%get3A_568, %get3A_569] {strides = array<i32>} : memref<48x256xf32, #tpu.memory_space<vmem>>, vector<16xf32>,
      %bitcast3A_571 = vector.bitcast %get3A_570 : vector<16xf32> to vector<32xbf16>
      %mul3A_572 = arith.constant 3 : i32
      %mul3A_573 = arith.muli %mul3A_572, %scan3A_188 : i32
      %add3A_574 = arith.constant 1 : i32
      %add3A_575 = arith.addi %mul3A_573, %add3A_574 : i32
      %get3A_576 = arith.index_cast %add3A_575 : i32 to index
      %get3A_577 = arith.constant 176 : index
      %get3A_578 = tpu.vector_load %arg8[%get3A_576, %get3A_577] {strides = array<i32>} : memref<48x256xf32, #tpu.memory_space<vmem>>, vector<16xf32>,
      %bitcast3A_579 = vector.bitcast %get3A_578 : vector<16xf32> to vector<32xbf16>
      %mul3A_580 = arith.constant 3 : i32
      %mul3A_581 = arith.muli %mul3A_580, %scan3A_188 : i32
      %add3A_582 = arith.constant 2 : i32
      %add3A_583 = arith.addi %mul3A_581, %add3A_582 : i32
      %get3A_584 = arith.index_cast %add3A_583 : i32 to index
      %get3A_585 = arith.constant 176 : index
      %get3A_586 = tpu.vector_load %arg8[%get3A_584, %get3A_585] {strides = array<i32>} : memref<48x256xf32, #tpu.memory_space<vmem>>, vector<16xf32>,
      %bitcast3A_587 = vector.bitcast %get3A_586 : vector<16xf32> to vector<32xbf16>
      %mul3A_588 = arith.mulf %bitcast3A_571, %bitcast3A : vector<32xbf16>
      %mul3A_589 = arith.mulf %bitcast3A_579, %bitcast3A_198 : vector<32xbf16>
      %add3A_590 = arith.addf %mul3A_588, %mul3A_589 : vector<32xbf16>
      %mul3A_591 = arith.mulf %bitcast3A_587, %bitcast3A_203 : vector<32xbf16>
      %add3A_592 = arith.addf %add3A_590, %mul3A_591 : vector<32xbf16>
      %bitcast3A_593 = vector.bitcast %add3A_592 : vector<32xbf16> to vector<16xf32>
      %swap3A_594 = arith.constant 0 : i32
      %swap3A_595 = arith.index_cast %swap3A_594 : i32 to index
      %swap3A_596 = arith.index_cast %scan3A_188 : i32 to index
      %swap3A_597 = arith.constant 176 : index
      %swap3A_598 = tpu.vector_load %arg10[%swap3A_595, %swap3A_596, %swap3A_597] {strides = array<i32>} : memref<2x16x192xf32, #tpu.memory_space<vmem>>, vector<16xf32>,
      tpu.vector_store %arg10[%swap3A_595, %swap3A_596, %swap3A_597], %bitcast3A_593 {strides = array<i32>} : memref<2x16x192xf32, #tpu.memory_space<vmem>>, vector<16xf32>,
    }
    %scan3A_107 = arith.constant 16 : i32
    %add3A_108 = arith.constant 480 : i32
    %add3A_109 = arith.addi %mul3A_2, %add3A_108 : i32
    %dma_start3A_110 = arith.constant 0 : i32
    %dma_start3A_111 = arith.constant 0 : i32
    %dma_start3A_112 = arith.constant 0 : i32
    %dma_start3A_113 = tpu.memref_slice %arg10[%dma_start3A_110, %dma_start3A_111, %dma_start3A_112] : memref<2x16x192xf32, #tpu.memory_space<vmem>> -> memref<1x16x192xf32, #tpu.memory_space<vmem>>
    %dma_start3A_114 = tpu.memref_squeeze %dma_start3A_113 : memref<1x16x192xf32, #tpu.memory_space<vmem>> -> memref<16x192xf32, #tpu.memory_space<vmem>>
    %dma_start3A_115 = arith.constant 0 : i32
    %dma_start3A_116 = tpu.memref_slice %arg5[%add3A_109, %dma_start3A_115] : memref<16384x192xf32, #tpu.memory_space<hbm>> -> memref<16x192xf32, #tpu.memory_space<hbm>>
    %dma_start3A_117 = arith.constant 0 : i32
    %dma_start3A_118 = tpu.memref_slice %arg5[%add3A_109, %dma_start3A_117] : memref<16384x192xf32, #tpu.memory_space<hbm>> -> memref<16x192xf32, #tpu.memory_space<hbm>>
    %dma_start3A_119 = arith.constant 0 : i32
    %dma_start3A_120 = arith.constant 0 : i32
    %dma_start3A_121 = tpu.memref_slice %arg10[%dma_start3A_110, %dma_start3A_119, %dma_start3A_120] : memref<2x16x192xf32, #tpu.memory_space<vmem>> -> memref<1x16x192xf32, #tpu.memory_space<vmem>>
    %dma_start3A_122 = tpu.memref_squeeze %dma_start3A_121 : memref<1x16x192xf32, #tpu.memory_space<vmem>> -> memref<16x192xf32, #tpu.memory_space<vmem>>
    tpu.enqueue_dma source(%dma_start3A_122 : memref<16x192xf32, #tpu.memory_space<vmem>>) target(%dma_start3A_118 : memref<16x192xf32, #tpu.memory_space<hbm>>) target_semaphore(%arg13 : memref<!tpu.dma_semaphore, #tpu.memory_space<semaphore_mem>>)
    %dma_wait3A_123 = arith.constant 0 : i32
    %dma_wait3A_124 = tpu.memref_slice %arg6[%dma_wait3A_123] : memref<1536xi32, #tpu.memory_space<vmem>> -> memref<48xi32, #tpu.memory_space<vmem>>
    %dma_wait3A_125 = arith.constant 0 : i32
    %dma_wait3A_126 = arith.constant 0 : i32
    %dma_wait3A_127 = tpu.memref_slice %arg2[%dma_wait3A_125, %dma_wait3A_126] : memref<8192x256xf32, #tpu.memory_space<hbm>> -> memref<8192x256xf32, #tpu.memory_space<hbm>>
    tpu.wait_indirect_dma semaphore(%arg12 : memref<!tpu.dma_semaphore, #tpu.memory_space<semaphore_mem>>) src(%dma_wait3A_127 : memref<8192x256xf32, #tpu.memory_space<hbm>>) dst(%arg9 : memref<48x256xf32, #tpu.memory_space<vmem>>)
    %dma_wait3A_128 = arith.constant 1 : i32
    %dma_wait3A_129 = arith.constant 0 : i32
    %dma_wait3A_130 = arith.constant 0 : i32
    %dma_wait3A_131 = tpu.memref_slice %arg10[%dma_wait3A_128, %dma_wait3A_129, %dma_wait3A_130] : memref<2x16x192xf32, #tpu.memory_space<vmem>> -> memref<1x16x192xf32, #tpu.memory_space<vmem>>
    %dma_wait3A_132 = tpu.memref_squeeze %dma_wait3A_131 : memref<1x16x192xf32, #tpu.memory_space<vmem>> -> memref<16x192xf32, #tpu.memory_space<vmem>>
    %dma_wait3A_133 = arith.constant 0 : i32
    %dma_wait3A_134 = tpu.memref_slice %arg5[%mul3A_2, %dma_wait3A_133] : memref<16384x192xf32, #tpu.memory_space<hbm>> -> memref<16x192xf32, #tpu.memory_space<hbm>>
    %dma_wait3A_135 = arith.constant 0 : i32
    %dma_wait3A_136 = tpu.memref_slice %arg5[%mul3A_2, %dma_wait3A_135] : memref<16384x192xf32, #tpu.memory_space<hbm>> -> memref<16x192xf32, #tpu.memory_space<hbm>>
    %dma_wait3A_137 = arith.constant 0 : i32
    %dma_wait3A_138 = arith.constant 0 : i32
    %dma_wait3A_139 = tpu.memref_slice %arg10[%dma_wait3A_128, %dma_wait3A_137, %dma_wait3A_138] : memref<2x16x192xf32, #tpu.memory_space<vmem>> -> memref<1x16x192xf32, #tpu.memory_space<vmem>>
    %dma_wait3A_140 = tpu.memref_squeeze %dma_wait3A_139 : memref<1x16x192xf32, #tpu.memory_space<vmem>> -> memref<16x192xf32, #tpu.memory_space<vmem>>
    tpu.wait_dma2 semaphore(%arg14 : memref<!tpu.dma_semaphore, #tpu.memory_space<semaphore_mem>>) src(%dma_wait3A_140 : memref<16x192xf32, #tpu.memory_space<vmem>>) dst(%dma_wait3A_136 : memref<16x192xf32, #tpu.memory_space<hbm>>)
    %scan3A_141 = arith.constant 0 : i32
    %scan3A_142 = arith.constant 0 : i32
    %scan3A_143 = arith.constant 16 : i32
    %scan3A_144 = arith.addi %scan3A_142, %scan3A_143 : i32
    %scan3A_145 = arith.constant 1 : i32
    scf.for %scan3A_188 = %scan3A_142 to %scan3A_144 step %scan3A_145  : i32 {
      %mul3A_189 = arith.constant 48 : i32
      %mul3A_190 = arith.muli %scan3A_188, %mul3A_189 : i32
      %add3A_191 = arith.constant 23808 : i32
      %add3A_192 = arith.addi %add3A_191, %mul3A_190 : i32
      %get3A = arith.index_cast %add3A_192 : i32 to index
      %get3A_193 = tpu.vector_load %arg7[%get3A] {strides = array<i32>} : memref<24576xf32, #tpu.memory_space<vmem>>, vector<16xf32>,
      %bitcast3A = vector.bitcast %get3A_193 : vector<16xf32> to vector<32xbf16>
      %add3A_194 = arith.constant 16 : i32
      %add3A_195 = arith.addi %add3A_192, %add3A_194 : i32
      %get3A_196 = arith.index_cast %add3A_195 : i32 to index
      %get3A_197 = tpu.vector_load %arg7[%get3A_196] {strides = array<i32>} : memref<24576xf32, #tpu.memory_space<vmem>>, vector<16xf32>,
      %bitcast3A_198 = vector.bitcast %get3A_197 : vector<16xf32> to vector<32xbf16>
      %add3A_199 = arith.constant 32 : i32
      %add3A_200 = arith.addi %add3A_192, %add3A_199 : i32
      %get3A_201 = arith.index_cast %add3A_200 : i32 to index
      %get3A_202 = tpu.vector_load %arg7[%get3A_201] {strides = array<i32>} : memref<24576xf32, #tpu.memory_space<vmem>>, vector<16xf32>,
      %bitcast3A_203 = vector.bitcast %get3A_202 : vector<16xf32> to vector<32xbf16>
      %mul3A_204 = arith.constant 3 : i32
      %mul3A_205 = arith.muli %mul3A_204, %scan3A_188 : i32
      %get3A_206 = arith.index_cast %mul3A_205 : i32 to index
      %get3A_207 = arith.constant 0 : index
      %get3A_208 = tpu.vector_load %arg9[%get3A_206, %get3A_207] {strides = array<i32>} : memref<48x256xf32, #tpu.memory_space<vmem>>, vector<16xf32>,
      %bitcast3A_209 = vector.bitcast %get3A_208 : vector<16xf32> to vector<32xbf16>
      %mul3A_210 = arith.constant 3 : i32
      %mul3A_211 = arith.muli %mul3A_210, %scan3A_188 : i32
      %add3A_212 = arith.constant 1 : i32
      %add3A_213 = arith.addi %mul3A_211, %add3A_212 : i32
      %get3A_214 = arith.index_cast %add3A_213 : i32 to index
      %get3A_215 = arith.constant 0 : index
      %get3A_216 = tpu.vector_load %arg9[%get3A_214, %get3A_215] {strides = array<i32>} : memref<48x256xf32, #tpu.memory_space<vmem>>, vector<16xf32>,
      %bitcast3A_217 = vector.bitcast %get3A_216 : vector<16xf32> to vector<32xbf16>
      %mul3A_218 = arith.constant 3 : i32
      %mul3A_219 = arith.muli %mul3A_218, %scan3A_188 : i32
      %add3A_220 = arith.constant 2 : i32
      %add3A_221 = arith.addi %mul3A_219, %add3A_220 : i32
      %get3A_222 = arith.index_cast %add3A_221 : i32 to index
      %get3A_223 = arith.constant 0 : index
      %get3A_224 = tpu.vector_load %arg9[%get3A_222, %get3A_223] {strides = array<i32>} : memref<48x256xf32, #tpu.memory_space<vmem>>, vector<16xf32>,
      %bitcast3A_225 = vector.bitcast %get3A_224 : vector<16xf32> to vector<32xbf16>
      %mul3A_226 = arith.mulf %bitcast3A_209, %bitcast3A : vector<32xbf16>
      %mul3A_227 = arith.mulf %bitcast3A_217, %bitcast3A_198 : vector<32xbf16>
      %add3A_228 = arith.addf %mul3A_226, %mul3A_227 : vector<32xbf16>
      %mul3A_229 = arith.mulf %bitcast3A_225, %bitcast3A_203 : vector<32xbf16>
      %add3A_230 = arith.addf %add3A_228, %mul3A_229 : vector<32xbf16>
      %bitcast3A_231 = vector.bitcast %add3A_230 : vector<32xbf16> to vector<16xf32>
      %swap3A = arith.constant 1 : i32
      %swap3A_232 = arith.index_cast %swap3A : i32 to index
      %swap3A_233 = arith.index_cast %scan3A_188 : i32 to index
      %swap3A_234 = arith.constant 0 : index
      %swap3A_235 = tpu.vector_load %arg10[%swap3A_232, %swap3A_233, %swap3A_234] {strides = array<i32>} : memref<2x16x192xf32, #tpu.memory_space<vmem>>, vector<16xf32>,
      tpu.vector_store %arg10[%swap3A_232, %swap3A_233, %swap3A_234], %bitcast3A_231 {strides = array<i32>} : memref<2x16x192xf32, #tpu.memory_space<vmem>>, vector<16xf32>,
      %mul3A_236 = arith.constant 3 : i32
      %mul3A_237 = arith.muli %mul3A_236, %scan3A_188 : i32
      %get3A_238 = arith.index_cast %mul3A_237 : i32 to index
      %get3A_239 = arith.constant 16 : index
      %get3A_240 = tpu.vector_load %arg9[%get3A_238, %get3A_239] {strides = array<i32>} : memref<48x256xf32, #tpu.memory_space<vmem>>, vector<16xf32>,
      %bitcast3A_241 = vector.bitcast %get3A_240 : vector<16xf32> to vector<32xbf16>
      %mul3A_242 = arith.constant 3 : i32
      %mul3A_243 = arith.muli %mul3A_242, %scan3A_188 : i32
      %add3A_244 = arith.constant 1 : i32
      %add3A_245 = arith.addi %mul3A_243, %add3A_244 : i32
      %get3A_246 = arith.index_cast %add3A_245 : i32 to index
      %get3A_247 = arith.constant 16 : index
      %get3A_248 = tpu.vector_load %arg9[%get3A_246, %get3A_247] {strides = array<i32>} : memref<48x256xf32, #tpu.memory_space<vmem>>, vector<16xf32>,
      %bitcast3A_249 = vector.bitcast %get3A_248 : vector<16xf32> to vector<32xbf16>
      %mul3A_250 = arith.constant 3 : i32
      %mul3A_251 = arith.muli %mul3A_250, %scan3A_188 : i32
      %add3A_252 = arith.constant 2 : i32
      %add3A_253 = arith.addi %mul3A_251, %add3A_252 : i32
      %get3A_254 = arith.index_cast %add3A_253 : i32 to index
      %get3A_255 = arith.constant 16 : index
      %get3A_256 = tpu.vector_load %arg9[%get3A_254, %get3A_255] {strides = array<i32>} : memref<48x256xf32, #tpu.memory_space<vmem>>, vector<16xf32>,
      %bitcast3A_257 = vector.bitcast %get3A_256 : vector<16xf32> to vector<32xbf16>
      %mul3A_258 = arith.mulf %bitcast3A_241, %bitcast3A : vector<32xbf16>
      %mul3A_259 = arith.mulf %bitcast3A_249, %bitcast3A_198 : vector<32xbf16>
      %add3A_260 = arith.addf %mul3A_258, %mul3A_259 : vector<32xbf16>
      %mul3A_261 = arith.mulf %bitcast3A_257, %bitcast3A_203 : vector<32xbf16>
      %add3A_262 = arith.addf %add3A_260, %mul3A_261 : vector<32xbf16>
      %bitcast3A_263 = vector.bitcast %add3A_262 : vector<32xbf16> to vector<16xf32>
      %swap3A_264 = arith.constant 1 : i32
      %swap3A_265 = arith.index_cast %swap3A_264 : i32 to index
      %swap3A_266 = arith.index_cast %scan3A_188 : i32 to index
      %swap3A_267 = arith.constant 16 : index
      %swap3A_268 = tpu.vector_load %arg10[%swap3A_265, %swap3A_266, %swap3A_267] {strides = array<i32>} : memref<2x16x192xf32, #tpu.memory_space<vmem>>, vector<16xf32>,
      tpu.vector_store %arg10[%swap3A_265, %swap3A_266, %swap3A_267], %bitcast3A_263 {strides = array<i32>} : memref<2x16x192xf32, #tpu.memory_space<vmem>>, vector<16xf32>,
      %mul3A_269 = arith.constant 3 : i32
      %mul3A_270 = arith.muli %mul3A_269, %scan3A_188 : i32
      %get3A_271 = arith.index_cast %mul3A_270 : i32 to index
      %get3A_272 = arith.constant 32 : index
      %get3A_273 = tpu.vector_load %arg9[%get3A_271, %get3A_272] {strides = array<i32>} : memref<48x256xf32, #tpu.memory_space<vmem>>, vector<16xf32>,
      %bitcast3A_274 = vector.bitcast %get3A_273 : vector<16xf32> to vector<32xbf16>
      %mul3A_275 = arith.constant 3 : i32
      %mul3A_276 = arith.muli %mul3A_275, %scan3A_188 : i32
      %add3A_277 = arith.constant 1 : i32
      %add3A_278 = arith.addi %mul3A_276, %add3A_277 : i32
      %get3A_279 = arith.index_cast %add3A_278 : i32 to index
      %get3A_280 = arith.constant 32 : index
      %get3A_281 = tpu.vector_load %arg9[%get3A_279, %get3A_280] {strides = array<i32>} : memref<48x256xf32, #tpu.memory_space<vmem>>, vector<16xf32>,
      %bitcast3A_282 = vector.bitcast %get3A_281 : vector<16xf32> to vector<32xbf16>
      %mul3A_283 = arith.constant 3 : i32
      %mul3A_284 = arith.muli %mul3A_283, %scan3A_188 : i32
      %add3A_285 = arith.constant 2 : i32
      %add3A_286 = arith.addi %mul3A_284, %add3A_285 : i32
      %get3A_287 = arith.index_cast %add3A_286 : i32 to index
      %get3A_288 = arith.constant 32 : index
      %get3A_289 = tpu.vector_load %arg9[%get3A_287, %get3A_288] {strides = array<i32>} : memref<48x256xf32, #tpu.memory_space<vmem>>, vector<16xf32>,
      %bitcast3A_290 = vector.bitcast %get3A_289 : vector<16xf32> to vector<32xbf16>
      %mul3A_291 = arith.mulf %bitcast3A_274, %bitcast3A : vector<32xbf16>
      %mul3A_292 = arith.mulf %bitcast3A_282, %bitcast3A_198 : vector<32xbf16>
      %add3A_293 = arith.addf %mul3A_291, %mul3A_292 : vector<32xbf16>
      %mul3A_294 = arith.mulf %bitcast3A_290, %bitcast3A_203 : vector<32xbf16>
      %add3A_295 = arith.addf %add3A_293, %mul3A_294 : vector<32xbf16>
      %bitcast3A_296 = vector.bitcast %add3A_295 : vector<32xbf16> to vector<16xf32>
      %swap3A_297 = arith.constant 1 : i32
      %swap3A_298 = arith.index_cast %swap3A_297 : i32 to index
      %swap3A_299 = arith.index_cast %scan3A_188 : i32 to index
      %swap3A_300 = arith.constant 32 : index
      %swap3A_301 = tpu.vector_load %arg10[%swap3A_298, %swap3A_299, %swap3A_300] {strides = array<i32>} : memref<2x16x192xf32, #tpu.memory_space<vmem>>, vector<16xf32>,
      tpu.vector_store %arg10[%swap3A_298, %swap3A_299, %swap3A_300], %bitcast3A_296 {strides = array<i32>} : memref<2x16x192xf32, #tpu.memory_space<vmem>>, vector<16xf32>,
      %mul3A_302 = arith.constant 3 : i32
      %mul3A_303 = arith.muli %mul3A_302, %scan3A_188 : i32
      %get3A_304 = arith.index_cast %mul3A_303 : i32 to index
      %get3A_305 = arith.constant 48 : index
      %get3A_306 = tpu.vector_load %arg9[%get3A_304, %get3A_305] {strides = array<i32>} : memref<48x256xf32, #tpu.memory_space<vmem>>, vector<16xf32>,
      %bitcast3A_307 = vector.bitcast %get3A_306 : vector<16xf32> to vector<32xbf16>
      %mul3A_308 = arith.constant 3 : i32
      %mul3A_309 = arith.muli %mul3A_308, %scan3A_188 : i32
      %add3A_310 = arith.constant 1 : i32
      %add3A_311 = arith.addi %mul3A_309, %add3A_310 : i32
      %get3A_312 = arith.index_cast %add3A_311 : i32 to index
      %get3A_313 = arith.constant 48 : index
      %get3A_314 = tpu.vector_load %arg9[%get3A_312, %get3A_313] {strides = array<i32>} : memref<48x256xf32, #tpu.memory_space<vmem>>, vector<16xf32>,
      %bitcast3A_315 = vector.bitcast %get3A_314 : vector<16xf32> to vector<32xbf16>
      %mul3A_316 = arith.constant 3 : i32
      %mul3A_317 = arith.muli %mul3A_316, %scan3A_188 : i32
      %add3A_318 = arith.constant 2 : i32
      %add3A_319 = arith.addi %mul3A_317, %add3A_318 : i32
      %get3A_320 = arith.index_cast %add3A_319 : i32 to index
      %get3A_321 = arith.constant 48 : index
      %get3A_322 = tpu.vector_load %arg9[%get3A_320, %get3A_321] {strides = array<i32>} : memref<48x256xf32, #tpu.memory_space<vmem>>, vector<16xf32>,
      %bitcast3A_323 = vector.bitcast %get3A_322 : vector<16xf32> to vector<32xbf16>
      %mul3A_324 = arith.mulf %bitcast3A_307, %bitcast3A : vector<32xbf16>
      %mul3A_325 = arith.mulf %bitcast3A_315, %bitcast3A_198 : vector<32xbf16>
      %add3A_326 = arith.addf %mul3A_324, %mul3A_325 : vector<32xbf16>
      %mul3A_327 = arith.mulf %bitcast3A_323, %bitcast3A_203 : vector<32xbf16>
      %add3A_328 = arith.addf %add3A_326, %mul3A_327 : vector<32xbf16>
      %bitcast3A_329 = vector.bitcast %add3A_328 : vector<32xbf16> to vector<16xf32>
      %swap3A_330 = arith.constant 1 : i32
      %swap3A_331 = arith.index_cast %swap3A_330 : i32 to index
      %swap3A_332 = arith.index_cast %scan3A_188 : i32 to index
      %swap3A_333 = arith.constant 48 : index
      %swap3A_334 = tpu.vector_load %arg10[%swap3A_331, %swap3A_332, %swap3A_333] {strides = array<i32>} : memref<2x16x192xf32, #tpu.memory_space<vmem>>, vector<16xf32>,
      tpu.vector_store %arg10[%swap3A_331, %swap3A_332, %swap3A_333], %bitcast3A_329 {strides = array<i32>} : memref<2x16x192xf32, #tpu.memory_space<vmem>>, vector<16xf32>,
      %mul3A_335 = arith.constant 3 : i32
      %mul3A_336 = arith.muli %mul3A_335, %scan3A_188 : i32
      %get3A_337 = arith.index_cast %mul3A_336 : i32 to index
      %get3A_338 = arith.constant 64 : index
      %get3A_339 = tpu.vector_load %arg9[%get3A_337, %get3A_338] {strides = array<i32>} : memref<48x256xf32, #tpu.memory_space<vmem>>, vector<16xf32>,
      %bitcast3A_340 = vector.bitcast %get3A_339 : vector<16xf32> to vector<32xbf16>
      %mul3A_341 = arith.constant 3 : i32
      %mul3A_342 = arith.muli %mul3A_341, %scan3A_188 : i32
      %add3A_343 = arith.constant 1 : i32
      %add3A_344 = arith.addi %mul3A_342, %add3A_343 : i32
      %get3A_345 = arith.index_cast %add3A_344 : i32 to index
      %get3A_346 = arith.constant 64 : index
      %get3A_347 = tpu.vector_load %arg9[%get3A_345, %get3A_346] {strides = array<i32>} : memref<48x256xf32, #tpu.memory_space<vmem>>, vector<16xf32>,
      %bitcast3A_348 = vector.bitcast %get3A_347 : vector<16xf32> to vector<32xbf16>
      %mul3A_349 = arith.constant 3 : i32
      %mul3A_350 = arith.muli %mul3A_349, %scan3A_188 : i32
      %add3A_351 = arith.constant 2 : i32
      %add3A_352 = arith.addi %mul3A_350, %add3A_351 : i32
      %get3A_353 = arith.index_cast %add3A_352 : i32 to index
      %get3A_354 = arith.constant 64 : index
      %get3A_355 = tpu.vector_load %arg9[%get3A_353, %get3A_354] {strides = array<i32>} : memref<48x256xf32, #tpu.memory_space<vmem>>, vector<16xf32>,
      %bitcast3A_356 = vector.bitcast %get3A_355 : vector<16xf32> to vector<32xbf16>
      %mul3A_357 = arith.mulf %bitcast3A_340, %bitcast3A : vector<32xbf16>
      %mul3A_358 = arith.mulf %bitcast3A_348, %bitcast3A_198 : vector<32xbf16>
      %add3A_359 = arith.addf %mul3A_357, %mul3A_358 : vector<32xbf16>
      %mul3A_360 = arith.mulf %bitcast3A_356, %bitcast3A_203 : vector<32xbf16>
      %add3A_361 = arith.addf %add3A_359, %mul3A_360 : vector<32xbf16>
      %bitcast3A_362 = vector.bitcast %add3A_361 : vector<32xbf16> to vector<16xf32>
      %swap3A_363 = arith.constant 1 : i32
      %swap3A_364 = arith.index_cast %swap3A_363 : i32 to index
      %swap3A_365 = arith.index_cast %scan3A_188 : i32 to index
      %swap3A_366 = arith.constant 64 : index
      %swap3A_367 = tpu.vector_load %arg10[%swap3A_364, %swap3A_365, %swap3A_366] {strides = array<i32>} : memref<2x16x192xf32, #tpu.memory_space<vmem>>, vector<16xf32>,
      tpu.vector_store %arg10[%swap3A_364, %swap3A_365, %swap3A_366], %bitcast3A_362 {strides = array<i32>} : memref<2x16x192xf32, #tpu.memory_space<vmem>>, vector<16xf32>,
      %mul3A_368 = arith.constant 3 : i32
      %mul3A_369 = arith.muli %mul3A_368, %scan3A_188 : i32
      %get3A_370 = arith.index_cast %mul3A_369 : i32 to index
      %get3A_371 = arith.constant 80 : index
      %get3A_372 = tpu.vector_load %arg9[%get3A_370, %get3A_371] {strides = array<i32>} : memref<48x256xf32, #tpu.memory_space<vmem>>, vector<16xf32>,
      %bitcast3A_373 = vector.bitcast %get3A_372 : vector<16xf32> to vector<32xbf16>
      %mul3A_374 = arith.constant 3 : i32
      %mul3A_375 = arith.muli %mul3A_374, %scan3A_188 : i32
      %add3A_376 = arith.constant 1 : i32
      %add3A_377 = arith.addi %mul3A_375, %add3A_376 : i32
      %get3A_378 = arith.index_cast %add3A_377 : i32 to index
      %get3A_379 = arith.constant 80 : index
      %get3A_380 = tpu.vector_load %arg9[%get3A_378, %get3A_379] {strides = array<i32>} : memref<48x256xf32, #tpu.memory_space<vmem>>, vector<16xf32>,
      %bitcast3A_381 = vector.bitcast %get3A_380 : vector<16xf32> to vector<32xbf16>
      %mul3A_382 = arith.constant 3 : i32
      %mul3A_383 = arith.muli %mul3A_382, %scan3A_188 : i32
      %add3A_384 = arith.constant 2 : i32
      %add3A_385 = arith.addi %mul3A_383, %add3A_384 : i32
      %get3A_386 = arith.index_cast %add3A_385 : i32 to index
      %get3A_387 = arith.constant 80 : index
      %get3A_388 = tpu.vector_load %arg9[%get3A_386, %get3A_387] {strides = array<i32>} : memref<48x256xf32, #tpu.memory_space<vmem>>, vector<16xf32>,
      %bitcast3A_389 = vector.bitcast %get3A_388 : vector<16xf32> to vector<32xbf16>
      %mul3A_390 = arith.mulf %bitcast3A_373, %bitcast3A : vector<32xbf16>
      %mul3A_391 = arith.mulf %bitcast3A_381, %bitcast3A_198 : vector<32xbf16>
      %add3A_392 = arith.addf %mul3A_390, %mul3A_391 : vector<32xbf16>
      %mul3A_393 = arith.mulf %bitcast3A_389, %bitcast3A_203 : vector<32xbf16>
      %add3A_394 = arith.addf %add3A_392, %mul3A_393 : vector<32xbf16>
      %bitcast3A_395 = vector.bitcast %add3A_394 : vector<32xbf16> to vector<16xf32>
      %swap3A_396 = arith.constant 1 : i32
      %swap3A_397 = arith.index_cast %swap3A_396 : i32 to index
      %swap3A_398 = arith.index_cast %scan3A_188 : i32 to index
      %swap3A_399 = arith.constant 80 : index
      %swap3A_400 = tpu.vector_load %arg10[%swap3A_397, %swap3A_398, %swap3A_399] {strides = array<i32>} : memref<2x16x192xf32, #tpu.memory_space<vmem>>, vector<16xf32>,
      tpu.vector_store %arg10[%swap3A_397, %swap3A_398, %swap3A_399], %bitcast3A_395 {strides = array<i32>} : memref<2x16x192xf32, #tpu.memory_space<vmem>>, vector<16xf32>,
      %mul3A_401 = arith.constant 3 : i32
      %mul3A_402 = arith.muli %mul3A_401, %scan3A_188 : i32
      %get3A_403 = arith.index_cast %mul3A_402 : i32 to index
      %get3A_404 = arith.constant 96 : index
      %get3A_405 = tpu.vector_load %arg9[%get3A_403, %get3A_404] {strides = array<i32>} : memref<48x256xf32, #tpu.memory_space<vmem>>, vector<16xf32>,
      %bitcast3A_406 = vector.bitcast %get3A_405 : vector<16xf32> to vector<32xbf16>
      %mul3A_407 = arith.constant 3 : i32
      %mul3A_408 = arith.muli %mul3A_407, %scan3A_188 : i32
      %add3A_409 = arith.constant 1 : i32
      %add3A_410 = arith.addi %mul3A_408, %add3A_409 : i32
      %get3A_411 = arith.index_cast %add3A_410 : i32 to index
      %get3A_412 = arith.constant 96 : index
      %get3A_413 = tpu.vector_load %arg9[%get3A_411, %get3A_412] {strides = array<i32>} : memref<48x256xf32, #tpu.memory_space<vmem>>, vector<16xf32>,
      %bitcast3A_414 = vector.bitcast %get3A_413 : vector<16xf32> to vector<32xbf16>
      %mul3A_415 = arith.constant 3 : i32
      %mul3A_416 = arith.muli %mul3A_415, %scan3A_188 : i32
      %add3A_417 = arith.constant 2 : i32
      %add3A_418 = arith.addi %mul3A_416, %add3A_417 : i32
      %get3A_419 = arith.index_cast %add3A_418 : i32 to index
      %get3A_420 = arith.constant 96 : index
      %get3A_421 = tpu.vector_load %arg9[%get3A_419, %get3A_420] {strides = array<i32>} : memref<48x256xf32, #tpu.memory_space<vmem>>, vector<16xf32>,
      %bitcast3A_422 = vector.bitcast %get3A_421 : vector<16xf32> to vector<32xbf16>
      %mul3A_423 = arith.mulf %bitcast3A_406, %bitcast3A : vector<32xbf16>
      %mul3A_424 = arith.mulf %bitcast3A_414, %bitcast3A_198 : vector<32xbf16>
      %add3A_425 = arith.addf %mul3A_423, %mul3A_424 : vector<32xbf16>
      %mul3A_426 = arith.mulf %bitcast3A_422, %bitcast3A_203 : vector<32xbf16>
      %add3A_427 = arith.addf %add3A_425, %mul3A_426 : vector<32xbf16>
      %bitcast3A_428 = vector.bitcast %add3A_427 : vector<32xbf16> to vector<16xf32>
      %swap3A_429 = arith.constant 1 : i32
      %swap3A_430 = arith.index_cast %swap3A_429 : i32 to index
      %swap3A_431 = arith.index_cast %scan3A_188 : i32 to index
      %swap3A_432 = arith.constant 96 : index
      %swap3A_433 = tpu.vector_load %arg10[%swap3A_430, %swap3A_431, %swap3A_432] {strides = array<i32>} : memref<2x16x192xf32, #tpu.memory_space<vmem>>, vector<16xf32>,
      tpu.vector_store %arg10[%swap3A_430, %swap3A_431, %swap3A_432], %bitcast3A_428 {strides = array<i32>} : memref<2x16x192xf32, #tpu.memory_space<vmem>>, vector<16xf32>,
      %mul3A_434 = arith.constant 3 : i32
      %mul3A_435 = arith.muli %mul3A_434, %scan3A_188 : i32
      %get3A_436 = arith.index_cast %mul3A_435 : i32 to index
      %get3A_437 = arith.constant 112 : index
      %get3A_438 = tpu.vector_load %arg9[%get3A_436, %get3A_437] {strides = array<i32>} : memref<48x256xf32, #tpu.memory_space<vmem>>, vector<16xf32>,
      %bitcast3A_439 = vector.bitcast %get3A_438 : vector<16xf32> to vector<32xbf16>
      %mul3A_440 = arith.constant 3 : i32
      %mul3A_441 = arith.muli %mul3A_440, %scan3A_188 : i32
      %add3A_442 = arith.constant 1 : i32
      %add3A_443 = arith.addi %mul3A_441, %add3A_442 : i32
      %get3A_444 = arith.index_cast %add3A_443 : i32 to index
      %get3A_445 = arith.constant 112 : index
      %get3A_446 = tpu.vector_load %arg9[%get3A_444, %get3A_445] {strides = array<i32>} : memref<48x256xf32, #tpu.memory_space<vmem>>, vector<16xf32>,
      %bitcast3A_447 = vector.bitcast %get3A_446 : vector<16xf32> to vector<32xbf16>
      %mul3A_448 = arith.constant 3 : i32
      %mul3A_449 = arith.muli %mul3A_448, %scan3A_188 : i32
      %add3A_450 = arith.constant 2 : i32
      %add3A_451 = arith.addi %mul3A_449, %add3A_450 : i32
      %get3A_452 = arith.index_cast %add3A_451 : i32 to index
      %get3A_453 = arith.constant 112 : index
      %get3A_454 = tpu.vector_load %arg9[%get3A_452, %get3A_453] {strides = array<i32>} : memref<48x256xf32, #tpu.memory_space<vmem>>, vector<16xf32>,
      %bitcast3A_455 = vector.bitcast %get3A_454 : vector<16xf32> to vector<32xbf16>
      %mul3A_456 = arith.mulf %bitcast3A_439, %bitcast3A : vector<32xbf16>
      %mul3A_457 = arith.mulf %bitcast3A_447, %bitcast3A_198 : vector<32xbf16>
      %add3A_458 = arith.addf %mul3A_456, %mul3A_457 : vector<32xbf16>
      %mul3A_459 = arith.mulf %bitcast3A_455, %bitcast3A_203 : vector<32xbf16>
      %add3A_460 = arith.addf %add3A_458, %mul3A_459 : vector<32xbf16>
      %bitcast3A_461 = vector.bitcast %add3A_460 : vector<32xbf16> to vector<16xf32>
      %swap3A_462 = arith.constant 1 : i32
      %swap3A_463 = arith.index_cast %swap3A_462 : i32 to index
      %swap3A_464 = arith.index_cast %scan3A_188 : i32 to index
      %swap3A_465 = arith.constant 112 : index
      %swap3A_466 = tpu.vector_load %arg10[%swap3A_463, %swap3A_464, %swap3A_465] {strides = array<i32>} : memref<2x16x192xf32, #tpu.memory_space<vmem>>, vector<16xf32>,
      tpu.vector_store %arg10[%swap3A_463, %swap3A_464, %swap3A_465], %bitcast3A_461 {strides = array<i32>} : memref<2x16x192xf32, #tpu.memory_space<vmem>>, vector<16xf32>,
      %mul3A_467 = arith.constant 3 : i32
      %mul3A_468 = arith.muli %mul3A_467, %scan3A_188 : i32
      %get3A_469 = arith.index_cast %mul3A_468 : i32 to index
      %get3A_470 = arith.constant 128 : index
      %get3A_471 = tpu.vector_load %arg9[%get3A_469, %get3A_470] {strides = array<i32>} : memref<48x256xf32, #tpu.memory_space<vmem>>, vector<16xf32>,
      %bitcast3A_472 = vector.bitcast %get3A_471 : vector<16xf32> to vector<32xbf16>
      %mul3A_473 = arith.constant 3 : i32
      %mul3A_474 = arith.muli %mul3A_473, %scan3A_188 : i32
      %add3A_475 = arith.constant 1 : i32
      %add3A_476 = arith.addi %mul3A_474, %add3A_475 : i32
      %get3A_477 = arith.index_cast %add3A_476 : i32 to index
      %get3A_478 = arith.constant 128 : index
      %get3A_479 = tpu.vector_load %arg9[%get3A_477, %get3A_478] {strides = array<i32>} : memref<48x256xf32, #tpu.memory_space<vmem>>, vector<16xf32>,
      %bitcast3A_480 = vector.bitcast %get3A_479 : vector<16xf32> to vector<32xbf16>
      %mul3A_481 = arith.constant 3 : i32
      %mul3A_482 = arith.muli %mul3A_481, %scan3A_188 : i32
      %add3A_483 = arith.constant 2 : i32
      %add3A_484 = arith.addi %mul3A_482, %add3A_483 : i32
      %get3A_485 = arith.index_cast %add3A_484 : i32 to index
      %get3A_486 = arith.constant 128 : index
      %get3A_487 = tpu.vector_load %arg9[%get3A_485, %get3A_486] {strides = array<i32>} : memref<48x256xf32, #tpu.memory_space<vmem>>, vector<16xf32>,
      %bitcast3A_488 = vector.bitcast %get3A_487 : vector<16xf32> to vector<32xbf16>
      %mul3A_489 = arith.mulf %bitcast3A_472, %bitcast3A : vector<32xbf16>
      %mul3A_490 = arith.mulf %bitcast3A_480, %bitcast3A_198 : vector<32xbf16>
      %add3A_491 = arith.addf %mul3A_489, %mul3A_490 : vector<32xbf16>
      %mul3A_492 = arith.mulf %bitcast3A_488, %bitcast3A_203 : vector<32xbf16>
      %add3A_493 = arith.addf %add3A_491, %mul3A_492 : vector<32xbf16>
      %bitcast3A_494 = vector.bitcast %add3A_493 : vector<32xbf16> to vector<16xf32>
      %swap3A_495 = arith.constant 1 : i32
      %swap3A_496 = arith.index_cast %swap3A_495 : i32 to index
      %swap3A_497 = arith.index_cast %scan3A_188 : i32 to index
      %swap3A_498 = arith.constant 128 : index
      %swap3A_499 = tpu.vector_load %arg10[%swap3A_496, %swap3A_497, %swap3A_498] {strides = array<i32>} : memref<2x16x192xf32, #tpu.memory_space<vmem>>, vector<16xf32>,
      tpu.vector_store %arg10[%swap3A_496, %swap3A_497, %swap3A_498], %bitcast3A_494 {strides = array<i32>} : memref<2x16x192xf32, #tpu.memory_space<vmem>>, vector<16xf32>,
      %mul3A_500 = arith.constant 3 : i32
      %mul3A_501 = arith.muli %mul3A_500, %scan3A_188 : i32
      %get3A_502 = arith.index_cast %mul3A_501 : i32 to index
      %get3A_503 = arith.constant 144 : index
      %get3A_504 = tpu.vector_load %arg9[%get3A_502, %get3A_503] {strides = array<i32>} : memref<48x256xf32, #tpu.memory_space<vmem>>, vector<16xf32>,
      %bitcast3A_505 = vector.bitcast %get3A_504 : vector<16xf32> to vector<32xbf16>
      %mul3A_506 = arith.constant 3 : i32
      %mul3A_507 = arith.muli %mul3A_506, %scan3A_188 : i32
      %add3A_508 = arith.constant 1 : i32
      %add3A_509 = arith.addi %mul3A_507, %add3A_508 : i32
      %get3A_510 = arith.index_cast %add3A_509 : i32 to index
      %get3A_511 = arith.constant 144 : index
      %get3A_512 = tpu.vector_load %arg9[%get3A_510, %get3A_511] {strides = array<i32>} : memref<48x256xf32, #tpu.memory_space<vmem>>, vector<16xf32>,
      %bitcast3A_513 = vector.bitcast %get3A_512 : vector<16xf32> to vector<32xbf16>
      %mul3A_514 = arith.constant 3 : i32
      %mul3A_515 = arith.muli %mul3A_514, %scan3A_188 : i32
      %add3A_516 = arith.constant 2 : i32
      %add3A_517 = arith.addi %mul3A_515, %add3A_516 : i32
      %get3A_518 = arith.index_cast %add3A_517 : i32 to index
      %get3A_519 = arith.constant 144 : index
      %get3A_520 = tpu.vector_load %arg9[%get3A_518, %get3A_519] {strides = array<i32>} : memref<48x256xf32, #tpu.memory_space<vmem>>, vector<16xf32>,
      %bitcast3A_521 = vector.bitcast %get3A_520 : vector<16xf32> to vector<32xbf16>
      %mul3A_522 = arith.mulf %bitcast3A_505, %bitcast3A : vector<32xbf16>
      %mul3A_523 = arith.mulf %bitcast3A_513, %bitcast3A_198 : vector<32xbf16>
      %add3A_524 = arith.addf %mul3A_522, %mul3A_523 : vector<32xbf16>
      %mul3A_525 = arith.mulf %bitcast3A_521, %bitcast3A_203 : vector<32xbf16>
      %add3A_526 = arith.addf %add3A_524, %mul3A_525 : vector<32xbf16>
      %bitcast3A_527 = vector.bitcast %add3A_526 : vector<32xbf16> to vector<16xf32>
      %swap3A_528 = arith.constant 1 : i32
      %swap3A_529 = arith.index_cast %swap3A_528 : i32 to index
      %swap3A_530 = arith.index_cast %scan3A_188 : i32 to index
      %swap3A_531 = arith.constant 144 : index
      %swap3A_532 = tpu.vector_load %arg10[%swap3A_529, %swap3A_530, %swap3A_531] {strides = array<i32>} : memref<2x16x192xf32, #tpu.memory_space<vmem>>, vector<16xf32>,
      tpu.vector_store %arg10[%swap3A_529, %swap3A_530, %swap3A_531], %bitcast3A_527 {strides = array<i32>} : memref<2x16x192xf32, #tpu.memory_space<vmem>>, vector<16xf32>,
      %mul3A_533 = arith.constant 3 : i32
      %mul3A_534 = arith.muli %mul3A_533, %scan3A_188 : i32
      %get3A_535 = arith.index_cast %mul3A_534 : i32 to index
      %get3A_536 = arith.constant 160 : index
      %get3A_537 = tpu.vector_load %arg9[%get3A_535, %get3A_536] {strides = array<i32>} : memref<48x256xf32, #tpu.memory_space<vmem>>, vector<16xf32>,
      %bitcast3A_538 = vector.bitcast %get3A_537 : vector<16xf32> to vector<32xbf16>
      %mul3A_539 = arith.constant 3 : i32
      %mul3A_540 = arith.muli %mul3A_539, %scan3A_188 : i32
      %add3A_541 = arith.constant 1 : i32
      %add3A_542 = arith.addi %mul3A_540, %add3A_541 : i32
      %get3A_543 = arith.index_cast %add3A_542 : i32 to index
      %get3A_544 = arith.constant 160 : index
      %get3A_545 = tpu.vector_load %arg9[%get3A_543, %get3A_544] {strides = array<i32>} : memref<48x256xf32, #tpu.memory_space<vmem>>, vector<16xf32>,
      %bitcast3A_546 = vector.bitcast %get3A_545 : vector<16xf32> to vector<32xbf16>
      %mul3A_547 = arith.constant 3 : i32
      %mul3A_548 = arith.muli %mul3A_547, %scan3A_188 : i32
      %add3A_549 = arith.constant 2 : i32
      %add3A_550 = arith.addi %mul3A_548, %add3A_549 : i32
      %get3A_551 = arith.index_cast %add3A_550 : i32 to index
      %get3A_552 = arith.constant 160 : index
      %get3A_553 = tpu.vector_load %arg9[%get3A_551, %get3A_552] {strides = array<i32>} : memref<48x256xf32, #tpu.memory_space<vmem>>, vector<16xf32>,
      %bitcast3A_554 = vector.bitcast %get3A_553 : vector<16xf32> to vector<32xbf16>
      %mul3A_555 = arith.mulf %bitcast3A_538, %bitcast3A : vector<32xbf16>
      %mul3A_556 = arith.mulf %bitcast3A_546, %bitcast3A_198 : vector<32xbf16>
      %add3A_557 = arith.addf %mul3A_555, %mul3A_556 : vector<32xbf16>
      %mul3A_558 = arith.mulf %bitcast3A_554, %bitcast3A_203 : vector<32xbf16>
      %add3A_559 = arith.addf %add3A_557, %mul3A_558 : vector<32xbf16>
      %bitcast3A_560 = vector.bitcast %add3A_559 : vector<32xbf16> to vector<16xf32>
      %swap3A_561 = arith.constant 1 : i32
      %swap3A_562 = arith.index_cast %swap3A_561 : i32 to index
      %swap3A_563 = arith.index_cast %scan3A_188 : i32 to index
      %swap3A_564 = arith.constant 160 : index
      %swap3A_565 = tpu.vector_load %arg10[%swap3A_562, %swap3A_563, %swap3A_564] {strides = array<i32>} : memref<2x16x192xf32, #tpu.memory_space<vmem>>, vector<16xf32>,
      tpu.vector_store %arg10[%swap3A_562, %swap3A_563, %swap3A_564], %bitcast3A_560 {strides = array<i32>} : memref<2x16x192xf32, #tpu.memory_space<vmem>>, vector<16xf32>,
      %mul3A_566 = arith.constant 3 : i32
      %mul3A_567 = arith.muli %mul3A_566, %scan3A_188 : i32
      %get3A_568 = arith.index_cast %mul3A_567 : i32 to index
      %get3A_569 = arith.constant 176 : index
      %get3A_570 = tpu.vector_load %arg9[%get3A_568, %get3A_569] {strides = array<i32>} : memref<48x256xf32, #tpu.memory_space<vmem>>, vector<16xf32>,
      %bitcast3A_571 = vector.bitcast %get3A_570 : vector<16xf32> to vector<32xbf16>
      %mul3A_572 = arith.constant 3 : i32
      %mul3A_573 = arith.muli %mul3A_572, %scan3A_188 : i32
      %add3A_574 = arith.constant 1 : i32
      %add3A_575 = arith.addi %mul3A_573, %add3A_574 : i32
      %get3A_576 = arith.index_cast %add3A_575 : i32 to index
      %get3A_577 = arith.constant 176 : index
      %get3A_578 = tpu.vector_load %arg9[%get3A_576, %get3A_577] {strides = array<i32>} : memref<48x256xf32, #tpu.memory_space<vmem>>, vector<16xf32>,
      %bitcast3A_579 = vector.bitcast %get3A_578 : vector<16xf32> to vector<32xbf16>
      %mul3A_580 = arith.constant 3 : i32
      %mul3A_581 = arith.muli %mul3A_580, %scan3A_188 : i32
      %add3A_582 = arith.constant 2 : i32
      %add3A_583 = arith.addi %mul3A_581, %add3A_582 : i32
      %get3A_584 = arith.index_cast %add3A_583 : i32 to index
      %get3A_585 = arith.constant 176 : index
      %get3A_586 = tpu.vector_load %arg9[%get3A_584, %get3A_585] {strides = array<i32>} : memref<48x256xf32, #tpu.memory_space<vmem>>, vector<16xf32>,
      %bitcast3A_587 = vector.bitcast %get3A_586 : vector<16xf32> to vector<32xbf16>
      %mul3A_588 = arith.mulf %bitcast3A_571, %bitcast3A : vector<32xbf16>
      %mul3A_589 = arith.mulf %bitcast3A_579, %bitcast3A_198 : vector<32xbf16>
      %add3A_590 = arith.addf %mul3A_588, %mul3A_589 : vector<32xbf16>
      %mul3A_591 = arith.mulf %bitcast3A_587, %bitcast3A_203 : vector<32xbf16>
      %add3A_592 = arith.addf %add3A_590, %mul3A_591 : vector<32xbf16>
      %bitcast3A_593 = vector.bitcast %add3A_592 : vector<32xbf16> to vector<16xf32>
      %swap3A_594 = arith.constant 1 : i32
      %swap3A_595 = arith.index_cast %swap3A_594 : i32 to index
      %swap3A_596 = arith.index_cast %scan3A_188 : i32 to index
      %swap3A_597 = arith.constant 176 : index
      %swap3A_598 = tpu.vector_load %arg10[%swap3A_595, %swap3A_596, %swap3A_597] {strides = array<i32>} : memref<2x16x192xf32, #tpu.memory_space<vmem>>, vector<16xf32>,
      tpu.vector_store %arg10[%swap3A_595, %swap3A_596, %swap3A_597], %bitcast3A_593 {strides = array<i32>} : memref<2x16x192xf32, #tpu.memory_space<vmem>>, vector<16xf32>,
    }
    %scan3A_146 = arith.constant 16 : i32
    %add3A_147 = arith.constant 496 : i32
    %add3A_148 = arith.addi %mul3A_2, %add3A_147 : i32
    %dma_start3A_149 = arith.constant 1 : i32
    %dma_start3A_150 = arith.constant 0 : i32
    %dma_start3A_151 = arith.constant 0 : i32
    %dma_start3A_152 = tpu.memref_slice %arg10[%dma_start3A_149, %dma_start3A_150, %dma_start3A_151] : memref<2x16x192xf32, #tpu.memory_space<vmem>> -> memref<1x16x192xf32, #tpu.memory_space<vmem>>
    %dma_start3A_153 = tpu.memref_squeeze %dma_start3A_152 : memref<1x16x192xf32, #tpu.memory_space<vmem>> -> memref<16x192xf32, #tpu.memory_space<vmem>>
    %dma_start3A_154 = arith.constant 0 : i32
    %dma_start3A_155 = tpu.memref_slice %arg5[%add3A_148, %dma_start3A_154] : memref<16384x192xf32, #tpu.memory_space<hbm>> -> memref<16x192xf32, #tpu.memory_space<hbm>>
    %dma_start3A_156 = arith.constant 0 : i32
    %dma_start3A_157 = tpu.memref_slice %arg5[%add3A_148, %dma_start3A_156] : memref<16384x192xf32, #tpu.memory_space<hbm>> -> memref<16x192xf32, #tpu.memory_space<hbm>>
    %dma_start3A_158 = arith.constant 0 : i32
    %dma_start3A_159 = arith.constant 0 : i32
    %dma_start3A_160 = tpu.memref_slice %arg10[%dma_start3A_149, %dma_start3A_158, %dma_start3A_159] : memref<2x16x192xf32, #tpu.memory_space<vmem>> -> memref<1x16x192xf32, #tpu.memory_space<vmem>>
    %dma_start3A_161 = tpu.memref_squeeze %dma_start3A_160 : memref<1x16x192xf32, #tpu.memory_space<vmem>> -> memref<16x192xf32, #tpu.memory_space<vmem>>
    tpu.enqueue_dma source(%dma_start3A_161 : memref<16x192xf32, #tpu.memory_space<vmem>>) target(%dma_start3A_157 : memref<16x192xf32, #tpu.memory_space<hbm>>) target_semaphore(%arg14 : memref<!tpu.dma_semaphore, #tpu.memory_space<semaphore_mem>>)
    %dma_wait3A_162 = arith.constant 0 : i32
    %dma_wait3A_163 = arith.constant 0 : i32
    %dma_wait3A_164 = arith.constant 0 : i32
    %dma_wait3A_165 = tpu.memref_slice %arg10[%dma_wait3A_162, %dma_wait3A_163, %dma_wait3A_164] : memref<2x16x192xf32, #tpu.memory_space<vmem>> -> memref<1x16x192xf32, #tpu.memory_space<vmem>>
    %dma_wait3A_166 = tpu.memref_squeeze %dma_wait3A_165 : memref<1x16x192xf32, #tpu.memory_space<vmem>> -> memref<16x192xf32, #tpu.memory_space<vmem>>
    %dma_wait3A_167 = arith.constant 0 : i32
    %dma_wait3A_168 = tpu.memref_slice %arg5[%mul3A_2, %dma_wait3A_167] : memref<16384x192xf32, #tpu.memory_space<hbm>> -> memref<16x192xf32, #tpu.memory_space<hbm>>
    %dma_wait3A_169 = arith.constant 0 : i32
    %dma_wait3A_170 = tpu.memref_slice %arg5[%mul3A_2, %dma_wait3A_169] : memref<16384x192xf32, #tpu.memory_space<hbm>> -> memref<16x192xf32, #tpu.memory_space<hbm>>
    %dma_wait3A_171 = arith.constant 0 : i32
    %dma_wait3A_172 = arith.constant 0 : i32
    %dma_wait3A_173 = tpu.memref_slice %arg10[%dma_wait3A_162, %dma_wait3A_171, %dma_wait3A_172] : memref<2x16x192xf32, #tpu.memory_space<vmem>> -> memref<1x16x192xf32, #tpu.memory_space<vmem>>
    %dma_wait3A_174 = tpu.memref_squeeze %dma_wait3A_173 : memref<1x16x192xf32, #tpu.memory_space<vmem>> -> memref<16x192xf32, #tpu.memory_space<vmem>>
    tpu.wait_dma2 semaphore(%arg13 : memref<!tpu.dma_semaphore, #tpu.memory_space<semaphore_mem>>) src(%dma_wait3A_174 : memref<16x192xf32, #tpu.memory_space<vmem>>) dst(%dma_wait3A_170 : memref<16x192xf32, #tpu.memory_space<hbm>>)
    %dma_wait3A_175 = arith.constant 1 : i32
    %dma_wait3A_176 = arith.constant 0 : i32
    %dma_wait3A_177 = arith.constant 0 : i32
    %dma_wait3A_178 = tpu.memref_slice %arg10[%dma_wait3A_175, %dma_wait3A_176, %dma_wait3A_177] : memref<2x16x192xf32, #tpu.memory_space<vmem>> -> memref<1x16x192xf32, #tpu.memory_space<vmem>>
    %dma_wait3A_179 = tpu.memref_squeeze %dma_wait3A_178 : memref<1x16x192xf32, #tpu.memory_space<vmem>> -> memref<16x192xf32, #tpu.memory_space<vmem>>
    %dma_wait3A_180 = arith.constant 0 : i32
    %dma_wait3A_181 = tpu.memref_slice %arg5[%mul3A_2, %dma_wait3A_180] : memref<16384x192xf32, #tpu.memory_space<hbm>> -> memref<16x192xf32, #tpu.memory_space<hbm>>
    %dma_wait3A_182 = arith.constant 0 : i32
    %dma_wait3A_183 = tpu.memref_slice %arg5[%mul3A_2, %dma_wait3A_182] : memref<16384x192xf32, #tpu.memory_space<hbm>> -> memref<16x192xf32, #tpu.memory_space<hbm>>
    %dma_wait3A_184 = arith.constant 0 : i32
    %dma_wait3A_185 = arith.constant 0 : i32
    %dma_wait3A_186 = tpu.memref_slice %arg10[%dma_wait3A_175, %dma_wait3A_184, %dma_wait3A_185] : memref<2x16x192xf32, #tpu.memory_space<vmem>> -> memref<1x16x192xf32, #tpu.memory_space<vmem>>
    %dma_wait3A_187 = tpu.memref_squeeze %dma_wait3A_186 : memref<1x16x192xf32, #tpu.memory_space<vmem>> -> memref<16x192xf32, #tpu.memory_space<vmem>>
    tpu.wait_dma2 semaphore(%arg14 : memref<!tpu.dma_semaphore, #tpu.memory_space<semaphore_mem>>) src(%dma_wait3A_187 : memref<16x192xf32, #tpu.memory_space<vmem>>) dst(%dma_wait3A_183 : memref<16x192xf32, #tpu.memory_space<hbm>>)
    return
  }
}

module attributes {stable_mosaic.version = 14 : i64} {
  func.func @_a2_body(%arg0: i32, %arg1: memref<1x256x3072xf32, #tpu.memory_space<vmem>>, %arg2: memref<1x3x3xf32, #tpu.memory_space<vmem>>, %arg3: memref<256x384xf32, #tpu.memory_space<vmem>>, %arg4: memref<256x384xf32, #tpu.memory_space<vmem>>, %arg5: memref<256x384xf32, #tpu.memory_space<vmem>>, %arg6: memref<1x3x1024xf32, #tpu.memory_space<vmem>>, %arg7: memref<1x1024x512xbf16, #tpu.memory_space<vmem>>, %arg8: memref<1x3x1024xf32, #tpu.memory_space<vmem>>, %arg9: memref<256x3072xf32, #tpu.memory_space<vmem>>, %arg10: memref<384x384xf32, #tpu.memory_space<vmem>>) attributes {dimension_semantics = [#tpu.dimension_semantics<arbitrary>], iteration_bounds = array<i64: 8>, scalar_prefetch = 0 : i64, scratch_operands = 2 : i64, tpu.core_type = #tpu.core_type<tc>, window_params = [{transform_indices = @transform_0, window_bounds = array<i64: 1, 256, 3072>}, {transform_indices = @transform_1, window_bounds = array<i64: 1, 3, 3>}, {pipeline_mode = #tpu.pipeline_mode<synchronous>, transform_indices = @transform_2, window_bounds = array<i64: 256, 384>}, {pipeline_mode = #tpu.pipeline_mode<synchronous>, transform_indices = @transform_3, window_bounds = array<i64: 256, 384>}, {pipeline_mode = #tpu.pipeline_mode<synchronous>, transform_indices = @transform_4, window_bounds = array<i64: 256, 384>}, {transform_indices = @transform_5, window_bounds = array<i64: 1, 3, 1024>}, {transform_indices = @transform_6, window_bounds = array<i64: 1, 1024, 512>}, {transform_indices = @transform_7, window_bounds = array<i64: 1, 3, 1024>}]} {
    %iota3A = tpu.iota {dimensions = array<i32: 0>} : vector<384x384xi32>
    %iota3A_0 = tpu.iota {dimensions = array<i32: 1>} : vector<384x384xi32>
    %jit3A = arith.constant 3 : i32
    %div3A = vector.broadcast %jit3A : i32 to vector<384x384xi32>
    %div3A_1 = arith.divsi %iota3A, %div3A : vector<384x384xi32>
    %sign3A = arith.constant 0 : i32
    %sign3A_2 = vector.broadcast %sign3A : i32 to vector<384x384xi32>
    %sign3A_3 = arith.cmpi sgt, %iota3A, %sign3A_2 : vector<384x384xi32>
    %sign3A_4 = arith.extui %sign3A_3 : vector<384x384xi1> to vector<384x384xi32>
    %sign3A_5 = arith.constant 0 : i32
    %sign3A_6 = vector.broadcast %sign3A_5 : i32 to vector<384x384xi32>
    %sign3A_7 = arith.cmpi slt, %iota3A, %sign3A_6 : vector<384x384xi32>
    %sign3A_8 = arith.extui %sign3A_7 : vector<384x384xi1> to vector<384x384xi32>
    %sign3A_9 = arith.subi %sign3A_4, %sign3A_8 : vector<384x384xi32>
    %sign3A_10 = arith.constant 0 : i32
    %sign3A_11 = arith.cmpi sgt, %jit3A, %sign3A_10 : i32
    %sign3A_12 = arith.extui %sign3A_11 : i1 to i32
    %sign3A_13 = arith.constant 0 : i32
    %sign3A_14 = arith.cmpi slt, %jit3A, %sign3A_13 : i32
    %sign3A_15 = arith.extui %sign3A_14 : i1 to i32
    %sign3A_16 = arith.subi %sign3A_12, %sign3A_15 : i32
    %ne3A = vector.broadcast %sign3A_16 : i32 to vector<384x384xi32>
    %ne3A_17 = arith.cmpi ne, %sign3A_9, %ne3A : vector<384x384xi32>
    %rem3A = vector.broadcast %jit3A : i32 to vector<384x384xi32>
    %rem3A_18 = arith.remsi %iota3A, %rem3A : vector<384x384xi32>
    %ne3A_19 = arith.constant 0 : i32
    %ne3A_20 = vector.broadcast %ne3A_19 : i32 to vector<384x384xi32>
    %ne3A_21 = arith.cmpi ne, %rem3A_18, %ne3A_20 : vector<384x384xi32>
    %and3A = arith.andi %ne3A_17, %ne3A_21 : vector<384x384xi1>
    %sub3A = arith.constant 1 : i32
    %sub3A_22 = vector.broadcast %sub3A : i32 to vector<384x384xi32>
    %sub3A_23 = arith.subi %div3A_1, %sub3A_22 : vector<384x384xi32>
    %select_n3A = arith.select %and3A, %sub3A_23, %div3A_1 : vector<384x384xi1>, vector<384x384xi32>
    %jit3A_24 = arith.constant 3 : i32
    %div3A_25 = vector.broadcast %jit3A_24 : i32 to vector<384x384xi32>
    %div3A_26 = arith.divsi %iota3A_0, %div3A_25 : vector<384x384xi32>
    %sign3A_27 = arith.constant 0 : i32
    %sign3A_28 = vector.broadcast %sign3A_27 : i32 to vector<384x384xi32>
    %sign3A_29 = arith.cmpi sgt, %iota3A_0, %sign3A_28 : vector<384x384xi32>
    %sign3A_30 = arith.extui %sign3A_29 : vector<384x384xi1> to vector<384x384xi32>
    %sign3A_31 = arith.constant 0 : i32
    %sign3A_32 = vector.broadcast %sign3A_31 : i32 to vector<384x384xi32>
    %sign3A_33 = arith.cmpi slt, %iota3A_0, %sign3A_32 : vector<384x384xi32>
    %sign3A_34 = arith.extui %sign3A_33 : vector<384x384xi1> to vector<384x384xi32>
    %sign3A_35 = arith.subi %sign3A_30, %sign3A_34 : vector<384x384xi32>
    %sign3A_36 = arith.constant 0 : i32
    %sign3A_37 = arith.cmpi sgt, %jit3A_24, %sign3A_36 : i32
    %sign3A_38 = arith.extui %sign3A_37 : i1 to i32
    %sign3A_39 = arith.constant 0 : i32
    %sign3A_40 = arith.cmpi slt, %jit3A_24, %sign3A_39 : i32
    %sign3A_41 = arith.extui %sign3A_40 : i1 to i32
    %sign3A_42 = arith.subi %sign3A_38, %sign3A_41 : i32
    %ne3A_43 = vector.broadcast %sign3A_42 : i32 to vector<384x384xi32>
    %ne3A_44 = arith.cmpi ne, %sign3A_35, %ne3A_43 : vector<384x384xi32>
    %rem3A_45 = vector.broadcast %jit3A_24 : i32 to vector<384x384xi32>
    %rem3A_46 = arith.remsi %iota3A_0, %rem3A_45 : vector<384x384xi32>
    %ne3A_47 = arith.constant 0 : i32
    %ne3A_48 = vector.broadcast %ne3A_47 : i32 to vector<384x384xi32>
    %ne3A_49 = arith.cmpi ne, %rem3A_46, %ne3A_48 : vector<384x384xi32>
    %and3A_50 = arith.andi %ne3A_44, %ne3A_49 : vector<384x384xi1>
    %sub3A_51 = arith.constant 1 : i32
    %sub3A_52 = vector.broadcast %sub3A_51 : i32 to vector<384x384xi32>
    %sub3A_53 = arith.subi %div3A_26, %sub3A_52 : vector<384x384xi32>
    %select_n3A_54 = arith.select %and3A_50, %sub3A_53, %div3A_26 : vector<384x384xi1>, vector<384x384xi32>
    %eq3A = arith.cmpi eq, %select_n3A, %select_n3A_54 : vector<384x384xi32>
    %jit3A_55 = arith.constant 3 : i32
    %eq3A_56 = arith.constant 0 : i32
    %eq3A_57 = arith.cmpi eq, %jit3A_55, %eq3A_56 : i32
    %jit3A_58 = arith.constant 1 : i32
    %select_n3A_59 = arith.select %eq3A_57, %jit3A_58, %jit3A_55 : i32
    %rem3A_60 = vector.broadcast %select_n3A_59 : i32 to vector<384x384xi32>
    %rem3A_61 = arith.remsi %iota3A, %rem3A_60 : vector<384x384xi32>
    %ne3A_62 = arith.constant 0 : i32
    %ne3A_63 = vector.broadcast %ne3A_62 : i32 to vector<384x384xi32>
    %ne3A_64 = arith.cmpi ne, %rem3A_61, %ne3A_63 : vector<384x384xi32>
    %lt3A = arith.constant 0 : i32
    %lt3A_65 = vector.broadcast %lt3A : i32 to vector<384x384xi32>
    %lt3A_66 = arith.cmpi slt, %rem3A_61, %lt3A_65 : vector<384x384xi32>
    %lt3A_67 = arith.constant 0 : i32
    %lt3A_68 = arith.cmpi slt, %select_n3A_59, %lt3A_67 : i32
    %ne3A_69 = vector.broadcast %lt3A_68 : i1 to vector<384x384xi1>
    %ne3A_70 = vector.broadcast %ne3A_69 : vector<384x384xi1> to vector<384x384xi1>
    %ne3A_71 = arith.xori %lt3A_66, %ne3A_70 : vector<384x384xi1>
    %and3A_72 = arith.andi %ne3A_71, %ne3A_64 : vector<384x384xi1>
    %add3A = vector.broadcast %select_n3A_59 : i32 to vector<384x384xi32>
    %add3A_73 = arith.addi %rem3A_61, %add3A : vector<384x384xi32>
    %select_n3A_74 = arith.select %and3A_72, %add3A_73, %rem3A_61 : vector<384x384xi1>, vector<384x384xi32>
    %jit3A_75 = arith.constant 3 : i32
    %eq3A_76 = arith.constant 0 : i32
    %eq3A_77 = arith.cmpi eq, %jit3A_75, %eq3A_76 : i32
    %jit3A_78 = arith.constant 1 : i32
    %select_n3A_79 = arith.select %eq3A_77, %jit3A_78, %jit3A_75 : i32
    %rem3A_80 = vector.broadcast %select_n3A_79 : i32 to vector<384x384xi32>
    %rem3A_81 = arith.remsi %iota3A_0, %rem3A_80 : vector<384x384xi32>
    %ne3A_82 = arith.constant 0 : i32
    %ne3A_83 = vector.broadcast %ne3A_82 : i32 to vector<384x384xi32>
    %ne3A_84 = arith.cmpi ne, %rem3A_81, %ne3A_83 : vector<384x384xi32>
    %lt3A_85 = arith.constant 0 : i32
    %lt3A_86 = vector.broadcast %lt3A_85 : i32 to vector<384x384xi32>
    %lt3A_87 = arith.cmpi slt, %rem3A_81, %lt3A_86 : vector<384x384xi32>
    %lt3A_88 = arith.constant 0 : i32
    %lt3A_89 = arith.cmpi slt, %select_n3A_79, %lt3A_88 : i32
    %ne3A_90 = vector.broadcast %lt3A_89 : i1 to vector<384x384xi1>
    %ne3A_91 = vector.broadcast %ne3A_90 : vector<384x384xi1> to vector<384x384xi1>
    %ne3A_92 = arith.xori %lt3A_87, %ne3A_91 : vector<384x384xi1>
    %and3A_93 = arith.andi %ne3A_92, %ne3A_84 : vector<384x384xi1>
    %add3A_94 = vector.broadcast %select_n3A_79 : i32 to vector<384x384xi32>
    %add3A_95 = arith.addi %rem3A_81, %add3A_94 : vector<384x384xi32>
    %select_n3A_96 = arith.select %and3A_93, %add3A_95, %rem3A_81 : vector<384x384xi1>, vector<384x384xi32>
    %eq3A_97 = arith.constant 0 : i32
    %eq3A_98 = vector.broadcast %eq3A_97 : i32 to vector<384x384xi32>
    %eq3A_99 = arith.cmpi eq, %select_n3A_74, %eq3A_98 : vector<384x384xi32>
    %and3A_100 = arith.andi %eq3A, %eq3A_99 : vector<384x384xi1>
    %eq3A_101 = arith.constant 0 : i32
    %eq3A_102 = vector.broadcast %eq3A_101 : i32 to vector<384x384xi32>
    %eq3A_103 = arith.cmpi eq, %select_n3A_96, %eq3A_102 : vector<384x384xi32>
    %and3A_104 = arith.andi %and3A_100, %eq3A_103 : vector<384x384xi1>
    %get3A = arith.constant 0 : index
    %get3A_105 = arith.constant 0 : index
    %get3A_106 = arith.constant 0 : index
    %get3A_107 = vector.load %arg2[%get3A, %get3A_105, %get3A_106] : memref<1x3x3xf32, #tpu.memory_space<vmem>>, vector<1x1x1xf32>
    %get3A_108 = vector.shape_cast %get3A_107 : vector<1x1x1xf32> to vector<1x1xf32>
    %jit3A_109 = arith.constant 0.000000e+00 : f32
    %broadcast_in_dim3A = vector.shape_cast %get3A_108 : vector<1x1xf32> to vector<1x1xf32>
    %broadcast_in_dim3A_110 = vector.broadcast %broadcast_in_dim3A : vector<1x1xf32> to vector<384x384xf32>
    %broadcast_in_dim3A_111 = vector.broadcast %jit3A_109 : f32 to vector<384x384xf32>
    %select_n3A_112 = arith.select %and3A_104, %broadcast_in_dim3A_110, %broadcast_in_dim3A_111 : vector<384x384xi1>, vector<384x384xf32>
    %eq3A_113 = arith.constant 0 : i32
    %eq3A_114 = vector.broadcast %eq3A_113 : i32 to vector<384x384xi32>
    %eq3A_115 = arith.cmpi eq, %select_n3A_74, %eq3A_114 : vector<384x384xi32>
    %and3A_116 = arith.andi %eq3A, %eq3A_115 : vector<384x384xi1>
    %eq3A_117 = arith.constant 1 : i32
    %eq3A_118 = vector.broadcast %eq3A_117 : i32 to vector<384x384xi32>
    %eq3A_119 = arith.cmpi eq, %select_n3A_96, %eq3A_118 : vector<384x384xi32>
    %and3A_120 = arith.andi %and3A_116, %eq3A_119 : vector<384x384xi1>
    %get3A_121 = arith.constant 0 : index
    %get3A_122 = arith.constant 0 : index
    %get3A_123 = arith.constant 1 : index
    %get3A_124 = vector.load %arg2[%get3A_121, %get3A_122, %get3A_123] : memref<1x3x3xf32, #tpu.memory_space<vmem>>, vector<1x1x1xf32>
    %get3A_125 = vector.shape_cast %get3A_124 : vector<1x1x1xf32> to vector<1x1xf32>
    %jit3A_126 = arith.constant 0.000000e+00 : f32
    %broadcast_in_dim3A_127 = vector.shape_cast %get3A_125 : vector<1x1xf32> to vector<1x1xf32>
    %broadcast_in_dim3A_128 = vector.broadcast %broadcast_in_dim3A_127 : vector<1x1xf32> to vector<384x384xf32>
    %broadcast_in_dim3A_129 = vector.broadcast %jit3A_126 : f32 to vector<384x384xf32>
    %select_n3A_130 = arith.select %and3A_120, %broadcast_in_dim3A_128, %broadcast_in_dim3A_129 : vector<384x384xi1>, vector<384x384xf32>
    %add3A_131 = arith.addf %select_n3A_112, %select_n3A_130 : vector<384x384xf32>
    %eq3A_132 = arith.constant 0 : i32
    %eq3A_133 = vector.broadcast %eq3A_132 : i32 to vector<384x384xi32>
    %eq3A_134 = arith.cmpi eq, %select_n3A_74, %eq3A_133 : vector<384x384xi32>
    %and3A_135 = arith.andi %eq3A, %eq3A_134 : vector<384x384xi1>
    %eq3A_136 = arith.constant 2 : i32
    %eq3A_137 = vector.broadcast %eq3A_136 : i32 to vector<384x384xi32>
    %eq3A_138 = arith.cmpi eq, %select_n3A_96, %eq3A_137 : vector<384x384xi32>
    %and3A_139 = arith.andi %and3A_135, %eq3A_138 : vector<384x384xi1>
    %get3A_140 = arith.constant 0 : index
    %get3A_141 = arith.constant 0 : index
    %get3A_142 = arith.constant 2 : index
    %get3A_143 = vector.load %arg2[%get3A_140, %get3A_141, %get3A_142] : memref<1x3x3xf32, #tpu.memory_space<vmem>>, vector<1x1x1xf32>
    %get3A_144 = vector.shape_cast %get3A_143 : vector<1x1x1xf32> to vector<1x1xf32>
    %jit3A_145 = arith.constant 0.000000e+00 : f32
    %broadcast_in_dim3A_146 = vector.shape_cast %get3A_144 : vector<1x1xf32> to vector<1x1xf32>
    %broadcast_in_dim3A_147 = vector.broadcast %broadcast_in_dim3A_146 : vector<1x1xf32> to vector<384x384xf32>
    %broadcast_in_dim3A_148 = vector.broadcast %jit3A_145 : f32 to vector<384x384xf32>
    %select_n3A_149 = arith.select %and3A_139, %broadcast_in_dim3A_147, %broadcast_in_dim3A_148 : vector<384x384xi1>, vector<384x384xf32>
    %add3A_150 = arith.addf %add3A_131, %select_n3A_149 : vector<384x384xf32>
    %eq3A_151 = arith.constant 1 : i32
    %eq3A_152 = vector.broadcast %eq3A_151 : i32 to vector<384x384xi32>
    %eq3A_153 = arith.cmpi eq, %select_n3A_74, %eq3A_152 : vector<384x384xi32>
    %and3A_154 = arith.andi %eq3A, %eq3A_153 : vector<384x384xi1>
    %eq3A_155 = arith.constant 0 : i32
    %eq3A_156 = vector.broadcast %eq3A_155 : i32 to vector<384x384xi32>
    %eq3A_157 = arith.cmpi eq, %select_n3A_96, %eq3A_156 : vector<384x384xi32>
    %and3A_158 = arith.andi %and3A_154, %eq3A_157 : vector<384x384xi1>
    %get3A_159 = arith.constant 0 : index
    %get3A_160 = arith.constant 1 : index
    %get3A_161 = arith.constant 0 : index
    %get3A_162 = vector.load %arg2[%get3A_159, %get3A_160, %get3A_161] : memref<1x3x3xf32, #tpu.memory_space<vmem>>, vector<1x1x1xf32>
    %get3A_163 = vector.shape_cast %get3A_162 : vector<1x1x1xf32> to vector<1x1xf32>
    %jit3A_164 = arith.constant 0.000000e+00 : f32
    %broadcast_in_dim3A_165 = vector.shape_cast %get3A_163 : vector<1x1xf32> to vector<1x1xf32>
    %broadcast_in_dim3A_166 = vector.broadcast %broadcast_in_dim3A_165 : vector<1x1xf32> to vector<384x384xf32>
    %broadcast_in_dim3A_167 = vector.broadcast %jit3A_164 : f32 to vector<384x384xf32>
    %select_n3A_168 = arith.select %and3A_158, %broadcast_in_dim3A_166, %broadcast_in_dim3A_167 : vector<384x384xi1>, vector<384x384xf32>
    %add3A_169 = arith.addf %add3A_150, %select_n3A_168 : vector<384x384xf32>
    %eq3A_170 = arith.constant 1 : i32
    %eq3A_171 = vector.broadcast %eq3A_170 : i32 to vector<384x384xi32>
    %eq3A_172 = arith.cmpi eq, %select_n3A_74, %eq3A_171 : vector<384x384xi32>
    %and3A_173 = arith.andi %eq3A, %eq3A_172 : vector<384x384xi1>
    %eq3A_174 = arith.constant 1 : i32
    %eq3A_175 = vector.broadcast %eq3A_174 : i32 to vector<384x384xi32>
    %eq3A_176 = arith.cmpi eq, %select_n3A_96, %eq3A_175 : vector<384x384xi32>
    %and3A_177 = arith.andi %and3A_173, %eq3A_176 : vector<384x384xi1>
    %get3A_178 = arith.constant 0 : index
    %get3A_179 = arith.constant 1 : index
    %get3A_180 = arith.constant 1 : index
    %get3A_181 = vector.load %arg2[%get3A_178, %get3A_179, %get3A_180] : memref<1x3x3xf32, #tpu.memory_space<vmem>>, vector<1x1x1xf32>
    %get3A_182 = vector.shape_cast %get3A_181 : vector<1x1x1xf32> to vector<1x1xf32>
    %jit3A_183 = arith.constant 0.000000e+00 : f32
    %broadcast_in_dim3A_184 = vector.shape_cast %get3A_182 : vector<1x1xf32> to vector<1x1xf32>
    %broadcast_in_dim3A_185 = vector.broadcast %broadcast_in_dim3A_184 : vector<1x1xf32> to vector<384x384xf32>
    %broadcast_in_dim3A_186 = vector.broadcast %jit3A_183 : f32 to vector<384x384xf32>
    %select_n3A_187 = arith.select %and3A_177, %broadcast_in_dim3A_185, %broadcast_in_dim3A_186 : vector<384x384xi1>, vector<384x384xf32>
    %add3A_188 = arith.addf %add3A_169, %select_n3A_187 : vector<384x384xf32>
    %eq3A_189 = arith.constant 1 : i32
    %eq3A_190 = vector.broadcast %eq3A_189 : i32 to vector<384x384xi32>
    %eq3A_191 = arith.cmpi eq, %select_n3A_74, %eq3A_190 : vector<384x384xi32>
    %and3A_192 = arith.andi %eq3A, %eq3A_191 : vector<384x384xi1>
    %eq3A_193 = arith.constant 2 : i32
    %eq3A_194 = vector.broadcast %eq3A_193 : i32 to vector<384x384xi32>
    %eq3A_195 = arith.cmpi eq, %select_n3A_96, %eq3A_194 : vector<384x384xi32>
    %and3A_196 = arith.andi %and3A_192, %eq3A_195 : vector<384x384xi1>
    %get3A_197 = arith.constant 0 : index
    %get3A_198 = arith.constant 1 : index
    %get3A_199 = arith.constant 2 : index
    %get3A_200 = vector.load %arg2[%get3A_197, %get3A_198, %get3A_199] : memref<1x3x3xf32, #tpu.memory_space<vmem>>, vector<1x1x1xf32>
    %get3A_201 = vector.shape_cast %get3A_200 : vector<1x1x1xf32> to vector<1x1xf32>
    %jit3A_202 = arith.constant 0.000000e+00 : f32
    %broadcast_in_dim3A_203 = vector.shape_cast %get3A_201 : vector<1x1xf32> to vector<1x1xf32>
    %broadcast_in_dim3A_204 = vector.broadcast %broadcast_in_dim3A_203 : vector<1x1xf32> to vector<384x384xf32>
    %broadcast_in_dim3A_205 = vector.broadcast %jit3A_202 : f32 to vector<384x384xf32>
    %select_n3A_206 = arith.select %and3A_196, %broadcast_in_dim3A_204, %broadcast_in_dim3A_205 : vector<384x384xi1>, vector<384x384xf32>
    %add3A_207 = arith.addf %add3A_188, %select_n3A_206 : vector<384x384xf32>
    %eq3A_208 = arith.constant 2 : i32
    %eq3A_209 = vector.broadcast %eq3A_208 : i32 to vector<384x384xi32>
    %eq3A_210 = arith.cmpi eq, %select_n3A_74, %eq3A_209 : vector<384x384xi32>
    %and3A_211 = arith.andi %eq3A, %eq3A_210 : vector<384x384xi1>
    %eq3A_212 = arith.constant 0 : i32
    %eq3A_213 = vector.broadcast %eq3A_212 : i32 to vector<384x384xi32>
    %eq3A_214 = arith.cmpi eq, %select_n3A_96, %eq3A_213 : vector<384x384xi32>
    %and3A_215 = arith.andi %and3A_211, %eq3A_214 : vector<384x384xi1>
    %get3A_216 = arith.constant 0 : index
    %get3A_217 = arith.constant 2 : index
    %get3A_218 = arith.constant 0 : index
    %get3A_219 = vector.load %arg2[%get3A_216, %get3A_217, %get3A_218] : memref<1x3x3xf32, #tpu.memory_space<vmem>>, vector<1x1x1xf32>
    %get3A_220 = vector.shape_cast %get3A_219 : vector<1x1x1xf32> to vector<1x1xf32>
    %jit3A_221 = arith.constant 0.000000e+00 : f32
    %broadcast_in_dim3A_222 = vector.shape_cast %get3A_220 : vector<1x1xf32> to vector<1x1xf32>
    %broadcast_in_dim3A_223 = vector.broadcast %broadcast_in_dim3A_222 : vector<1x1xf32> to vector<384x384xf32>
    %broadcast_in_dim3A_224 = vector.broadcast %jit3A_221 : f32 to vector<384x384xf32>
    %select_n3A_225 = arith.select %and3A_215, %broadcast_in_dim3A_223, %broadcast_in_dim3A_224 : vector<384x384xi1>, vector<384x384xf32>
    %add3A_226 = arith.addf %add3A_207, %select_n3A_225 : vector<384x384xf32>
    %eq3A_227 = arith.constant 2 : i32
    %eq3A_228 = vector.broadcast %eq3A_227 : i32 to vector<384x384xi32>
    %eq3A_229 = arith.cmpi eq, %select_n3A_74, %eq3A_228 : vector<384x384xi32>
    %and3A_230 = arith.andi %eq3A, %eq3A_229 : vector<384x384xi1>
    %eq3A_231 = arith.constant 1 : i32
    %eq3A_232 = vector.broadcast %eq3A_231 : i32 to vector<384x384xi32>
    %eq3A_233 = arith.cmpi eq, %select_n3A_96, %eq3A_232 : vector<384x384xi32>
    %and3A_234 = arith.andi %and3A_230, %eq3A_233 : vector<384x384xi1>
    %get3A_235 = arith.constant 0 : index
    %get3A_236 = arith.constant 2 : index
    %get3A_237 = arith.constant 1 : index
    %get3A_238 = vector.load %arg2[%get3A_235, %get3A_236, %get3A_237] : memref<1x3x3xf32, #tpu.memory_space<vmem>>, vector<1x1x1xf32>
    %get3A_239 = vector.shape_cast %get3A_238 : vector<1x1x1xf32> to vector<1x1xf32>
    %jit3A_240 = arith.constant 0.000000e+00 : f32
    %broadcast_in_dim3A_241 = vector.shape_cast %get3A_239 : vector<1x1xf32> to vector<1x1xf32>
    %broadcast_in_dim3A_242 = vector.broadcast %broadcast_in_dim3A_241 : vector<1x1xf32> to vector<384x384xf32>
    %broadcast_in_dim3A_243 = vector.broadcast %jit3A_240 : f32 to vector<384x384xf32>
    %select_n3A_244 = arith.select %and3A_234, %broadcast_in_dim3A_242, %broadcast_in_dim3A_243 : vector<384x384xi1>, vector<384x384xf32>
    %add3A_245 = arith.addf %add3A_226, %select_n3A_244 : vector<384x384xf32>
    %eq3A_246 = arith.constant 2 : i32
    %eq3A_247 = vector.broadcast %eq3A_246 : i32 to vector<384x384xi32>
    %eq3A_248 = arith.cmpi eq, %select_n3A_74, %eq3A_247 : vector<384x384xi32>
    %and3A_249 = arith.andi %eq3A, %eq3A_248 : vector<384x384xi1>
    %eq3A_250 = arith.constant 2 : i32
    %eq3A_251 = vector.broadcast %eq3A_250 : i32 to vector<384x384xi32>
    %eq3A_252 = arith.cmpi eq, %select_n3A_96, %eq3A_251 : vector<384x384xi32>
    %and3A_253 = arith.andi %and3A_249, %eq3A_252 : vector<384x384xi1>
    %get3A_254 = arith.constant 0 : index
    %get3A_255 = arith.constant 2 : index
    %get3A_256 = arith.constant 2 : index
    %get3A_257 = vector.load %arg2[%get3A_254, %get3A_255, %get3A_256] : memref<1x3x3xf32, #tpu.memory_space<vmem>>, vector<1x1x1xf32>
    %get3A_258 = vector.shape_cast %get3A_257 : vector<1x1x1xf32> to vector<1x1xf32>
    %jit3A_259 = arith.constant 0.000000e+00 : f32
    %broadcast_in_dim3A_260 = vector.shape_cast %get3A_258 : vector<1x1xf32> to vector<1x1xf32>
    %broadcast_in_dim3A_261 = vector.broadcast %broadcast_in_dim3A_260 : vector<1x1xf32> to vector<384x384xf32>
    %broadcast_in_dim3A_262 = vector.broadcast %jit3A_259 : f32 to vector<384x384xf32>
    %select_n3A_263 = arith.select %and3A_253, %broadcast_in_dim3A_261, %broadcast_in_dim3A_262 : vector<384x384xi1>, vector<384x384xf32>
    %add3A_264 = arith.addf %add3A_245, %select_n3A_263 : vector<384x384xf32>
    %swap3A = arith.constant 0 : index
    %swap3A_265 = arith.constant 0 : index
    %swap3A_266 = vector.load %arg10[%swap3A, %swap3A_265] : memref<384x384xf32, #tpu.memory_space<vmem>>, vector<384x384xf32>
    tpu.vector_store %arg10[%swap3A, %swap3A_265], %add3A_264 {strides = array<i32>} : memref<384x384xf32, #tpu.memory_space<vmem>>, vector<384x384xf32>,
    %get3A_267 = arith.constant 0 : index
    %get3A_268 = arith.constant 0 : index
    %get3A_269 = arith.constant 0 : index
    %get3A_270 = vector.load %arg1[%get3A_267, %get3A_268, %get3A_269] : memref<1x256x3072xf32, #tpu.memory_space<vmem>>, vector<1x256x384xf32>
    %get3A_271 = vector.shape_cast %get3A_270 : vector<1x256x384xf32> to vector<256x384xf32>
    %convert_element_type3A = arith.truncf %get3A_271 : vector<256x384xf32> to vector<256x384xbf16>
    %get3A_272 = arith.constant 0 : index
    %get3A_273 = arith.constant 0 : index
    %get3A_274 = vector.load %arg10[%get3A_272, %get3A_273] : memref<384x384xf32, #tpu.memory_space<vmem>>, vector<384x384xf32>
    %convert_element_type3A_275 = arith.truncf %get3A_274 : vector<384x384xf32> to vector<384x384xbf16>
    %dot_general3A = arith.constant dense<0.000000e+00> : vector<256x384xf32>
    %dot_general3A_276 = tpu.matmul %convert_element_type3A, %convert_element_type3A_275, %dot_general3A {dimension_numbers = #tpu.dot_dimension_numbers<[1], [0], [0], [1], [0, 0, 1, 1], [], []>, transpose_lhs_hint = false} : vector<256x384xbf16>, vector<384x384xbf16>, vector<256x384xf32> -> vector<256x384xf32>
    %swap3A_277 = arith.constant 0 : index
    %swap3A_278 = arith.constant 0 : index
    %swap3A_279 = vector.load %arg9[%swap3A_277, %swap3A_278] : memref<256x3072xf32, #tpu.memory_space<vmem>>, vector<256x384xf32>
    tpu.vector_store %arg9[%swap3A_277, %swap3A_278], %dot_general3A_276 {strides = array<i32>} : memref<256x3072xf32, #tpu.memory_space<vmem>>, vector<256x384xf32>,
    %get3A_280 = arith.constant 0 : index
    %get3A_281 = arith.constant 0 : index
    %get3A_282 = arith.constant 384 : index
    %get3A_283 = vector.load %arg1[%get3A_280, %get3A_281, %get3A_282] : memref<1x256x3072xf32, #tpu.memory_space<vmem>>, vector<1x256x384xf32>
    %get3A_284 = vector.shape_cast %get3A_283 : vector<1x256x384xf32> to vector<256x384xf32>
    %convert_element_type3A_285 = arith.truncf %get3A_284 : vector<256x384xf32> to vector<256x384xbf16>
    %get3A_286 = arith.constant 0 : index
    %get3A_287 = arith.constant 0 : index
    %get3A_288 = vector.load %arg10[%get3A_286, %get3A_287] : memref<384x384xf32, #tpu.memory_space<vmem>>, vector<384x384xf32>
    %convert_element_type3A_289 = arith.truncf %get3A_288 : vector<384x384xf32> to vector<384x384xbf16>
    %dot_general3A_290 = arith.constant dense<0.000000e+00> : vector<256x384xf32>
    %dot_general3A_291 = tpu.matmul %convert_element_type3A_285, %convert_element_type3A_289, %dot_general3A_290 {dimension_numbers = #tpu.dot_dimension_numbers<[1], [0], [0], [1], [0, 0, 1, 1], [], []>, transpose_lhs_hint = false} : vector<256x384xbf16>, vector<384x384xbf16>, vector<256x384xf32> -> vector<256x384xf32>
    %swap3A_292 = arith.constant 0 : index
    %swap3A_293 = arith.constant 384 : index
    %swap3A_294 = vector.load %arg9[%swap3A_292, %swap3A_293] : memref<256x3072xf32, #tpu.memory_space<vmem>>, vector<256x384xf32>
    tpu.vector_store %arg9[%swap3A_292, %swap3A_293], %dot_general3A_291 {strides = array<i32>} : memref<256x3072xf32, #tpu.memory_space<vmem>>, vector<256x384xf32>,
    %get3A_295 = arith.constant 0 : index
    %get3A_296 = arith.constant 0 : index
    %get3A_297 = arith.constant 768 : index
    %get3A_298 = vector.load %arg1[%get3A_295, %get3A_296, %get3A_297] : memref<1x256x3072xf32, #tpu.memory_space<vmem>>, vector<1x256x384xf32>
    %get3A_299 = vector.shape_cast %get3A_298 : vector<1x256x384xf32> to vector<256x384xf32>
    %convert_element_type3A_300 = arith.truncf %get3A_299 : vector<256x384xf32> to vector<256x384xbf16>
    %get3A_301 = arith.constant 0 : index
    %get3A_302 = arith.constant 0 : index
    %get3A_303 = vector.load %arg10[%get3A_301, %get3A_302] : memref<384x384xf32, #tpu.memory_space<vmem>>, vector<384x384xf32>
    %convert_element_type3A_304 = arith.truncf %get3A_303 : vector<384x384xf32> to vector<384x384xbf16>
    %dot_general3A_305 = arith.constant dense<0.000000e+00> : vector<256x384xf32>
    %dot_general3A_306 = tpu.matmul %convert_element_type3A_300, %convert_element_type3A_304, %dot_general3A_305 {dimension_numbers = #tpu.dot_dimension_numbers<[1], [0], [0], [1], [0, 0, 1, 1], [], []>, transpose_lhs_hint = false} : vector<256x384xbf16>, vector<384x384xbf16>, vector<256x384xf32> -> vector<256x384xf32>
    %swap3A_307 = arith.constant 0 : index
    %swap3A_308 = arith.constant 768 : index
    %swap3A_309 = vector.load %arg9[%swap3A_307, %swap3A_308] : memref<256x3072xf32, #tpu.memory_space<vmem>>, vector<256x384xf32>
    tpu.vector_store %arg9[%swap3A_307, %swap3A_308], %dot_general3A_306 {strides = array<i32>} : memref<256x3072xf32, #tpu.memory_space<vmem>>, vector<256x384xf32>,
    %get3A_310 = arith.constant 0 : index
    %get3A_311 = arith.constant 0 : index
    %get3A_312 = arith.constant 1152 : index
    %get3A_313 = vector.load %arg1[%get3A_310, %get3A_311, %get3A_312] : memref<1x256x3072xf32, #tpu.memory_space<vmem>>, vector<1x256x384xf32>
    %get3A_314 = vector.shape_cast %get3A_313 : vector<1x256x384xf32> to vector<256x384xf32>
    %convert_element_type3A_315 = arith.truncf %get3A_314 : vector<256x384xf32> to vector<256x384xbf16>
    %get3A_316 = arith.constant 0 : index
    %get3A_317 = arith.constant 0 : index
    %get3A_318 = vector.load %arg10[%get3A_316, %get3A_317] : memref<384x384xf32, #tpu.memory_space<vmem>>, vector<384x384xf32>
    %convert_element_type3A_319 = arith.truncf %get3A_318 : vector<384x384xf32> to vector<384x384xbf16>
    %dot_general3A_320 = arith.constant dense<0.000000e+00> : vector<256x384xf32>
    %dot_general3A_321 = tpu.matmul %convert_element_type3A_315, %convert_element_type3A_319, %dot_general3A_320 {dimension_numbers = #tpu.dot_dimension_numbers<[1], [0], [0], [1], [0, 0, 1, 1], [], []>, transpose_lhs_hint = false} : vector<256x384xbf16>, vector<384x384xbf16>, vector<256x384xf32> -> vector<256x384xf32>
    %swap3A_322 = arith.constant 0 : index
    %swap3A_323 = arith.constant 1152 : index
    %swap3A_324 = vector.load %arg9[%swap3A_322, %swap3A_323] : memref<256x3072xf32, #tpu.memory_space<vmem>>, vector<256x384xf32>
    tpu.vector_store %arg9[%swap3A_322, %swap3A_323], %dot_general3A_321 {strides = array<i32>} : memref<256x3072xf32, #tpu.memory_space<vmem>>, vector<256x384xf32>,
    %get3A_325 = arith.constant 0 : index
    %get3A_326 = arith.constant 0 : index
    %get3A_327 = arith.constant 1536 : index
    %get3A_328 = vector.load %arg1[%get3A_325, %get3A_326, %get3A_327] : memref<1x256x3072xf32, #tpu.memory_space<vmem>>, vector<1x256x384xf32>
    %get3A_329 = vector.shape_cast %get3A_328 : vector<1x256x384xf32> to vector<256x384xf32>
    %convert_element_type3A_330 = arith.truncf %get3A_329 : vector<256x384xf32> to vector<256x384xbf16>
    %get3A_331 = arith.constant 0 : index
    %get3A_332 = arith.constant 0 : index
    %get3A_333 = vector.load %arg10[%get3A_331, %get3A_332] : memref<384x384xf32, #tpu.memory_space<vmem>>, vector<384x384xf32>
    %convert_element_type3A_334 = arith.truncf %get3A_333 : vector<384x384xf32> to vector<384x384xbf16>
    %dot_general3A_335 = arith.constant dense<0.000000e+00> : vector<256x384xf32>
    %dot_general3A_336 = tpu.matmul %convert_element_type3A_330, %convert_element_type3A_334, %dot_general3A_335 {dimension_numbers = #tpu.dot_dimension_numbers<[1], [0], [0], [1], [0, 0, 1, 1], [], []>, transpose_lhs_hint = false} : vector<256x384xbf16>, vector<384x384xbf16>, vector<256x384xf32> -> vector<256x384xf32>
    %swap3A_337 = arith.constant 0 : index
    %swap3A_338 = arith.constant 1536 : index
    %swap3A_339 = vector.load %arg9[%swap3A_337, %swap3A_338] : memref<256x3072xf32, #tpu.memory_space<vmem>>, vector<256x384xf32>
    tpu.vector_store %arg9[%swap3A_337, %swap3A_338], %dot_general3A_336 {strides = array<i32>} : memref<256x3072xf32, #tpu.memory_space<vmem>>, vector<256x384xf32>,
    %get3A_340 = arith.constant 0 : index
    %get3A_341 = arith.constant 0 : index
    %get3A_342 = arith.constant 1920 : index
    %get3A_343 = vector.load %arg1[%get3A_340, %get3A_341, %get3A_342] : memref<1x256x3072xf32, #tpu.memory_space<vmem>>, vector<1x256x384xf32>
    %get3A_344 = vector.shape_cast %get3A_343 : vector<1x256x384xf32> to vector<256x384xf32>
    %convert_element_type3A_345 = arith.truncf %get3A_344 : vector<256x384xf32> to vector<256x384xbf16>
    %get3A_346 = arith.constant 0 : index
    %get3A_347 = arith.constant 0 : index
    %get3A_348 = vector.load %arg10[%get3A_346, %get3A_347] : memref<384x384xf32, #tpu.memory_space<vmem>>, vector<384x384xf32>
    %convert_element_type3A_349 = arith.truncf %get3A_348 : vector<384x384xf32> to vector<384x384xbf16>
    %dot_general3A_350 = arith.constant dense<0.000000e+00> : vector<256x384xf32>
    %dot_general3A_351 = tpu.matmul %convert_element_type3A_345, %convert_element_type3A_349, %dot_general3A_350 {dimension_numbers = #tpu.dot_dimension_numbers<[1], [0], [0], [1], [0, 0, 1, 1], [], []>, transpose_lhs_hint = false} : vector<256x384xbf16>, vector<384x384xbf16>, vector<256x384xf32> -> vector<256x384xf32>
    %swap3A_352 = arith.constant 0 : index
    %swap3A_353 = arith.constant 1920 : index
    %swap3A_354 = vector.load %arg9[%swap3A_352, %swap3A_353] : memref<256x3072xf32, #tpu.memory_space<vmem>>, vector<256x384xf32>
    tpu.vector_store %arg9[%swap3A_352, %swap3A_353], %dot_general3A_351 {strides = array<i32>} : memref<256x3072xf32, #tpu.memory_space<vmem>>, vector<256x384xf32>,
    %get3A_355 = arith.constant 0 : index
    %get3A_356 = arith.constant 0 : index
    %get3A_357 = arith.constant 2304 : index
    %get3A_358 = vector.load %arg1[%get3A_355, %get3A_356, %get3A_357] : memref<1x256x3072xf32, #tpu.memory_space<vmem>>, vector<1x256x384xf32>
    %get3A_359 = vector.shape_cast %get3A_358 : vector<1x256x384xf32> to vector<256x384xf32>
    %convert_element_type3A_360 = arith.truncf %get3A_359 : vector<256x384xf32> to vector<256x384xbf16>
    %get3A_361 = arith.constant 0 : index
    %get3A_362 = arith.constant 0 : index
    %get3A_363 = vector.load %arg10[%get3A_361, %get3A_362] : memref<384x384xf32, #tpu.memory_space<vmem>>, vector<384x384xf32>
    %convert_element_type3A_364 = arith.truncf %get3A_363 : vector<384x384xf32> to vector<384x384xbf16>
    %dot_general3A_365 = arith.constant dense<0.000000e+00> : vector<256x384xf32>
    %dot_general3A_366 = tpu.matmul %convert_element_type3A_360, %convert_element_type3A_364, %dot_general3A_365 {dimension_numbers = #tpu.dot_dimension_numbers<[1], [0], [0], [1], [0, 0, 1, 1], [], []>, transpose_lhs_hint = false} : vector<256x384xbf16>, vector<384x384xbf16>, vector<256x384xf32> -> vector<256x384xf32>
    %swap3A_367 = arith.constant 0 : index
    %swap3A_368 = arith.constant 2304 : index
    %swap3A_369 = vector.load %arg9[%swap3A_367, %swap3A_368] : memref<256x3072xf32, #tpu.memory_space<vmem>>, vector<256x384xf32>
    tpu.vector_store %arg9[%swap3A_367, %swap3A_368], %dot_general3A_366 {strides = array<i32>} : memref<256x3072xf32, #tpu.memory_space<vmem>>, vector<256x384xf32>,
    %get3A_370 = arith.constant 0 : index
    %get3A_371 = arith.constant 0 : index
    %get3A_372 = arith.constant 2688 : index
    %get3A_373 = vector.load %arg1[%get3A_370, %get3A_371, %get3A_372] : memref<1x256x3072xf32, #tpu.memory_space<vmem>>, vector<1x256x384xf32>
    %get3A_374 = vector.shape_cast %get3A_373 : vector<1x256x384xf32> to vector<256x384xf32>
    %convert_element_type3A_375 = arith.truncf %get3A_374 : vector<256x384xf32> to vector<256x384xbf16>
    %get3A_376 = arith.constant 0 : index
    %get3A_377 = arith.constant 0 : index
    %get3A_378 = vector.load %arg10[%get3A_376, %get3A_377] : memref<384x384xf32, #tpu.memory_space<vmem>>, vector<384x384xf32>
    %convert_element_type3A_379 = arith.truncf %get3A_378 : vector<384x384xf32> to vector<384x384xbf16>
    %dot_general3A_380 = arith.constant dense<0.000000e+00> : vector<256x384xf32>
    %dot_general3A_381 = tpu.matmul %convert_element_type3A_375, %convert_element_type3A_379, %dot_general3A_380 {dimension_numbers = #tpu.dot_dimension_numbers<[1], [0], [0], [1], [0, 0, 1, 1], [], []>, transpose_lhs_hint = false} : vector<256x384xbf16>, vector<384x384xbf16>, vector<256x384xf32> -> vector<256x384xf32>
    %swap3A_382 = arith.constant 0 : index
    %swap3A_383 = arith.constant 2688 : index
    %swap3A_384 = vector.load %arg9[%swap3A_382, %swap3A_383] : memref<256x3072xf32, #tpu.memory_space<vmem>>, vector<256x384xf32>
    tpu.vector_store %arg9[%swap3A_382, %swap3A_383], %dot_general3A_381 {strides = array<i32>} : memref<256x3072xf32, #tpu.memory_space<vmem>>, vector<256x384xf32>,
    %get3A_385 = arith.constant 0 : index
    %get3A_386 = arith.constant 0 : index
    %get3A_387 = vector.load %arg9[%get3A_385, %get3A_386] : memref<256x3072xf32, #tpu.memory_space<vmem>>, vector<256x1024xf32>
    %convert_element_type3A_388 = arith.truncf %get3A_387 : vector<256x1024xf32> to vector<256x1024xbf16>
    %get3A_389 = arith.constant 0 : index
    %get3A_390 = arith.constant 0 : index
    %get3A_391 = vector.load %arg3[%get3A_389, %get3A_390] : memref<256x384xf32, #tpu.memory_space<vmem>>, vector<256x384xf32>
    %convert_element_type3A_392 = arith.truncf %get3A_391 : vector<256x384xf32> to vector<256x384xbf16>
    %dot_general3A_393 = arith.constant dense<0.000000e+00> : vector<1024x384xf32>
    %dot_general3A_394 = tpu.matmul %convert_element_type3A_388, %convert_element_type3A_392, %dot_general3A_393 {dimension_numbers = #tpu.dot_dimension_numbers<[0], [0], [1], [1], [0, 1, 1, 1], [], []>, transpose_lhs_hint = false} : vector<256x1024xbf16>, vector<256x384xbf16>, vector<1024x384xf32> -> vector<1024x384xf32>
    %get3A_395 = arith.constant 0 : index
    %get3A_396 = arith.constant 1024 : index
    %get3A_397 = vector.load %arg9[%get3A_395, %get3A_396] : memref<256x3072xf32, #tpu.memory_space<vmem>>, vector<256x1024xf32>
    %convert_element_type3A_398 = arith.truncf %get3A_397 : vector<256x1024xf32> to vector<256x1024xbf16>
    %get3A_399 = arith.constant 0 : index
    %get3A_400 = arith.constant 0 : index
    %get3A_401 = vector.load %arg4[%get3A_399, %get3A_400] : memref<256x384xf32, #tpu.memory_space<vmem>>, vector<256x384xf32>
    %convert_element_type3A_402 = arith.truncf %get3A_401 : vector<256x384xf32> to vector<256x384xbf16>
    %dot_general3A_403 = arith.constant dense<0.000000e+00> : vector<1024x384xf32>
    %dot_general3A_404 = tpu.matmul %convert_element_type3A_398, %convert_element_type3A_402, %dot_general3A_403 {dimension_numbers = #tpu.dot_dimension_numbers<[0], [0], [1], [1], [0, 1, 1, 1], [], []>, transpose_lhs_hint = false} : vector<256x1024xbf16>, vector<256x384xbf16>, vector<1024x384xf32> -> vector<1024x384xf32>
    %add3A_405 = arith.addf %dot_general3A_394, %dot_general3A_404 : vector<1024x384xf32>
    %get3A_406 = arith.constant 0 : index
    %get3A_407 = arith.constant 2048 : index
    %get3A_408 = vector.load %arg9[%get3A_406, %get3A_407] : memref<256x3072xf32, #tpu.memory_space<vmem>>, vector<256x1024xf32>
    %convert_element_type3A_409 = arith.truncf %get3A_408 : vector<256x1024xf32> to vector<256x1024xbf16>
    %get3A_410 = arith.constant 0 : index
    %get3A_411 = arith.constant 0 : index
    %get3A_412 = vector.load %arg5[%get3A_410, %get3A_411] : memref<256x384xf32, #tpu.memory_space<vmem>>, vector<256x384xf32>
    %convert_element_type3A_413 = arith.truncf %get3A_412 : vector<256x384xf32> to vector<256x384xbf16>
    %dot_general3A_414 = arith.constant dense<0.000000e+00> : vector<1024x384xf32>
    %dot_general3A_415 = tpu.matmul %convert_element_type3A_409, %convert_element_type3A_413, %dot_general3A_414 {dimension_numbers = #tpu.dot_dimension_numbers<[0], [0], [1], [1], [0, 1, 1, 1], [], []>, transpose_lhs_hint = false} : vector<256x1024xbf16>, vector<256x384xbf16>, vector<1024x384xf32> -> vector<1024x384xf32>
    %add3A_416 = arith.addf %add3A_405, %dot_general3A_415 : vector<1024x384xf32>
    %convert_element_type3A_417 = arith.truncf %add3A_416 : vector<1024x384xf32> to vector<1024x384xbf16>
    %swap3A_418 = arith.constant 0 : index
    %swap3A_419 = arith.constant 0 : index
    %swap3A_420 = arith.constant 0 : index
    %swap3A_421 = vector.load %arg7[%swap3A_418, %swap3A_419, %swap3A_420] : memref<1x1024x512xbf16, #tpu.memory_space<vmem>>, vector<1x1024x384xbf16>
    %swap3A_422 = vector.shape_cast %swap3A_421 : vector<1x1024x384xbf16> to vector<1024x384xbf16>
    %swap3A_423 = vector.shape_cast %convert_element_type3A_417 : vector<1024x384xbf16> to vector<1x1024x384xbf16>
    tpu.vector_store %arg7[%swap3A_418, %swap3A_419, %swap3A_420], %swap3A_423 {strides = array<i32>} : memref<1x1024x512xbf16, #tpu.memory_space<vmem>>, vector<1x1024x384xbf16>,
    %broadcast_in_dim3A_424 = arith.constant 0.000000e+00 : bf16
    %broadcast_in_dim3A_425 = vector.broadcast %broadcast_in_dim3A_424 : bf16 to vector<1024x128xbf16>
    %swap3A_426 = arith.constant 0 : index
    %swap3A_427 = arith.constant 0 : index
    %swap3A_428 = arith.constant 384 : index
    %swap3A_429 = vector.load %arg7[%swap3A_426, %swap3A_427, %swap3A_428] : memref<1x1024x512xbf16, #tpu.memory_space<vmem>>, vector<1x1024x128xbf16>
    %swap3A_430 = vector.shape_cast %swap3A_429 : vector<1x1024x128xbf16> to vector<1024x128xbf16>
    %swap3A_431 = vector.shape_cast %broadcast_in_dim3A_425 : vector<1024x128xbf16> to vector<1x1024x128xbf16>
    tpu.vector_store %arg7[%swap3A_426, %swap3A_427, %swap3A_428], %swap3A_431 {strides = array<i32>} : memref<1x1024x512xbf16, #tpu.memory_space<vmem>>, vector<1x1024x128xbf16>,
    %get3A_432 = arith.constant 0 : index
    %get3A_433 = arith.constant 0 : index
    %get3A_434 = arith.constant 0 : index
    %get3A_435 = vector.load %arg2[%get3A_432, %get3A_433, %get3A_434] : memref<1x3x3xf32, #tpu.memory_space<vmem>>, vector<1x1x1xf32>
    %get3A_436 = vector.shape_cast %get3A_435 : vector<1x1x1xf32> to vector<1x1xf32>
    %convert_element_type3A_437 = arith.truncf %get3A_436 : vector<1x1xf32> to vector<1x1xbf16>
    %convert_element_type3A_438 = arith.extf %convert_element_type3A_437 : vector<1x1xbf16> to vector<1x1xf32>
    %get3A_439 = arith.constant 0 : index
    %get3A_440 = arith.constant 0 : index
    %get3A_441 = arith.constant 0 : index
    %get3A_442 = vector.load %arg6[%get3A_439, %get3A_440, %get3A_441] : memref<1x3x1024xf32, #tpu.memory_space<vmem>>, vector<1x1x1024xf32>
    %get3A_443 = vector.shape_cast %get3A_442 : vector<1x1x1024xf32> to vector<1x1024xf32>
    %convert_element_type3A_444 = arith.truncf %get3A_443 : vector<1x1024xf32> to vector<1x1024xbf16>
    %convert_element_type3A_445 = arith.extf %convert_element_type3A_444 : vector<1x1024xbf16> to vector<1x1024xf32>
    %mul3A = vector.broadcast %convert_element_type3A_438 : vector<1x1xf32> to vector<1x1024xf32>
    %mul3A_446 = arith.mulf %mul3A, %convert_element_type3A_445 : vector<1x1024xf32>
    %get3A_447 = arith.constant 0 : index
    %get3A_448 = arith.constant 1 : index
    %get3A_449 = arith.constant 0 : index
    %get3A_450 = vector.load %arg2[%get3A_447, %get3A_448, %get3A_449] : memref<1x3x3xf32, #tpu.memory_space<vmem>>, vector<1x1x1xf32>
    %get3A_451 = vector.shape_cast %get3A_450 : vector<1x1x1xf32> to vector<1x1xf32>
    %convert_element_type3A_452 = arith.truncf %get3A_451 : vector<1x1xf32> to vector<1x1xbf16>
    %convert_element_type3A_453 = arith.extf %convert_element_type3A_452 : vector<1x1xbf16> to vector<1x1xf32>
    %get3A_454 = arith.constant 0 : index
    %get3A_455 = arith.constant 1 : index
    %get3A_456 = arith.constant 0 : index
    %get3A_457 = vector.load %arg6[%get3A_454, %get3A_455, %get3A_456] : memref<1x3x1024xf32, #tpu.memory_space<vmem>>, vector<1x1x1024xf32>
    %get3A_458 = vector.shape_cast %get3A_457 : vector<1x1x1024xf32> to vector<1x1024xf32>
    %convert_element_type3A_459 = arith.truncf %get3A_458 : vector<1x1024xf32> to vector<1x1024xbf16>
    %convert_element_type3A_460 = arith.extf %convert_element_type3A_459 : vector<1x1024xbf16> to vector<1x1024xf32>
    %mul3A_461 = vector.broadcast %convert_element_type3A_453 : vector<1x1xf32> to vector<1x1024xf32>
    %mul3A_462 = arith.mulf %mul3A_461, %convert_element_type3A_460 : vector<1x1024xf32>
    %add3A_463 = arith.addf %mul3A_446, %mul3A_462 : vector<1x1024xf32>
    %get3A_464 = arith.constant 0 : index
    %get3A_465 = arith.constant 2 : index
    %get3A_466 = arith.constant 0 : index
    %get3A_467 = vector.load %arg2[%get3A_464, %get3A_465, %get3A_466] : memref<1x3x3xf32, #tpu.memory_space<vmem>>, vector<1x1x1xf32>
    %get3A_468 = vector.shape_cast %get3A_467 : vector<1x1x1xf32> to vector<1x1xf32>
    %convert_element_type3A_469 = arith.truncf %get3A_468 : vector<1x1xf32> to vector<1x1xbf16>
    %convert_element_type3A_470 = arith.extf %convert_element_type3A_469 : vector<1x1xbf16> to vector<1x1xf32>
    %get3A_471 = arith.constant 0 : index
    %get3A_472 = arith.constant 2 : index
    %get3A_473 = arith.constant 0 : index
    %get3A_474 = vector.load %arg6[%get3A_471, %get3A_472, %get3A_473] : memref<1x3x1024xf32, #tpu.memory_space<vmem>>, vector<1x1x1024xf32>
    %get3A_475 = vector.shape_cast %get3A_474 : vector<1x1x1024xf32> to vector<1x1024xf32>
    %convert_element_type3A_476 = arith.truncf %get3A_475 : vector<1x1024xf32> to vector<1x1024xbf16>
    %convert_element_type3A_477 = arith.extf %convert_element_type3A_476 : vector<1x1024xbf16> to vector<1x1024xf32>
    %mul3A_478 = vector.broadcast %convert_element_type3A_470 : vector<1x1xf32> to vector<1x1024xf32>
    %mul3A_479 = arith.mulf %mul3A_478, %convert_element_type3A_477 : vector<1x1024xf32>
    %add3A_480 = arith.addf %add3A_463, %mul3A_479 : vector<1x1024xf32>
    %swap3A_481 = arith.constant 0 : index
    %swap3A_482 = arith.constant 0 : index
    %swap3A_483 = arith.constant 0 : index
    %swap3A_484 = vector.load %arg8[%swap3A_481, %swap3A_482, %swap3A_483] : memref<1x3x1024xf32, #tpu.memory_space<vmem>>, vector<1x1x1024xf32>
    %swap3A_485 = vector.shape_cast %swap3A_484 : vector<1x1x1024xf32> to vector<1x1024xf32>
    %swap3A_486 = vector.shape_cast %add3A_480 : vector<1x1024xf32> to vector<1x1x1024xf32>
    tpu.vector_store %arg8[%swap3A_481, %swap3A_482, %swap3A_483], %swap3A_486 {strides = array<i32>} : memref<1x3x1024xf32, #tpu.memory_space<vmem>>, vector<1x1x1024xf32>,
    %get3A_487 = arith.constant 0 : index
    %get3A_488 = arith.constant 0 : index
    %get3A_489 = arith.constant 1 : index
    %get3A_490 = vector.load %arg2[%get3A_487, %get3A_488, %get3A_489] : memref<1x3x3xf32, #tpu.memory_space<vmem>>, vector<1x1x1xf32>
    %get3A_491 = vector.shape_cast %get3A_490 : vector<1x1x1xf32> to vector<1x1xf32>
    %convert_element_type3A_492 = arith.truncf %get3A_491 : vector<1x1xf32> to vector<1x1xbf16>
    %convert_element_type3A_493 = arith.extf %convert_element_type3A_492 : vector<1x1xbf16> to vector<1x1xf32>
    %get3A_494 = arith.constant 0 : index
    %get3A_495 = arith.constant 0 : index
    %get3A_496 = arith.constant 0 : index
    %get3A_497 = vector.load %arg6[%get3A_494, %get3A_495, %get3A_496] : memref<1x3x1024xf32, #tpu.memory_space<vmem>>, vector<1x1x1024xf32>
    %get3A_498 = vector.shape_cast %get3A_497 : vector<1x1x1024xf32> to vector<1x1024xf32>
    %convert_element_type3A_499 = arith.truncf %get3A_498 : vector<1x1024xf32> to vector<1x1024xbf16>
    %convert_element_type3A_500 = arith.extf %convert_element_type3A_499 : vector<1x1024xbf16> to vector<1x1024xf32>
    %mul3A_501 = vector.broadcast %convert_element_type3A_493 : vector<1x1xf32> to vector<1x1024xf32>
    %mul3A_502 = arith.mulf %mul3A_501, %convert_element_type3A_500 : vector<1x1024xf32>
    %get3A_503 = arith.constant 0 : index
    %get3A_504 = arith.constant 1 : index
    %get3A_505 = arith.constant 1 : index
    %get3A_506 = vector.load %arg2[%get3A_503, %get3A_504, %get3A_505] : memref<1x3x3xf32, #tpu.memory_space<vmem>>, vector<1x1x1xf32>
    %get3A_507 = vector.shape_cast %get3A_506 : vector<1x1x1xf32> to vector<1x1xf32>
    %convert_element_type3A_508 = arith.truncf %get3A_507 : vector<1x1xf32> to vector<1x1xbf16>
    %convert_element_type3A_509 = arith.extf %convert_element_type3A_508 : vector<1x1xbf16> to vector<1x1xf32>
    %get3A_510 = arith.constant 0 : index
    %get3A_511 = arith.constant 1 : index
    %get3A_512 = arith.constant 0 : index
    %get3A_513 = vector.load %arg6[%get3A_510, %get3A_511, %get3A_512] : memref<1x3x1024xf32, #tpu.memory_space<vmem>>, vector<1x1x1024xf32>
    %get3A_514 = vector.shape_cast %get3A_513 : vector<1x1x1024xf32> to vector<1x1024xf32>
    %convert_element_type3A_515 = arith.truncf %get3A_514 : vector<1x1024xf32> to vector<1x1024xbf16>
    %convert_element_type3A_516 = arith.extf %convert_element_type3A_515 : vector<1x1024xbf16> to vector<1x1024xf32>
    %mul3A_517 = vector.broadcast %convert_element_type3A_509 : vector<1x1xf32> to vector<1x1024xf32>
    %mul3A_518 = arith.mulf %mul3A_517, %convert_element_type3A_516 : vector<1x1024xf32>
    %add3A_519 = arith.addf %mul3A_502, %mul3A_518 : vector<1x1024xf32>
    %get3A_520 = arith.constant 0 : index
    %get3A_521 = arith.constant 2 : index
    %get3A_522 = arith.constant 1 : index
    %get3A_523 = vector.load %arg2[%get3A_520, %get3A_521, %get3A_522] : memref<1x3x3xf32, #tpu.memory_space<vmem>>, vector<1x1x1xf32>
    %get3A_524 = vector.shape_cast %get3A_523 : vector<1x1x1xf32> to vector<1x1xf32>
    %convert_element_type3A_525 = arith.truncf %get3A_524 : vector<1x1xf32> to vector<1x1xbf16>
    %convert_element_type3A_526 = arith.extf %convert_element_type3A_525 : vector<1x1xbf16> to vector<1x1xf32>
    %get3A_527 = arith.constant 0 : index
    %get3A_528 = arith.constant 2 : index
    %get3A_529 = arith.constant 0 : index
    %get3A_530 = vector.load %arg6[%get3A_527, %get3A_528, %get3A_529] : memref<1x3x1024xf32, #tpu.memory_space<vmem>>, vector<1x1x1024xf32>
    %get3A_531 = vector.shape_cast %get3A_530 : vector<1x1x1024xf32> to vector<1x1024xf32>
    %convert_element_type3A_532 = arith.truncf %get3A_531 : vector<1x1024xf32> to vector<1x1024xbf16>
    %convert_element_type3A_533 = arith.extf %convert_element_type3A_532 : vector<1x1024xbf16> to vector<1x1024xf32>
    %mul3A_534 = vector.broadcast %convert_element_type3A_526 : vector<1x1xf32> to vector<1x1024xf32>
    %mul3A_535 = arith.mulf %mul3A_534, %convert_element_type3A_533 : vector<1x1024xf32>
    %add3A_536 = arith.addf %add3A_519, %mul3A_535 : vector<1x1024xf32>
    %swap3A_537 = arith.constant 0 : index
    %swap3A_538 = arith.constant 1 : index
    %swap3A_539 = arith.constant 0 : index
    %swap3A_540 = vector.load %arg8[%swap3A_537, %swap3A_538, %swap3A_539] : memref<1x3x1024xf32, #tpu.memory_space<vmem>>, vector<1x1x1024xf32>
    %swap3A_541 = vector.shape_cast %swap3A_540 : vector<1x1x1024xf32> to vector<1x1024xf32>
    %swap3A_542 = vector.shape_cast %add3A_536 : vector<1x1024xf32> to vector<1x1x1024xf32>
    tpu.vector_store %arg8[%swap3A_537, %swap3A_538, %swap3A_539], %swap3A_542 {strides = array<i32>} : memref<1x3x1024xf32, #tpu.memory_space<vmem>>, vector<1x1x1024xf32>,
    %get3A_543 = arith.constant 0 : index
    %get3A_544 = arith.constant 0 : index
    %get3A_545 = arith.constant 2 : index
    %get3A_546 = vector.load %arg2[%get3A_543, %get3A_544, %get3A_545] : memref<1x3x3xf32, #tpu.memory_space<vmem>>, vector<1x1x1xf32>
    %get3A_547 = vector.shape_cast %get3A_546 : vector<1x1x1xf32> to vector<1x1xf32>
    %convert_element_type3A_548 = arith.truncf %get3A_547 : vector<1x1xf32> to vector<1x1xbf16>
    %convert_element_type3A_549 = arith.extf %convert_element_type3A_548 : vector<1x1xbf16> to vector<1x1xf32>
    %get3A_550 = arith.constant 0 : index
    %get3A_551 = arith.constant 0 : index
    %get3A_552 = arith.constant 0 : index
    %get3A_553 = vector.load %arg6[%get3A_550, %get3A_551, %get3A_552] : memref<1x3x1024xf32, #tpu.memory_space<vmem>>, vector<1x1x1024xf32>
    %get3A_554 = vector.shape_cast %get3A_553 : vector<1x1x1024xf32> to vector<1x1024xf32>
    %convert_element_type3A_555 = arith.truncf %get3A_554 : vector<1x1024xf32> to vector<1x1024xbf16>
    %convert_element_type3A_556 = arith.extf %convert_element_type3A_555 : vector<1x1024xbf16> to vector<1x1024xf32>
    %mul3A_557 = vector.broadcast %convert_element_type3A_549 : vector<1x1xf32> to vector<1x1024xf32>
    %mul3A_558 = arith.mulf %mul3A_557, %convert_element_type3A_556 : vector<1x1024xf32>
    %get3A_559 = arith.constant 0 : index
    %get3A_560 = arith.constant 1 : index
    %get3A_561 = arith.constant 2 : index
    %get3A_562 = vector.load %arg2[%get3A_559, %get3A_560, %get3A_561] : memref<1x3x3xf32, #tpu.memory_space<vmem>>, vector<1x1x1xf32>
    %get3A_563 = vector.shape_cast %get3A_562 : vector<1x1x1xf32> to vector<1x1xf32>
    %convert_element_type3A_564 = arith.truncf %get3A_563 : vector<1x1xf32> to vector<1x1xbf16>
    %convert_element_type3A_565 = arith.extf %convert_element_type3A_564 : vector<1x1xbf16> to vector<1x1xf32>
    %get3A_566 = arith.constant 0 : index
    %get3A_567 = arith.constant 1 : index
    %get3A_568 = arith.constant 0 : index
    %get3A_569 = vector.load %arg6[%get3A_566, %get3A_567, %get3A_568] : memref<1x3x1024xf32, #tpu.memory_space<vmem>>, vector<1x1x1024xf32>
    %get3A_570 = vector.shape_cast %get3A_569 : vector<1x1x1024xf32> to vector<1x1024xf32>
    %convert_element_type3A_571 = arith.truncf %get3A_570 : vector<1x1024xf32> to vector<1x1024xbf16>
    %convert_element_type3A_572 = arith.extf %convert_element_type3A_571 : vector<1x1024xbf16> to vector<1x1024xf32>
    %mul3A_573 = vector.broadcast %convert_element_type3A_565 : vector<1x1xf32> to vector<1x1024xf32>
    %mul3A_574 = arith.mulf %mul3A_573, %convert_element_type3A_572 : vector<1x1024xf32>
    %add3A_575 = arith.addf %mul3A_558, %mul3A_574 : vector<1x1024xf32>
    %get3A_576 = arith.constant 0 : index
    %get3A_577 = arith.constant 2 : index
    %get3A_578 = arith.constant 2 : index
    %get3A_579 = vector.load %arg2[%get3A_576, %get3A_577, %get3A_578] : memref<1x3x3xf32, #tpu.memory_space<vmem>>, vector<1x1x1xf32>
    %get3A_580 = vector.shape_cast %get3A_579 : vector<1x1x1xf32> to vector<1x1xf32>
    %convert_element_type3A_581 = arith.truncf %get3A_580 : vector<1x1xf32> to vector<1x1xbf16>
    %convert_element_type3A_582 = arith.extf %convert_element_type3A_581 : vector<1x1xbf16> to vector<1x1xf32>
    %get3A_583 = arith.constant 0 : index
    %get3A_584 = arith.constant 2 : index
    %get3A_585 = arith.constant 0 : index
    %get3A_586 = vector.load %arg6[%get3A_583, %get3A_584, %get3A_585] : memref<1x3x1024xf32, #tpu.memory_space<vmem>>, vector<1x1x1024xf32>
    %get3A_587 = vector.shape_cast %get3A_586 : vector<1x1x1024xf32> to vector<1x1024xf32>
    %convert_element_type3A_588 = arith.truncf %get3A_587 : vector<1x1024xf32> to vector<1x1024xbf16>
    %convert_element_type3A_589 = arith.extf %convert_element_type3A_588 : vector<1x1024xbf16> to vector<1x1024xf32>
    %mul3A_590 = vector.broadcast %convert_element_type3A_582 : vector<1x1xf32> to vector<1x1024xf32>
    %mul3A_591 = arith.mulf %mul3A_590, %convert_element_type3A_589 : vector<1x1024xf32>
    %add3A_592 = arith.addf %add3A_575, %mul3A_591 : vector<1x1024xf32>
    %swap3A_593 = arith.constant 0 : index
    %swap3A_594 = arith.constant 2 : index
    %swap3A_595 = arith.constant 0 : index
    %swap3A_596 = vector.load %arg8[%swap3A_593, %swap3A_594, %swap3A_595] : memref<1x3x1024xf32, #tpu.memory_space<vmem>>, vector<1x1x1024xf32>
    %swap3A_597 = vector.shape_cast %swap3A_596 : vector<1x1x1024xf32> to vector<1x1024xf32>
    %swap3A_598 = vector.shape_cast %add3A_592 : vector<1x1024xf32> to vector<1x1x1024xf32>
    tpu.vector_store %arg8[%swap3A_593, %swap3A_594, %swap3A_595], %swap3A_598 {strides = array<i32>} : memref<1x3x1024xf32, #tpu.memory_space<vmem>>, vector<1x1x1024xf32>,
    return
  }
  func.func @transform_0(%arg0: i32) -> (i32, i32, i32) {
    %c0_i32 = arith.constant 0 : i32
    %c0_i32_0 = arith.constant 0 : i32
    %c0_i32_1 = arith.constant 0 : i32
    return %arg0, %c0_i32, %c0_i32_0 : i32, i32, i32
  }
  func.func @transform_1(%arg0: i32) -> (i32, i32, i32) {
    %c0_i32 = arith.constant 0 : i32
    %c0_i32_0 = arith.constant 0 : i32
    %c0_i32_1 = arith.constant 0 : i32
    return %arg0, %c0_i32, %c0_i32_0 : i32, i32, i32
  }
  func.func @transform_2(%arg0: i32) -> (i32, i32) {
    %c0_i32 = arith.constant 0 : i32
    %c0_i32_0 = arith.constant 0 : i32
    %c0_i32_1 = arith.constant 0 : i32
    return %c0_i32, %c0_i32_0 : i32, i32
  }
  func.func @transform_3(%arg0: i32) -> (i32, i32) {
    %c0_i32 = arith.constant 0 : i32
    %c0_i32_0 = arith.constant 0 : i32
    %c0_i32_1 = arith.constant 0 : i32
    return %c0_i32, %c0_i32_0 : i32, i32
  }
  func.func @transform_4(%arg0: i32) -> (i32, i32) {
    %c0_i32 = arith.constant 0 : i32
    %c0_i32_0 = arith.constant 0 : i32
    %c0_i32_1 = arith.constant 0 : i32
    return %c0_i32, %c0_i32_0 : i32, i32
  }
  func.func @transform_5(%arg0: i32) -> (i32, i32, i32) {
    %c0_i32 = arith.constant 0 : i32
    %c0_i32_0 = arith.constant 0 : i32
    %c0_i32_1 = arith.constant 0 : i32
    return %arg0, %c0_i32, %c0_i32_0 : i32, i32, i32
  }
  func.func @transform_6(%arg0: i32) -> (i32, i32, i32) {
    %c0_i32 = arith.constant 0 : i32
    %c0_i32_0 = arith.constant 0 : i32
    %c0_i32_1 = arith.constant 0 : i32
    return %arg0, %c0_i32, %c0_i32_0 : i32, i32, i32
  }
  func.func @transform_7(%arg0: i32) -> (i32, i32, i32) {
    %c0_i32 = arith.constant 0 : i32
    %c0_i32_0 = arith.constant 0 : i32
    %c0_i32_1 = arith.constant 0 : i32
    return %arg0, %c0_i32, %c0_i32_0 : i32, i32, i32
  }
}

module attributes {stable_mosaic.version = 14 : i64} {
  func.func @_stage_b_body(%arg0: i32, %arg1: i32, %arg2: memref<1x256x3xf32, #tpu.memory_space<vmem>>, %arg3: memref<1x3x1024xf32, #tpu.memory_space<vmem>>, %arg4: memref<1x256x3xi32, #tpu.memory_space<vmem>>, %arg5: memref<1x256x96xbf16, #tpu.memory_space<vmem>>) attributes {dimension_semantics = [#tpu.dimension_semantics<arbitrary>, #tpu.dimension_semantics<arbitrary>], iteration_bounds = array<i64: 8, 8>, scalar_prefetch = 0 : i64, scratch_operands = 0 : i64, tpu.core_type = #tpu.core_type<tc>, window_params = [{transform_indices = @transform_0, window_bounds = array<i64: 1, 256, 3>}, {transform_indices = @transform_1, window_bounds = array<i64: 1, 3, 1024>}, {transform_indices = @transform_2, window_bounds = array<i64: 1, 256, 3>}, {transform_indices = @transform_3, window_bounds = array<i64: 1, 256, 96>}]} {
    %get3A = arith.constant 0 : index
    %get3A_0 = arith.constant 0 : index
    %get3A_1 = arith.constant 0 : index
    %get3A_2 = vector.load %arg2[%get3A, %get3A_0, %get3A_1] : memref<1x256x3xf32, #tpu.memory_space<vmem>>, vector<1x256x3xf32>
    %get3A_3 = vector.shape_cast %get3A_2 : vector<1x256x3xf32> to vector<256x3xf32>
    %get3A_4 = arith.constant 0 : index
    %get3A_5 = arith.constant 0 : index
    %get3A_6 = arith.constant 0 : index
    %get3A_7 = vector.load %arg3[%get3A_4, %get3A_5, %get3A_6] : memref<1x3x1024xf32, #tpu.memory_space<vmem>>, vector<1x3x1024xf32>
    %get3A_8 = vector.shape_cast %get3A_7 : vector<1x3x1024xf32> to vector<3x1024xf32>
    %slice3A = vector.extract_strided_slice %get3A_3 {offsets = [0, 0], sizes = [256, 1], strides = [1, 1]} : vector<256x3xf32> to vector<256x1xf32>
    %slice3A_9 = vector.extract_strided_slice %get3A_8 {offsets = [0, 0], sizes = [1, 1024], strides = [1, 1]} : vector<3x1024xf32> to vector<1x1024xf32>
    %sub3A = vector.broadcast %slice3A : vector<256x1xf32> to vector<256x1024xf32>
    %sub3A_10 = vector.broadcast %slice3A_9 : vector<1x1024xf32> to vector<256x1024xf32>
    %sub3A_11 = arith.subf %sub3A, %sub3A_10 : vector<256x1024xf32>
    %mul3A = arith.mulf %sub3A_11, %sub3A_11 : vector<256x1024xf32>
    %slice3A_12 = vector.extract_strided_slice %get3A_3 {offsets = [0, 1], sizes = [256, 1], strides = [1, 1]} : vector<256x3xf32> to vector<256x1xf32>
    %slice3A_13 = vector.extract_strided_slice %get3A_8 {offsets = [1, 0], sizes = [1, 1024], strides = [1, 1]} : vector<3x1024xf32> to vector<1x1024xf32>
    %sub3A_14 = vector.broadcast %slice3A_12 : vector<256x1xf32> to vector<256x1024xf32>
    %sub3A_15 = vector.broadcast %slice3A_13 : vector<1x1024xf32> to vector<256x1024xf32>
    %sub3A_16 = arith.subf %sub3A_14, %sub3A_15 : vector<256x1024xf32>
    %mul3A_17 = arith.mulf %sub3A_16, %sub3A_16 : vector<256x1024xf32>
    %add3A = arith.addf %mul3A, %mul3A_17 : vector<256x1024xf32>
    %slice3A_18 = vector.extract_strided_slice %get3A_3 {offsets = [0, 2], sizes = [256, 1], strides = [1, 1]} : vector<256x3xf32> to vector<256x1xf32>
    %slice3A_19 = vector.extract_strided_slice %get3A_8 {offsets = [2, 0], sizes = [1, 1024], strides = [1, 1]} : vector<3x1024xf32> to vector<1x1024xf32>
    %sub3A_20 = vector.broadcast %slice3A_18 : vector<256x1xf32> to vector<256x1024xf32>
    %sub3A_21 = vector.broadcast %slice3A_19 : vector<1x1024xf32> to vector<256x1024xf32>
    %sub3A_22 = arith.subf %sub3A_20, %sub3A_21 : vector<256x1024xf32>
    %mul3A_23 = arith.mulf %sub3A_22, %sub3A_22 : vector<256x1024xf32>
    %add3A_24 = arith.addf %add3A, %mul3A_23 : vector<256x1024xf32>
    %iota3A = tpu.iota {dimensions = array<i32: 1>} : vector<256x1024xi32>
    %reduce_min3A = arith.constant dense<0x7F800000> : vector<256xf32>
    %reduce_min3A_25 = vector.multi_reduction <minimumf>, %add3A_24, %reduce_min3A [1] : vector<256x1024xf32> to vector<256xf32>
    %broadcast_in_dim3A = vector.shape_cast %reduce_min3A_25 : vector<256xf32> to vector<256x1xf32>
    %eq3A = vector.broadcast %broadcast_in_dim3A : vector<256x1xf32> to vector<256x1024xf32>
    %eq3A_26 = arith.cmpf oeq, %add3A_24, %eq3A : vector<256x1024xf32>
    %jit3A = arith.constant 1024 : i32
    %broadcast_in_dim3A_27 = vector.broadcast %jit3A : i32 to vector<256x1024xi32>
    %select_n3A = arith.select %eq3A_26, %iota3A, %broadcast_in_dim3A_27 : vector<256x1024xi1>, vector<256x1024xi32>
    %reduce_min3A_28 = arith.constant dense<2147483647> : vector<256xi32>
    %reduce_min3A_29 = vector.multi_reduction <minsi>, %select_n3A, %reduce_min3A_28 [1] : vector<256x1024xi32> to vector<256xi32>
    %broadcast_in_dim3A_30 = vector.shape_cast %reduce_min3A_29 : vector<256xi32> to vector<256x1xi32>
    %eq3A_31 = vector.broadcast %broadcast_in_dim3A_30 : vector<256x1xi32> to vector<256x1024xi32>
    %eq3A_32 = arith.cmpi eq, %iota3A, %eq3A_31 : vector<256x1024xi32>
    %jit3A_33 = arith.constant 0x7F800000 : f32
    %broadcast_in_dim3A_34 = vector.broadcast %jit3A_33 : f32 to vector<256x1024xf32>
    %select_n3A_35 = arith.select %eq3A_32, %broadcast_in_dim3A_34, %add3A_24 : vector<256x1024xi1>, vector<256x1024xf32>
    %reduce_min3A_36 = arith.constant dense<0x7F800000> : vector<256xf32>
    %reduce_min3A_37 = vector.multi_reduction <minimumf>, %select_n3A_35, %reduce_min3A_36 [1] : vector<256x1024xf32> to vector<256xf32>
    %broadcast_in_dim3A_38 = vector.shape_cast %reduce_min3A_37 : vector<256xf32> to vector<256x1xf32>
    %eq3A_39 = vector.broadcast %broadcast_in_dim3A_38 : vector<256x1xf32> to vector<256x1024xf32>
    %eq3A_40 = arith.cmpf oeq, %select_n3A_35, %eq3A_39 : vector<256x1024xf32>
    %jit3A_41 = arith.constant 1024 : i32
    %broadcast_in_dim3A_42 = vector.broadcast %jit3A_41 : i32 to vector<256x1024xi32>
    %select_n3A_43 = arith.select %eq3A_40, %iota3A, %broadcast_in_dim3A_42 : vector<256x1024xi1>, vector<256x1024xi32>
    %reduce_min3A_44 = arith.constant dense<2147483647> : vector<256xi32>
    %reduce_min3A_45 = vector.multi_reduction <minsi>, %select_n3A_43, %reduce_min3A_44 [1] : vector<256x1024xi32> to vector<256xi32>
    %broadcast_in_dim3A_46 = vector.shape_cast %reduce_min3A_45 : vector<256xi32> to vector<256x1xi32>
    %eq3A_47 = vector.broadcast %broadcast_in_dim3A_46 : vector<256x1xi32> to vector<256x1024xi32>
    %eq3A_48 = arith.cmpi eq, %iota3A, %eq3A_47 : vector<256x1024xi32>
    %jit3A_49 = arith.constant 0x7F800000 : f32
    %broadcast_in_dim3A_50 = vector.broadcast %jit3A_49 : f32 to vector<256x1024xf32>
    %select_n3A_51 = arith.select %eq3A_48, %broadcast_in_dim3A_50, %select_n3A_35 : vector<256x1024xi1>, vector<256x1024xf32>
    %reduce_min3A_52 = arith.constant dense<0x7F800000> : vector<256xf32>
    %reduce_min3A_53 = vector.multi_reduction <minimumf>, %select_n3A_51, %reduce_min3A_52 [1] : vector<256x1024xf32> to vector<256xf32>
    %broadcast_in_dim3A_54 = vector.shape_cast %reduce_min3A_53 : vector<256xf32> to vector<256x1xf32>
    %eq3A_55 = vector.broadcast %broadcast_in_dim3A_54 : vector<256x1xf32> to vector<256x1024xf32>
    %eq3A_56 = arith.cmpf oeq, %select_n3A_51, %eq3A_55 : vector<256x1024xf32>
    %jit3A_57 = arith.constant 1024 : i32
    %broadcast_in_dim3A_58 = vector.broadcast %jit3A_57 : i32 to vector<256x1024xi32>
    %select_n3A_59 = arith.select %eq3A_56, %iota3A, %broadcast_in_dim3A_58 : vector<256x1024xi1>, vector<256x1024xi32>
    %reduce_min3A_60 = arith.constant dense<2147483647> : vector<256xi32>
    %reduce_min3A_61 = vector.multi_reduction <minsi>, %select_n3A_59, %reduce_min3A_60 [1] : vector<256x1024xi32> to vector<256xi32>
    %broadcast_in_dim3A_62 = vector.shape_cast %reduce_min3A_61 : vector<256xi32> to vector<256x1xi32>
    %max3A = arith.constant 0.000000e+00 : f32
    %max3A_63 = vector.broadcast %max3A : f32 to vector<256x1xf32>
    %max3A_64 = arith.maximumf %broadcast_in_dim3A, %max3A_63 : vector<256x1xf32>
    %sqrt3A = math.sqrt %max3A_64 : vector<256x1xf32>
    %add3A_65 = arith.constant 9.99999993E-9 : f32
    %add3A_66 = vector.broadcast %add3A_65 : f32 to vector<256x1xf32>
    %add3A_67 = arith.addf %sqrt3A, %add3A_66 : vector<256x1xf32>
    %div3A = arith.constant 1.000000e+00 : f32
    %div3A_68 = vector.broadcast %div3A : f32 to vector<256x1xf32>
    %div3A_69 = arith.divf %div3A_68, %add3A_67 : vector<256x1xf32>
    %max3A_70 = arith.constant 0.000000e+00 : f32
    %max3A_71 = vector.broadcast %max3A_70 : f32 to vector<256x1xf32>
    %max3A_72 = arith.maximumf %broadcast_in_dim3A_38, %max3A_71 : vector<256x1xf32>
    %sqrt3A_73 = math.sqrt %max3A_72 : vector<256x1xf32>
    %add3A_74 = arith.constant 9.99999993E-9 : f32
    %add3A_75 = vector.broadcast %add3A_74 : f32 to vector<256x1xf32>
    %add3A_76 = arith.addf %sqrt3A_73, %add3A_75 : vector<256x1xf32>
    %div3A_77 = arith.constant 1.000000e+00 : f32
    %div3A_78 = vector.broadcast %div3A_77 : f32 to vector<256x1xf32>
    %div3A_79 = arith.divf %div3A_78, %add3A_76 : vector<256x1xf32>
    %max3A_80 = arith.constant 0.000000e+00 : f32
    %max3A_81 = vector.broadcast %max3A_80 : f32 to vector<256x1xf32>
    %max3A_82 = arith.maximumf %broadcast_in_dim3A_54, %max3A_81 : vector<256x1xf32>
    %sqrt3A_83 = math.sqrt %max3A_82 : vector<256x1xf32>
    %add3A_84 = arith.constant 9.99999993E-9 : f32
    %add3A_85 = vector.broadcast %add3A_84 : f32 to vector<256x1xf32>
    %add3A_86 = arith.addf %sqrt3A_83, %add3A_85 : vector<256x1xf32>
    %div3A_87 = arith.constant 1.000000e+00 : f32
    %div3A_88 = vector.broadcast %div3A_87 : f32 to vector<256x1xf32>
    %div3A_89 = arith.divf %div3A_88, %add3A_86 : vector<256x1xf32>
    %add3A_90 = arith.addf %div3A_69, %div3A_79 : vector<256x1xf32>
    %add3A_91 = arith.addf %add3A_90, %div3A_89 : vector<256x1xf32>
    %div3A_92 = arith.divf %div3A_69, %add3A_91 : vector<256x1xf32>
    %convert_element_type3A = arith.truncf %div3A_92 : vector<256x1xf32> to vector<256x1xbf16>
    %broadcast_in_dim3A_93 = vector.shape_cast %convert_element_type3A : vector<256x1xbf16> to vector<256x1xbf16>
    %broadcast_in_dim3A_94 = vector.broadcast %broadcast_in_dim3A_93 : vector<256x1xbf16> to vector<256x32xbf16>
    %div3A_95 = arith.divf %div3A_79, %add3A_91 : vector<256x1xf32>
    %convert_element_type3A_96 = arith.truncf %div3A_95 : vector<256x1xf32> to vector<256x1xbf16>
    %broadcast_in_dim3A_97 = vector.shape_cast %convert_element_type3A_96 : vector<256x1xbf16> to vector<256x1xbf16>
    %broadcast_in_dim3A_98 = vector.broadcast %broadcast_in_dim3A_97 : vector<256x1xbf16> to vector<256x32xbf16>
    %div3A_99 = arith.divf %div3A_89, %add3A_91 : vector<256x1xf32>
    %convert_element_type3A_100 = arith.truncf %div3A_99 : vector<256x1xf32> to vector<256x1xbf16>
    %broadcast_in_dim3A_101 = vector.shape_cast %convert_element_type3A_100 : vector<256x1xbf16> to vector<256x1xbf16>
    %broadcast_in_dim3A_102 = vector.broadcast %broadcast_in_dim3A_101 : vector<256x1xbf16> to vector<256x32xbf16>
    %concatenate3A = tpu.concatenate %broadcast_in_dim3A_94, %broadcast_in_dim3A_98, %broadcast_in_dim3A_102 in 1 : vector<256x32xbf16>, vector<256x32xbf16>, vector<256x32xbf16> -> vector<256x96xbf16>
    %swap3A = arith.constant 0 : index
    %swap3A_103 = arith.constant 0 : index
    %swap3A_104 = arith.constant 0 : index
    %swap3A_105 = vector.load %arg5[%swap3A, %swap3A_103, %swap3A_104] : memref<1x256x96xbf16, #tpu.memory_space<vmem>>, vector<1x256x96xbf16>
    %swap3A_106 = vector.shape_cast %swap3A_105 : vector<1x256x96xbf16> to vector<256x96xbf16>
    %swap3A_107 = vector.shape_cast %concatenate3A : vector<256x96xbf16> to vector<1x256x96xbf16>
    tpu.vector_store %arg5[%swap3A, %swap3A_103, %swap3A_104], %swap3A_107 {strides = array<i32>} : memref<1x256x96xbf16, #tpu.memory_space<vmem>>, vector<1x256x96xbf16>,
    %concatenate3A_108 = tpu.concatenate %broadcast_in_dim3A_30, %broadcast_in_dim3A_46, %broadcast_in_dim3A_62 in 1 : vector<256x1xi32>, vector<256x1xi32>, vector<256x1xi32> -> vector<256x3xi32>
    %mul3A_109 = arith.constant 1024 : i32
    %mul3A_110 = arith.muli %arg0, %mul3A_109 : i32
    %add3A_111 = vector.broadcast %mul3A_110 : i32 to vector<256x3xi32>
    %add3A_112 = arith.addi %concatenate3A_108, %add3A_111 : vector<256x3xi32>
    %swap3A_113 = arith.constant 0 : index
    %swap3A_114 = arith.constant 0 : index
    %swap3A_115 = arith.constant 0 : index
    %swap3A_116 = vector.load %arg4[%swap3A_113, %swap3A_114, %swap3A_115] : memref<1x256x3xi32, #tpu.memory_space<vmem>>, vector<1x256x3xi32>
    %swap3A_117 = vector.shape_cast %swap3A_116 : vector<1x256x3xi32> to vector<256x3xi32>
    %swap3A_118 = vector.shape_cast %add3A_112 : vector<256x3xi32> to vector<1x256x3xi32>
    tpu.vector_store %arg4[%swap3A_113, %swap3A_114, %swap3A_115], %swap3A_118 {strides = array<i32>} : memref<1x256x3xi32, #tpu.memory_space<vmem>>, vector<1x256x3xi32>,
    return
  }
  func.func @transform_0(%arg0: i32, %arg1: i32) -> (i32, i32, i32) {
    %c0_i32 = arith.constant 0 : i32
    %c0_i32_0 = arith.constant 0 : i32
    return %arg0, %arg1, %c0_i32 : i32, i32, i32
  }
  func.func @transform_1(%arg0: i32, %arg1: i32) -> (i32, i32, i32) {
    %c0_i32 = arith.constant 0 : i32
    %c0_i32_0 = arith.constant 0 : i32
    %c0_i32_1 = arith.constant 0 : i32
    return %arg0, %c0_i32, %c0_i32_0 : i32, i32, i32
  }
  func.func @transform_2(%arg0: i32, %arg1: i32) -> (i32, i32, i32) {
    %c0_i32 = arith.constant 0 : i32
    %c0_i32_0 = arith.constant 0 : i32
    return %arg0, %arg1, %c0_i32 : i32, i32, i32
  }
  func.func @transform_3(%arg0: i32, %arg1: i32) -> (i32, i32, i32) {
    %c0_i32 = arith.constant 0 : i32
    %c0_i32_0 = arith.constant 0 : i32
    return %arg0, %arg1, %c0_i32 : i32, i32, i32
  }
}

module attributes {stable_mosaic.version = 14 : i64} {
  func.func @_stage_d_body(%arg0: i32, %arg1: i32, %arg2: memref<1x2048x384xbf16, #tpu.memory_space<vmem>>, %arg3: memref<1x384xf32, #tpu.memory_space<vmem>>, %arg4: memref<384x128xbf16, #tpu.memory_space<vmem>>, %arg5: memref<128x1xf32, #tpu.memory_space<vmem>>, %arg6: memref<1x128x2048xf32, #tpu.memory_space<vmem>>) attributes {dimension_semantics = [#tpu.dimension_semantics<arbitrary>, #tpu.dimension_semantics<arbitrary>], iteration_bounds = array<i64: 8, 1>, scalar_prefetch = 0 : i64, scratch_operands = 0 : i64, tpu.core_type = #tpu.core_type<tc>, window_params = [{transform_indices = @transform_0, window_bounds = array<i64: 1, 2048, 384>}, {pipeline_mode = #tpu.pipeline_mode<synchronous>, transform_indices = @transform_1, window_bounds = array<i64: 1, 384>}, {pipeline_mode = #tpu.pipeline_mode<synchronous>, transform_indices = @transform_2, window_bounds = array<i64: 384, 128>}, {pipeline_mode = #tpu.pipeline_mode<synchronous>, transform_indices = @transform_3, window_bounds = array<i64: 128, 1>}, {transform_indices = @transform_4, window_bounds = array<i64: 1, 128, 2048>}]} {
    %get3A = arith.constant 0 : index
    %get3A_0 = arith.constant 0 : index
    %get3A_1 = arith.constant 0 : index
    %get3A_2 = vector.load %arg2[%get3A, %get3A_0, %get3A_1] : memref<1x2048x384xbf16, #tpu.memory_space<vmem>>, vector<1x2048x384xbf16>
    %get3A_3 = vector.shape_cast %get3A_2 : vector<1x2048x384xbf16> to vector<2048x384xbf16>
    %convert_element_type3A = arith.extf %get3A_3 : vector<2048x384xbf16> to vector<2048x384xf32>
    %get3A_4 = arith.constant 0 : index
    %get3A_5 = arith.constant 0 : index
    %get3A_6 = vector.load %arg3[%get3A_4, %get3A_5] : memref<1x384xf32, #tpu.memory_space<vmem>>, vector<1x384xf32>
    %add3A = vector.broadcast %get3A_6 : vector<1x384xf32> to vector<2048x384xf32>
    %add3A_7 = arith.addf %convert_element_type3A, %add3A : vector<2048x384xf32>
    %max3A = arith.constant 0.000000e+00 : f32
    %max3A_8 = vector.broadcast %max3A : f32 to vector<2048x384xf32>
    %max3A_9 = arith.maximumf %add3A_7, %max3A_8 : vector<2048x384xf32>
    %get3A_10 = arith.constant 0 : index
    %get3A_11 = arith.constant 0 : index
    %get3A_12 = vector.load %arg4[%get3A_10, %get3A_11] : memref<384x128xbf16, #tpu.memory_space<vmem>>, vector<384x128xbf16>
    %convert_element_type3A_13 = arith.truncf %max3A_9 : vector<2048x384xf32> to vector<2048x384xbf16>
    %dot_general3A = arith.constant dense<0.000000e+00> : vector<128x2048xf32>
    %dot_general3A_14 = tpu.matmul %get3A_12, %convert_element_type3A_13, %dot_general3A {dimension_numbers = #tpu.dot_dimension_numbers<[0], [1], [1], [0], [0, 1, 1, 0], [], []>, transpose_lhs_hint = false} : vector<384x128xbf16>, vector<2048x384xbf16>, vector<128x2048xf32> -> vector<128x2048xf32>
    %get3A_15 = arith.constant 0 : index
    %get3A_16 = arith.constant 0 : index
    %get3A_17 = vector.load %arg5[%get3A_15, %get3A_16] : memref<128x1xf32, #tpu.memory_space<vmem>>, vector<128x1xf32>
    %add3A_18 = vector.broadcast %get3A_17 : vector<128x1xf32> to vector<128x2048xf32>
    %add3A_19 = arith.addf %dot_general3A_14, %add3A_18 : vector<128x2048xf32>
    %swap3A = arith.constant 0 : index
    %swap3A_20 = arith.constant 0 : index
    %swap3A_21 = arith.constant 0 : index
    %swap3A_22 = vector.load %arg6[%swap3A, %swap3A_20, %swap3A_21] : memref<1x128x2048xf32, #tpu.memory_space<vmem>>, vector<1x128x2048xf32>
    %swap3A_23 = vector.shape_cast %swap3A_22 : vector<1x128x2048xf32> to vector<128x2048xf32>
    %swap3A_24 = vector.shape_cast %add3A_19 : vector<128x2048xf32> to vector<1x128x2048xf32>
    tpu.vector_store %arg6[%swap3A, %swap3A_20, %swap3A_21], %swap3A_24 {strides = array<i32>} : memref<1x128x2048xf32, #tpu.memory_space<vmem>>, vector<1x128x2048xf32>,
    return
  }
  func.func @transform_0(%arg0: i32, %arg1: i32) -> (i32, i32, i32) {
    %c0_i32 = arith.constant 0 : i32
    %c0_i32_0 = arith.constant 0 : i32
    return %arg0, %arg1, %c0_i32 : i32, i32, i32
  }
  func.func @transform_1(%arg0: i32, %arg1: i32) -> (i32, i32) {
    %c0_i32 = arith.constant 0 : i32
    %c0_i32_0 = arith.constant 0 : i32
    %c0_i32_1 = arith.constant 0 : i32
    return %c0_i32, %c0_i32_0 : i32, i32
  }
  func.func @transform_2(%arg0: i32, %arg1: i32) -> (i32, i32) {
    %c0_i32 = arith.constant 0 : i32
    %c0_i32_0 = arith.constant 0 : i32
    %c0_i32_1 = arith.constant 0 : i32
    return %c0_i32, %c0_i32_0 : i32, i32
  }
  func.func @transform_3(%arg0: i32, %arg1: i32) -> (i32, i32) {
    %c0_i32 = arith.constant 0 : i32
    %c0_i32_0 = arith.constant 0 : i32
    %c0_i32_1 = arith.constant 0 : i32
    return %c0_i32, %c0_i32_0 : i32, i32
  }
  func.func @transform_4(%arg0: i32, %arg1: i32) -> (i32, i32, i32) {
    %c0_i32 = arith.constant 0 : i32
    %c0_i32_0 = arith.constant 0 : i32
    return %arg0, %c0_i32, %arg1 : i32, i32, i32
  }
}

</mosaic_0001>

<sc_bundles>
// kernel: kernel.6.cloned.1.call-start
scs
__scs_entry_jumppad:
0x0: {  	(pc) =	sbr.rel $0x88, $3  }
0x1: {  	(tag) =	ssettag $0x0;
	lr =	simm.s32 $0x1  }
0x2: {  	[smem:$0x3F99] =	sst lr;
	_ =	strace $0xD0000000  }
0x3: {  	_ = 	snop  }
0x4: {  	_ = 	snop  }
0x5: {  	_ = 	snop  }
0x6: {  	_ = 	snop  }
0x7: {  	_ = 	snop  }
__scs_overlays_trampoline_lowered:
0x8: {  	[smem:$0x3FA8] =	sst s0  }
0x9: {  	[smem:$0x3FA9] =	sst s1  }
0xa: {  	[smem:$0x3FAA] =	sst s2  }
0xb: {  	[smem:$0x3FAB] =	sst s3  }
0xc: {  	[smem:$0x3FAC] =	sst s4  }
0xd: {  	[smem:$0x3FAD] =	sst s5  }
0xe: {  	[smem:$0x3FAE] =	sst s6  }
0xf: {  	[smem:$0x3FAF] =	sst s7  }
0x10: {  	[smem:$0x3FB0] =	sst s8  }
0x11: {  	[smem:$0x3FB1] =	sst s9;
	s0 =	simm.s32 @!p0 $0x0  }
0x12: {  	s1 =	sld [smem:$0x3F97];
	s0 =	simm.s32 @p0 $0x1  }
0x13: {  	[smem:$0x3FB2] =	sst s0;
	s0 =	simm.s32 @!p1 $0x0  }
0x14: {  	s2 =	sld [smem:$0x3F96];
	s0 =	simm.s32 @p1 $0x1  }
0x15: {  	[smem:$0x3FB3] =	sst s0;
	s0 =	simm.s32 @!p2 $0x0  }
0x16: {  	s3 =	sld [smem:$0x3FDB];
	s0 =	simm.s32 @p2 $0x1  }
0x17: {  	s4 =	simm.s32 $0x1BF5;
	[smem:$0x3FB5] =	sst s0  }
0x18: {  	s0 =	sld [smem:$0x3F98];
	_ =	swait.ge [sflag:s4], $0x0  }
0x19: {  	s7 =	sld [smem:$0x3F99]  }
0x1a: {  	s8 =	sadd.s32 $0xFFFFE003, lr  }
0x1b: {  	s9 =	sadd.s32 $0xFFFFFEF7, lr;
	s5 =	simm.s32 $0xFFFFFFFF;
	p2 =	slt.u32 s8, $0xFFFFF086  }
0x1c: {  	p1 =	slt.u32 s9, $0xF7A;
	s5 =	simm.s32 @!p2 $0x0  }
0x1d: {  	s5 =	simm.s32 @p1 $0x1;
	p0 =	seq.s32 s7, s2  }
0x1e: {  	s7 =	smul.u32 @!p0 $0xF7A, s2;
	p2 =	seq.s32 @!p0 s5, $0x0  }
0x1f: {  	s9 =	smul.u32 $0xF7A, s1;
	s8 =	simm.s32 @!p0 $0x1BF5;
	p2 =	por !p2, p0  }
0x20: {  	[sflag:s8] =	ssyncset.s32 @!p0 $0xFFFFF086;
	s6 =	sadd.s32 @!p0 s3, s7;
	s7 =	simm.s32 @!p0 $0x108  }
0x21: {  	s3 =	sadd.s32 s3, s9;
	s6 =	sadd.s32 @!p0 $0x88, s6;
	s7 =	simm.s32 @p2 $0x1082  }
0x22: {  	[simem:s7], [sflag:s8] =	dma.local @!p0 [hbm:s6], $0xF7A  }
0x23: {  	s9 =	sor.u32 $0xD0000000, s2;
	s6 =	simm.s32 $0x108;
	_ =	swait.ge @!p0 [sflag:s8], $0x0  }
0x24: {  	s3 =	sadd.s32 $0x88, s3;
	s6 =	simm.s32 @!p1 $0x1082;
	[sflag:s4] =	ssyncset.s32 $0xFFFFF086  }
0x25: {  	[simem:s6], [sflag:s4] =	dma.local [hbm:s3], $0xF7A  }
0x26: {  	[smem:$0x3F99] =	sst s1;
	(tag) =	ssettag s2;
	_ =	strace s9  }
0x27: {  	s1 =	sld [smem:$0x3FA9]  }
0x28: {  	s2 =	sld [smem:$0x3FAA]  }
0x29: {  	s4 =	sld [smem:$0x3FAC]  }
0x2a: {  	p0 =	seq.s32 s5, $0x0;
	s5 =	sld [smem:$0x3FAD]  }
0x2b: {  	s6 =	sld [smem:$0x3FAE]  }
0x2c: {  	s7 =	sld [smem:$0x3FAF]  }
0x2d: {  	s3 =	simm.s32 $0x108;
	s8 =	sld [smem:$0x3FB0]  }
0x2e: {  	s3 =	simm.s32 @!p0 $0x1082;
	s9 =	sld [smem:$0x3FB1]  }
0x2f: {  	lr =	sadd.s32 s0, s3;
	s0 =	sld [smem:$0x3FA8]  }
0x30: {  	s3 =	sld [smem:$0x3FAB]  }
0x31: {  	[smem:$0x3FB4] =	sst s10  }
0x32: {  	s10 =	sld [smem:$0x3FB2];
	_ =	sdelay $0x3  }
0x33: {  	p0 =	seq.s32 s10, $0x1;
	s10 =	sld [smem:$0x3FB4];
	_ =	sdelay $0x3  }
0x34: {  	[smem:$0x3FB4] =	sst s10  }
0x35: {  	s10 =	sld [smem:$0x3FB3];
	_ =	sdelay $0x3  }
0x36: {  	p1 =	seq.s32 s10, $0x1;
	s10 =	sld [smem:$0x3FB4];
	_ =	sdelay $0x3  }
0x37: {  	[smem:$0x3FB4] =	sst s10  }
0x38: {  	s10 =	sld [smem:$0x3FB5]  }
0x39: {  	_ = 	snop;
	(pc) =	sbr.ind lr, $3  }
0x3a: {  	_ = 	snop  }
0x3b: {  	_ = 	snop  }
0x3c: {  	p2 =	seq.s32 s10, $0x1;
	s10 =	sld [smem:$0x3FB4]  }
0x3d: {  	_ =	shalt  }
0x3e: {  	_ =	shalt  }
0x3f: {  	_ =	shalt  }
0x40: {  	_ =	shalt  }
0x41: {  	_ =	shalt  }
0x42: {  	_ =	shalt  }
0x43: {  	_ =	shalt  }
0x44: {  	_ =	shalt  }
0x45: {  	_ =	shalt  }
0x46: {  	_ =	shalt  }
0x47: {  	_ =	shalt  }
0x48: {  	_ =	shalt  }
0x49: {  	_ =	shalt  }
0x4a: {  	_ =	shalt  }
0x4b: {  	_ =	shalt  }
0x4c: {  	_ =	shalt  }
0x4d: {  	_ =	shalt  }
0x4e: {  	_ =	shalt  }
0x4f: {  	_ =	shalt  }
0x50: {  	_ =	shalt  }
0x51: {  	_ =	shalt  }
0x52: {  	_ =	shalt  }
0x53: {  	_ =	shalt  }
0x54: {  	_ =	shalt  }
0x55: {  	_ =	shalt  }
0x56: {  	_ =	shalt  }
0x57: {  	_ =	shalt  }
0x58: {  	_ =	shalt  }
0x59: {  	_ =	shalt  }
0x5a: {  	_ =	shalt  }
0x5b: {  	_ =	shalt  }
0x5c: {  	_ =	shalt  }
0x5d: {  	_ =	shalt  }
0x5e: {  	_ =	shalt  }
0x5f: {  	_ =	shalt  }
0x60: {  	_ =	shalt  }
0x61: {  	_ =	shalt  }
0x62: {  	_ =	shalt  }
0x63: {  	_ =	shalt  }
0x64: {  	_ =	shalt  }
0x65: {  	_ =	shalt  }
0x66: {  	_ =	shalt  }
0x67: {  	_ =	shalt  }
0x68: {  	_ =	shalt  }
0x69: {  	_ =	shalt  }
0x6a: {  	_ =	shalt  }
0x6b: {  	_ =	shalt  }
0x6c: {  	_ =	shalt  }
0x6d: {  	_ =	shalt  }
0x6e: {  	_ =	shalt  }
0x6f: {  	_ =	shalt  }
0x70: {  	_ =	shalt  }
0x71: {  	_ =	shalt  }
0x72: {  	_ =	shalt  }
0x73: {  	_ =	shalt  }
0x74: {  	_ =	shalt  }
0x75: {  	_ =	shalt  }
0x76: {  	_ =	shalt  }
0x77: {  	_ =	shalt  }
0x78: {  	_ =	shalt  }
0x79: {  	_ =	shalt  }
0x7a: {  	_ =	shalt  }
0x7b: {  	_ =	shalt  }
0x7c: {  	_ =	shalt  }
0x7d: {  	_ =	shalt  }
0x7e: {  	_ =	shalt  }
0x7f: {  	_ =	shalt  }
0x80: {  	_ =	shalt  }
0x81: {  	_ =	shalt  }
0x82: {  	_ =	shalt  }
0x83: {  	_ =	shalt  }
0x84: {  	_ =	shalt  }
0x85: {  	_ =	shalt  }
0x86: {  	_ =	shalt  }
0x87: {  	_ =	shalt  }
.Lfunc_end0:
.L_simem_size_0:
called_computation_lowered:
.L_overlay_start_0:
0x88: {  	s2 =	sld [smem:$0x3FD9]  }
0x89: {  	s3 =	sld [smem:$0x3FFE];
	_ =	sdelay $0x1  }
0x8a: {  	s1 =	srdreg.scid  }
0x8b: {  	s0 =	sand.u32 $0x1, s1  }
0x8c: {  	s17 =	sshll.u32 s0, $0xA;
	s2 =	sadd.s32 s3, s2  }
0x8d: {  	s2 =	sadd.s32 s2, s17  }
0x8e: {  	[smem:$0x3FC0] =	sst s2  }
0x8f: {  	_ = 	snop  }
0x90: {  	s2 =	sld [smem:$0x3FD0];
	(tm) =	ssettm $0x1  }
0x91: {  	s18 =	sld [smem:$0x3FFB];
	_ =	sdelay $0x3  }
0x92: {  	_ =	strace s18  }
0x93: {  	s3 =	sld [smem:$0x3FFC];
	_ =	sdelay $0x3  }
0x94: {  	_ =	strace s3  }
0x95: {  	s3 =	sld [smem:$0x3FFD];
	_ =	sdelay $0x3  }
0x96: {  	_ =	strace s3  }
0x97: {  	_ =	strace $0x8FFFFFFF  }
0x98: {  	s19 =	sld [smem:$0x3FDB];
	_ =	sdelay $0x1  }
0x99: {  	s4 =	simm.s32 $_scs_section_size  }
0x9a: {  	s5 =	simm.s32 $_size__tile_overlayer_lowered;
	s6 =	simm.s32 $_tile_overlayer_lowered  }
0x9b: {  	s22 =	simm.s32 $0x1BFF;
	s21 =	sshll.u32 s6, $0x1;
	s3 =	sadd.s32 s4, s19  }
0x9c: {  	s7 =	simm.s32 $0x0;
	s20 =	sshll.u32 s5, $0x1;
	s5 =	sadd.s32 s21, s3  }
0x9d: {  	[timem:s7], [sflag:s22] =	dma.local [hbm:s5], s20  }
0x9e: {  	_ =	swait.ge [sflag:s22], s20  }
0x9f: {  	s4 =	ssub.s32 $0x0, s20;
	[sflag:s22] =	ssyncset.done $0x0  }
0xa0: {  	[sflag:s22] =	ssyncadd.s32 s4;
	_ =	sdelay $0x1  }
0xa1: {  	s23 =	simm.s32 $0x1B8B  }
0xa2: {  	_ =	swait.ge [sflag:s23], $0x1  }
0xa3: {  	[sflag:s23] =	ssyncset.done $0x0  }
0xa4: {  	s25 =	simm.s32 $0x1B8E;
	s24 =	sld [smem:$0x3FFE];
	[sflag:s23] =	ssyncadd.s32 $0xFFFFFFFF  }
0xa5: {  	s26 =	simm.s32 $execute0_lowered;
	[smem:$0x3FD2] =	sst s25  }
0xa6: {  	s5 =	sshll.u32 s26, $0x1;
	_ =	strace $0x80000046;
	[dreg:$0x1] =	wrdreg $0xFFFFFFFF  }
0xa7: {  	s28 =	simm.s32 $_size_execute0_lowered;
	s3 =	sadd.s32 s3, s5;
	[dreg:$0x0] =	wrdreg $0x0  }
0xa8: {  	s5 =	sshll.u32 s28, $0x1;
	[dreg:$0x2] =	wrdreg s3  }
0xa9: {  	[dreg:$0x3] =	wrdreg s5  }
0xaa: {  	[dreg:$0x4] =	wrdreg $0xC0  }
0xab: {  	_ =	task [dreg:s7], $0x5FFFF  }
0xac: {  	[dreg:$0x1] =	wrdreg $0xFFFFFFFF  }
0xad: {  	[dreg:$0x0] =	wrdreg $0x60  }
0xae: {  	[dreg:$0x2] =	wrdreg s2  }
0xaf: {  	[dreg:$0x3] =	wrdreg s24  }
0xb0: {  	[dreg:$0x4] =	wrdreg $0x9  }
0xb1: {  	_ =	task.clear_ibuf [dreg:s7], $0x5FFFF;
	_ =	strace $0x90000046  }
0xb2: {  	s29 =	simm.s32 $0x9;
	_ =	strace $0x80000048  }
0xb3: {  	_ =	swait.ge [sflag:s29], $0x1  }
0xb4: {  	[sflag:s29] =	ssyncadd.s32 $0xFFFFFFFF  }
0xb5: {  	_ =	strace $0x90000048  }
0xb6: {  	_ =	sfence  }
0xb7: {  	s30 =	sld [smem:$0x0];
	_ =	sdelay $0x2  }
0xb8: {  	s31 =	sshll.u32 s1, $0xD;
	s1 =	sshrl.u32 s1, $0x2  }
0xb9: {  	s3 =	sand.u32 $0x4000, s31;
	s1 =	sadd.s32 s1, s30  }
0xba: {  	s0 =	sor.u32 s3, s0;
	s1 =	sshll.u32 s1, $0x11  }
0xbb: {  	s0 =	sor.u32 s1, s0  }
0xbc: {  	s0 =	sadd.s32 $0x8F2B, s0  }
0xbd: {  	[sflag:s0] =	ssyncadd.remote.s32 $0x1  }
0xbe: {  	_ =	sfence.sel $0xFFFF  }
0xbf: {  	[dreg:$0x0] =	wrdreg $0xFFFFFFFF;
	(pc) =	sbr.abs _section_cstart, $3  }
0xc0: {  	[dreg:$0x1] =	wrdreg $0xFFFFFFFF  }
0xc1: {  	_ =	task.clear_ibuf [dreg:s7], $0x2FFFF;
	_ =	strace $0x9FFFFFFF  }
0xc2: {  	(tm) =	ssettm $0x7FFFFFFF  }
0xc3: {  	_ =	shalt  }
tec
execute0_lowered:
.L_overlay_start_1:
0x0: {  	(tag) =	ssettag $0x1  }
0x1: {  	s0 =	srdreg.scid;
	s2 =	rddreg [dreg:$0x0]  }
0x2: {  	s1 =	stileid.u32;
	s4 =	rddreg [dreg:$0x1]  }
0x3: {  	s3 =	simm.s32 $0x0;
	s0 =	sand.u32 $0x1, s0;
	s1 =	sshll.u32 s1, $0x1  }
0x4: {  	s28 =	simm.s32 $0x2;
	s29 =	simm.s32 $0xD600;
	s1 =	sor.u32 s0, s1  }
0x5: {  	s30 =	simm.s32 $0x3;
	s31 =	simm.s32 $0x4;
	s5 =	smul.u32 $0xC0, s1  }
0x6: {  	s0 =	ssub.s32 $0x2, s0;
	s6 =	smul.u32 $0xC00, s1;
	s1 =	sshll.u32 s1, $0xE  }
0x7: {  	[smem:$0x7FF] =	sst s3;
	s7 =	sshrl.u32 s0, $0x1;
	s1 =	sadd.s32 s1, s4  }
0x8: {  	_ =	strace $0x80000047;
	s0 =	ssub.s32 s0, s7;
	s25 =	sadd.s32 $0x1AA00, s1  }
0x9: {  	s5 =	sadd.s32 s5, s4;
	s26 =	sadd.s32 $0x1E400, s1;
	[dreg:$0x5] =	wrdreg s25  }
0xa: {  	s6 =	sadd.s32 s6, s4;
	s0 =	smax.u32 s0, $0x1;
	[dreg:$0x6] =	wrdreg s26  }
0xb: {  	s23 =	sadd.s32 $0x1000, s5;
	s24 =	sadd.s32 $0x2800, s6;
	[dreg:$0x8] =	wrdreg s0  }
0xc: {  	v2 =	vlaneseq.u32;
	s6 =	sadd.s32 $0x1A800, s1;
	s1 =	sadd.s32 $0x1E600, s1;
	[dreg:$0x3] =	wrdreg s23  }
0xd: {  	vm0 =	vmmov $0xffff;
	v1 =	vshrl.u32 v2, $0x3;
	s25 =	simm.s32 $0x1;
	s26 =	simm.s32 $0xC600;
	[dreg:$0x4] =	wrdreg s24  }
0xe: {  	v0 =	vand.u32 $0x7, v2;
	v2 =	vor.u32 $0x8, v2;
	v1 =	vmul.u32 $0x8, v1;
	[dreg:$0x7] =	wrdreg s1;
	s24 =	simm.s32 $0xBE00;
	s1 =	simm.s32 $0x0  }
.LBB2_1:
0xf: {  	[dreg:$0x9] =	wrdreg s1  }
0x10: {  	s0 =	rddreg [dreg:$0x3];
	s23 =	simm.s32 $0x5  }
0x11: {  	[tilespmem:s3], [sflag:$0x5] =	stream.linear.gather [hbm4b:s0+s3], $0x600, $0x38;
	[tilespmem:$0xE600] =	vst v63  }
0x12: {  	_ =	swait.ge [sflag:s23], $0x600  }
0x13: {  	[sflag:s23] =	ssyncset.done $0x0  }
0x14: {  	s4 =	simm.s32 $0x600;
	s5 =	rddreg [dreg:$0x4];
	[sflag:s23] =	ssyncadd.s32 $0xFFFFFA00  }
0x15: {  	[tilespmem:s4], [sflag:$0x5] =	stream.linear.gather [hbm4b:s5+s3], $0x6000, $0x38;
	[tilespmem:$0xE600] =	vst v63  }
0x16: {  	_ =	swait.ge [sflag:s23], $0x6000  }
0x17: {  	[sflag:s23] =	ssyncset.done $0x0  }
0x18: {  	[sflag:s23] =	ssyncadd.s32 $0xFFFFA000  }
0x19: {  	v3 =	vld [tilespmem:$0x0];
	_ =	sdelay $0x4  }
0x1a: {  	v4 =	vshll.u32 v3, $0x1  }
0x1b: {  	v3 =	vand.u32 $0x7, v3;
	v4 =	vand.u32 $0xFFFFFFF0, v4  }
0x1c: {  	v3 =	vor.u32 v3, v4  }
0x1d: {  	v4 =	vperm.xlane v3, v0;
	_ =	sdelay $0x1  }
0x1e: {  	v3 =	vperm.xlane v3, v2;
	v4 =	vadd.s32 v1, v4;
	_ =	sdelay $0x1  }
0x1f: {  	v3 =	vadd.s32 v1, v3;
	_ =	sdelay $0x1  }
0x20: {  	s7 =	simm.s32 $0x6600  }
0x21: {  	[tilespmem:s7], [sflag:$0x1] =	stream.indirect_vreg.gather [hbm4b:s2+s3], $0x80, v4, vm0, $0xb8;
	[tilespmem:$0xE600] =	vst v63  }
0x22: {  	s8 =	simm.s32 $0x6E00  }
0x23: {  	[tilespmem:s8], [sflag:$0x1] =	stream.indirect_vreg.gather [hbm4b:s2+s3], $0x80, v3, vm0, $0xb8;
	[tilespmem:$0xE600] =	vst v63  }
0x24: {  	v3 =	vld [tilespmem:$0x10];
	_ =	sdelay $0x4  }
0x25: {  	v4 =	vshll.u32 v3, $0x1  }
0x26: {  	v3 =	vand.u32 $0x7, v3;
	v4 =	vand.u32 $0xFFFFFFF0, v4  }
0x27: {  	v3 =	vor.u32 v3, v4  }
0x28: {  	v4 =	vperm.xlane v3, v0;
	_ =	sdelay $0x1  }
0x29: {  	v3 =	vperm.xlane v3, v2;
	v4 =	vadd.s32 v1, v4;
	_ =	sdelay $0x1  }
0x2a: {  	v3 =	vadd.s32 v1, v3;
	_ =	sdelay $0x1  }
0x2b: {  	s9 =	simm.s32 $0x7600  }
0x2c: {  	[tilespmem:s9], [sflag:$0x1] =	stream.indirect_vreg.gather [hbm4b:s2+s3], $0x80, v4, vm0, $0xb8;
	[tilespmem:$0xE600] =	vst v63  }
0x2d: {  	s10 =	simm.s32 $0x7E00  }
0x2e: {  	[tilespmem:s10], [sflag:$0x1] =	stream.indirect_vreg.gather [hbm4b:s2+s3], $0x80, v3, vm0, $0xb8;
	[tilespmem:$0xE600] =	vst v63  }
0x2f: {  	v3 =	vld [tilespmem:$0x20];
	_ =	sdelay $0x4  }
0x30: {  	v4 =	vshll.u32 v3, $0x1  }
0x31: {  	v3 =	vand.u32 $0x7, v3;
	v4 =	vand.u32 $0xFFFFFFF0, v4  }
0x32: {  	v3 =	vor.u32 v3, v4  }
0x33: {  	v4 =	vperm.xlane v3, v0;
	_ =	sdelay $0x1  }
0x34: {  	v3 =	vperm.xlane v3, v2;
	v4 =	vadd.s32 v1, v4;
	_ =	sdelay $0x1  }
0x35: {  	v3 =	vadd.s32 v1, v3;
	_ =	sdelay $0x1  }
0x36: {  	s11 =	simm.s32 $0x8600  }
0x37: {  	[tilespmem:s11], [sflag:$0x1] =	stream.indirect_vreg.gather [hbm4b:s2+s3], $0x80, v4, vm0, $0xb8;
	[tilespmem:$0xE600] =	vst v63  }
0x38: {  	s12 =	simm.s32 $0x8E00  }
0x39: {  	[tilespmem:s12], [sflag:$0x1] =	stream.indirect_vreg.gather [hbm4b:s2+s3], $0x80, v3, vm0, $0xb8;
	[tilespmem:$0xE600] =	vst v63  }
0x3a: {  	v3 =	vld [tilespmem:$0x30];
	_ =	sdelay $0x4  }
0x3b: {  	v4 =	vshll.u32 v3, $0x1  }
0x3c: {  	v3 =	vand.u32 $0x7, v3;
	v4 =	vand.u32 $0xFFFFFFF0, v4  }
0x3d: {  	v3 =	vor.u32 v3, v4  }
0x3e: {  	v4 =	vperm.xlane v3, v0;
	_ =	sdelay $0x1  }
0x3f: {  	v3 =	vperm.xlane v3, v2;
	v4 =	vadd.s32 v1, v4;
	_ =	sdelay $0x1  }
0x40: {  	v3 =	vadd.s32 v1, v3;
	_ =	sdelay $0x1  }
0x41: {  	s13 =	simm.s32 $0x9600  }
0x42: {  	[tilespmem:s13], [sflag:$0x2] =	stream.indirect_vreg.gather [hbm4b:s2+s3], $0x80, v4, vm0, $0xb8;
	[tilespmem:$0xE600] =	vst v63  }
0x43: {  	s14 =	simm.s32 $0x9E00  }
0x44: {  	[tilespmem:s14], [sflag:$0x2] =	stream.indirect_vreg.gather [hbm4b:s2+s3], $0x80, v3, vm0, $0xb8;
	[tilespmem:$0xE600] =	vst v63  }
0x45: {  	v3 =	vld [tilespmem:$0x40];
	_ =	sdelay $0x4  }
0x46: {  	v4 =	vshll.u32 v3, $0x1  }
0x47: {  	v3 =	vand.u32 $0x7, v3;
	v4 =	vand.u32 $0xFFFFFFF0, v4  }
0x48: {  	v3 =	vor.u32 v3, v4  }
0x49: {  	v4 =	vperm.xlane v3, v0;
	_ =	sdelay $0x1  }
0x4a: {  	v3 =	vperm.xlane v3, v2;
	v4 =	vadd.s32 v1, v4;
	_ =	sdelay $0x1  }
0x4b: {  	v3 =	vadd.s32 v1, v3;
	_ =	sdelay $0x1  }
0x4c: {  	s15 =	simm.s32 $0xA600  }
0x4d: {  	[tilespmem:s15], [sflag:$0x2] =	stream.indirect_vreg.gather [hbm4b:s2+s3], $0x80, v4, vm0, $0xb8;
	[tilespmem:$0xE600] =	vst v63  }
0x4e: {  	s16 =	simm.s32 $0xAE00  }
0x4f: {  	[tilespmem:s16], [sflag:$0x2] =	stream.indirect_vreg.gather [hbm4b:s2+s3], $0x80, v3, vm0, $0xb8;
	[tilespmem:$0xE600] =	vst v63  }
0x50: {  	v3 =	vld [tilespmem:$0x50];
	_ =	sdelay $0x4  }
0x51: {  	v4 =	vshll.u32 v3, $0x1  }
0x52: {  	v3 =	vand.u32 $0x7, v3;
	v4 =	vand.u32 $0xFFFFFFF0, v4  }
0x53: {  	v3 =	vor.u32 v3, v4  }
0x54: {  	v4 =	vperm.xlane v3, v0;
	_ =	sdelay $0x1  }
0x55: {  	v3 =	vperm.xlane v3, v2;
	v4 =	vadd.s32 v1, v4;
	_ =	sdelay $0x1  }
0x56: {  	v3 =	vadd.s32 v1, v3;
	_ =	sdelay $0x1  }
0x57: {  	s17 =	simm.s32 $0xB600  }
0x58: {  	[tilespmem:s17], [sflag:$0x2] =	stream.indirect_vreg.gather [hbm4b:s2+s3], $0x80, v4, vm0, $0xb8;
	[tilespmem:$0xE600] =	vst v63  }
0x59: {  	_ = 	snop  }
0x5a: {  	[tilespmem:s24], [sflag:$0x2] =	stream.indirect_vreg.gather [hbm4b:s2+s3], $0x80, v3, vm0, $0xb8;
	[tilespmem:$0xE600] =	vst v63  }
0x5b: {  	s19 =	simm.s32 $0x100;
	_ =	swait.ge [sflag:s25], $0x3000  }
0x5c: {  	s18 =	simm.s32 $0x80;
	s1 =	sand.u32 $0x7800, s19;
	[sflag:s25] =	ssyncset.done $0x0  }
0x5d: {  	s0 =	sand.u32 $0x380, s18;
	s7 =	simm.s32 $0x610;
	[sflag:s25] =	ssyncadd.s32 $0xFFFFD000  }
0x5e: {  	s20 =	simm.s32 $0x100;
	s0 =	sor.u32 s0, s1;
	v3 =	vld [tilespmem:s7+$0x0]  }
0x5f: {  	s21 =	sand.u32 $0x3800, s3;
	s5 =	simm.s32 $0x200;
	s8 =	sand.u32 $0x380, s3;
	v6 =	vld [tilespmem:s0+$0x6600]  }
0x60: {  	s1 =	sand.u32 $0x380, s20;
	s5 =	sand.u32 $0x7800, s5;
	s4 =	sor.u32 s8, s21;
	v4 =	vld [tilespmem:s7+$0xFFFFFFF0]  }
0x61: {  	s5 =	sor.u32 s1, s5;
	v7 =	vld [tilespmem:s4+$0x6600]  }
0x62: {  	v8 =	vld [tilespmem:s5+$0x6600]  }
0x63: {  	v5 =	vld [tilespmem:s7+$0x10];
	_ =	sdelay $0x2  }
0x64: {  	v7 =	vmul.bf16 v7, v4;
	v6 =	vmul.bf16 v6, v3;
	_ =	sdelay $0x1  }
0x65: {  	v6 =	vadd.bf16 v6, v7;
	v7 =	vmul.bf16 v8, v5;
	_ =	sdelay $0x1  }
0x66: {  	s22 =	sand.u32 $0x800, s3;
	s23 =	sand.u32 $0x380, s3;
	v6 =	vadd.bf16 v7, v6  }
0x67: {  	s1 =	sor.u32 s23, s22  }
0x68: {  	[tilespmem:s1+$0xC600] =	vst v6  }
0x69: {  	v6 =	vld [tilespmem:s4+$0x6610]  }
0x6a: {  	v7 =	vld [tilespmem:s0+$0x6610];
	_ =	sdelay $0x1  }
0x6b: {  	v8 =	vld [tilespmem:s5+$0x6610];
	_ =	sdelay $0x2  }
0x6c: {  	v6 =	vmul.bf16 v6, v4;
	v7 =	vmul.bf16 v7, v3;
	_ =	sdelay $0x1  }
0x6d: {  	v6 =	vadd.bf16 v7, v6;
	v7 =	vmul.bf16 v8, v5;
	_ =	sdelay $0x1  }
0x6e: {  	v6 =	vadd.bf16 v7, v6;
	_ =	sdelay $0x1  }
0x6f: {  	[tilespmem:s1+$0xC610] =	vst v6  }
0x70: {  	v6 =	vld [tilespmem:s4+$0x6620]  }
0x71: {  	v7 =	vld [tilespmem:s0+$0x6620];
	_ =	sdelay $0x1  }
0x72: {  	v8 =	vld [tilespmem:s5+$0x6620];
	_ =	sdelay $0x2  }
0x73: {  	v6 =	vmul.bf16 v6, v4;
	v7 =	vmul.bf16 v7, v3;
	_ =	sdelay $0x1  }
0x74: {  	v6 =	vadd.bf16 v7, v6;
	v7 =	vmul.bf16 v8, v5;
	_ =	sdelay $0x1  }
0x75: {  	v6 =	vadd.bf16 v7, v6;
	_ =	sdelay $0x1  }
0x76: {  	[tilespmem:s1+$0xC620] =	vst v6  }
0x77: {  	v6 =	vld [tilespmem:s4+$0x6630]  }
0x78: {  	v7 =	vld [tilespmem:s0+$0x6630];
	_ =	sdelay $0x1  }
0x79: {  	v8 =	vld [tilespmem:s5+$0x6630];
	_ =	sdelay $0x2  }
0x7a: {  	v6 =	vmul.bf16 v6, v4;
	v7 =	vmul.bf16 v7, v3;
	_ =	sdelay $0x1  }
0x7b: {  	v8 =	vmul.bf16 v8, v5;
	v6 =	vadd.bf16 v7, v6;
	_ =	sdelay $0x1  }
0x7c: {  	v6 =	vadd.bf16 v8, v6;
	_ =	sdelay $0x1  }
0x7d: {  	[tilespmem:s1+$0xC630] =	vst v6  }
0x7e: {  	v6 =	vld [tilespmem:s4+$0x6640]  }
0x7f: {  	v7 =	vld [tilespmem:s0+$0x6640];
	_ =	sdelay $0x1  }
0x80: {  	v8 =	vld [tilespmem:s5+$0x6640];
	_ =	sdelay $0x2  }
0x81: {  	v6 =	vmul.bf16 v6, v4;
	v7 =	vmul.bf16 v7, v3;
	_ =	sdelay $0x1  }
0x82: {  	v8 =	vmul.bf16 v8, v5;
	v6 =	vadd.bf16 v7, v6;
	_ =	sdelay $0x1  }
0x83: {  	v6 =	vadd.bf16 v8, v6;
	_ =	sdelay $0x1  }
0x84: {  	[tilespmem:s1+$0xC640] =	vst v6  }
0x85: {  	v6 =	vld [tilespmem:s4+$0x6650]  }
0x86: {  	v7 =	vld [tilespmem:s0+$0x6650];
	_ =	sdelay $0x1  }
0x87: {  	v8 =	vld [tilespmem:s5+$0x6650];
	_ =	sdelay $0x2  }
0x88: {  	v6 =	vmul.bf16 v6, v4;
	v7 =	vmul.bf16 v7, v3;
	_ =	sdelay $0x1  }
0x89: {  	v8 =	vmul.bf16 v8, v5;
	v6 =	vadd.bf16 v7, v6;
	_ =	sdelay $0x1  }
0x8a: {  	v6 =	vadd.bf16 v8, v6;
	_ =	sdelay $0x1  }
0x8b: {  	[tilespmem:s1+$0xC650] =	vst v6  }
0x8c: {  	v6 =	vld [tilespmem:s4+$0x6660]  }
0x8d: {  	v7 =	vld [tilespmem:s0+$0x6660];
	_ =	sdelay $0x1  }
0x8e: {  	v8 =	vld [tilespmem:s5+$0x6660];
	_ =	sdelay $0x2  }
0x8f: {  	v6 =	vmul.bf16 v6, v4;
	v7 =	vmul.bf16 v7, v3;
	_ =	sdelay $0x1  }
0x90: {  	v6 =	vadd.bf16 v7, v6;
	v7 =	vmul.bf16 v8, v5;
	_ =	sdelay $0x1  }
0x91: {  	v6 =	vadd.bf16 v7, v6;
	_ =	sdelay $0x1  }
0x92: {  	[tilespmem:s1+$0xC660] =	vst v6  }
0x93: {  	v6 =	vld [tilespmem:s4+$0x6670]  }
0x94: {  	v7 =	vld [tilespmem:s0+$0x6670];
	_ =	sdelay $0x1  }
0x95: {  	v8 =	vld [tilespmem:s5+$0x6670];
	_ =	sdelay $0x2  }
0x96: {  	v6 =	vmul.bf16 v6, v4;
	v7 =	vmul.bf16 v7, v3;
	_ =	sdelay $0x1  }
0x97: {  	v8 =	vmul.bf16 v8, v5;
	v6 =	vadd.bf16 v7, v6;
	_ =	sdelay $0x1  }
0x98: {  	v6 =	vadd.bf16 v8, v6;
	_ =	sdelay $0x1  }
0x99: {  	[tilespmem:s1+$0xC670] =	vst v6  }
0x9a: {  	v6 =	vld [tilespmem:s4+$0x6A00]  }
0x9b: {  	v7 =	vld [tilespmem:s0+$0x6A00];
	_ =	sdelay $0x1  }
0x9c: {  	v8 =	vld [tilespmem:s5+$0x6A00];
	_ =	sdelay $0x2  }
0x9d: {  	v9 =	vmul.bf16 v6, v4;
	v7 =	vmul.bf16 v7, v3  }
0x9e: {  	s8 =	simm.s32 $0x640;
	s9 =	simm.s32 $0x0  }
0x9f: {  	s10 =	simm.s32 $0x0;
	s11 =	simm.s32 $0x0;
	s7 =	simm.s32 $0x180;
	v6 =	vmul.bf16 v8, v5;
	v7 =	vadd.bf16 v7, v9  }
.LBB2_2:
0xa0: {  	s9 =	sadd.s32 $0x80, s9;
	s10 =	sadd.s32 $0x100, s10;
	s11 =	sadd.s32 $0x300, s11  }
0xa1: {  	p0 =	sne.s32 s7, $0x1680;
	s12 =	smov.u32 s7;
	s7 =	sadd.s32 $0x180, s7;
	v6 =	vadd.bf16 v6, v7  }
0xa2: {  	_ = 	snop  }
0xa3: {  	[tilespmem:s1+$0xCA00] =	vst v6  }
0xa4: {  	v6 =	vld [tilespmem:s4+$0x6A10]  }
0xa5: {  	v7 =	vld [tilespmem:s0+$0x6A10]  }
0xa6: {  	v8 =	vld [tilespmem:s5+$0x6A10];
	_ =	sdelay $0x2  }
0xa7: {  	v6 =	vmul.bf16 v6, v4  }
0xa8: {  	s13 =	sadd.s32 $0x80, s12;
	s14 =	sadd.s32 $0x200, s11;
	s15 =	sadd.s32 $0x100, s12;
	v7 =	vmul.bf16 v7, v3  }
0xa9: {  	s16 =	sand.u32 $0x3800, s11;
	s12 =	sand.u32 $0x380, s12;
	s15 =	sand.u32 $0x380, s15;
	v8 =	vmul.bf16 v8, v5  }
0xaa: {  	s12 =	sor.u32 s12, s16;
	s16 =	sadd.s32 $0x100, s11;
	s14 =	sand.u32 $0x7800, s14;
	v6 =	vadd.bf16 v7, v6  }
0xab: {  	s13 =	sand.u32 $0x380, s13;
	s16 =	sand.u32 $0x7800, s16;
	s14 =	sor.u32 s15, s14  }
0xac: {  	s13 =	sor.u32 s13, s16;
	v6 =	vadd.bf16 v8, v6;
	_ =	sdelay $0x1  }
0xad: {  	[tilespmem:s1+$0xCA10] =	vst v6  }
0xae: {  	v6 =	vld [tilespmem:s0+$0x6A20]  }
0xaf: {  	v7 =	vld [tilespmem:s4+$0x6A20]  }
0xb0: {  	v8 =	vld [tilespmem:s5+$0x6A20];
	_ =	sdelay $0x2  }
0xb1: {  	v6 =	vmul.bf16 v6, v3  }
0xb2: {  	v7 =	vmul.bf16 v7, v4  }
0xb3: {  	v8 =	vmul.bf16 v8, v5  }
0xb4: {  	v6 =	vadd.bf16 v6, v7;
	_ =	sdelay $0x1  }
0xb5: {  	v6 =	vadd.bf16 v8, v6;
	_ =	sdelay $0x1  }
0xb6: {  	[tilespmem:s1+$0xCA20] =	vst v6  }
0xb7: {  	v6 =	vld [tilespmem:s4+$0x6A30];
	s4 =	smov.u32 s12  }
0xb8: {  	v7 =	vld [tilespmem:s0+$0x6A30];
	s0 =	smov.u32 s13  }
0xb9: {  	v8 =	vld [tilespmem:s5+$0x6A30];
	s5 =	smov.u32 s14;
	_ =	sdelay $0x2  }
0xba: {  	v4 =	vmul.bf16 v6, v4  }
0xbb: {  	v3 =	vmul.bf16 v7, v3  }
0xbc: {  	v5 =	vmul.bf16 v8, v5  }
0xbd: {  	v3 =	vadd.bf16 v3, v4;
	_ =	sdelay $0x1  }
0xbe: {  	v3 =	vadd.bf16 v5, v3;
	_ =	sdelay $0x1  }
0xbf: {  	[tilespmem:s1+$0xCA30] =	vst v3  }
0xc0: {  	v3 =	vld [tilespmem:s8+$0x0]  }
0xc1: {  	v6 =	vld [tilespmem:s0+$0x6600]  }
0xc2: {  	v4 =	vld [tilespmem:s8+$0xFFFFFFF0]  }
0xc3: {  	v7 =	vld [tilespmem:s4+$0x6600]  }
0xc4: {  	v8 =	vld [tilespmem:s5+$0x6600]  }
0xc5: {  	v5 =	vld [tilespmem:s8+$0x10];
	_ =	sdelay $0x2  }
0xc6: {  	v6 =	vmul.bf16 v6, v3;
	v7 =	vmul.bf16 v7, v4;
	_ =	sdelay $0x1  }
0xc7: {  	v6 =	vadd.bf16 v6, v7;
	v7 =	vmul.bf16 v8, v5;
	_ =	sdelay $0x1  }
0xc8: {  	s12 =	sand.u32 $0x380, s9;
	s1 =	sand.u32 $0x800, s10;
	v6 =	vadd.bf16 v7, v6  }
0xc9: {  	s1 =	sor.u32 s12, s1  }
0xca: {  	[tilespmem:s1+$0xC600] =	vst v6  }
0xcb: {  	v6 =	vld [tilespmem:s4+$0x6610]  }
0xcc: {  	v7 =	vld [tilespmem:s0+$0x6610];
	_ =	sdelay $0x1  }
0xcd: {  	v8 =	vld [tilespmem:s5+$0x6610];
	_ =	sdelay $0x1  }
0xce: {  	v6 =	vmul.bf16 v6, v4  }
0xcf: {  	v7 =	vmul.bf16 v7, v3;
	_ =	sdelay $0x1  }
0xd0: {  	v6 =	vadd.bf16 v7, v6;
	v7 =	vmul.bf16 v8, v5;
	_ =	sdelay $0x1  }
0xd1: {  	v6 =	vadd.bf16 v7, v6;
	_ =	sdelay $0x1  }
0xd2: {  	[tilespmem:s1+$0xC610] =	vst v6  }
0xd3: {  	v6 =	vld [tilespmem:s4+$0x6620]  }
0xd4: {  	v7 =	vld [tilespmem:s0+$0x6620];
	_ =	sdelay $0x1  }
0xd5: {  	v8 =	vld [tilespmem:s5+$0x6620];
	_ =	sdelay $0x1  }
0xd6: {  	v6 =	vmul.bf16 v6, v4  }
0xd7: {  	v7 =	vmul.bf16 v7, v3;
	_ =	sdelay $0x1  }
0xd8: {  	v6 =	vadd.bf16 v7, v6;
	v7 =	vmul.bf16 v8, v5;
	_ =	sdelay $0x1  }
0xd9: {  	v6 =	vadd.bf16 v7, v6;
	_ =	sdelay $0x1  }
0xda: {  	[tilespmem:s1+$0xC620] =	vst v6  }
0xdb: {  	v6 =	vld [tilespmem:s4+$0x6630]  }
0xdc: {  	v7 =	vld [tilespmem:s0+$0x6630]  }
0xdd: {  	v8 =	vld [tilespmem:s5+$0x6630];
	_ =	sdelay $0x2  }
0xde: {  	v6 =	vmul.bf16 v6, v4  }
0xdf: {  	v7 =	vmul.bf16 v7, v3  }
0xe0: {  	v8 =	vmul.bf16 v8, v5  }
0xe1: {  	v6 =	vadd.bf16 v7, v6;
	_ =	sdelay $0x1  }
0xe2: {  	v6 =	vadd.bf16 v8, v6;
	_ =	sdelay $0x1  }
0xe3: {  	[tilespmem:s1+$0xC630] =	vst v6  }
0xe4: {  	v6 =	vld [tilespmem:s4+$0x6640]  }
0xe5: {  	v7 =	vld [tilespmem:s0+$0x6640]  }
0xe6: {  	v8 =	vld [tilespmem:s5+$0x6640];
	_ =	sdelay $0x2  }
0xe7: {  	v6 =	vmul.bf16 v6, v4  }
0xe8: {  	v7 =	vmul.bf16 v7, v3  }
0xe9: {  	v8 =	vmul.bf16 v8, v5  }
0xea: {  	v6 =	vadd.bf16 v7, v6;
	_ =	sdelay $0x1  }
0xeb: {  	v6 =	vadd.bf16 v8, v6;
	_ =	sdelay $0x1  }
0xec: {  	[tilespmem:s1+$0xC640] =	vst v6  }
0xed: {  	v6 =	vld [tilespmem:s4+$0x6650]  }
0xee: {  	v7 =	vld [tilespmem:s0+$0x6650]  }
0xef: {  	v8 =	vld [tilespmem:s5+$0x6650];
	_ =	sdelay $0x2  }
0xf0: {  	v6 =	vmul.bf16 v6, v4  }
0xf1: {  	v7 =	vmul.bf16 v7, v3  }
0xf2: {  	v8 =	vmul.bf16 v8, v5  }
0xf3: {  	v6 =	vadd.bf16 v7, v6;
	_ =	sdelay $0x1  }
0xf4: {  	v6 =	vadd.bf16 v8, v6;
	_ =	sdelay $0x1  }
0xf5: {  	[tilespmem:s1+$0xC650] =	vst v6  }
0xf6: {  	v6 =	vld [tilespmem:s4+$0x6660]  }
0xf7: {  	v7 =	vld [tilespmem:s0+$0x6660]  }
0xf8: {  	v8 =	vld [tilespmem:s5+$0x6660];
	_ =	sdelay $0x2  }
0xf9: {  	v6 =	vmul.bf16 v6, v4  }
0xfa: {  	v7 =	vmul.bf16 v7, v3;
	_ =	sdelay $0x1  }
0xfb: {  	v6 =	vadd.bf16 v7, v6;
	v7 =	vmul.bf16 v8, v5;
	_ =	sdelay $0x1  }
0xfc: {  	v6 =	vadd.bf16 v7, v6;
	_ =	sdelay $0x1  }
0xfd: {  	[tilespmem:s1+$0xC660] =	vst v6  }
0xfe: {  	v6 =	vld [tilespmem:s4+$0x6670]  }
0xff: {  	v7 =	vld [tilespmem:s0+$0x6670]  }
0x100: {  	v8 =	vld [tilespmem:s5+$0x6670];
	_ =	sdelay $0x2  }
0x101: {  	v6 =	vmul.bf16 v6, v4  }
0x102: {  	v7 =	vmul.bf16 v7, v3  }
0x103: {  	v8 =	vmul.bf16 v8, v5  }
0x104: {  	v6 =	vadd.bf16 v7, v6;
	_ =	sdelay $0x1  }
0x105: {  	v6 =	vadd.bf16 v8, v6;
	_ =	sdelay $0x1  }
0x106: {  	[tilespmem:s1+$0xC670] =	vst v6  }
0x107: {  	v6 =	vld [tilespmem:s4+$0x6A00]  }
0x108: {  	v7 =	vld [tilespmem:s0+$0x6A00]  }
0x109: {  	v8 =	vld [tilespmem:s5+$0x6A00];
	_ =	sdelay $0x1  }
.Ltmp0:
0x10a: {  	(pc) =	sbr.rel @p0 .LBB2_2-.Ltmp0, $4  }
0x10b: {  	v9 =	vmul.bf16 v6, v4  }
0x10c: {  	v7 =	vmul.bf16 v7, v3  }
0x10d: {  	v6 =	vmul.bf16 v8, v5  }
0x10e: {  	s8 =	sadd.s32 $0x30, s8;
	v7 =	vadd.bf16 v7, v9  }
0x10f: {  	_ = 	snop  }
0x110: {  	v6 =	vadd.bf16 v6, v7;
	_ =	sdelay $0x1  }
0x111: {  	[tilespmem:s1+$0xCA00] =	vst v6  }
0x112: {  	v6 =	vld [tilespmem:s4+$0x6A10]  }
0x113: {  	v7 =	vld [tilespmem:s0+$0x6A10];
	_ =	sdelay $0x1  }
0x114: {  	v8 =	vld [tilespmem:s5+$0x6A10];
	_ =	sdelay $0x2  }
0x115: {  	v6 =	vmul.bf16 v6, v4;
	v7 =	vmul.bf16 v7, v3;
	_ =	sdelay $0x1  }
0x116: {  	v8 =	vmul.bf16 v8, v5;
	v6 =	vadd.bf16 v7, v6;
	_ =	sdelay $0x1  }
0x117: {  	v6 =	vadd.bf16 v8, v6;
	_ =	sdelay $0x1  }
0x118: {  	[tilespmem:s1+$0xCA10] =	vst v6  }
0x119: {  	v6 =	vld [tilespmem:s0+$0x6A20]  }
0x11a: {  	v7 =	vld [tilespmem:s4+$0x6A20];
	_ =	sdelay $0x1  }
0x11b: {  	v8 =	vld [tilespmem:s5+$0x6A20];
	_ =	sdelay $0x2  }
0x11c: {  	v6 =	vmul.bf16 v6, v3;
	v7 =	vmul.bf16 v7, v4;
	_ =	sdelay $0x1  }
0x11d: {  	v8 =	vmul.bf16 v8, v5;
	v6 =	vadd.bf16 v6, v7;
	_ =	sdelay $0x1  }
0x11e: {  	v6 =	vadd.bf16 v8, v6;
	_ =	sdelay $0x1  }
0x11f: {  	[tilespmem:s1+$0xCA20] =	vst v6  }
0x120: {  	v6 =	vld [tilespmem:s4+$0x6A30]  }
0x121: {  	v7 =	vld [tilespmem:s0+$0x6A30];
	_ =	sdelay $0x1  }
0x122: {  	v8 =	vld [tilespmem:s5+$0x6A30];
	_ =	sdelay $0x2  }
0x123: {  	v4 =	vmul.bf16 v6, v4;
	v3 =	vmul.bf16 v7, v3;
	_ =	sdelay $0x1  }
0x124: {  	v5 =	vmul.bf16 v8, v5;
	v3 =	vadd.bf16 v3, v4;
	_ =	sdelay $0x1  }
0x125: {  	v3 =	vadd.bf16 v5, v3;
	_ =	sdelay $0x1  }
0x126: {  	s0 =	simm.s32 $0x0;
	[tilespmem:s1+$0xCA30] =	vst v3  }
0x127: {  	[hbm4b:s6+s0] =	stream.linear.scatter [tilespmem:s26], [sflag:$0x3], $0x1000, $0x38;
	[tilespmem:$0xE600] =	vst v63  }
0x128: {  	v3 =	vld [tilespmem:$0x60];
	_ =	sdelay $0x4  }
0x129: {  	v4 =	vshll.u32 v3, $0x1  }
0x12a: {  	v3 =	vand.u32 $0x7, v3;
	v4 =	vand.u32 $0xFFFFFFF0, v4  }
0x12b: {  	v3 =	vor.u32 v3, v4  }
0x12c: {  	v4 =	vperm.xlane v3, v0;
	_ =	sdelay $0x1  }
0x12d: {  	v3 =	vperm.xlane v3, v2;
	v4 =	vadd.s32 v1, v4;
	_ =	sdelay $0x1  }
0x12e: {  	v3 =	vadd.s32 v1, v3;
	_ =	sdelay $0x1  }
0x12f: {  	s11 =	simm.s32 $0x6600  }
0x130: {  	[tilespmem:s11], [sflag:$0x1] =	stream.indirect_vreg.gather [hbm4b:s2+s0], $0x80, v4, vm0, $0xb8;
	[tilespmem:$0xE600] =	vst v63  }
0x131: {  	s12 =	simm.s32 $0x6E00  }
0x132: {  	[tilespmem:s12], [sflag:$0x1] =	stream.indirect_vreg.gather [hbm4b:s2+s0], $0x80, v3, vm0, $0xb8;
	[tilespmem:$0xE600] =	vst v63  }
0x133: {  	v3 =	vld [tilespmem:$0x70];
	_ =	sdelay $0x4  }
0x134: {  	v4 =	vshll.u32 v3, $0x1  }
0x135: {  	v3 =	vand.u32 $0x7, v3;
	v4 =	vand.u32 $0xFFFFFFF0, v4  }
0x136: {  	v3 =	vor.u32 v3, v4  }
0x137: {  	v4 =	vperm.xlane v3, v0;
	_ =	sdelay $0x1  }
0x138: {  	v3 =	vperm.xlane v3, v2;
	v4 =	vadd.s32 v1, v4;
	_ =	sdelay $0x1  }
0x139: {  	v3 =	vadd.s32 v1, v3;
	_ =	sdelay $0x1  }
0x13a: {  	s13 =	simm.s32 $0x7600  }
0x13b: {  	[tilespmem:s13], [sflag:$0x1] =	stream.indirect_vreg.gather [hbm4b:s2+s0], $0x80, v4, vm0, $0xb8;
	[tilespmem:$0xE600] =	vst v63  }
0x13c: {  	s14 =	simm.s32 $0x7E00  }
0x13d: {  	[tilespmem:s14], [sflag:$0x1] =	stream.indirect_vreg.gather [hbm4b:s2+s0], $0x80, v3, vm0, $0xb8;
	[tilespmem:$0xE600] =	vst v63  }
0x13e: {  	v3 =	vld [tilespmem:$0x80];
	_ =	sdelay $0x4  }
0x13f: {  	v4 =	vshll.u32 v3, $0x1  }
0x140: {  	v3 =	vand.u32 $0x7, v3;
	v4 =	vand.u32 $0xFFFFFFF0, v4  }
0x141: {  	v3 =	vor.u32 v3, v4  }
0x142: {  	v4 =	vperm.xlane v3, v0;
	_ =	sdelay $0x1  }
0x143: {  	v3 =	vperm.xlane v3, v2;
	v4 =	vadd.s32 v1, v4;
	_ =	sdelay $0x1  }
0x144: {  	v3 =	vadd.s32 v1, v3;
	_ =	sdelay $0x1  }
0x145: {  	s15 =	simm.s32 $0x8600  }
0x146: {  	[tilespmem:s15], [sflag:$0x1] =	stream.indirect_vreg.gather [hbm4b:s2+s0], $0x80, v4, vm0, $0xb8;
	[tilespmem:$0xE600] =	vst v63  }
0x147: {  	s16 =	simm.s32 $0x8E00  }
0x148: {  	[tilespmem:s16], [sflag:$0x1] =	stream.indirect_vreg.gather [hbm4b:s2+s0], $0x80, v3, vm0, $0xb8;
	[tilespmem:$0xE600] =	vst v63  }
0x149: {  	s7 =	simm.s32 $0x920;
	_ =	swait.ge [sflag:s28], $0x3000  }
0x14a: {  	s17 =	simm.s32 $0x200;
	s18 =	simm.s32 $0x100;
	[sflag:s28] =	ssyncset.done $0x0  }
0x14b: {  	s19 =	simm.s32 $0x100;
	s8 =	simm.s32 $0x80;
	[sflag:s28] =	ssyncadd.s32 $0xFFFFD000  }
0x14c: {  	s8 =	sand.u32 $0x380, s8;
	s4 =	sand.u32 $0x7800, s19;
	s9 =	sand.u32 $0x3F0, s0;
	v3 =	vld [tilespmem:s7+$0xFFFFFFF0]  }
0x14d: {  	s4 =	sor.u32 s8, s4;
	s20 =	sand.u32 $0x3800, s0;
	s21 =	sand.u32 $0x380, s0;
	v4 =	vld [tilespmem:s9+$0x900]  }
0x14e: {  	s10 =	sand.u32 $0x7800, s17;
	s5 =	sand.u32 $0x380, s18;
	s1 =	sor.u32 s21, s20;
	v6 =	vld [tilespmem:s4+$0x9600]  }
0x14f: {  	s5 =	sor.u32 s5, s10;
	v7 =	vld [tilespmem:s1+$0x9600]  }
0x150: {  	v8 =	vld [tilespmem:s5+$0x9600]  }
0x151: {  	v5 =	vld [tilespmem:s7+$0x0];
	_ =	sdelay $0x2  }
0x152: {  	v6 =	vmul.bf16 v6, v3;
	v7 =	vmul.bf16 v7, v4;
	_ =	sdelay $0x1  }
0x153: {  	v6 =	vadd.bf16 v6, v7;
	v7 =	vmul.bf16 v8, v5;
	_ =	sdelay $0x1  }
0x154: {  	s22 =	sand.u32 $0x800, s0;
	s23 =	sand.u32 $0x380, s0;
	v6 =	vadd.bf16 v7, v6  }
0x155: {  	s8 =	sor.u32 s23, s22  }
0x156: {  	[tilespmem:s8+$0xD600] =	vst v6  }
0x157: {  	v6 =	vld [tilespmem:s1+$0x9610]  }
0x158: {  	v7 =	vld [tilespmem:s4+$0x9610];
	_ =	sdelay $0x1  }
0x159: {  	v8 =	vld [tilespmem:s5+$0x9610];
	_ =	sdelay $0x2  }
0x15a: {  	v6 =	vmul.bf16 v6, v4;
	v7 =	vmul.bf16 v7, v3;
	_ =	sdelay $0x1  }
0x15b: {  	v6 =	vadd.bf16 v7, v6;
	v7 =	vmul.bf16 v8, v5;
	_ =	sdelay $0x1  }
0x15c: {  	v6 =	vadd.bf16 v7, v6;
	_ =	sdelay $0x1  }
0x15d: {  	[tilespmem:s8+$0xD610] =	vst v6  }
0x15e: {  	v6 =	vld [tilespmem:s1+$0x9620]  }
0x15f: {  	v7 =	vld [tilespmem:s4+$0x9620];
	_ =	sdelay $0x1  }
0x160: {  	v8 =	vld [tilespmem:s5+$0x9620];
	_ =	sdelay $0x2  }
0x161: {  	v6 =	vmul.bf16 v6, v4;
	v7 =	vmul.bf16 v7, v3;
	_ =	sdelay $0x1  }
0x162: {  	v6 =	vadd.bf16 v7, v6;
	v7 =	vmul.bf16 v8, v5;
	_ =	sdelay $0x1  }
0x163: {  	v6 =	vadd.bf16 v7, v6;
	_ =	sdelay $0x1  }
0x164: {  	[tilespmem:s8+$0xD620] =	vst v6  }
0x165: {  	v6 =	vld [tilespmem:s1+$0x9630]  }
0x166: {  	v7 =	vld [tilespmem:s4+$0x9630];
	_ =	sdelay $0x1  }
0x167: {  	v8 =	vld [tilespmem:s5+$0x9630];
	_ =	sdelay $0x2  }
0x168: {  	v6 =	vmul.bf16 v6, v4;
	v7 =	vmul.bf16 v7, v3;
	_ =	sdelay $0x1  }
0x169: {  	v6 =	vadd.bf16 v7, v6;
	v7 =	vmul.bf16 v8, v5;
	_ =	sdelay $0x1  }
0x16a: {  	v6 =	vadd.bf16 v7, v6;
	_ =	sdelay $0x1  }
0x16b: {  	[tilespmem:s8+$0xD630] =	vst v6  }
0x16c: {  	v6 =	vld [tilespmem:s1+$0x9640]  }
0x16d: {  	v7 =	vld [tilespmem:s4+$0x9640];
	_ =	sdelay $0x1  }
0x16e: {  	v8 =	vld [tilespmem:s5+$0x9640];
	_ =	sdelay $0x2  }
0x16f: {  	v6 =	vmul.bf16 v6, v4;
	v7 =	vmul.bf16 v7, v3;
	_ =	sdelay $0x1  }
0x170: {  	v6 =	vadd.bf16 v7, v6;
	v7 =	vmul.bf16 v8, v5;
	_ =	sdelay $0x1  }
0x171: {  	v6 =	vadd.bf16 v7, v6;
	_ =	sdelay $0x1  }
0x172: {  	[tilespmem:s8+$0xD640] =	vst v6  }
0x173: {  	v6 =	vld [tilespmem:s1+$0x9650]  }
0x174: {  	v7 =	vld [tilespmem:s4+$0x9650];
	_ =	sdelay $0x1  }
0x175: {  	v8 =	vld [tilespmem:s5+$0x9650];
	_ =	sdelay $0x2  }
0x176: {  	v6 =	vmul.bf16 v6, v4;
	v7 =	vmul.bf16 v7, v3;
	_ =	sdelay $0x1  }
0x177: {  	v6 =	vadd.bf16 v7, v6;
	v7 =	vmul.bf16 v8, v5;
	_ =	sdelay $0x1  }
0x178: {  	v6 =	vadd.bf16 v7, v6;
	_ =	sdelay $0x1  }
0x179: {  	[tilespmem:s8+$0xD650] =	vst v6  }
0x17a: {  	v6 =	vld [tilespmem:s1+$0x9660]  }
0x17b: {  	v7 =	vld [tilespmem:s4+$0x9660];
	_ =	sdelay $0x1  }
0x17c: {  	v8 =	vld [tilespmem:s5+$0x9660];
	_ =	sdelay $0x2  }
0x17d: {  	v6 =	vmul.bf16 v6, v4;
	v7 =	vmul.bf16 v7, v3;
	_ =	sdelay $0x1  }
0x17e: {  	v6 =	vadd.bf16 v7, v6;
	v7 =	vmul.bf16 v8, v5;
	_ =	sdelay $0x1  }
0x17f: {  	v6 =	vadd.bf16 v7, v6;
	_ =	sdelay $0x1  }
0x180: {  	[tilespmem:s8+$0xD660] =	vst v6  }
0x181: {  	v6 =	vld [tilespmem:s1+$0x9670]  }
0x182: {  	v7 =	vld [tilespmem:s4+$0x9670];
	_ =	sdelay $0x1  }
0x183: {  	v8 =	vld [tilespmem:s5+$0x9670];
	_ =	sdelay $0x2  }
0x184: {  	v6 =	vmul.bf16 v6, v4;
	v7 =	vmul.bf16 v7, v3;
	_ =	sdelay $0x1  }
0x185: {  	v6 =	vadd.bf16 v7, v6;
	v7 =	vmul.bf16 v8, v5;
	_ =	sdelay $0x1  }
0x186: {  	v6 =	vadd.bf16 v7, v6;
	_ =	sdelay $0x1  }
0x187: {  	[tilespmem:s8+$0xD670] =	vst v6  }
0x188: {  	v6 =	vld [tilespmem:s1+$0x9A00]  }
0x189: {  	v7 =	vld [tilespmem:s4+$0x9A00];
	_ =	sdelay $0x1  }
0x18a: {  	v8 =	vld [tilespmem:s5+$0x9A00];
	_ =	sdelay $0x2  }
0x18b: {  	v6 =	vmul.bf16 v6, v4;
	v7 =	vmul.bf16 v7, v3;
	_ =	sdelay $0x1  }
0x18c: {  	v6 =	vadd.bf16 v7, v6;
	v7 =	vmul.bf16 v8, v5;
	_ =	sdelay $0x1  }
0x18d: {  	s7 =	sor.u32 s22, s0;
	v6 =	vadd.bf16 v7, v6  }
0x18e: {  	s12 =	sor.u32 $0x1400, s7  }
0x18f: {  	[tilespmem:s12+$0xC600] =	vst v6  }
0x190: {  	v6 =	vld [tilespmem:s1+$0x9A10]  }
0x191: {  	v7 =	vld [tilespmem:s4+$0x9A10];
	_ =	sdelay $0x1  }
0x192: {  	v8 =	vld [tilespmem:s5+$0x9A10];
	_ =	sdelay $0x2  }
0x193: {  	v6 =	vmul.bf16 v6, v4;
	v7 =	vmul.bf16 v7, v3;
	_ =	sdelay $0x1  }
0x194: {  	v6 =	vadd.bf16 v7, v6;
	v7 =	vmul.bf16 v8, v5;
	_ =	sdelay $0x1  }
0x195: {  	v6 =	vadd.bf16 v7, v6;
	_ =	sdelay $0x1  }
0x196: {  	[tilespmem:s12+$0xC610] =	vst v6  }
0x197: {  	s10 =	simm.s32 $0x0;
	s11 =	simm.s32 $0x0;
	v6 =	vld [tilespmem:s1+$0x9A20]  }
0x198: {  	s9 =	simm.s32 $0x950;
	s7 =	simm.s32 $0x180;
	s8 =	simm.s32 $0x30;
	v7 =	vld [tilespmem:s4+$0x9A20]  }
.LBB2_4:
0x199: {  	v8 =	vld [tilespmem:s5+$0x9A20];
	s0 =	sadd.s32 $0x80, s0;
	s10 =	sadd.s32 $0x100, s10;
	s11 =	sadd.s32 $0x300, s11  }
0x19a: {  	p0 =	sne.s32 s7, $0x1680;
	s13 =	smov.u32 s7;
	s7 =	sadd.s32 $0x180, s7  }
0x19b: {  	_ = 	snop  }
0x19c: {  	v6 =	vmul.bf16 v6, v4  }
0x19d: {  	v7 =	vmul.bf16 v7, v3;
	_ =	sdelay $0x1  }
0x19e: {  	v6 =	vadd.bf16 v7, v6;
	v7 =	vmul.bf16 v8, v5;
	_ =	sdelay $0x1  }
0x19f: {  	v6 =	vadd.bf16 v7, v6;
	_ =	sdelay $0x1  }
0x1a0: {  	[tilespmem:s12+$0xC620] =	vst v6  }
0x1a1: {  	s14 =	sadd.s32 $0x200, s11;
	s15 =	sadd.s32 $0x100, s13;
	v6 =	vld [tilespmem:s1+$0x9A30]  }
0x1a2: {  	s16 =	sadd.s32 $0x80, s13;
	s14 =	sand.u32 $0x7800, s14;
	s1 =	sadd.s32 $0x100, s11;
	v7 =	vld [tilespmem:s4+$0x9A30]  }
0x1a3: {  	s15 =	sand.u32 $0x380, s15;
	s1 =	sand.u32 $0x7800, s1;
	s4 =	sand.u32 $0x380, s16;
	v8 =	vld [tilespmem:s5+$0x9A30]  }
0x1a4: {  	s4 =	sor.u32 s4, s1;
	s5 =	sor.u32 s15, s14;
	_ =	sdelay $0x1  }
0x1a5: {  	v4 =	vmul.bf16 v6, v4  }
0x1a6: {  	v3 =	vmul.bf16 v7, v3;
	_ =	sdelay $0x1  }
0x1a7: {  	v3 =	vadd.bf16 v3, v4;
	v4 =	vmul.bf16 v8, v5;
	_ =	sdelay $0x1  }
0x1a8: {  	v3 =	vadd.bf16 v4, v3;
	_ =	sdelay $0x1  }
0x1a9: {  	[tilespmem:s12+$0xC630] =	vst v3  }
0x1aa: {  	s1 =	sand.u32 $0x3F0, s8;
	v3 =	vld [tilespmem:s9+$0xFFFFFFF0]  }
0x1ab: {  	s12 =	sand.u32 $0x380, s13;
	v4 =	vld [tilespmem:s1+$0x900];
	s1 =	sand.u32 $0x3800, s11  }
0x1ac: {  	s1 =	sor.u32 s12, s1;
	v6 =	vld [tilespmem:s4+$0x9600]  }
0x1ad: {  	v7 =	vld [tilespmem:s1+$0x9600]  }
0x1ae: {  	v8 =	vld [tilespmem:s5+$0x9600]  }
0x1af: {  	v5 =	vld [tilespmem:s9+$0x0];
	_ =	sdelay $0x1  }
0x1b0: {  	v6 =	vmul.bf16 v6, v3  }
0x1b1: {  	v7 =	vmul.bf16 v7, v4;
	_ =	sdelay $0x1  }
0x1b2: {  	v6 =	vadd.bf16 v6, v7;
	v7 =	vmul.bf16 v8, v5;
	_ =	sdelay $0x1  }
0x1b3: {  	s13 =	sand.u32 $0x380, s0;
	s12 =	sand.u32 $0x800, s10;
	v6 =	vadd.bf16 v7, v6  }
0x1b4: {  	s13 =	sor.u32 s13, s12;
	s12 =	sor.u32 s12, s0  }
0x1b5: {  	[tilespmem:s13+$0xD600] =	vst v6  }
0x1b6: {  	v6 =	vld [tilespmem:s1+$0x9610]  }
0x1b7: {  	v7 =	vld [tilespmem:s4+$0x9610];
	_ =	sdelay $0x1  }
0x1b8: {  	v8 =	vld [tilespmem:s5+$0x9610];
	_ =	sdelay $0x1  }
0x1b9: {  	v6 =	vmul.bf16 v6, v4  }
0x1ba: {  	v7 =	vmul.bf16 v7, v3;
	_ =	sdelay $0x1  }
0x1bb: {  	v6 =	vadd.bf16 v7, v6;
	v7 =	vmul.bf16 v8, v5;
	_ =	sdelay $0x1  }
0x1bc: {  	v6 =	vadd.bf16 v7, v6;
	_ =	sdelay $0x1  }
0x1bd: {  	[tilespmem:s13+$0xD610] =	vst v6  }
0x1be: {  	v6 =	vld [tilespmem:s1+$0x9620]  }
0x1bf: {  	v7 =	vld [tilespmem:s4+$0x9620];
	_ =	sdelay $0x1  }
0x1c0: {  	v8 =	vld [tilespmem:s5+$0x9620];
	_ =	sdelay $0x1  }
0x1c1: {  	v6 =	vmul.bf16 v6, v4  }
0x1c2: {  	v7 =	vmul.bf16 v7, v3;
	_ =	sdelay $0x1  }
0x1c3: {  	v6 =	vadd.bf16 v7, v6;
	v7 =	vmul.bf16 v8, v5;
	_ =	sdelay $0x1  }
0x1c4: {  	v6 =	vadd.bf16 v7, v6;
	_ =	sdelay $0x1  }
0x1c5: {  	[tilespmem:s13+$0xD620] =	vst v6  }
0x1c6: {  	v6 =	vld [tilespmem:s1+$0x9630]  }
0x1c7: {  	v7 =	vld [tilespmem:s4+$0x9630];
	_ =	sdelay $0x1  }
0x1c8: {  	v8 =	vld [tilespmem:s5+$0x9630];
	_ =	sdelay $0x1  }
0x1c9: {  	v6 =	vmul.bf16 v6, v4  }
0x1ca: {  	v7 =	vmul.bf16 v7, v3;
	_ =	sdelay $0x1  }
0x1cb: {  	v6 =	vadd.bf16 v7, v6;
	v7 =	vmul.bf16 v8, v5;
	_ =	sdelay $0x1  }
0x1cc: {  	v6 =	vadd.bf16 v7, v6;
	_ =	sdelay $0x1  }
0x1cd: {  	[tilespmem:s13+$0xD630] =	vst v6  }
0x1ce: {  	v6 =	vld [tilespmem:s1+$0x9640]  }
0x1cf: {  	v7 =	vld [tilespmem:s4+$0x9640]  }
0x1d0: {  	v8 =	vld [tilespmem:s5+$0x9640];
	_ =	sdelay $0x2  }
0x1d1: {  	v6 =	vmul.bf16 v6, v4  }
0x1d2: {  	v7 =	vmul.bf16 v7, v3;
	_ =	sdelay $0x1  }
0x1d3: {  	v6 =	vadd.bf16 v7, v6;
	v7 =	vmul.bf16 v8, v5;
	_ =	sdelay $0x1  }
0x1d4: {  	v6 =	vadd.bf16 v7, v6;
	_ =	sdelay $0x1  }
0x1d5: {  	[tilespmem:s13+$0xD640] =	vst v6  }
0x1d6: {  	v6 =	vld [tilespmem:s1+$0x9650]  }
0x1d7: {  	v7 =	vld [tilespmem:s4+$0x9650]  }
0x1d8: {  	v8 =	vld [tilespmem:s5+$0x9650];
	_ =	sdelay $0x2  }
0x1d9: {  	v6 =	vmul.bf16 v6, v4  }
0x1da: {  	v7 =	vmul.bf16 v7, v3;
	_ =	sdelay $0x1  }
0x1db: {  	v6 =	vadd.bf16 v7, v6;
	v7 =	vmul.bf16 v8, v5;
	_ =	sdelay $0x1  }
0x1dc: {  	v6 =	vadd.bf16 v7, v6;
	_ =	sdelay $0x1  }
0x1dd: {  	[tilespmem:s13+$0xD650] =	vst v6  }
0x1de: {  	v6 =	vld [tilespmem:s1+$0x9660]  }
0x1df: {  	v7 =	vld [tilespmem:s4+$0x9660]  }
0x1e0: {  	v8 =	vld [tilespmem:s5+$0x9660];
	_ =	sdelay $0x2  }
0x1e1: {  	v6 =	vmul.bf16 v6, v4  }
0x1e2: {  	v7 =	vmul.bf16 v7, v3;
	_ =	sdelay $0x1  }
0x1e3: {  	v6 =	vadd.bf16 v7, v6;
	v7 =	vmul.bf16 v8, v5;
	_ =	sdelay $0x1  }
0x1e4: {  	v6 =	vadd.bf16 v7, v6;
	_ =	sdelay $0x1  }
0x1e5: {  	[tilespmem:s13+$0xD660] =	vst v6  }
0x1e6: {  	v6 =	vld [tilespmem:s1+$0x9670]  }
0x1e7: {  	v7 =	vld [tilespmem:s4+$0x9670]  }
0x1e8: {  	v8 =	vld [tilespmem:s5+$0x9670];
	_ =	sdelay $0x2  }
0x1e9: {  	v6 =	vmul.bf16 v6, v4  }
0x1ea: {  	v7 =	vmul.bf16 v7, v3;
	_ =	sdelay $0x1  }
0x1eb: {  	v6 =	vadd.bf16 v7, v6;
	v7 =	vmul.bf16 v8, v5;
	_ =	sdelay $0x1  }
0x1ec: {  	v6 =	vadd.bf16 v7, v6;
	_ =	sdelay $0x1  }
0x1ed: {  	[tilespmem:s13+$0xD670] =	vst v6  }
0x1ee: {  	v6 =	vld [tilespmem:s1+$0x9A00]  }
0x1ef: {  	v7 =	vld [tilespmem:s4+$0x9A00]  }
0x1f0: {  	v8 =	vld [tilespmem:s5+$0x9A00];
	_ =	sdelay $0x2  }
0x1f1: {  	v6 =	vmul.bf16 v6, v4  }
0x1f2: {  	v7 =	vmul.bf16 v7, v3;
	_ =	sdelay $0x1  }
0x1f3: {  	v6 =	vadd.bf16 v7, v6;
	v7 =	vmul.bf16 v8, v5;
	_ =	sdelay $0x1  }
0x1f4: {  	v6 =	vadd.bf16 v7, v6  }
0x1f5: {  	s12 =	sor.u32 $0x1400, s12  }
0x1f6: {  	[tilespmem:s12+$0xC600] =	vst v6  }
0x1f7: {  	v6 =	vld [tilespmem:s1+$0x9A10]  }
0x1f8: {  	v7 =	vld [tilespmem:s4+$0x9A10]  }
0x1f9: {  	v8 =	vld [tilespmem:s5+$0x9A10];
	_ =	sdelay $0x2  }
0x1fa: {  	v6 =	vmul.bf16 v6, v4  }
0x1fb: {  	v7 =	vmul.bf16 v7, v3;
	_ =	sdelay $0x1  }
0x1fc: {  	v6 =	vadd.bf16 v7, v6;
	v7 =	vmul.bf16 v8, v5;
	_ =	sdelay $0x1  }
.Ltmp1:
0x1fd: {  	v6 =	vadd.bf16 v7, v6;
	(pc) =	sbr.rel @p0 .LBB2_4-.Ltmp1, $4  }
0x1fe: {  	_ = 	snop  }
0x1ff: {  	[tilespmem:s12+$0xC610] =	vst v6  }
0x200: {  	v6 =	vld [tilespmem:s1+$0x9A20]  }
0x201: {  	s8 =	sadd.s32 $0x30, s8;
	s9 =	sadd.s32 $0x30, s9;
	v7 =	vld [tilespmem:s4+$0x9A20]  }
0x202: {  	_ = 	snop  }
0x203: {  	v8 =	vld [tilespmem:s5+$0x9A20];
	_ =	sdelay $0x2  }
0x204: {  	v6 =	vmul.bf16 v6, v4;
	v7 =	vmul.bf16 v7, v3;
	_ =	sdelay $0x1  }
0x205: {  	v56 =	vmul.bf16 v8, v5;
	v6 =	vadd.bf16 v7, v6;
	_ =	sdelay $0x1  }
0x206: {  	v6 =	vadd.bf16 v56, v6;
	_ =	sdelay $0x1  }
0x207: {  	[tilespmem:s12+$0xC620] =	vst v6  }
0x208: {  	v6 =	vld [tilespmem:s1+$0x9A30]  }
0x209: {  	v57 =	vld [tilespmem:s4+$0x9A30];
	_ =	sdelay $0x1  }
0x20a: {  	v58 =	vld [tilespmem:s5+$0x9A30];
	_ =	sdelay $0x2  }
0x20b: {  	v59 =	vmul.bf16 v6, v4;
	v3 =	vmul.bf16 v57, v3;
	_ =	sdelay $0x1  }
0x20c: {  	v60 =	vmul.bf16 v58, v5;
	v3 =	vadd.bf16 v3, v59;
	_ =	sdelay $0x1  }
0x20d: {  	v3 =	vadd.bf16 v60, v3;
	_ =	sdelay $0x1  }
0x20e: {  	s0 =	rddreg [dreg:$0x5];
	[tilespmem:s12+$0xC630] =	vst v3  }
0x20f: {  	[hbm4b:s0+s3] =	stream.linear.scatter [tilespmem:s29], [sflag:$0x4], $0x1000, $0x38;
	[tilespmem:$0xE600] =	vst v63  }
0x210: {  	v3 =	vld [tilespmem:$0x90];
	_ =	sdelay $0x4  }
0x211: {  	v61 =	vshll.u32 v3, $0x1  }
0x212: {  	v3 =	vand.u32 $0x7, v3;
	v4 =	vand.u32 $0xFFFFFFF0, v61  }
0x213: {  	v3 =	vor.u32 v3, v4  }
0x214: {  	v4 =	vperm.xlane v3, v0;
	_ =	sdelay $0x1  }
0x215: {  	v3 =	vperm.xlane v3, v2;
	v4 =	vadd.s32 v1, v4;
	_ =	sdelay $0x1  }
0x216: {  	v3 =	vadd.s32 v1, v3;
	_ =	sdelay $0x1  }
0x217: {  	s19 =	simm.s32 $0x9600  }
0x218: {  	[tilespmem:s19], [sflag:$0x2] =	stream.indirect_vreg.gather [hbm4b:s2+s3], $0x80, v4, vm0, $0xb8;
	[tilespmem:$0xE600] =	vst v63  }
0x219: {  	s20 =	simm.s32 $0x9E00  }
0x21a: {  	[tilespmem:s20], [sflag:$0x2] =	stream.indirect_vreg.gather [hbm4b:s2+s3], $0x80, v3, vm0, $0xb8;
	[tilespmem:$0xE600] =	vst v63  }
0x21b: {  	v3 =	vld [tilespmem:$0xA0];
	_ =	sdelay $0x4  }
0x21c: {  	v62 =	vshll.u32 v3, $0x1  }
0x21d: {  	v3 =	vand.u32 $0x7, v3;
	v4 =	vand.u32 $0xFFFFFFF0, v62  }
0x21e: {  	v3 =	vor.u32 v3, v4  }
0x21f: {  	v4 =	vperm.xlane v3, v0;
	_ =	sdelay $0x1  }
0x220: {  	v3 =	vperm.xlane v3, v2;
	v4 =	vadd.s32 v1, v4;
	_ =	sdelay $0x1  }
0x221: {  	v3 =	vadd.s32 v1, v3;
	_ =	sdelay $0x1  }
0x222: {  	s21 =	simm.s32 $0xA600  }
0x223: {  	[tilespmem:s21], [sflag:$0x2] =	stream.indirect_vreg.gather [hbm4b:s2+s3], $0x80, v4, vm0, $0xb8;
	[tilespmem:$0xE600] =	vst v63  }
0x224: {  	s22 =	simm.s32 $0xAE00  }
0x225: {  	[tilespmem:s22], [sflag:$0x2] =	stream.indirect_vreg.gather [hbm4b:s2+s3], $0x80, v3, vm0, $0xb8;
	[tilespmem:$0xE600] =	vst v63  }
0x226: {  	v3 =	vld [tilespmem:$0xB0];
	_ =	sdelay $0x4  }
0x227: {  	v63 =	vshll.u32 v3, $0x1  }
0x228: {  	v3 =	vand.u32 $0x7, v3;
	v4 =	vand.u32 $0xFFFFFFF0, v63  }
0x229: {  	v3 =	vor.u32 v3, v4  }
0x22a: {  	v4 =	vperm.xlane v3, v0;
	_ =	sdelay $0x1  }
0x22b: {  	v3 =	vperm.xlane v3, v2;
	v4 =	vadd.s32 v1, v4;
	_ =	sdelay $0x1  }
0x22c: {  	v3 =	vadd.s32 v1, v3;
	_ =	sdelay $0x1  }
0x22d: {  	s23 =	simm.s32 $0xB600;
	s7 =	simm.s32 $0xF20;
	s4 =	simm.s32 $0xC20  }
0x22e: {  	[tilespmem:s23], [sflag:$0x2] =	stream.indirect_vreg.gather [hbm4b:s2+s3], $0x80, v4, vm0, $0xb8;
	[tilespmem:$0xE600] =	vst v63  }
0x22f: {  	s5 =	simm.s32 $0x900;
	s12 =	simm.s32 $0x600;
	s0 =	simm.s32 $0x1  }
0x230: {  	[tilespmem:s24], [sflag:$0x2] =	stream.indirect_vreg.gather [hbm4b:s2+s3], $0x80, v3, vm0, $0xb8;
	[tilespmem:$0xE600] =	vst v63  }
.LBB2_6:
0x231: {  	_ =	swait.ge [sflag:s25], $0x3000  }
0x232: {  	[sflag:s25] =	ssyncset.done $0x0  }
0x233: {  	[sflag:s25] =	ssyncadd.s32 $0xFFFFD000  }
0x234: {  	s9 =	simm.s32 $0x0;
	s10 =	simm.s32 $0x100;
	_ =	swait.ge [sflag:s30], $0x1000  }
0x235: {  	s1 =	sand.u32 $0x3800, s9;
	s8 =	sand.u32 $0x380, s9;
	[sflag:s30] =	ssyncset.done $0x0  }
0x236: {  	s13 =	simm.s32 $0x80;
	s11 =	sor.u32 s8, s1;
	[sflag:s30] =	ssyncadd.s32 $0xFFFFF000  }
0x237: {  	s16 =	sadd.s32 $0x0, s12;
	s17 =	sand.u32 $0x7800, s10;
	s18 =	sand.u32 $0x380, s13;
	v6 =	vld [tilespmem:s11+$0x6600]  }
0x238: {  	s19 =	sand.u32 $0x70, s9;
	s1 =	sand.u32 $0xFF80, s16;
	s8 =	sor.u32 s18, s17;
	v3 =	vld [tilespmem:s4+$0xFFFFFFF0]  }
0x239: {  	s20 =	simm.s32 $0x200;
	s14 =	simm.s32 $0x100;
	s1 =	sor.u32 s19, s1;
	v7 =	vld [tilespmem:s8+$0x6600]  }
0x23a: {  	s21 =	sand.u32 $0x380, s14;
	s10 =	sand.u32 $0x7800, s20;
	v5 =	vld [tilespmem:s1+$0x600]  }
0x23b: {  	s10 =	sor.u32 s21, s10;
	v4 =	vld [tilespmem:s4+$0x0]  }
0x23c: {  	v8 =	vld [tilespmem:s10+$0x6600];
	_ =	sdelay $0x2  }
0x23d: {  	v6 =	vmul.bf16 v6, v5;
	v7 =	vmul.bf16 v7, v3;
	_ =	sdelay $0x1  }
0x23e: {  	v6 =	vadd.bf16 v7, v6;
	v7 =	vmul.bf16 v8, v4;
	_ =	sdelay $0x1  }
0x23f: {  	s22 =	sand.u32 $0x800, s9;
	s23 =	sand.u32 $0x380, s9;
	v6 =	vadd.bf16 v7, v6  }
0x240: {  	s1 =	sor.u32 s23, s22  }
0x241: {  	[tilespmem:s1+$0xC600] =	vst v6  }
0x242: {  	v6 =	vld [tilespmem:s11+$0x6610]  }
0x243: {  	v7 =	vld [tilespmem:s8+$0x6610];
	_ =	sdelay $0x1  }
0x244: {  	v8 =	vld [tilespmem:s10+$0x6610];
	_ =	sdelay $0x2  }
0x245: {  	v6 =	vmul.bf16 v6, v5;
	v7 =	vmul.bf16 v7, v3;
	_ =	sdelay $0x1  }
0x246: {  	v8 =	vmul.bf16 v8, v4;
	v6 =	vadd.bf16 v7, v6;
	_ =	sdelay $0x1  }
0x247: {  	v6 =	vadd.bf16 v8, v6;
	_ =	sdelay $0x1  }
0x248: {  	[tilespmem:s1+$0xC610] =	vst v6  }
0x249: {  	v6 =	vld [tilespmem:s11+$0x6620]  }
0x24a: {  	v7 =	vld [tilespmem:s8+$0x6620];
	_ =	sdelay $0x1  }
0x24b: {  	v8 =	vld [tilespmem:s10+$0x6620];
	_ =	sdelay $0x2  }
0x24c: {  	v6 =	vmul.bf16 v6, v5;
	v7 =	vmul.bf16 v7, v3;
	_ =	sdelay $0x1  }
0x24d: {  	v8 =	vmul.bf16 v8, v4;
	v6 =	vadd.bf16 v7, v6;
	_ =	sdelay $0x1  }
0x24e: {  	v6 =	vadd.bf16 v8, v6;
	_ =	sdelay $0x1  }
0x24f: {  	[tilespmem:s1+$0xC620] =	vst v6  }
0x250: {  	v6 =	vld [tilespmem:s11+$0x6630]  }
0x251: {  	v7 =	vld [tilespmem:s8+$0x6630];
	_ =	sdelay $0x1  }
0x252: {  	v8 =	vld [tilespmem:s10+$0x6630];
	_ =	sdelay $0x2  }
0x253: {  	v6 =	vmul.bf16 v6, v5;
	v7 =	vmul.bf16 v7, v3;
	_ =	sdelay $0x1  }
0x254: {  	v6 =	vadd.bf16 v7, v6;
	v7 =	vmul.bf16 v8, v4;
	_ =	sdelay $0x1  }
0x255: {  	v6 =	vadd.bf16 v7, v6;
	_ =	sdelay $0x1  }
0x256: {  	[tilespmem:s1+$0xC630] =	vst v6  }
0x257: {  	v6 =	vld [tilespmem:s11+$0x6640]  }
0x258: {  	v7 =	vld [tilespmem:s8+$0x6640];
	_ =	sdelay $0x1  }
0x259: {  	v8 =	vld [tilespmem:s10+$0x6640];
	_ =	sdelay $0x2  }
0x25a: {  	v6 =	vmul.bf16 v6, v5;
	v7 =	vmul.bf16 v7, v3;
	_ =	sdelay $0x1  }
0x25b: {  	v8 =	vmul.bf16 v8, v4;
	v6 =	vadd.bf16 v7, v6;
	_ =	sdelay $0x1  }
0x25c: {  	v6 =	vadd.bf16 v8, v6;
	_ =	sdelay $0x1  }
0x25d: {  	[tilespmem:s1+$0xC640] =	vst v6  }
0x25e: {  	v6 =	vld [tilespmem:s11+$0x6650]  }
0x25f: {  	v7 =	vld [tilespmem:s8+$0x6650];
	_ =	sdelay $0x1  }
0x260: {  	v8 =	vld [tilespmem:s10+$0x6650];
	_ =	sdelay $0x2  }
0x261: {  	v6 =	vmul.bf16 v6, v5;
	v7 =	vmul.bf16 v7, v3;
	_ =	sdelay $0x1  }
0x262: {  	v6 =	vadd.bf16 v7, v6;
	v7 =	vmul.bf16 v8, v4;
	_ =	sdelay $0x1  }
0x263: {  	v6 =	vadd.bf16 v7, v6;
	_ =	sdelay $0x1  }
0x264: {  	[tilespmem:s1+$0xC650] =	vst v6  }
0x265: {  	v6 =	vld [tilespmem:s11+$0x6660]  }
0x266: {  	v7 =	vld [tilespmem:s8+$0x6660];
	_ =	sdelay $0x1  }
0x267: {  	v8 =	vld [tilespmem:s10+$0x6660];
	_ =	sdelay $0x2  }
0x268: {  	v6 =	vmul.bf16 v6, v5;
	v7 =	vmul.bf16 v7, v3;
	_ =	sdelay $0x1  }
0x269: {  	v6 =	vadd.bf16 v7, v6;
	v7 =	vmul.bf16 v8, v4;
	_ =	sdelay $0x1  }
0x26a: {  	v6 =	vadd.bf16 v7, v6;
	_ =	sdelay $0x1  }
0x26b: {  	[tilespmem:s1+$0xC660] =	vst v6  }
0x26c: {  	v6 =	vld [tilespmem:s11+$0x6670]  }
0x26d: {  	v7 =	vld [tilespmem:s8+$0x6670];
	_ =	sdelay $0x1  }
0x26e: {  	v8 =	vld [tilespmem:s10+$0x6670];
	_ =	sdelay $0x2  }
0x26f: {  	v6 =	vmul.bf16 v6, v5;
	v7 =	vmul.bf16 v7, v3;
	_ =	sdelay $0x1  }
0x270: {  	v8 =	vmul.bf16 v8, v4;
	v6 =	vadd.bf16 v7, v6;
	_ =	sdelay $0x1  }
0x271: {  	v6 =	vadd.bf16 v8, v6;
	_ =	sdelay $0x1  }
0x272: {  	[tilespmem:s1+$0xC670] =	vst v6  }
0x273: {  	v6 =	vld [tilespmem:s11+$0x6A00]  }
0x274: {  	v7 =	vld [tilespmem:s8+$0x6A00];
	_ =	sdelay $0x1  }
0x275: {  	v8 =	vld [tilespmem:s10+$0x6A00];
	_ =	sdelay $0x2  }
0x276: {  	v6 =	vmul.bf16 v6, v5;
	v7 =	vmul.bf16 v7, v3;
	_ =	sdelay $0x1  }
0x277: {  	v8 =	vmul.bf16 v8, v4;
	v6 =	vadd.bf16 v7, v6;
	_ =	sdelay $0x1  }
0x278: {  	v6 =	vadd.bf16 v8, v6;
	_ =	sdelay $0x1  }
0x279: {  	[tilespmem:s1+$0xCA00] =	vst v6  }
0x27a: {  	s15 =	sadd.s32 $0x30, s4;
	s13 =	simm.s32 $0x180;
	v6 =	vld [tilespmem:s11+$0x6A10]  }
0x27b: {  	s14 =	simm.s32 $0x30;
	s16 =	simm.s32 $0x0;
	s17 =	simm.s32 $0x0;
	v7 =	vld [tilespmem:s8+$0x6A10]  }
.LBB2_7:
0x27c: {  	v8 =	vld [tilespmem:s10+$0x6A10];
	s9 =	sadd.s32 $0x80, s9;
	s16 =	sadd.s32 $0x100, s16;
	s17 =	sadd.s32 $0x300, s17  }
0x27d: {  	p0 =	sne.s32 s13, $0x1680;
	s18 =	smov.u32 s13;
	s13 =	sadd.s32 $0x180, s13  }
0x27e: {  	_ = 	snop  }
0x27f: {  	v6 =	vmul.bf16 v6, v5  }
0x280: {  	v7 =	vmul.bf16 v7, v3  }
0x281: {  	v8 =	vmul.bf16 v8, v4  }
0x282: {  	v6 =	vadd.bf16 v7, v6;
	_ =	sdelay $0x1  }
0x283: {  	v6 =	vadd.bf16 v8, v6;
	_ =	sdelay $0x1  }
0x284: {  	s19 =	sadd.s32 s14, s12;
	s20 =	sadd.s32 $0x200, s17;
	s21 =	sadd.s32 $0x100, s18;
	[tilespmem:s1+$0xCA10] =	vst v6  }
0x285: {  	s22 =	sand.u32 $0x70, s14;
	s19 =	sand.u32 $0xFF80, s19;
	s21 =	sand.u32 $0x380, s21;
	v6 =	vld [tilespmem:s11+$0x6A20]  }
0x286: {  	s23 =	sadd.s32 $0x80, s18;
	s19 =	sor.u32 s22, s19;
	s22 =	sadd.s32 $0x100, s17;
	v7 =	vld [tilespmem:s8+$0x6A20]  }
0x287: {  	s23 =	sand.u32 $0x380, s23;
	s20 =	sand.u32 $0x7800, s20;
	s22 =	sand.u32 $0x7800, s22;
	v8 =	vld [tilespmem:s10+$0x6A20]  }
0x288: {  	s20 =	sor.u32 s21, s20;
	s22 =	sor.u32 s23, s22;
	_ =	sdelay $0x1  }
0x289: {  	v6 =	vmul.bf16 v6, v5  }
0x28a: {  	v7 =	vmul.bf16 v7, v3  }
0x28b: {  	v8 =	vmul.bf16 v8, v4  }
0x28c: {  	v6 =	vadd.bf16 v7, v6;
	_ =	sdelay $0x1  }
0x28d: {  	v6 =	vadd.bf16 v8, v6;
	_ =	sdelay $0x1  }
0x28e: {  	[tilespmem:s1+$0xCA20] =	vst v6  }
0x28f: {  	v6 =	vld [tilespmem:s11+$0x6A30]  }
0x290: {  	v7 =	vld [tilespmem:s8+$0x6A30];
	s8 =	smov.u32 s22  }
0x291: {  	v8 =	vld [tilespmem:s10+$0x6A30];
	s10 =	smov.u32 s20;
	_ =	sdelay $0x2  }
0x292: {  	v5 =	vmul.bf16 v6, v5  }
0x293: {  	v3 =	vmul.bf16 v7, v3  }
0x294: {  	v4 =	vmul.bf16 v8, v4  }
0x295: {  	v3 =	vadd.bf16 v3, v5;
	_ =	sdelay $0x1  }
0x296: {  	v3 =	vadd.bf16 v4, v3  }
0x297: {  	s18 =	sand.u32 $0x380, s18;
	s11 =	sand.u32 $0x3800, s17  }
0x298: {  	s11 =	sor.u32 s18, s11;
	[tilespmem:s1+$0xCA30] =	vst v3  }
0x299: {  	v6 =	vld [tilespmem:s11+$0x6600]  }
0x29a: {  	v3 =	vld [tilespmem:s15+$0xFFFFFFF0]  }
0x29b: {  	v7 =	vld [tilespmem:s8+$0x6600]  }
0x29c: {  	v5 =	vld [tilespmem:s19+$0x600]  }
0x29d: {  	v4 =	vld [tilespmem:s15+$0x0]  }
0x29e: {  	v8 =	vld [tilespmem:s10+$0x6600];
	_ =	sdelay $0x2  }
0x29f: {  	v7 =	vmul.bf16 v7, v3;
	v6 =	vmul.bf16 v6, v5;
	_ =	sdelay $0x1  }
0x2a0: {  	v6 =	vadd.bf16 v7, v6;
	v7 =	vmul.bf16 v8, v4;
	_ =	sdelay $0x1  }
0x2a1: {  	s18 =	sand.u32 $0x380, s9;
	s1 =	sand.u32 $0x800, s16;
	v6 =	vadd.bf16 v7, v6  }
0x2a2: {  	s1 =	sor.u32 s18, s1  }
0x2a3: {  	[tilespmem:s1+$0xC600] =	vst v6  }
0x2a4: {  	v6 =	vld [tilespmem:s11+$0x6610]  }
0x2a5: {  	v7 =	vld [tilespmem:s8+$0x6610]  }
0x2a6: {  	v8 =	vld [tilespmem:s10+$0x6610];
	_ =	sdelay $0x2  }
0x2a7: {  	v6 =	vmul.bf16 v6, v5  }
0x2a8: {  	v7 =	vmul.bf16 v7, v3  }
0x2a9: {  	v8 =	vmul.bf16 v8, v4  }
0x2aa: {  	v6 =	vadd.bf16 v7, v6;
	_ =	sdelay $0x1  }
0x2ab: {  	v6 =	vadd.bf16 v8, v6;
	_ =	sdelay $0x1  }
0x2ac: {  	[tilespmem:s1+$0xC610] =	vst v6  }
0x2ad: {  	v6 =	vld [tilespmem:s11+$0x6620]  }
0x2ae: {  	v7 =	vld [tilespmem:s8+$0x6620]  }
0x2af: {  	v8 =	vld [tilespmem:s10+$0x6620];
	_ =	sdelay $0x2  }
0x2b0: {  	v6 =	vmul.bf16 v6, v5  }
0x2b1: {  	v7 =	vmul.bf16 v7, v3  }
0x2b2: {  	v8 =	vmul.bf16 v8, v4  }
0x2b3: {  	v6 =	vadd.bf16 v7, v6;
	_ =	sdelay $0x1  }
0x2b4: {  	v6 =	vadd.bf16 v8, v6;
	_ =	sdelay $0x1  }
0x2b5: {  	[tilespmem:s1+$0xC620] =	vst v6  }
0x2b6: {  	v6 =	vld [tilespmem:s11+$0x6630]  }
0x2b7: {  	v7 =	vld [tilespmem:s8+$0x6630];
	_ =	sdelay $0x1  }
0x2b8: {  	v8 =	vld [tilespmem:s10+$0x6630];
	_ =	sdelay $0x1  }
0x2b9: {  	v6 =	vmul.bf16 v6, v5  }
0x2ba: {  	v7 =	vmul.bf16 v7, v3;
	_ =	sdelay $0x1  }
0x2bb: {  	v6 =	vadd.bf16 v7, v6;
	v7 =	vmul.bf16 v8, v4;
	_ =	sdelay $0x1  }
0x2bc: {  	v6 =	vadd.bf16 v7, v6;
	_ =	sdelay $0x1  }
0x2bd: {  	[tilespmem:s1+$0xC630] =	vst v6  }
0x2be: {  	v6 =	vld [tilespmem:s11+$0x6640]  }
0x2bf: {  	v7 =	vld [tilespmem:s8+$0x6640]  }
0x2c0: {  	v8 =	vld [tilespmem:s10+$0x6640];
	_ =	sdelay $0x2  }
0x2c1: {  	v6 =	vmul.bf16 v6, v5  }
0x2c2: {  	v7 =	vmul.bf16 v7, v3  }
0x2c3: {  	v8 =	vmul.bf16 v8, v4  }
0x2c4: {  	v6 =	vadd.bf16 v7, v6;
	_ =	sdelay $0x1  }
0x2c5: {  	v6 =	vadd.bf16 v8, v6;
	_ =	sdelay $0x1  }
0x2c6: {  	[tilespmem:s1+$0xC640] =	vst v6  }
0x2c7: {  	v6 =	vld [tilespmem:s11+$0x6650]  }
0x2c8: {  	v7 =	vld [tilespmem:s8+$0x6650]  }
0x2c9: {  	v8 =	vld [tilespmem:s10+$0x6650];
	_ =	sdelay $0x2  }
0x2ca: {  	v6 =	vmul.bf16 v6, v5  }
0x2cb: {  	v7 =	vmul.bf16 v7, v3;
	_ =	sdelay $0x1  }
0x2cc: {  	v6 =	vadd.bf16 v7, v6;
	v7 =	vmul.bf16 v8, v4;
	_ =	sdelay $0x1  }
0x2cd: {  	v6 =	vadd.bf16 v7, v6;
	_ =	sdelay $0x1  }
0x2ce: {  	[tilespmem:s1+$0xC650] =	vst v6  }
0x2cf: {  	v6 =	vld [tilespmem:s11+$0x6660]  }
0x2d0: {  	v7 =	vld [tilespmem:s8+$0x6660]  }
0x2d1: {  	v8 =	vld [tilespmem:s10+$0x6660];
	_ =	sdelay $0x2  }
0x2d2: {  	v6 =	vmul.bf16 v6, v5  }
0x2d3: {  	v7 =	vmul.bf16 v7, v3;
	_ =	sdelay $0x1  }
0x2d4: {  	v6 =	vadd.bf16 v7, v6;
	v7 =	vmul.bf16 v8, v4;
	_ =	sdelay $0x1  }
0x2d5: {  	v6 =	vadd.bf16 v7, v6;
	_ =	sdelay $0x1  }
0x2d6: {  	[tilespmem:s1+$0xC660] =	vst v6  }
0x2d7: {  	v6 =	vld [tilespmem:s11+$0x6670]  }
0x2d8: {  	v7 =	vld [tilespmem:s8+$0x6670]  }
0x2d9: {  	v8 =	vld [tilespmem:s10+$0x6670];
	_ =	sdelay $0x2  }
0x2da: {  	v6 =	vmul.bf16 v6, v5  }
0x2db: {  	v7 =	vmul.bf16 v7, v3  }
0x2dc: {  	v8 =	vmul.bf16 v8, v4  }
0x2dd: {  	v6 =	vadd.bf16 v7, v6;
	_ =	sdelay $0x1  }
0x2de: {  	v6 =	vadd.bf16 v8, v6;
	_ =	sdelay $0x1  }
0x2df: {  	[tilespmem:s1+$0xC670] =	vst v6  }
0x2e0: {  	v6 =	vld [tilespmem:s11+$0x6A00]  }
0x2e1: {  	v7 =	vld [tilespmem:s8+$0x6A00]  }
0x2e2: {  	v8 =	vld [tilespmem:s10+$0x6A00];
	_ =	sdelay $0x2  }
0x2e3: {  	v6 =	vmul.bf16 v6, v5  }
0x2e4: {  	v7 =	vmul.bf16 v7, v3  }
0x2e5: {  	v8 =	vmul.bf16 v8, v4  }
0x2e6: {  	v6 =	vadd.bf16 v7, v6;
	_ =	sdelay $0x1  }
.Ltmp2:
0x2e7: {  	v6 =	vadd.bf16 v8, v6;
	(pc) =	sbr.rel @p0 .LBB2_7-.Ltmp2, $4  }
0x2e8: {  	_ = 	snop  }
0x2e9: {  	[tilespmem:s1+$0xCA00] =	vst v6  }
0x2ea: {  	v6 =	vld [tilespmem:s11+$0x6A10]  }
0x2eb: {  	s14 =	sadd.s32 $0x30, s14;
	s15 =	sadd.s32 $0x30, s15;
	v7 =	vld [tilespmem:s8+$0x6A10]  }
0x2ec: {  	_ = 	snop  }
0x2ed: {  	v8 =	vld [tilespmem:s10+$0x6A10];
	_ =	sdelay $0x2  }
0x2ee: {  	v6 =	vmul.bf16 v6, v5;
	v7 =	vmul.bf16 v7, v3;
	_ =	sdelay $0x1  }
0x2ef: {  	v8 =	vmul.bf16 v8, v4;
	v6 =	vadd.bf16 v7, v6;
	_ =	sdelay $0x1  }
0x2f0: {  	v6 =	vadd.bf16 v8, v6;
	_ =	sdelay $0x1  }
0x2f1: {  	[tilespmem:s1+$0xCA10] =	vst v6  }
0x2f2: {  	v6 =	vld [tilespmem:s11+$0x6A20]  }
0x2f3: {  	v7 =	vld [tilespmem:s8+$0x6A20];
	_ =	sdelay $0x1  }
0x2f4: {  	v8 =	vld [tilespmem:s10+$0x6A20];
	_ =	sdelay $0x2  }
0x2f5: {  	v6 =	vmul.bf16 v6, v5;
	v7 =	vmul.bf16 v7, v3;
	_ =	sdelay $0x1  }
0x2f6: {  	v8 =	vmul.bf16 v8, v4;
	v6 =	vadd.bf16 v7, v6;
	_ =	sdelay $0x1  }
0x2f7: {  	v6 =	vadd.bf16 v8, v6;
	_ =	sdelay $0x1  }
0x2f8: {  	[tilespmem:s1+$0xCA20] =	vst v6  }
0x2f9: {  	v6 =	vld [tilespmem:s11+$0x6A30]  }
0x2fa: {  	v7 =	vld [tilespmem:s8+$0x6A30];
	_ =	sdelay $0x1  }
0x2fb: {  	v8 =	vld [tilespmem:s10+$0x6A30];
	_ =	sdelay $0x2  }
0x2fc: {  	v5 =	vmul.bf16 v6, v5;
	v3 =	vmul.bf16 v7, v3;
	_ =	sdelay $0x1  }
0x2fd: {  	v4 =	vmul.bf16 v8, v4;
	v3 =	vadd.bf16 v3, v5;
	_ =	sdelay $0x1  }
0x2fe: {  	s22 =	smul.u32 $0x180, s0;
	v3 =	vadd.bf16 v4, v3  }
0x2ff: {  	s20 =	sshll.u32 s0, $0xA  }
0x300: {  	s9 =	simm.s32 $0x0;
	s21 =	sadd.s32 s20, s6;
	s8 =	sshra.s32 s22, $0x2;
	[tilespmem:s1+$0xCA30] =	vst v3  }
0x301: {  	[hbm4b:s21+s9] =	stream.linear.scatter [tilespmem:s26], [sflag:$0x3], $0x1000, $0x38;
	[tilespmem:$0xE600] =	vst v63  }
0x302: {  	v3 =	vld [tilespmem:s8+$0x60];
	_ =	sdelay $0x4  }
0x303: {  	v4 =	vshll.u32 v3, $0x1  }
0x304: {  	v3 =	vand.u32 $0x7, v3;
	v4 =	vand.u32 $0xFFFFFFF0, v4  }
0x305: {  	v3 =	vor.u32 v3, v4  }
0x306: {  	v4 =	vperm.xlane v3, v0;
	_ =	sdelay $0x1  }
0x307: {  	v3 =	vperm.xlane v3, v2;
	v4 =	vadd.s32 v1, v4;
	_ =	sdelay $0x1  }
0x308: {  	v3 =	vadd.s32 v1, v3;
	_ =	sdelay $0x1  }
0x309: {  	s23 =	simm.s32 $0x6600  }
0x30a: {  	[tilespmem:s23], [sflag:$0x1] =	stream.indirect_vreg.gather [hbm4b:s2+s9], $0x80, v4, vm0, $0xb8;
	[tilespmem:$0xE600] =	vst v63  }
0x30b: {  	s10 =	simm.s32 $0x6E00  }
0x30c: {  	[tilespmem:s10], [sflag:$0x1] =	stream.indirect_vreg.gather [hbm4b:s2+s9], $0x80, v3, vm0, $0xb8;
	[tilespmem:$0xE600] =	vst v63  }
0x30d: {  	v3 =	vld [tilespmem:s8+$0x70];
	_ =	sdelay $0x4  }
0x30e: {  	v4 =	vshll.u32 v3, $0x1  }
0x30f: {  	v3 =	vand.u32 $0x7, v3;
	v4 =	vand.u32 $0xFFFFFFF0, v4  }
0x310: {  	v3 =	vor.u32 v3, v4  }
0x311: {  	v4 =	vperm.xlane v3, v0;
	_ =	sdelay $0x1  }
0x312: {  	v3 =	vperm.xlane v3, v2;
	v4 =	vadd.s32 v1, v4;
	_ =	sdelay $0x1  }
0x313: {  	v3 =	vadd.s32 v1, v3;
	_ =	sdelay $0x1  }
0x314: {  	s11 =	simm.s32 $0x7600  }
0x315: {  	[tilespmem:s11], [sflag:$0x1] =	stream.indirect_vreg.gather [hbm4b:s2+s9], $0x80, v4, vm0, $0xb8;
	[tilespmem:$0xE600] =	vst v63  }
0x316: {  	s13 =	simm.s32 $0x7E00  }
0x317: {  	[tilespmem:s13], [sflag:$0x1] =	stream.indirect_vreg.gather [hbm4b:s2+s9], $0x80, v3, vm0, $0xb8;
	[tilespmem:$0xE600] =	vst v63  }
0x318: {  	v3 =	vld [tilespmem:s8+$0x80];
	_ =	sdelay $0x4  }
0x319: {  	v4 =	vshll.u32 v3, $0x1  }
0x31a: {  	v3 =	vand.u32 $0x7, v3;
	v4 =	vand.u32 $0xFFFFFFF0, v4  }
0x31b: {  	v3 =	vor.u32 v3, v4  }
0x31c: {  	v4 =	vperm.xlane v3, v0;
	_ =	sdelay $0x1  }
0x31d: {  	v3 =	vperm.xlane v3, v2;
	v4 =	vadd.s32 v1, v4;
	_ =	sdelay $0x1  }
0x31e: {  	v3 =	vadd.s32 v1, v3;
	_ =	sdelay $0x1  }
0x31f: {  	s14 =	simm.s32 $0x8600  }
0x320: {  	[tilespmem:s14], [sflag:$0x1] =	stream.indirect_vreg.gather [hbm4b:s2+s9], $0x80, v4, vm0, $0xb8;
	[tilespmem:$0xE600] =	vst v63  }
0x321: {  	s15 =	simm.s32 $0x8E00  }
0x322: {  	[tilespmem:s15], [sflag:$0x1] =	stream.indirect_vreg.gather [hbm4b:s2+s9], $0x80, v3, vm0, $0xb8;
	[tilespmem:$0xE600] =	vst v63  }
0x323: {  	_ =	swait.ge [sflag:s28], $0x3000  }
0x324: {  	[sflag:s28] =	ssyncset.done $0x0  }
0x325: {  	s16 =	sadd.s32 $0x0, s5;
	s18 =	simm.s32 $0x100;
	[sflag:s28] =	ssyncadd.s32 $0xFFFFD000  }
0x326: {  	s17 =	sand.u32 $0x70, s9;
	s1 =	sand.u32 $0xFF80, s16;
	_ =	swait.ge [sflag:s31], $0x1000  }
0x327: {  	s19 =	simm.s32 $0x80;
	s1 =	sor.u32 s17, s1;
	[sflag:s31] =	ssyncset.done $0x0  }
0x328: {  	s10 =	sand.u32 $0x7800, s18;
	s11 =	sand.u32 $0x380, s19;
	[sflag:s31] =	ssyncadd.s32 $0xFFFFF000  }
0x329: {  	s10 =	sor.u32 s11, s10;
	v3 =	vld [tilespmem:s1+$0x600]  }
0x32a: {  	s13 =	sand.u32 $0x3800, s9;
	s14 =	sand.u32 $0x380, s9;
	v7 =	vld [tilespmem:s10+$0x9600]  }
0x32b: {  	s20 =	simm.s32 $0x200;
	s21 =	simm.s32 $0x100;
	s1 =	sor.u32 s14, s13;
	v4 =	vld [tilespmem:s7+$0xFFFFFFF0]  }
0x32c: {  	s11 =	sand.u32 $0x7800, s20;
	s13 =	sand.u32 $0x380, s21;
	v6 =	vld [tilespmem:s1+$0x9600]  }
0x32d: {  	v5 =	vld [tilespmem:s7+$0x0];
	s11 =	sor.u32 s13, s11  }
0x32e: {  	v8 =	vld [tilespmem:s11+$0x9600];
	_ =	sdelay $0x2  }
0x32f: {  	v7 =	vmul.bf16 v7, v4;
	v6 =	vmul.bf16 v6, v3;
	_ =	sdelay $0x1  }
0x330: {  	v6 =	vadd.bf16 v7, v6;
	v7 =	vmul.bf16 v8, v5;
	_ =	sdelay $0x1  }
0x331: {  	s22 =	sand.u32 $0x800, s9;
	s23 =	sand.u32 $0x380, s9;
	v6 =	vadd.bf16 v7, v6  }
0x332: {  	s14 =	sor.u32 s23, s22  }
0x333: {  	[tilespmem:s14+$0xD600] =	vst v6  }
0x334: {  	v6 =	vld [tilespmem:s1+$0x9610]  }
0x335: {  	v7 =	vld [tilespmem:s10+$0x9610];
	_ =	sdelay $0x1  }
0x336: {  	v8 =	vld [tilespmem:s11+$0x9610];
	_ =	sdelay $0x2  }
0x337: {  	v6 =	vmul.bf16 v6, v3;
	v7 =	vmul.bf16 v7, v4;
	_ =	sdelay $0x1  }
0x338: {  	v6 =	vadd.bf16 v7, v6;
	v7 =	vmul.bf16 v8, v5;
	_ =	sdelay $0x1  }
0x339: {  	v6 =	vadd.bf16 v7, v6;
	_ =	sdelay $0x1  }
0x33a: {  	[tilespmem:s14+$0xD610] =	vst v6  }
0x33b: {  	v6 =	vld [tilespmem:s1+$0x9620]  }
0x33c: {  	v7 =	vld [tilespmem:s10+$0x9620];
	_ =	sdelay $0x1  }
0x33d: {  	v8 =	vld [tilespmem:s11+$0x9620];
	_ =	sdelay $0x2  }
0x33e: {  	v6 =	vmul.bf16 v6, v3;
	v7 =	vmul.bf16 v7, v4;
	_ =	sdelay $0x1  }
0x33f: {  	v6 =	vadd.bf16 v7, v6;
	v7 =	vmul.bf16 v8, v5;
	_ =	sdelay $0x1  }
0x340: {  	v6 =	vadd.bf16 v7, v6;
	_ =	sdelay $0x1  }
0x341: {  	[tilespmem:s14+$0xD620] =	vst v6  }
0x342: {  	v6 =	vld [tilespmem:s1+$0x9630]  }
0x343: {  	v7 =	vld [tilespmem:s10+$0x9630];
	_ =	sdelay $0x1  }
0x344: {  	v8 =	vld [tilespmem:s11+$0x9630];
	_ =	sdelay $0x2  }
0x345: {  	v6 =	vmul.bf16 v6, v3;
	v7 =	vmul.bf16 v7, v4;
	_ =	sdelay $0x1  }
0x346: {  	v6 =	vadd.bf16 v7, v6;
	v7 =	vmul.bf16 v8, v5;
	_ =	sdelay $0x1  }
0x347: {  	v6 =	vadd.bf16 v7, v6;
	_ =	sdelay $0x1  }
0x348: {  	[tilespmem:s14+$0xD630] =	vst v6  }
0x349: {  	v6 =	vld [tilespmem:s1+$0x9640]  }
0x34a: {  	v7 =	vld [tilespmem:s10+$0x9640];
	_ =	sdelay $0x1  }
0x34b: {  	v8 =	vld [tilespmem:s11+$0x9640];
	_ =	sdelay $0x2  }
0x34c: {  	v6 =	vmul.bf16 v6, v3;
	v7 =	vmul.bf16 v7, v4;
	_ =	sdelay $0x1  }
0x34d: {  	v6 =	vadd.bf16 v7, v6;
	v7 =	vmul.bf16 v8, v5;
	_ =	sdelay $0x1  }
0x34e: {  	v6 =	vadd.bf16 v7, v6;
	_ =	sdelay $0x1  }
0x34f: {  	[tilespmem:s14+$0xD640] =	vst v6  }
0x350: {  	v6 =	vld [tilespmem:s1+$0x9650]  }
0x351: {  	v7 =	vld [tilespmem:s10+$0x9650];
	_ =	sdelay $0x1  }
0x352: {  	v8 =	vld [tilespmem:s11+$0x9650];
	_ =	sdelay $0x2  }
0x353: {  	v6 =	vmul.bf16 v6, v3;
	v7 =	vmul.bf16 v7, v4;
	_ =	sdelay $0x1  }
0x354: {  	v6 =	vadd.bf16 v7, v6;
	v7 =	vmul.bf16 v8, v5;
	_ =	sdelay $0x1  }
0x355: {  	v6 =	vadd.bf16 v7, v6;
	_ =	sdelay $0x1  }
0x356: {  	[tilespmem:s14+$0xD650] =	vst v6  }
0x357: {  	v6 =	vld [tilespmem:s1+$0x9660]  }
0x358: {  	v7 =	vld [tilespmem:s10+$0x9660];
	_ =	sdelay $0x1  }
0x359: {  	v8 =	vld [tilespmem:s11+$0x9660];
	_ =	sdelay $0x2  }
0x35a: {  	v6 =	vmul.bf16 v6, v3;
	v7 =	vmul.bf16 v7, v4;
	_ =	sdelay $0x1  }
0x35b: {  	v6 =	vadd.bf16 v7, v6;
	v7 =	vmul.bf16 v8, v5;
	_ =	sdelay $0x1  }
0x35c: {  	v6 =	vadd.bf16 v7, v6;
	_ =	sdelay $0x1  }
0x35d: {  	[tilespmem:s14+$0xD660] =	vst v6  }
0x35e: {  	v6 =	vld [tilespmem:s1+$0x9670]  }
0x35f: {  	v7 =	vld [tilespmem:s10+$0x9670];
	_ =	sdelay $0x1  }
0x360: {  	v8 =	vld [tilespmem:s11+$0x9670];
	_ =	sdelay $0x2  }
0x361: {  	v6 =	vmul.bf16 v6, v3;
	v7 =	vmul.bf16 v7, v4;
	_ =	sdelay $0x1  }
0x362: {  	v6 =	vadd.bf16 v7, v6;
	v7 =	vmul.bf16 v8, v5;
	_ =	sdelay $0x1  }
0x363: {  	v6 =	vadd.bf16 v7, v6;
	_ =	sdelay $0x1  }
0x364: {  	[tilespmem:s14+$0xD670] =	vst v6  }
0x365: {  	v6 =	vld [tilespmem:s1+$0x9A00]  }
0x366: {  	v7 =	vld [tilespmem:s10+$0x9A00];
	_ =	sdelay $0x1  }
0x367: {  	v8 =	vld [tilespmem:s11+$0x9A00];
	_ =	sdelay $0x2  }
0x368: {  	v6 =	vmul.bf16 v6, v3;
	v7 =	vmul.bf16 v7, v4;
	_ =	sdelay $0x1  }
0x369: {  	v6 =	vadd.bf16 v7, v6;
	v7 =	vmul.bf16 v8, v5;
	_ =	sdelay $0x1  }
0x36a: {  	s13 =	sor.u32 s22, s9;
	v6 =	vadd.bf16 v7, v6  }
0x36b: {  	s19 =	sor.u32 $0x1400, s13  }
0x36c: {  	[tilespmem:s19+$0xC600] =	vst v6  }
0x36d: {  	v6 =	vld [tilespmem:s1+$0x9A10]  }
0x36e: {  	v7 =	vld [tilespmem:s10+$0x9A10];
	_ =	sdelay $0x1  }
0x36f: {  	v8 =	vld [tilespmem:s11+$0x9A10];
	_ =	sdelay $0x2  }
0x370: {  	v6 =	vmul.bf16 v6, v3;
	v7 =	vmul.bf16 v7, v4;
	_ =	sdelay $0x1  }
0x371: {  	v6 =	vadd.bf16 v7, v6;
	v7 =	vmul.bf16 v8, v5;
	_ =	sdelay $0x1  }
0x372: {  	v6 =	vadd.bf16 v7, v6;
	_ =	sdelay $0x1  }
0x373: {  	[tilespmem:s19+$0xC610] =	vst v6  }
0x374: {  	v7 =	vld [tilespmem:s1+$0x9A20]  }
0x375: {  	v8 =	vld [tilespmem:s10+$0x9A20];
	_ =	sdelay $0x1  }
0x376: {  	s16 =	sadd.s32 $0x30, s7;
	s17 =	simm.s32 $0x0;
	s18 =	simm.s32 $0x0;
	v6 =	vld [tilespmem:s11+$0x9A20]  }
0x377: {  	s15 =	simm.s32 $0x30;
	s13 =	sshllo.u32 s0, $0x1;
	s14 =	simm.s32 $0x180  }
.LBB2_9:
0x378: {  	s9 =	sadd.s32 $0x80, s9;
	s17 =	sadd.s32 $0x100, s17;
	s18 =	sadd.s32 $0x300, s18  }
0x379: {  	p0 =	sne.s32 s14, $0x1680;
	v7 =	vmul.bf16 v7, v3;
	s20 =	smov.u32 s14;
	s14 =	sadd.s32 $0x180, s14;
	v8 =	vmul.bf16 v8, v4  }
0x37a: {  	_ = 	snop  }
0x37b: {  	v6 =	vmul.bf16 v6, v5;
	v7 =	vadd.bf16 v8, v7;
	_ =	sdelay $0x1  }
0x37c: {  	v6 =	vadd.bf16 v6, v7;
	_ =	sdelay $0x1  }
0x37d: {  	[tilespmem:s19+$0xC620] =	vst v6  }
0x37e: {  	v6 =	vld [tilespmem:s1+$0x9A30]  }
0x37f: {  	v7 =	vld [tilespmem:s10+$0x9A30]  }
0x380: {  	s21 =	sadd.s32 $0x100, s20;
	s1 =	sadd.s32 s15, s5;
	s10 =	sadd.s32 $0x200, s18;
	v8 =	vld [tilespmem:s11+$0x9A30]  }
0x381: {  	s21 =	sand.u32 $0x380, s21;
	s1 =	sand.u32 $0xFF80, s1;
	s11 =	sand.u32 $0x70, s15  }
0x382: {  	s22 =	sadd.s32 $0x80, s20;
	s1 =	sor.u32 s11, s1;
	s11 =	sadd.s32 $0x100, s18  }
0x383: {  	s22 =	sand.u32 $0x380, s22;
	s23 =	sand.u32 $0x7800, s10;
	s11 =	sand.u32 $0x7800, s11;
	v3 =	vmul.bf16 v6, v3  }
0x384: {  	s10 =	sor.u32 s22, s11;
	s11 =	sor.u32 s21, s23;
	v4 =	vmul.bf16 v7, v4  }
0x385: {  	v5 =	vmul.bf16 v8, v5  }
0x386: {  	v3 =	vadd.bf16 v4, v3;
	_ =	sdelay $0x1  }
0x387: {  	v3 =	vadd.bf16 v5, v3;
	_ =	sdelay $0x1  }
0x388: {  	s20 =	sand.u32 $0x380, s20;
	s21 =	sand.u32 $0x3800, s18;
	[tilespmem:s19+$0xC630] =	vst v3  }
0x389: {  	v3 =	vld [tilespmem:s1+$0x600];
	s1 =	sor.u32 s20, s21  }
0x38a: {  	v6 =	vld [tilespmem:s1+$0x9600]  }
0x38b: {  	v7 =	vld [tilespmem:s10+$0x9600]  }
0x38c: {  	v4 =	vld [tilespmem:s16+$0xFFFFFFF0]  }
0x38d: {  	v5 =	vld [tilespmem:s16+$0x0]  }
0x38e: {  	v8 =	vld [tilespmem:s11+$0x9600];
	_ =	sdelay $0x1  }
0x38f: {  	v6 =	vmul.bf16 v6, v3  }
0x390: {  	v7 =	vmul.bf16 v7, v4;
	_ =	sdelay $0x1  }
0x391: {  	v6 =	vadd.bf16 v7, v6;
	v7 =	vmul.bf16 v8, v5;
	_ =	sdelay $0x1  }
0x392: {  	s19 =	sand.u32 $0x800, s17;
	s20 =	sand.u32 $0x380, s9;
	v6 =	vadd.bf16 v7, v6  }
0x393: {  	s20 =	sor.u32 s20, s19;
	s19 =	sor.u32 s19, s9  }
0x394: {  	[tilespmem:s20+$0xD600] =	vst v6  }
0x395: {  	v6 =	vld [tilespmem:s1+$0x9610]  }
0x396: {  	v7 =	vld [tilespmem:s10+$0x9610]  }
0x397: {  	v8 =	vld [tilespmem:s11+$0x9610];
	_ =	sdelay $0x2  }
0x398: {  	v6 =	vmul.bf16 v6, v3  }
0x399: {  	v7 =	vmul.bf16 v7, v4;
	_ =	sdelay $0x1  }
0x39a: {  	v6 =	vadd.bf16 v7, v6;
	v7 =	vmul.bf16 v8, v5;
	_ =	sdelay $0x1  }
0x39b: {  	v6 =	vadd.bf16 v7, v6;
	_ =	sdelay $0x1  }
0x39c: {  	[tilespmem:s20+$0xD610] =	vst v6  }
0x39d: {  	v6 =	vld [tilespmem:s1+$0x9620]  }
0x39e: {  	v7 =	vld [tilespmem:s10+$0x9620];
	_ =	sdelay $0x1  }
0x39f: {  	v8 =	vld [tilespmem:s11+$0x9620];
	_ =	sdelay $0x1  }
0x3a0: {  	v6 =	vmul.bf16 v6, v3  }
0x3a1: {  	v7 =	vmul.bf16 v7, v4;
	_ =	sdelay $0x1  }
0x3a2: {  	v6 =	vadd.bf16 v7, v6;
	v7 =	vmul.bf16 v8, v5;
	_ =	sdelay $0x1  }
0x3a3: {  	v6 =	vadd.bf16 v7, v6;
	_ =	sdelay $0x1  }
0x3a4: {  	[tilespmem:s20+$0xD620] =	vst v6  }
0x3a5: {  	v6 =	vld [tilespmem:s1+$0x9630]  }
0x3a6: {  	v7 =	vld [tilespmem:s10+$0x9630];
	_ =	sdelay $0x1  }
0x3a7: {  	v8 =	vld [tilespmem:s11+$0x9630];
	_ =	sdelay $0x1  }
0x3a8: {  	v6 =	vmul.bf16 v6, v3  }
0x3a9: {  	v7 =	vmul.bf16 v7, v4;
	_ =	sdelay $0x1  }
0x3aa: {  	v6 =	vadd.bf16 v7, v6;
	v7 =	vmul.bf16 v8, v5;
	_ =	sdelay $0x1  }
0x3ab: {  	v6 =	vadd.bf16 v7, v6;
	_ =	sdelay $0x1  }
0x3ac: {  	[tilespmem:s20+$0xD630] =	vst v6  }
0x3ad: {  	v6 =	vld [tilespmem:s1+$0x9640]  }
0x3ae: {  	v7 =	vld [tilespmem:s10+$0x9640];
	_ =	sdelay $0x1  }
0x3af: {  	v8 =	vld [tilespmem:s11+$0x9640];
	_ =	sdelay $0x1  }
0x3b0: {  	v6 =	vmul.bf16 v6, v3  }
0x3b1: {  	v7 =	vmul.bf16 v7, v4;
	_ =	sdelay $0x1  }
0x3b2: {  	v6 =	vadd.bf16 v7, v6;
	v7 =	vmul.bf16 v8, v5;
	_ =	sdelay $0x1  }
0x3b3: {  	v6 =	vadd.bf16 v7, v6;
	_ =	sdelay $0x1  }
0x3b4: {  	[tilespmem:s20+$0xD640] =	vst v6  }
0x3b5: {  	v6 =	vld [tilespmem:s1+$0x9650]  }
0x3b6: {  	v7 =	vld [tilespmem:s10+$0x9650]  }
0x3b7: {  	v8 =	vld [tilespmem:s11+$0x9650];
	_ =	sdelay $0x2  }
0x3b8: {  	v6 =	vmul.bf16 v6, v3  }
0x3b9: {  	v7 =	vmul.bf16 v7, v4;
	_ =	sdelay $0x1  }
0x3ba: {  	v6 =	vadd.bf16 v7, v6;
	v7 =	vmul.bf16 v8, v5;
	_ =	sdelay $0x1  }
0x3bb: {  	v6 =	vadd.bf16 v7, v6;
	_ =	sdelay $0x1  }
0x3bc: {  	[tilespmem:s20+$0xD650] =	vst v6  }
0x3bd: {  	v6 =	vld [tilespmem:s1+$0x9660]  }
0x3be: {  	v7 =	vld [tilespmem:s10+$0x9660]  }
0x3bf: {  	v8 =	vld [tilespmem:s11+$0x9660];
	_ =	sdelay $0x2  }
0x3c0: {  	v6 =	vmul.bf16 v6, v3  }
0x3c1: {  	v7 =	vmul.bf16 v7, v4;
	_ =	sdelay $0x1  }
0x3c2: {  	v6 =	vadd.bf16 v7, v6;
	v7 =	vmul.bf16 v8, v5;
	_ =	sdelay $0x1  }
0x3c3: {  	v6 =	vadd.bf16 v7, v6;
	_ =	sdelay $0x1  }
0x3c4: {  	[tilespmem:s20+$0xD660] =	vst v6  }
0x3c5: {  	v6 =	vld [tilespmem:s1+$0x9670]  }
0x3c6: {  	v7 =	vld [tilespmem:s10+$0x9670]  }
0x3c7: {  	v8 =	vld [tilespmem:s11+$0x9670];
	_ =	sdelay $0x2  }
0x3c8: {  	v6 =	vmul.bf16 v6, v3  }
0x3c9: {  	v7 =	vmul.bf16 v7, v4;
	_ =	sdelay $0x1  }
0x3ca: {  	v6 =	vadd.bf16 v7, v6;
	v7 =	vmul.bf16 v8, v5;
	_ =	sdelay $0x1  }
0x3cb: {  	v6 =	vadd.bf16 v7, v6;
	_ =	sdelay $0x1  }
0x3cc: {  	[tilespmem:s20+$0xD670] =	vst v6  }
0x3cd: {  	v6 =	vld [tilespmem:s1+$0x9A00]  }
0x3ce: {  	v7 =	vld [tilespmem:s10+$0x9A00]  }
0x3cf: {  	v8 =	vld [tilespmem:s11+$0x9A00];
	_ =	sdelay $0x2  }
0x3d0: {  	v6 =	vmul.bf16 v6, v3  }
0x3d1: {  	v7 =	vmul.bf16 v7, v4;
	_ =	sdelay $0x1  }
0x3d2: {  	v6 =	vadd.bf16 v7, v6;
	v7 =	vmul.bf16 v8, v5;
	_ =	sdelay $0x1  }
0x3d3: {  	v6 =	vadd.bf16 v7, v6  }
0x3d4: {  	s19 =	sor.u32 $0x1400, s19  }
0x3d5: {  	[tilespmem:s19+$0xC600] =	vst v6  }
0x3d6: {  	v6 =	vld [tilespmem:s1+$0x9A10]  }
0x3d7: {  	v7 =	vld [tilespmem:s10+$0x9A10]  }
0x3d8: {  	v8 =	vld [tilespmem:s11+$0x9A10];
	_ =	sdelay $0x2  }
0x3d9: {  	v6 =	vmul.bf16 v6, v3  }
0x3da: {  	v7 =	vmul.bf16 v7, v4;
	_ =	sdelay $0x1  }
0x3db: {  	v6 =	vadd.bf16 v7, v6;
	v7 =	vmul.bf16 v8, v5;
	_ =	sdelay $0x1  }
0x3dc: {  	v6 =	vadd.bf16 v7, v6;
	_ =	sdelay $0x1  }
0x3dd: {  	[tilespmem:s19+$0xC610] =	vst v6  }
.Ltmp3:
0x3de: {  	v7 =	vld [tilespmem:s1+$0x9A20];
	(pc) =	sbr.rel @p0 .LBB2_9-.Ltmp3, $3  }
0x3df: {  	v8 =	vld [tilespmem:s10+$0x9A20]  }
0x3e0: {  	v6 =	vld [tilespmem:s11+$0x9A20];
	_ =	sdelay $0x1  }
0x3e1: {  	s15 =	sadd.s32 $0x30, s15;
	s16 =	sadd.s32 $0x30, s16  }
0x3e2: {  	_ = 	snop  }
0x3e3: {  	v7 =	vmul.bf16 v7, v3;
	v8 =	vmul.bf16 v8, v4;
	_ =	sdelay $0x1  }
0x3e4: {  	v6 =	vmul.bf16 v6, v5;
	v7 =	vadd.bf16 v8, v7;
	_ =	sdelay $0x1  }
0x3e5: {  	v6 =	vadd.bf16 v6, v7;
	_ =	sdelay $0x1  }
0x3e6: {  	[tilespmem:s19+$0xC620] =	vst v6  }
0x3e7: {  	v6 =	vld [tilespmem:s1+$0x9A30]  }
0x3e8: {  	v57 =	vld [tilespmem:s10+$0x9A30];
	_ =	sdelay $0x1  }
0x3e9: {  	v58 =	vld [tilespmem:s11+$0x9A30];
	_ =	sdelay $0x2  }
0x3ea: {  	v3 =	vmul.bf16 v6, v3;
	v59 =	vmul.bf16 v57, v4;
	_ =	sdelay $0x1  }
0x3eb: {  	v60 =	vmul.bf16 v58, v5;
	v3 =	vadd.bf16 v59, v3;
	_ =	sdelay $0x1  }
0x3ec: {  	v3 =	vadd.bf16 v60, v3  }
0x3ed: {  	s18 =	sshll.u32 s13, $0x9  }
0x3ee: {  	s1 =	sadd.s32 s18, s6;
	[tilespmem:s19+$0xC630] =	vst v3  }
0x3ef: {  	[hbm4b:s1+s3] =	stream.linear.scatter [tilespmem:s29], [sflag:$0x4], $0x1000, $0x38;
	[tilespmem:$0xE600] =	vst v63  }
0x3f0: {  	v3 =	vld [tilespmem:s8+$0x90];
	_ =	sdelay $0x4  }
0x3f1: {  	v61 =	vshll.u32 v3, $0x1  }
0x3f2: {  	v3 =	vand.u32 $0x7, v3;
	v4 =	vand.u32 $0xFFFFFFF0, v61  }
0x3f3: {  	v3 =	vor.u32 v3, v4  }
0x3f4: {  	v4 =	vperm.xlane v3, v0;
	_ =	sdelay $0x1  }
0x3f5: {  	v3 =	vperm.xlane v3, v2;
	v4 =	vadd.s32 v1, v4;
	_ =	sdelay $0x1  }
0x3f6: {  	v3 =	vadd.s32 v1, v3;
	_ =	sdelay $0x1  }
0x3f7: {  	s19 =	simm.s32 $0x9600  }
0x3f8: {  	[tilespmem:s19], [sflag:$0x2] =	stream.indirect_vreg.gather [hbm4b:s2+s3], $0x80, v4, vm0, $0xb8;
	[tilespmem:$0xE600] =	vst v63  }
0x3f9: {  	s20 =	simm.s32 $0x9E00  }
0x3fa: {  	[tilespmem:s20], [sflag:$0x2] =	stream.indirect_vreg.gather [hbm4b:s2+s3], $0x80, v3, vm0, $0xb8;
	[tilespmem:$0xE600] =	vst v63  }
0x3fb: {  	v3 =	vld [tilespmem:s8+$0xA0];
	_ =	sdelay $0x4  }
0x3fc: {  	v62 =	vshll.u32 v3, $0x1  }
0x3fd: {  	v3 =	vand.u32 $0x7, v3;
	v4 =	vand.u32 $0xFFFFFFF0, v62  }
0x3fe: {  	v3 =	vor.u32 v3, v4  }
0x3ff: {  	v4 =	vperm.xlane v3, v0;
	_ =	sdelay $0x1  }
0x400: {  	v3 =	vperm.xlane v3, v2;
	v4 =	vadd.s32 v1, v4;
	_ =	sdelay $0x1  }
0x401: {  	v3 =	vadd.s32 v1, v3;
	_ =	sdelay $0x1  }
0x402: {  	s21 =	simm.s32 $0xA600  }
0x403: {  	[tilespmem:s21], [sflag:$0x2] =	stream.indirect_vreg.gather [hbm4b:s2+s3], $0x80, v4, vm0, $0xb8;
	[tilespmem:$0xE600] =	vst v63  }
0x404: {  	s22 =	simm.s32 $0xAE00  }
0x405: {  	[tilespmem:s22], [sflag:$0x2] =	stream.indirect_vreg.gather [hbm4b:s2+s3], $0x80, v3, vm0, $0xb8;
	[tilespmem:$0xE600] =	vst v63  }
0x406: {  	v3 =	vld [tilespmem:s8+$0xB0];
	_ =	sdelay $0x4  }
0x407: {  	v63 =	vshll.u32 v3, $0x1  }
0x408: {  	v3 =	vand.u32 $0x7, v3;
	v4 =	vand.u32 $0xFFFFFFF0, v63  }
0x409: {  	v3 =	vor.u32 v3, v4  }
0x40a: {  	v4 =	vperm.xlane v3, v0;
	_ =	sdelay $0x1  }
0x40b: {  	v3 =	vperm.xlane v3, v2;
	v4 =	vadd.s32 v1, v4  }
0x40c: {  	s0 =	sadd.s32 $0x1, s0  }
0x40d: {  	p0 =	sne.s32 s0, $0xF;
	v3 =	vadd.s32 v1, v3  }
.Ltmp4:
0x40e: {  	_ = 	snop;
	(pc) =	sbr.rel @p0 .LBB2_6-.Ltmp4, $4  }
0x40f: {  	s23 =	simm.s32 $0xB600;
	s12 =	sadd.s32 $0x600, s12  }
0x410: {  	[tilespmem:s23], [sflag:$0x2] =	stream.indirect_vreg.gather [hbm4b:s2+s3], $0x80, v4, vm0, $0xb8;
	[tilespmem:$0xE600] =	vst v63  }
0x411: {  	s4 =	sadd.s32 $0x600, s4;
	s5 =	sadd.s32 $0x600, s5;
	s7 =	sadd.s32 $0x600, s7  }
0x412: {  	[tilespmem:s24], [sflag:$0x2] =	stream.indirect_vreg.gather [hbm4b:s2+s3], $0x80, v3, vm0, $0xb8;
	[tilespmem:$0xE600] =	vst v63  }
0x413: {  	_ =	swait.ge [sflag:s25], $0x3000  }
0x414: {  	[sflag:s25] =	ssyncset.done $0x0  }
0x415: {  	[sflag:s25] =	ssyncadd.s32 $0xFFFFD000  }
0x416: {  	s4 =	simm.s32 $0x0;
	s0 =	simm.s32 $0x100;
	_ =	swait.ge [sflag:s30], $0x1000  }
0x417: {  	s1 =	simm.s32 $0x80;
	s0 =	sand.u32 $0x7800, s0;
	[sflag:s30] =	ssyncset.done $0x0  }
0x418: {  	s1 =	sand.u32 $0x380, s1;
	s5 =	sand.u32 $0x3F0, s4;
	[sflag:s30] =	ssyncadd.s32 $0xFFFFF000  }
0x419: {  	s18 =	sand.u32 $0x3800, s4;
	s19 =	sand.u32 $0x380, s4;
	s0 =	sor.u32 s1, s0;
	v3 =	vld [tilespmem:s5+$0x6000]  }
0x41a: {  	s1 =	sor.u32 s19, s18;
	v6 =	vld [tilespmem:s0+$0x6600]  }
0x41b: {  	s7 =	simm.s32 $0x200;
	s8 =	simm.s32 $0x100;
	s9 =	simm.s32 $0x6020;
	v7 =	vld [tilespmem:s1+$0x6600]  }
0x41c: {  	s20 =	sand.u32 $0x7800, s7;
	s21 =	sand.u32 $0x380, s8;
	v4 =	vld [tilespmem:s9+$0xFFFFFFF0]  }
0x41d: {  	s5 =	sor.u32 s21, s20;
	v5 =	vld [tilespmem:s9+$0x0]  }
0x41e: {  	v8 =	vld [tilespmem:s5+$0x6600];
	_ =	sdelay $0x2  }
0x41f: {  	v7 =	vmul.bf16 v7, v3;
	v6 =	vmul.bf16 v6, v4;
	_ =	sdelay $0x1  }
0x420: {  	v6 =	vadd.bf16 v6, v7;
	v7 =	vmul.bf16 v8, v5;
	_ =	sdelay $0x1  }
0x421: {  	s22 =	sand.u32 $0x800, s4;
	s23 =	sand.u32 $0x380, s4;
	v6 =	vadd.bf16 v7, v6  }
0x422: {  	s7 =	sor.u32 s23, s22  }
0x423: {  	[tilespmem:s7+$0xC600] =	vst v6  }
0x424: {  	v6 =	vld [tilespmem:s1+$0x6610]  }
0x425: {  	v7 =	vld [tilespmem:s0+$0x6610];
	_ =	sdelay $0x1  }
0x426: {  	v8 =	vld [tilespmem:s5+$0x6610];
	_ =	sdelay $0x2  }
0x427: {  	v6 =	vmul.bf16 v6, v3;
	v7 =	vmul.bf16 v7, v4;
	_ =	sdelay $0x1  }
0x428: {  	v6 =	vadd.bf16 v7, v6;
	v7 =	vmul.bf16 v8, v5;
	_ =	sdelay $0x1  }
0x429: {  	v6 =	vadd.bf16 v7, v6;
	_ =	sdelay $0x1  }
0x42a: {  	[tilespmem:s7+$0xC610] =	vst v6  }
0x42b: {  	v6 =	vld [tilespmem:s1+$0x6620]  }
0x42c: {  	v7 =	vld [tilespmem:s0+$0x6620];
	_ =	sdelay $0x1  }
0x42d: {  	v8 =	vld [tilespmem:s5+$0x6620];
	_ =	sdelay $0x2  }
0x42e: {  	v6 =	vmul.bf16 v6, v3;
	v7 =	vmul.bf16 v7, v4;
	_ =	sdelay $0x1  }
0x42f: {  	v6 =	vadd.bf16 v7, v6;
	v7 =	vmul.bf16 v8, v5;
	_ =	sdelay $0x1  }
0x430: {  	v6 =	vadd.bf16 v7, v6;
	_ =	sdelay $0x1  }
0x431: {  	[tilespmem:s7+$0xC620] =	vst v6  }
0x432: {  	v6 =	vld [tilespmem:s1+$0x6630]  }
0x433: {  	v7 =	vld [tilespmem:s0+$0x6630];
	_ =	sdelay $0x1  }
0x434: {  	v8 =	vld [tilespmem:s5+$0x6630];
	_ =	sdelay $0x2  }
0x435: {  	v6 =	vmul.bf16 v6, v3;
	v7 =	vmul.bf16 v7, v4;
	_ =	sdelay $0x1  }
0x436: {  	v6 =	vadd.bf16 v7, v6;
	v7 =	vmul.bf16 v8, v5;
	_ =	sdelay $0x1  }
0x437: {  	v6 =	vadd.bf16 v7, v6;
	_ =	sdelay $0x1  }
0x438: {  	[tilespmem:s7+$0xC630] =	vst v6  }
0x439: {  	v6 =	vld [tilespmem:s1+$0x6640]  }
0x43a: {  	v7 =	vld [tilespmem:s0+$0x6640];
	_ =	sdelay $0x1  }
0x43b: {  	v8 =	vld [tilespmem:s5+$0x6640];
	_ =	sdelay $0x2  }
0x43c: {  	v6 =	vmul.bf16 v6, v3;
	v7 =	vmul.bf16 v7, v4;
	_ =	sdelay $0x1  }
0x43d: {  	v6 =	vadd.bf16 v7, v6;
	v7 =	vmul.bf16 v8, v5;
	_ =	sdelay $0x1  }
0x43e: {  	v6 =	vadd.bf16 v7, v6;
	_ =	sdelay $0x1  }
0x43f: {  	[tilespmem:s7+$0xC640] =	vst v6  }
0x440: {  	v6 =	vld [tilespmem:s1+$0x6650]  }
0x441: {  	v7 =	vld [tilespmem:s0+$0x6650];
	_ =	sdelay $0x1  }
0x442: {  	v8 =	vld [tilespmem:s5+$0x6650];
	_ =	sdelay $0x2  }
0x443: {  	v6 =	vmul.bf16 v6, v3;
	v7 =	vmul.bf16 v7, v4;
	_ =	sdelay $0x1  }
0x444: {  	v6 =	vadd.bf16 v7, v6;
	v7 =	vmul.bf16 v8, v5;
	_ =	sdelay $0x1  }
0x445: {  	v6 =	vadd.bf16 v7, v6;
	_ =	sdelay $0x1  }
0x446: {  	[tilespmem:s7+$0xC650] =	vst v6  }
0x447: {  	v6 =	vld [tilespmem:s1+$0x6660]  }
0x448: {  	v7 =	vld [tilespmem:s0+$0x6660];
	_ =	sdelay $0x1  }
0x449: {  	v8 =	vld [tilespmem:s5+$0x6660];
	_ =	sdelay $0x2  }
0x44a: {  	v6 =	vmul.bf16 v6, v3;
	v7 =	vmul.bf16 v7, v4;
	_ =	sdelay $0x1  }
0x44b: {  	v6 =	vadd.bf16 v7, v6;
	v7 =	vmul.bf16 v8, v5;
	_ =	sdelay $0x1  }
0x44c: {  	v6 =	vadd.bf16 v7, v6;
	_ =	sdelay $0x1  }
0x44d: {  	[tilespmem:s7+$0xC660] =	vst v6  }
0x44e: {  	v6 =	vld [tilespmem:s1+$0x6670]  }
0x44f: {  	v7 =	vld [tilespmem:s0+$0x6670];
	_ =	sdelay $0x1  }
0x450: {  	v8 =	vld [tilespmem:s5+$0x6670];
	_ =	sdelay $0x2  }
0x451: {  	v6 =	vmul.bf16 v6, v3;
	v7 =	vmul.bf16 v7, v4;
	_ =	sdelay $0x1  }
0x452: {  	v6 =	vadd.bf16 v7, v6;
	v7 =	vmul.bf16 v8, v5;
	_ =	sdelay $0x1  }
0x453: {  	v6 =	vadd.bf16 v7, v6;
	_ =	sdelay $0x1  }
0x454: {  	[tilespmem:s7+$0xC670] =	vst v6  }
0x455: {  	v6 =	vld [tilespmem:s0+$0x6A00]  }
0x456: {  	v7 =	vld [tilespmem:s1+$0x6A00];
	_ =	sdelay $0x1  }
0x457: {  	v8 =	vld [tilespmem:s5+$0x6A00];
	_ =	sdelay $0x2  }
0x458: {  	v6 =	vmul.bf16 v6, v4;
	v7 =	vmul.bf16 v7, v3;
	_ =	sdelay $0x1  }
0x459: {  	v6 =	vadd.bf16 v6, v7;
	v7 =	vmul.bf16 v8, v5;
	_ =	sdelay $0x1  }
0x45a: {  	v6 =	vadd.bf16 v7, v6;
	_ =	sdelay $0x1  }
0x45b: {  	[tilespmem:s7+$0xCA00] =	vst v6  }
0x45c: {  	v6 =	vld [tilespmem:s1+$0x6A10]  }
0x45d: {  	v7 =	vld [tilespmem:s0+$0x6A10];
	_ =	sdelay $0x1  }
0x45e: {  	v8 =	vld [tilespmem:s5+$0x6A10];
	_ =	sdelay $0x2  }
0x45f: {  	v6 =	vmul.bf16 v6, v3;
	v7 =	vmul.bf16 v7, v4;
	_ =	sdelay $0x1  }
0x460: {  	v6 =	vadd.bf16 v7, v6;
	v7 =	vmul.bf16 v8, v5;
	_ =	sdelay $0x1  }
0x461: {  	v6 =	vadd.bf16 v7, v6;
	_ =	sdelay $0x1  }
0x462: {  	s10 =	simm.s32 $0x30;
	s11 =	simm.s32 $0x0;
	[tilespmem:s7+$0xCA10] =	vst v6  }
0x463: {  	s12 =	simm.s32 $0x0;
	s8 =	simm.s32 $0x180;
	s9 =	simm.s32 $0x6050;
	v6 =	vld [tilespmem:s1+$0x6A20]  }
.LBB2_12:
0x464: {  	v7 =	vld [tilespmem:s0+$0x6A20];
	s4 =	sadd.s32 $0x80, s4;
	s11 =	sadd.s32 $0x100, s11;
	s12 =	sadd.s32 $0x300, s12  }
0x465: {  	p0 =	sne.s32 s8, $0x1680;
	s13 =	smov.u32 s8;
	s8 =	sadd.s32 $0x180, s8;
	v8 =	vld [tilespmem:s5+$0x6A20]  }
0x466: {  	_ =	sdelay $0x1  }
0x467: {  	v6 =	vmul.bf16 v6, v3  }
0x468: {  	v7 =	vmul.bf16 v7, v4;
	_ =	sdelay $0x1  }
0x469: {  	v6 =	vadd.bf16 v7, v6;
	v7 =	vmul.bf16 v8, v5;
	_ =	sdelay $0x1  }
0x46a: {  	v6 =	vadd.bf16 v7, v6;
	_ =	sdelay $0x1  }
0x46b: {  	s14 =	sadd.s32 $0x200, s12;
	s15 =	sadd.s32 $0x100, s13;
	[tilespmem:s7+$0xCA20] =	vst v6  }
0x46c: {  	s16 =	sadd.s32 $0x100, s12;
	s17 =	sadd.s32 $0x80, s13;
	s14 =	sand.u32 $0x7800, s14;
	v6 =	vld [tilespmem:s1+$0x6A30]  }
0x46d: {  	s15 =	sand.u32 $0x380, s15;
	s1 =	sand.u32 $0x7800, s16;
	s16 =	sand.u32 $0x380, s17;
	v7 =	vld [tilespmem:s0+$0x6A30]  }
0x46e: {  	s0 =	sor.u32 s16, s1;
	v8 =	vld [tilespmem:s5+$0x6A30];
	s5 =	sor.u32 s15, s14;
	_ =	sdelay $0x2  }
0x46f: {  	v3 =	vmul.bf16 v6, v3  }
0x470: {  	v4 =	vmul.bf16 v7, v4  }
0x471: {  	v5 =	vmul.bf16 v8, v5  }
0x472: {  	v3 =	vadd.bf16 v4, v3;
	_ =	sdelay $0x1  }
0x473: {  	v3 =	vadd.bf16 v5, v3;
	_ =	sdelay $0x1  }
0x474: {  	s1 =	sand.u32 $0x3F0, s10;
	[tilespmem:s7+$0xCA30] =	vst v3  }
0x475: {  	s7 =	sand.u32 $0x380, s13;
	v3 =	vld [tilespmem:s1+$0x6000];
	s1 =	sand.u32 $0x3800, s12  }
0x476: {  	s1 =	sor.u32 s7, s1;
	v6 =	vld [tilespmem:s0+$0x6600]  }
0x477: {  	v7 =	vld [tilespmem:s1+$0x6600]  }
0x478: {  	v4 =	vld [tilespmem:s9+$0xFFFFFFF0]  }
0x479: {  	v8 =	vld [tilespmem:s5+$0x6600]  }
0x47a: {  	v5 =	vld [tilespmem:s9+$0x0];
	_ =	sdelay $0x1  }
0x47b: {  	v7 =	vmul.bf16 v7, v3  }
0x47c: {  	v6 =	vmul.bf16 v6, v4;
	_ =	sdelay $0x1  }
0x47d: {  	v6 =	vadd.bf16 v6, v7;
	v7 =	vmul.bf16 v8, v5;
	_ =	sdelay $0x1  }
0x47e: {  	s13 =	sand.u32 $0x380, s4;
	s7 =	sand.u32 $0x800, s11;
	v6 =	vadd.bf16 v7, v6  }
0x47f: {  	s7 =	sor.u32 s13, s7  }
0x480: {  	[tilespmem:s7+$0xC600] =	vst v6  }
0x481: {  	v6 =	vld [tilespmem:s1+$0x6610]  }
0x482: {  	v7 =	vld [tilespmem:s0+$0x6610];
	_ =	sdelay $0x1  }
0x483: {  	v8 =	vld [tilespmem:s5+$0x6610];
	_ =	sdelay $0x2  }
0x484: {  	v6 =	vmul.bf16 v6, v3;
	v7 =	vmul.bf16 v7, v4;
	_ =	sdelay $0x1  }
0x485: {  	v6 =	vadd.bf16 v7, v6;
	v7 =	vmul.bf16 v8, v5;
	_ =	sdelay $0x1  }
0x486: {  	v6 =	vadd.bf16 v7, v6;
	_ =	sdelay $0x1  }
0x487: {  	[tilespmem:s7+$0xC610] =	vst v6  }
0x488: {  	v6 =	vld [tilespmem:s1+$0x6620]  }
0x489: {  	v7 =	vld [tilespmem:s0+$0x6620];
	_ =	sdelay $0x1  }
0x48a: {  	v8 =	vld [tilespmem:s5+$0x6620];
	_ =	sdelay $0x2  }
0x48b: {  	v6 =	vmul.bf16 v6, v3;
	v7 =	vmul.bf16 v7, v4;
	_ =	sdelay $0x1  }
0x48c: {  	v6 =	vadd.bf16 v7, v6;
	v7 =	vmul.bf16 v8, v5;
	_ =	sdelay $0x1  }
0x48d: {  	v6 =	vadd.bf16 v7, v6;
	_ =	sdelay $0x1  }
0x48e: {  	[tilespmem:s7+$0xC620] =	vst v6  }
0x48f: {  	v6 =	vld [tilespmem:s1+$0x6630]  }
0x490: {  	v7 =	vld [tilespmem:s0+$0x6630];
	_ =	sdelay $0x1  }
0x491: {  	v8 =	vld [tilespmem:s5+$0x6630];
	_ =	sdelay $0x2  }
0x492: {  	v6 =	vmul.bf16 v6, v3;
	v7 =	vmul.bf16 v7, v4;
	_ =	sdelay $0x1  }
0x493: {  	v6 =	vadd.bf16 v7, v6;
	v7 =	vmul.bf16 v8, v5;
	_ =	sdelay $0x1  }
0x494: {  	v6 =	vadd.bf16 v7, v6;
	_ =	sdelay $0x1  }
0x495: {  	[tilespmem:s7+$0xC630] =	vst v6  }
0x496: {  	v6 =	vld [tilespmem:s1+$0x6640]  }
0x497: {  	v7 =	vld [tilespmem:s0+$0x6640]  }
0x498: {  	v8 =	vld [tilespmem:s5+$0x6640];
	_ =	sdelay $0x2  }
0x499: {  	v6 =	vmul.bf16 v6, v3  }
0x49a: {  	v7 =	vmul.bf16 v7, v4;
	_ =	sdelay $0x1  }
0x49b: {  	v6 =	vadd.bf16 v7, v6;
	v7 =	vmul.bf16 v8, v5;
	_ =	sdelay $0x1  }
0x49c: {  	v6 =	vadd.bf16 v7, v6;
	_ =	sdelay $0x1  }
0x49d: {  	[tilespmem:s7+$0xC640] =	vst v6  }
0x49e: {  	v6 =	vld [tilespmem:s1+$0x6650]  }
0x49f: {  	v7 =	vld [tilespmem:s0+$0x6650]  }
0x4a0: {  	v8 =	vld [tilespmem:s5+$0x6650];
	_ =	sdelay $0x2  }
0x4a1: {  	v6 =	vmul.bf16 v6, v3  }
0x4a2: {  	v7 =	vmul.bf16 v7, v4;
	_ =	sdelay $0x1  }
0x4a3: {  	v6 =	vadd.bf16 v7, v6;
	v7 =	vmul.bf16 v8, v5;
	_ =	sdelay $0x1  }
0x4a4: {  	v6 =	vadd.bf16 v7, v6;
	_ =	sdelay $0x1  }
0x4a5: {  	[tilespmem:s7+$0xC650] =	vst v6  }
0x4a6: {  	v6 =	vld [tilespmem:s1+$0x6660]  }
0x4a7: {  	v7 =	vld [tilespmem:s0+$0x6660]  }
0x4a8: {  	v8 =	vld [tilespmem:s5+$0x6660];
	_ =	sdelay $0x2  }
0x4a9: {  	v6 =	vmul.bf16 v6, v3  }
0x4aa: {  	v7 =	vmul.bf16 v7, v4;
	_ =	sdelay $0x1  }
0x4ab: {  	v6 =	vadd.bf16 v7, v6;
	v7 =	vmul.bf16 v8, v5;
	_ =	sdelay $0x1  }
0x4ac: {  	v6 =	vadd.bf16 v7, v6;
	_ =	sdelay $0x1  }
0x4ad: {  	[tilespmem:s7+$0xC660] =	vst v6  }
0x4ae: {  	v6 =	vld [tilespmem:s1+$0x6670]  }
0x4af: {  	v7 =	vld [tilespmem:s0+$0x6670]  }
0x4b0: {  	v8 =	vld [tilespmem:s5+$0x6670];
	_ =	sdelay $0x2  }
0x4b1: {  	v6 =	vmul.bf16 v6, v3  }
0x4b2: {  	v7 =	vmul.bf16 v7, v4;
	_ =	sdelay $0x1  }
0x4b3: {  	v6 =	vadd.bf16 v7, v6;
	v7 =	vmul.bf16 v8, v5;
	_ =	sdelay $0x1  }
0x4b4: {  	v6 =	vadd.bf16 v7, v6;
	_ =	sdelay $0x1  }
0x4b5: {  	[tilespmem:s7+$0xC670] =	vst v6  }
0x4b6: {  	v6 =	vld [tilespmem:s0+$0x6A00]  }
0x4b7: {  	v7 =	vld [tilespmem:s1+$0x6A00]  }
0x4b8: {  	v8 =	vld [tilespmem:s5+$0x6A00];
	_ =	sdelay $0x2  }
0x4b9: {  	v6 =	vmul.bf16 v6, v4  }
0x4ba: {  	v7 =	vmul.bf16 v7, v3;
	_ =	sdelay $0x1  }
0x4bb: {  	v6 =	vadd.bf16 v6, v7;
	v7 =	vmul.bf16 v8, v5;
	_ =	sdelay $0x1  }
0x4bc: {  	v6 =	vadd.bf16 v7, v6;
	_ =	sdelay $0x1  }
0x4bd: {  	[tilespmem:s7+$0xCA00] =	vst v6  }
0x4be: {  	v6 =	vld [tilespmem:s1+$0x6A10]  }
0x4bf: {  	v7 =	vld [tilespmem:s0+$0x6A10]  }
0x4c0: {  	v8 =	vld [tilespmem:s5+$0x6A10];
	_ =	sdelay $0x2  }
0x4c1: {  	v6 =	vmul.bf16 v6, v3  }
0x4c2: {  	v7 =	vmul.bf16 v7, v4;
	_ =	sdelay $0x1  }
0x4c3: {  	v6 =	vadd.bf16 v7, v6;
	v7 =	vmul.bf16 v8, v5  }
.Ltmp5:
0x4c4: {  	(pc) =	sbr.rel @p0 .LBB2_12-.Ltmp5, $3  }
0x4c5: {  	v6 =	vadd.bf16 v7, v6;
	_ =	sdelay $0x1  }
0x4c6: {  	[tilespmem:s7+$0xCA10] =	vst v6  }
0x4c7: {  	s10 =	sadd.s32 $0x30, s10;
	s9 =	sadd.s32 $0x30, s9;
	v6 =	vld [tilespmem:s1+$0x6A20]  }
0x4c8: {  	v7 =	vld [tilespmem:s0+$0x6A20];
	_ =	sdelay $0x1  }
0x4c9: {  	v8 =	vld [tilespmem:s5+$0x6A20];
	_ =	sdelay $0x2  }
0x4ca: {  	v6 =	vmul.bf16 v6, v3;
	v7 =	vmul.bf16 v7, v4;
	_ =	sdelay $0x1  }
0x4cb: {  	v6 =	vadd.bf16 v7, v6;
	v7 =	vmul.bf16 v8, v5;
	_ =	sdelay $0x1  }
0x4cc: {  	v6 =	vadd.bf16 v7, v6;
	_ =	sdelay $0x1  }
0x4cd: {  	[tilespmem:s7+$0xCA20] =	vst v6  }
0x4ce: {  	v6 =	vld [tilespmem:s1+$0x6A30]  }
0x4cf: {  	v7 =	vld [tilespmem:s0+$0x6A30];
	_ =	sdelay $0x1  }
0x4d0: {  	v8 =	vld [tilespmem:s5+$0x6A30];
	_ =	sdelay $0x2  }
0x4d1: {  	v3 =	vmul.bf16 v6, v3;
	v4 =	vmul.bf16 v7, v4;
	_ =	sdelay $0x1  }
0x4d2: {  	v5 =	vmul.bf16 v8, v5;
	v3 =	vadd.bf16 v4, v3;
	_ =	sdelay $0x1  }
0x4d3: {  	v3 =	vadd.bf16 v5, v3;
	_ =	sdelay $0x1  }
0x4d4: {  	s16 =	rddreg [dreg:$0x6];
	s0 =	simm.s32 $0x0;
	[tilespmem:s7+$0xCA30] =	vst v3  }
0x4d5: {  	[hbm4b:s16+s0] =	stream.linear.scatter [tilespmem:s26], [sflag:$0x3], $0x1000, $0x38;
	[tilespmem:$0xE600] =	vst v63  }
0x4d6: {  	_ =	swait.ge [sflag:s28], $0x3000  }
0x4d7: {  	[sflag:s28] =	ssyncset.done $0x0  }
0x4d8: {  	[sflag:s28] =	ssyncadd.s32 $0xFFFFD000  }
0x4d9: {  	s17 =	simm.s32 $0x6320;
	_ =	swait.ge [sflag:s31], $0x1000  }
0x4da: {  	s18 =	simm.s32 $0x200;
	s19 =	simm.s32 $0x100;
	[sflag:s31] =	ssyncset.done $0x0  }
0x4db: {  	s4 =	simm.s32 $0x100;
	s8 =	simm.s32 $0x80;
	[sflag:s31] =	ssyncadd.s32 $0xFFFFF000  }
0x4dc: {  	s4 =	sand.u32 $0x7800, s4;
	s8 =	sand.u32 $0x380, s8;
	s9 =	sand.u32 $0x3F0, s0;
	v3 =	vld [tilespmem:s17+$0xFFFFFFF0]  }
0x4dd: {  	s4 =	sor.u32 s8, s4;
	s20 =	sand.u32 $0x3800, s0;
	s21 =	sand.u32 $0x380, s0;
	v4 =	vld [tilespmem:s9+$0x6300]  }
0x4de: {  	s10 =	sand.u32 $0x7800, s18;
	s5 =	sand.u32 $0x380, s19;
	s1 =	sor.u32 s21, s20;
	v6 =	vld [tilespmem:s4+$0x9600]  }
0x4df: {  	s5 =	sor.u32 s5, s10;
	v7 =	vld [tilespmem:s1+$0x9600]  }
0x4e0: {  	v8 =	vld [tilespmem:s5+$0x9600]  }
0x4e1: {  	v5 =	vld [tilespmem:s17+$0x0];
	_ =	sdelay $0x2  }
0x4e2: {  	v6 =	vmul.bf16 v6, v3;
	v7 =	vmul.bf16 v7, v4;
	_ =	sdelay $0x1  }
0x4e3: {  	v6 =	vadd.bf16 v6, v7;
	v7 =	vmul.bf16 v8, v5;
	_ =	sdelay $0x1  }
0x4e4: {  	s22 =	sand.u32 $0x800, s0;
	s23 =	sand.u32 $0x380, s0;
	v6 =	vadd.bf16 v7, v6  }
0x4e5: {  	s8 =	sor.u32 s23, s22  }
0x4e6: {  	[tilespmem:s8+$0xD600] =	vst v6  }
0x4e7: {  	v6 =	vld [tilespmem:s1+$0x9610]  }
0x4e8: {  	v7 =	vld [tilespmem:s4+$0x9610];
	_ =	sdelay $0x1  }
0x4e9: {  	v8 =	vld [tilespmem:s5+$0x9610];
	_ =	sdelay $0x2  }
0x4ea: {  	v6 =	vmul.bf16 v6, v4;
	v7 =	vmul.bf16 v7, v3;
	_ =	sdelay $0x1  }
0x4eb: {  	v6 =	vadd.bf16 v7, v6;
	v7 =	vmul.bf16 v8, v5;
	_ =	sdelay $0x1  }
0x4ec: {  	v6 =	vadd.bf16 v7, v6;
	_ =	sdelay $0x1  }
0x4ed: {  	[tilespmem:s8+$0xD610] =	vst v6  }
0x4ee: {  	v6 =	vld [tilespmem:s1+$0x9620]  }
0x4ef: {  	v7 =	vld [tilespmem:s4+$0x9620];
	_ =	sdelay $0x1  }
0x4f0: {  	v8 =	vld [tilespmem:s5+$0x9620];
	_ =	sdelay $0x2  }
0x4f1: {  	v6 =	vmul.bf16 v6, v4;
	v7 =	vmul.bf16 v7, v3;
	_ =	sdelay $0x1  }
0x4f2: {  	v6 =	vadd.bf16 v7, v6;
	v7 =	vmul.bf16 v8, v5;
	_ =	sdelay $0x1  }
0x4f3: {  	v6 =	vadd.bf16 v7, v6;
	_ =	sdelay $0x1  }
0x4f4: {  	[tilespmem:s8+$0xD620] =	vst v6  }
0x4f5: {  	v6 =	vld [tilespmem:s1+$0x9630]  }
0x4f6: {  	v7 =	vld [tilespmem:s4+$0x9630];
	_ =	sdelay $0x1  }
0x4f7: {  	v8 =	vld [tilespmem:s5+$0x9630];
	_ =	sdelay $0x2  }
0x4f8: {  	v6 =	vmul.bf16 v6, v4;
	v7 =	vmul.bf16 v7, v3;
	_ =	sdelay $0x1  }
0x4f9: {  	v6 =	vadd.bf16 v7, v6;
	v7 =	vmul.bf16 v8, v5;
	_ =	sdelay $0x1  }
0x4fa: {  	v6 =	vadd.bf16 v7, v6;
	_ =	sdelay $0x1  }
0x4fb: {  	[tilespmem:s8+$0xD630] =	vst v6  }
0x4fc: {  	v6 =	vld [tilespmem:s1+$0x9640]  }
0x4fd: {  	v7 =	vld [tilespmem:s4+$0x9640];
	_ =	sdelay $0x1  }
0x4fe: {  	v8 =	vld [tilespmem:s5+$0x9640];
	_ =	sdelay $0x2  }
0x4ff: {  	v6 =	vmul.bf16 v6, v4;
	v7 =	vmul.bf16 v7, v3;
	_ =	sdelay $0x1  }
0x500: {  	v6 =	vadd.bf16 v7, v6;
	v7 =	vmul.bf16 v8, v5;
	_ =	sdelay $0x1  }
0x501: {  	v6 =	vadd.bf16 v7, v6;
	_ =	sdelay $0x1  }
0x502: {  	[tilespmem:s8+$0xD640] =	vst v6  }
0x503: {  	v6 =	vld [tilespmem:s1+$0x9650]  }
0x504: {  	v7 =	vld [tilespmem:s4+$0x9650];
	_ =	sdelay $0x1  }
0x505: {  	v8 =	vld [tilespmem:s5+$0x9650];
	_ =	sdelay $0x2  }
0x506: {  	v6 =	vmul.bf16 v6, v4;
	v7 =	vmul.bf16 v7, v3;
	_ =	sdelay $0x1  }
0x507: {  	v6 =	vadd.bf16 v7, v6;
	v7 =	vmul.bf16 v8, v5;
	_ =	sdelay $0x1  }
0x508: {  	v6 =	vadd.bf16 v7, v6;
	_ =	sdelay $0x1  }
0x509: {  	[tilespmem:s8+$0xD650] =	vst v6  }
0x50a: {  	v6 =	vld [tilespmem:s1+$0x9660]  }
0x50b: {  	v7 =	vld [tilespmem:s4+$0x9660];
	_ =	sdelay $0x1  }
0x50c: {  	v8 =	vld [tilespmem:s5+$0x9660];
	_ =	sdelay $0x2  }
0x50d: {  	v6 =	vmul.bf16 v6, v4;
	v7 =	vmul.bf16 v7, v3;
	_ =	sdelay $0x1  }
0x50e: {  	v6 =	vadd.bf16 v7, v6;
	v7 =	vmul.bf16 v8, v5;
	_ =	sdelay $0x1  }
0x50f: {  	v6 =	vadd.bf16 v7, v6;
	_ =	sdelay $0x1  }
0x510: {  	[tilespmem:s8+$0xD660] =	vst v6  }
0x511: {  	v6 =	vld [tilespmem:s1+$0x9670]  }
0x512: {  	v7 =	vld [tilespmem:s4+$0x9670];
	_ =	sdelay $0x1  }
0x513: {  	v8 =	vld [tilespmem:s5+$0x9670];
	_ =	sdelay $0x2  }
0x514: {  	v6 =	vmul.bf16 v6, v4;
	v7 =	vmul.bf16 v7, v3;
	_ =	sdelay $0x1  }
0x515: {  	v6 =	vadd.bf16 v7, v6;
	v7 =	vmul.bf16 v8, v5;
	_ =	sdelay $0x1  }
0x516: {  	v6 =	vadd.bf16 v7, v6;
	_ =	sdelay $0x1  }
0x517: {  	[tilespmem:s8+$0xD670] =	vst v6  }
0x518: {  	v6 =	vld [tilespmem:s1+$0x9A00]  }
0x519: {  	v7 =	vld [tilespmem:s4+$0x9A00];
	_ =	sdelay $0x1  }
0x51a: {  	v8 =	vld [tilespmem:s5+$0x9A00];
	_ =	sdelay $0x2  }
0x51b: {  	v6 =	vmul.bf16 v6, v4;
	v7 =	vmul.bf16 v7, v3;
	_ =	sdelay $0x1  }
0x51c: {  	v6 =	vadd.bf16 v7, v6;
	v7 =	vmul.bf16 v8, v5;
	_ =	sdelay $0x1  }
0x51d: {  	s7 =	sor.u32 s22, s0;
	v6 =	vadd.bf16 v7, v6  }
0x51e: {  	s12 =	sor.u32 $0x1400, s7  }
0x51f: {  	[tilespmem:s12+$0xC600] =	vst v6  }
0x520: {  	v6 =	vld [tilespmem:s1+$0x9A10]  }
0x521: {  	v7 =	vld [tilespmem:s4+$0x9A10];
	_ =	sdelay $0x1  }
0x522: {  	v8 =	vld [tilespmem:s5+$0x9A10];
	_ =	sdelay $0x2  }
0x523: {  	v6 =	vmul.bf16 v6, v4;
	v7 =	vmul.bf16 v7, v3;
	_ =	sdelay $0x1  }
0x524: {  	v6 =	vadd.bf16 v7, v6;
	v7 =	vmul.bf16 v8, v5;
	_ =	sdelay $0x1  }
0x525: {  	v6 =	vadd.bf16 v7, v6;
	_ =	sdelay $0x1  }
0x526: {  	[tilespmem:s12+$0xC610] =	vst v6  }
0x527: {  	s11 =	simm.s32 $0x0;
	s10 =	simm.s32 $0x0;
	v6 =	vld [tilespmem:s1+$0x9A20]  }
0x528: {  	s7 =	simm.s32 $0x180;
	s9 =	simm.s32 $0x30;
	s8 =	simm.s32 $0x6350;
	v7 =	vld [tilespmem:s4+$0x9A20]  }
.LBB2_14:
0x529: {  	v8 =	vld [tilespmem:s5+$0x9A20];
	s0 =	sadd.s32 $0x80, s0;
	s10 =	sadd.s32 $0x100, s10;
	s11 =	sadd.s32 $0x300, s11  }
0x52a: {  	p0 =	sne.s32 s7, $0x1680;
	s13 =	smov.u32 s7;
	s7 =	sadd.s32 $0x180, s7  }
0x52b: {  	_ = 	snop  }
0x52c: {  	v6 =	vmul.bf16 v6, v4  }
0x52d: {  	v7 =	vmul.bf16 v7, v3;
	_ =	sdelay $0x1  }
0x52e: {  	v6 =	vadd.bf16 v7, v6;
	v7 =	vmul.bf16 v8, v5;
	_ =	sdelay $0x1  }
0x52f: {  	v6 =	vadd.bf16 v7, v6;
	_ =	sdelay $0x1  }
0x530: {  	[tilespmem:s12+$0xC620] =	vst v6  }
0x531: {  	s14 =	sadd.s32 $0x200, s11;
	s15 =	sadd.s32 $0x100, s13;
	v6 =	vld [tilespmem:s1+$0x9A30]  }
0x532: {  	s16 =	sadd.s32 $0x80, s13;
	s14 =	sand.u32 $0x7800, s14;
	s1 =	sadd.s32 $0x100, s11;
	v7 =	vld [tilespmem:s4+$0x9A30]  }
0x533: {  	s15 =	sand.u32 $0x380, s15;
	s1 =	sand.u32 $0x7800, s1;
	s4 =	sand.u32 $0x380, s16;
	v8 =	vld [tilespmem:s5+$0x9A30]  }
0x534: {  	s4 =	sor.u32 s4, s1;
	s5 =	sor.u32 s15, s14;
	_ =	sdelay $0x1  }
0x535: {  	v4 =	vmul.bf16 v6, v4  }
0x536: {  	v3 =	vmul.bf16 v7, v3;
	_ =	sdelay $0x1  }
0x537: {  	v3 =	vadd.bf16 v3, v4;
	v4 =	vmul.bf16 v8, v5;
	_ =	sdelay $0x1  }
0x538: {  	v3 =	vadd.bf16 v4, v3;
	_ =	sdelay $0x1  }
0x539: {  	[tilespmem:s12+$0xC630] =	vst v3  }
0x53a: {  	s1 =	sand.u32 $0x3F0, s9;
	v3 =	vld [tilespmem:s8+$0xFFFFFFF0]  }
0x53b: {  	s12 =	sand.u32 $0x380, s13;
	v4 =	vld [tilespmem:s1+$0x6300];
	s1 =	sand.u32 $0x3800, s11  }
0x53c: {  	s1 =	sor.u32 s12, s1;
	v6 =	vld [tilespmem:s4+$0x9600]  }
0x53d: {  	v7 =	vld [tilespmem:s1+$0x9600]  }
0x53e: {  	v8 =	vld [tilespmem:s5+$0x9600]  }
0x53f: {  	v5 =	vld [tilespmem:s8+$0x0];
	_ =	sdelay $0x1  }
0x540: {  	v6 =	vmul.bf16 v6, v3  }
0x541: {  	v7 =	vmul.bf16 v7, v4;
	_ =	sdelay $0x1  }
0x542: {  	v6 =	vadd.bf16 v6, v7;
	v7 =	vmul.bf16 v8, v5;
	_ =	sdelay $0x1  }
0x543: {  	s13 =	sand.u32 $0x380, s0;
	s12 =	sand.u32 $0x800, s10;
	v6 =	vadd.bf16 v7, v6  }
0x544: {  	s13 =	sor.u32 s13, s12;
	s12 =	sor.u32 s12, s0  }
0x545: {  	[tilespmem:s13+$0xD600] =	vst v6  }
0x546: {  	v6 =	vld [tilespmem:s1+$0x9610]  }
0x547: {  	v7 =	vld [tilespmem:s4+$0x9610];
	_ =	sdelay $0x1  }
0x548: {  	v8 =	vld [tilespmem:s5+$0x9610];
	_ =	sdelay $0x1  }
0x549: {  	v6 =	vmul.bf16 v6, v4  }
0x54a: {  	v7 =	vmul.bf16 v7, v3;
	_ =	sdelay $0x1  }
0x54b: {  	v6 =	vadd.bf16 v7, v6;
	v7 =	vmul.bf16 v8, v5;
	_ =	sdelay $0x1  }
0x54c: {  	v6 =	vadd.bf16 v7, v6;
	_ =	sdelay $0x1  }
0x54d: {  	[tilespmem:s13+$0xD610] =	vst v6  }
0x54e: {  	v6 =	vld [tilespmem:s1+$0x9620]  }
0x54f: {  	v7 =	vld [tilespmem:s4+$0x9620];
	_ =	sdelay $0x1  }
0x550: {  	v8 =	vld [tilespmem:s5+$0x9620];
	_ =	sdelay $0x1  }
0x551: {  	v6 =	vmul.bf16 v6, v4  }
0x552: {  	v7 =	vmul.bf16 v7, v3;
	_ =	sdelay $0x1  }
0x553: {  	v6 =	vadd.bf16 v7, v6;
	v7 =	vmul.bf16 v8, v5;
	_ =	sdelay $0x1  }
0x554: {  	v6 =	vadd.bf16 v7, v6;
	_ =	sdelay $0x1  }
0x555: {  	[tilespmem:s13+$0xD620] =	vst v6  }
0x556: {  	v6 =	vld [tilespmem:s1+$0x9630]  }
0x557: {  	v7 =	vld [tilespmem:s4+$0x9630];
	_ =	sdelay $0x1  }
0x558: {  	v8 =	vld [tilespmem:s5+$0x9630];
	_ =	sdelay $0x1  }
0x559: {  	v6 =	vmul.bf16 v6, v4  }
0x55a: {  	v7 =	vmul.bf16 v7, v3;
	_ =	sdelay $0x1  }
0x55b: {  	v6 =	vadd.bf16 v7, v6;
	v7 =	vmul.bf16 v8, v5;
	_ =	sdelay $0x1  }
0x55c: {  	v6 =	vadd.bf16 v7, v6;
	_ =	sdelay $0x1  }
0x55d: {  	[tilespmem:s13+$0xD630] =	vst v6  }
0x55e: {  	v6 =	vld [tilespmem:s1+$0x9640]  }
0x55f: {  	v7 =	vld [tilespmem:s4+$0x9640]  }
0x560: {  	v8 =	vld [tilespmem:s5+$0x9640];
	_ =	sdelay $0x2  }
0x561: {  	v6 =	vmul.bf16 v6, v4  }
0x562: {  	v7 =	vmul.bf16 v7, v3;
	_ =	sdelay $0x1  }
0x563: {  	v6 =	vadd.bf16 v7, v6;
	v7 =	vmul.bf16 v8, v5;
	_ =	sdelay $0x1  }
0x564: {  	v6 =	vadd.bf16 v7, v6;
	_ =	sdelay $0x1  }
0x565: {  	[tilespmem:s13+$0xD640] =	vst v6  }
0x566: {  	v6 =	vld [tilespmem:s1+$0x9650]  }
0x567: {  	v7 =	vld [tilespmem:s4+$0x9650]  }
0x568: {  	v8 =	vld [tilespmem:s5+$0x9650];
	_ =	sdelay $0x2  }
0x569: {  	v6 =	vmul.bf16 v6, v4  }
0x56a: {  	v7 =	vmul.bf16 v7, v3;
	_ =	sdelay $0x1  }
0x56b: {  	v6 =	vadd.bf16 v7, v6;
	v7 =	vmul.bf16 v8, v5;
	_ =	sdelay $0x1  }
0x56c: {  	v6 =	vadd.bf16 v7, v6;
	_ =	sdelay $0x1  }
0x56d: {  	[tilespmem:s13+$0xD650] =	vst v6  }
0x56e: {  	v6 =	vld [tilespmem:s1+$0x9660]  }
0x56f: {  	v7 =	vld [tilespmem:s4+$0x9660]  }
0x570: {  	v8 =	vld [tilespmem:s5+$0x9660];
	_ =	sdelay $0x2  }
0x571: {  	v6 =	vmul.bf16 v6, v4  }
0x572: {  	v7 =	vmul.bf16 v7, v3;
	_ =	sdelay $0x1  }
0x573: {  	v6 =	vadd.bf16 v7, v6;
	v7 =	vmul.bf16 v8, v5;
	_ =	sdelay $0x1  }
0x574: {  	v6 =	vadd.bf16 v7, v6;
	_ =	sdelay $0x1  }
0x575: {  	[tilespmem:s13+$0xD660] =	vst v6  }
0x576: {  	v6 =	vld [tilespmem:s1+$0x9670]  }
0x577: {  	v7 =	vld [tilespmem:s4+$0x9670]  }
0x578: {  	v8 =	vld [tilespmem:s5+$0x9670];
	_ =	sdelay $0x2  }
0x579: {  	v6 =	vmul.bf16 v6, v4  }
0x57a: {  	v7 =	vmul.bf16 v7, v3;
	_ =	sdelay $0x1  }
0x57b: {  	v6 =	vadd.bf16 v7, v6;
	v7 =	vmul.bf16 v8, v5;
	_ =	sdelay $0x1  }
0x57c: {  	v6 =	vadd.bf16 v7, v6;
	_ =	sdelay $0x1  }
0x57d: {  	[tilespmem:s13+$0xD670] =	vst v6  }
0x57e: {  	v6 =	vld [tilespmem:s1+$0x9A00]  }
0x57f: {  	v7 =	vld [tilespmem:s4+$0x9A00]  }
0x580: {  	v8 =	vld [tilespmem:s5+$0x9A00];
	_ =	sdelay $0x2  }
0x581: {  	v6 =	vmul.bf16 v6, v4  }
0x582: {  	v7 =	vmul.bf16 v7, v3;
	_ =	sdelay $0x1  }
0x583: {  	v6 =	vadd.bf16 v7, v6;
	v7 =	vmul.bf16 v8, v5;
	_ =	sdelay $0x1  }
0x584: {  	v6 =	vadd.bf16 v7, v6  }
0x585: {  	s12 =	sor.u32 $0x1400, s12  }
0x586: {  	[tilespmem:s12+$0xC600] =	vst v6  }
0x587: {  	v6 =	vld [tilespmem:s1+$0x9A10]  }
0x588: {  	v7 =	vld [tilespmem:s4+$0x9A10]  }
0x589: {  	v8 =	vld [tilespmem:s5+$0x9A10];
	_ =	sdelay $0x2  }
0x58a: {  	v6 =	vmul.bf16 v6, v4  }
0x58b: {  	v7 =	vmul.bf16 v7, v3;
	_ =	sdelay $0x1  }
0x58c: {  	v6 =	vadd.bf16 v7, v6;
	v7 =	vmul.bf16 v8, v5;
	_ =	sdelay $0x1  }
.Ltmp6:
0x58d: {  	v6 =	vadd.bf16 v7, v6;
	(pc) =	sbr.rel @p0 .LBB2_14-.Ltmp6, $4  }
0x58e: {  	_ = 	snop  }
0x58f: {  	[tilespmem:s12+$0xC610] =	vst v6  }
0x590: {  	v6 =	vld [tilespmem:s1+$0x9A20]  }
0x591: {  	s9 =	sadd.s32 $0x30, s9;
	s8 =	sadd.s32 $0x30, s8;
	v7 =	vld [tilespmem:s4+$0x9A20]  }
0x592: {  	_ = 	snop  }
0x593: {  	v8 =	vld [tilespmem:s5+$0x9A20];
	_ =	sdelay $0x2  }
0x594: {  	v6 =	vmul.bf16 v6, v4;
	v7 =	vmul.bf16 v7, v3;
	_ =	sdelay $0x1  }
0x595: {  	v59 =	vmul.bf16 v8, v5;
	v6 =	vadd.bf16 v7, v6;
	_ =	sdelay $0x1  }
0x596: {  	v6 =	vadd.bf16 v59, v6;
	_ =	sdelay $0x1  }
0x597: {  	[tilespmem:s12+$0xC620] =	vst v6  }
0x598: {  	v6 =	vld [tilespmem:s1+$0x9A30]  }
0x599: {  	v60 =	vld [tilespmem:s4+$0x9A30];
	_ =	sdelay $0x1  }
0x59a: {  	v61 =	vld [tilespmem:s5+$0x9A30];
	_ =	sdelay $0x2  }
0x59b: {  	v62 =	vmul.bf16 v6, v4;
	v3 =	vmul.bf16 v60, v3;
	_ =	sdelay $0x1  }
0x59c: {  	v63 =	vmul.bf16 v61, v5;
	v3 =	vadd.bf16 v3, v62;
	_ =	sdelay $0x1  }
0x59d: {  	v3 =	vadd.bf16 v63, v3;
	_ =	sdelay $0x1  }
0x59e: {  	s0 =	rddreg [dreg:$0x7];
	[tilespmem:s12+$0xC630] =	vst v3  }
0x59f: {  	[hbm4b:s0+s3] =	stream.linear.scatter [tilespmem:s29], [sflag:$0x4], $0x1000, $0x38;
	[tilespmem:$0xE600] =	vst v63  }
0x5a0: {  	_ =	swait.ge [sflag:s30], $0x1000  }
0x5a1: {  	[sflag:s30] =	ssyncset.done $0x0  }
0x5a2: {  	[sflag:s30] =	ssyncadd.s32 $0xFFFFF000  }
0x5a3: {  	_ =	swait.ge [sflag:s31], $0x1000  }
0x5a4: {  	s22 =	rddreg [dreg:$0x9]  }
0x5a5: {  	s23 =	rddreg [dreg:$0x8];
	s1 =	sadd.s32 $0x1, s22  }
0x5a6: {  	p0 =	sne.s32 s1, s23  }
.Ltmp7:
0x5a7: {  	_ = 	snop;
	(pc) =	sbr.rel @p0 .LBB2_1-.Ltmp7, $3  }
0x5a8: {  	_ =	sdelay $0x1  }
0x5a9: {  	[sflag:s31] =	ssyncset.done $0x0  }
0x5aa: {  	[sflag:s31] =	ssyncadd.s32 $0xFFFFF000  }
0x5ab: {  	_ =	sfence.sel $0x180000  }
0x5ac: {  	[bflag:$0x0] =	sbarrier.arrive $0xFFFF  }
0x5ad: {  	_ =	strace $0x90000047  }
0x5ae: {  	s0 =	stileid.u32;
	[bflag:$0x2] =	sbarrier.arrive $0xFFFF  }
0x5af: {  	p0 =	sne.s32 s0, $0x0;
	s0 =	rddreg [dreg:$0x2]  }
0x5b0: {  	s0 =	sadd.s32 @!p0 $0x100000, s0  }
0x5b1: {  	[sflag:s0] =	ssyncadd.tile.s32 @!p0 $0x1;
	_ =	shalt  }
.Lfunc_end2:
_tile_overlayer_lowered:
.L_overlay_start_2:
0x5b2: {  	(tag) =	ssettag $0x2  }
0x5b3: {  	s0 =	rddreg [dreg:$0x0];
	s2 =	stileid.u32  }
0x5b4: {  	s1 =	rddreg [dreg:$0x1];
	p0 =	sne.s32 s2, $0x0  }
0x5b5: {  	s3 =	rddreg [dreg:$0x2];
	[bflag:$0x3] =	sbarrier.arrive $0xFFFF;
	s2 =	simm.s32 @!p0 $0x1C05  }
0x5b6: {  	[timem:s3], [sflag:s2] =	dma.local @!p0 [hbm:s0], s1  }
0x5b7: {  	s0 =	simm.s32 @!p0 $0x5  }
0x5b8: {  	_ =	swait.ge @!p0 [sflag:s0], s1  }
0x5b9: {  	s1 =	ssub.s32 @!p0 $0x0, s1;
	[sflag:s0] =	ssyncset.done @!p0 $0x0  }
0x5ba: {  	[sflag:s0] =	ssyncadd.s32 @!p0 s1  }
0x5bb: {  	[bflag:$0x3] =	sbarrier.arrive $0xFFFF  }
0x5bc: {  	_ =	shalt  }

</sc_bundles>
